<compile_context>
chip_gen: v7x
topology: tpu7x:2x2x1
jax: 0.10.2.dev20260603
libtpu: 0.0.44.dev20260713+nightly
codegen_flags: <defaults>
</compile_context>

<pallas_src>
import functools

import jax
import jax.numpy as jnp
from jax import lax
from jax.experimental import pallas as pl
from jax.experimental.pallas import tpu as pltpu
from jax.experimental.pallas import tpu_sc as plsc

N = 10000
E = 320000
D = 128

NC = 2
NS = 16
NW = NC * NS
EPW = E // NW
EB = 80
NB = -(-EPW // EB)
EPAD = NW * NB * EB
NBUF = 4
FCH = 40
NCH = N // FCH


def _mesh():
    return plsc.VectorSubcoreMesh(core_axis_name="c", subcore_axis_name="s")


def _sc_params():
    return pltpu.CompilerParams(needs_layout_passes=False)


def _hist_body(col_hbm, zero_hbm, out_hbm, cbuf, hist8, hist, zsem, csem):
    c = lax.axis_index("c")
    s = lax.axis_index("s")
    wid = s * NC + c

    pltpu.async_copy(col_hbm.at[pl.ds(wid * EPW, EPW)], cbuf, csem)
    for r in range(8):
        pltpu.async_copy(zero_hbm, hist8.at[pl.ds(r * N, N)], zsem)
    for r in range(8):
        pltpu.make_async_copy(zero_hbm, hist8.at[pl.ds(r * N, N)], zsem).wait()
    pltpu.make_async_copy(col_hbm.at[pl.ds(wid * EPW, EPW)], cbuf, csem).wait()

    lanes = lax.iota(jnp.int32, 16)
    base8 = (lanes & 7) * N
    mlo = lanes < 8
    mhi = lanes >= 8
    ones16 = jnp.ones((16,), jnp.float32)

    def body(k, carry):
        idx = cbuf[pl.ds(k * 16, 16)] + base8
        plsc.addupdate_scatter(hist8, [idx], ones16, mask=mlo)
        plsc.addupdate_scatter(hist8, [idx], ones16, mask=mhi)
        return carry

    lax.fori_loop(0, EPW // 16, body, 0)

    def rbody(n, carry):
        sl = n * 16
        acc = hist8[pl.ds(sl, 16)]
        for r in range(1, 8):
            acc = acc + hist8[pl.ds(r * N + sl, 16)]
        hist[pl.ds(sl, 16)] = acc
        return carry

    lax.fori_loop(0, N // 16, rbody, 0)
    pltpu.sync_copy(hist, out_hbm.at[wid])


def _sc_histogram(col):
    zero = jnp.zeros((N,), jnp.float32)
    return pl.kernel(
        _hist_body,
        out_type=jax.ShapeDtypeStruct((NW, N), jnp.float32),
        mesh=_mesh(),
        scratch_types=[
            pltpu.VMEM((EPW,), jnp.int32),
            pltpu.VMEM((8 * N,), jnp.float32),
            pltpu.VMEM((N,), jnp.float32),
            pltpu.SemaphoreType.DMA,
            pltpu.SemaphoreType.DMA,
        ],
        compiler_params=_sc_params(),
    )(col, zero)


def _linear_body(x_ref, w_ref, b_ref, hist_ref, g_ref):
    h = lax.dot_general(
        x_ref[...], w_ref[...], (((1,), (1,)), ((), ())),
        preferred_element_type=jnp.float32,
    ) + b_ref[...]
    deg = jnp.sum(hist_ref[...], axis=1) + 1.0
    dis = lax.rsqrt(deg)
    g_ref[...] = h * dis[:, None]


def _tc_linear_scale(x, W, b, histT):
    nb = 10
    blk = N // nb
    return pl.pallas_call(
        _linear_body,
        grid=(nb,),
        in_specs=[
            pl.BlockSpec((blk, D), lambda i: (i, 0)),
            pl.BlockSpec((D, D), lambda i: (0, 0)),
            pl.BlockSpec((1, D), lambda i: (0, 0)),
            pl.BlockSpec((blk, NW), lambda i: (i, 0)),
        ],
        out_specs=pl.BlockSpec((blk, D), lambda i: (i, 0)),
        out_shape=jax.ShapeDtypeStruct((N, D), jnp.float32),
    )(x, W, b.reshape(1, D), histT)


def _prop_body(g_hbm, row_hbm, col_hbm, zero_hbm, out_hbm,
               acc, ridx, cidx, gbuf, zsem, *sems):
    gsems = sems[:NBUF]
    isems = sems[NBUF:]
    c = lax.axis_index("c")
    s = lax.axis_index("s")
    wid = s * NC + c
    zbuf = gbuf.at[0].at[pl.ds(0, FCH)]

    pltpu.sync_copy(zero_hbm, zbuf)
    for k in range(NCH // NS + 1):
        m = k * NS + s

        @pl.when(m < NCH)
        def _():
            pltpu.async_copy(zbuf, acc.at[pl.ds(m * FCH, FCH)], zsem)

    for k in range(NCH // NS + 1):
        m = k * NS + s

        @pl.when(m < NCH)
        def _():
            pltpu.make_async_copy(zbuf, acc.at[pl.ds(m * FCH, FCH)], zsem).wait()

    plsc.subcore_barrier()

    def idx_load(j, slot):
        pltpu.async_copy(row_hbm.at[wid].at[j], ridx.at[slot], isems[slot])
        pltpu.async_copy(col_hbm.at[wid].at[j], cidx.at[slot], isems[slot])

    def idx_wait(j, slot):
        pltpu.make_async_copy(
            row_hbm.at[wid].at[j], ridx.at[slot], isems[slot]).wait()
        pltpu.make_async_copy(
            col_hbm.at[wid].at[j], cidx.at[slot], isems[slot]).wait()

    def fire(j, slot):
        pltpu.async_copy(g_hbm.at[ridx.at[slot]], gbuf.at[slot], gsems[slot])

    def drain(j, slot):
        pltpu.make_async_copy(
            g_hbm.at[ridx.at[slot]], gbuf.at[slot], gsems[slot]).wait()
        pltpu.sync_copy(gbuf.at[slot], acc.at[cidx.at[slot]], add=True)

    for k in range(NBUF):
        idx_load(k, k)
    for k in range(NBUF - 1):
        idx_wait(k, k)
        fire(k, k)

    def step(j, b):
        slot_f = (b + NBUF - 1) % NBUF

        @pl.when(j + NBUF - 1 < NB)
        def _():
            idx_wait(j + NBUF - 1, slot_f)
            fire(j + NBUF - 1, slot_f)

        drain(j, b)

        @pl.when(j + NBUF < NB)
        def _():
            idx_load(j + NBUF, b)

    def body(p, carry):
        for b in range(NBUF):
            step(NBUF * p + b, b)
        return carry

    lax.fori_loop(0, NB // NBUF, body, 0)
    for b in range(NB % NBUF):
        step(NBUF * (NB // NBUF) + b, b)

    plsc.subcore_barrier()

    for k in range(NCH // NS + 1):
        m = k * NS + s

        @pl.when(m < NCH)
        def _():
            base = m * FCH
            pltpu.sync_copy(acc.at[pl.ds(base, FCH)], zbuf)
            pltpu.sync_copy(zbuf, out_hbm.at[c].at[pl.ds(base, FCH)])


def _sc_propagate(g, row, col):
    pad = EPAD - E
    row3 = jnp.concatenate([row, jnp.zeros((pad,), jnp.int32)]).reshape(NW, NB, EB)
    col3 = jnp.concatenate([col, jnp.full((pad,), N, jnp.int32)]).reshape(NW, NB, EB)
    zero = jnp.zeros((FCH, D), jnp.float32)
    return pl.kernel(
        _prop_body,
        out_type=jax.ShapeDtypeStruct((NC, N, D), jnp.float32),
        mesh=_mesh(),
        scratch_types=[
            pltpu.VMEM_SHARED((N + 8, D), jnp.float32),
            pltpu.VMEM((NBUF, EB), jnp.int32),
            pltpu.VMEM((NBUF, EB), jnp.int32),
            pltpu.VMEM((NBUF, EB, D), jnp.float32),
            pltpu.SemaphoreType.DMA,
        ] + [pltpu.SemaphoreType.DMA] * (2 * NBUF),
        compiler_params=_sc_params(),
    )(g, row3, col3, zero)


def _combine_body(p_ref, g_ref, hist_ref, o_ref):
    deg = jnp.sum(hist_ref[...], axis=1) + 1.0
    dis = lax.rsqrt(deg)
    o_ref[...] = (p_ref[0] + p_ref[1] + g_ref[...]) * dis[:, None]


def _tc_combine(p, g, histT):
    nb = 10
    blk = N // nb
    return pl.pallas_call(
        _combine_body,
        grid=(nb,),
        in_specs=[
            pl.BlockSpec((NC, blk, D), lambda i: (0, i, 0)),
            pl.BlockSpec((blk, D), lambda i: (i, 0)),
            pl.BlockSpec((blk, NW), lambda i: (i, 0)),
        ],
        out_specs=pl.BlockSpec((blk, D), lambda i: (i, 0)),
        out_shape=jax.ShapeDtypeStruct((N, D), jnp.float32),
    )(p, g, histT)


def kernel(x, edge_index, W, b):
    row = edge_index[0].astype(jnp.int32)
    col = edge_index[1].astype(jnp.int32)
    histT = _sc_histogram(col).T
    g = _tc_linear_scale(x, W, b, histT)
    p = _sc_propagate(g, row, col)
    return _tc_combine(p, g, histT)

# --- scband reference (transcript-rebuilt; emitter-appended) ---
"""Pipeline reference for scband-gnn-40759239639518 (READ-ONLY COPY).

The authoritative reference and input builder live on the scoring server;
editing this copy changes nothing except your own understanding.
"""

import jax, jax.numpy as jnp
import numpy as np

N_NODES = 10000
N_EDGES = 320000
D_IN = 128
D_OUT = 128

def setup_inputs(seed: int = 0) -> dict:
    key = jax.random.key(seed)
    k1, k2, k3, k4 = jax.random.split(key, 4)
    x = jax.random.normal(k1, (N_NODES, D_IN), dtype=jnp.float32)
    edge_index = jax.random.randint(k2, (2, N_EDGES), 0, N_NODES, dtype=jnp.int64)
    # Linear layer params (torch convention: W[out, in], b[out])
    bound = 1.0 / np.sqrt(D_IN)
    W = jax.random.uniform(k3, (D_OUT, D_IN), minval=-bound, maxval=bound, dtype=jnp.float32)
    b = jax.random.uniform(k4, (D_OUT,), minval=-bound, maxval=bound, dtype=jnp.float32)
    return {"x": x, "edge_index": edge_index, "W": W, "b": b}

def reference(x, edge_index, W, b):
    N = x.shape[0]
    # add self loops
    loop = jnp.arange(N, dtype=edge_index.dtype)
    ei = jnp.concatenate([edge_index, jnp.stack([loop, loop], axis=0)], axis=1)
    # linear
    h = x @ W.T + b
    row = ei[0]
    col = ei[1]
    # degree of col (dst)
    deg = jnp.zeros((N,), dtype=h.dtype).at[col].add(1.0)
    deg_inv_sqrt = jnp.where(deg > 0, deg ** -0.5, 0.0)
    norm = deg_inv_sqrt[row] * deg_inv_sqrt[col]
    # message: norm * x_j (source features), aggregate sum at dst
    msg = norm[:, None] * h[row]
    out = jax.ops.segment_sum(msg, col, num_segments=N)
    return out

if __name__ == "__main__":
    import jax
    _d = setup_inputs()
    print(jax.jit(kernel)(*tuple(_d.values())))

</pallas_src>

<mosaic_0001>
#map = affine_map<(d0, d1) -> (0, 0)>
#map1 = affine_map<(d0, d1) -> (0, 0, 0)>
module attributes {stable_mosaic.version = 14 : i64} {
  func.func @_prop_body(%arg0: i32, %arg1: i32, %arg2: memref<10000x128xf32, #tpu.memory_space<hbm>>, %arg3: memref<32x125x80xi32, #tpu.memory_space<hbm>>, %arg4: memref<32x125x80xi32, #tpu.memory_space<hbm>>, %arg5: memref<40x128xf32, #tpu.memory_space<hbm>>, %arg6: memref<2x10000x128xf32, #tpu.memory_space<hbm>>, %arg7: memref<10008x128xf32, #tpu.memory_space<vmem_shared>>, %arg8: memref<4x80xi32, #tpu.memory_space<vmem>>, %arg9: memref<4x80xi32, #tpu.memory_space<vmem>>, %arg10: memref<4x80x128xf32, #tpu.memory_space<vmem>>, %arg11: memref<!tpu.dma_semaphore, #tpu.memory_space<semaphore_mem>>, %arg12: memref<!tpu.dma_semaphore, #tpu.memory_space<semaphore_mem>>, %arg13: memref<!tpu.dma_semaphore, #tpu.memory_space<semaphore_mem>>, %arg14: memref<!tpu.dma_semaphore, #tpu.memory_space<semaphore_mem>>, %arg15: memref<!tpu.dma_semaphore, #tpu.memory_space<semaphore_mem>>, %arg16: memref<!tpu.dma_semaphore, #tpu.memory_space<semaphore_mem>>, %arg17: memref<!tpu.dma_semaphore, #tpu.memory_space<semaphore_mem>>, %arg18: memref<!tpu.dma_semaphore, #tpu.memory_space<semaphore_mem>>, %arg19: memref<!tpu.dma_semaphore, #tpu.memory_space<semaphore_mem>>) attributes {dimension_semantics = [#tpu.dimension_semantics<core_parallel>, #tpu.dimension_semantics<subcore_parallel>], iteration_bounds = array<i64: 2, 16>, scalar_prefetch = 0 : i64, scratch_operands = 13 : i64, tpu.core_type = #tpu.core_type<sc_vector_subcore>, window_params = [{transform_indices = #map}, {transform_indices = #map1}, {transform_indices = #map1}, {transform_indices = #map}, {transform_indices = #map1}]} {
    %mul3A = arith.constant 2 : i32
    %mul3A_0 = arith.muli %arg1, %mul3A : i32
    %add3A = arith.addi %mul3A_0, %arg0 : i32
    %run_scoped3A = arith.constant 0 : i32
    "tpu.region"() ({
      %run_scoped3A_744 = tpu.sem_alloc : memref<!tpu.dma_semaphore, #tpu.memory_space<semaphore_mem>>
      %dma_start3A_745 = arith.constant 0 : i32
      %dma_start3A_746 = arith.constant 0 : i32
      %dma_start3A_747 = tpu.memref_slice %arg10[%run_scoped3A, %dma_start3A_745, %dma_start3A_746] : memref<4x80x128xf32, #tpu.memory_space<vmem>> -> memref<1x80x128xf32, #tpu.memory_space<vmem>>
      %dma_start3A_748 = tpu.memref_squeeze %dma_start3A_747 : memref<1x80x128xf32, #tpu.memory_space<vmem>> -> memref<80x128xf32, #tpu.memory_space<vmem>>
      %dma_start3A_749 = arith.constant 0 : i32
      %dma_start3A_750 = arith.constant 0 : i32
      %dma_start3A_751 = tpu.memref_slice %dma_start3A_748[%dma_start3A_749, %dma_start3A_750] : memref<80x128xf32, #tpu.memory_space<vmem>> -> memref<40x128xf32, #tpu.memory_space<vmem>>
      %dma_start3A_752 = arith.constant 0 : i32
      %dma_start3A_753 = arith.constant 0 : i32
      %dma_start3A_754 = tpu.memref_slice %arg10[%run_scoped3A, %dma_start3A_752, %dma_start3A_753] : memref<4x80x128xf32, #tpu.memory_space<vmem>> -> memref<1x80x128xf32, #tpu.memory_space<vmem>>
      %dma_start3A_755 = tpu.memref_squeeze %dma_start3A_754 : memref<1x80x128xf32, #tpu.memory_space<vmem>> -> memref<80x128xf32, #tpu.memory_space<vmem>>
      %dma_start3A_756 = arith.constant 0 : i32
      %dma_start3A_757 = arith.constant 0 : i32
      %dma_start3A_758 = tpu.memref_slice %dma_start3A_755[%dma_start3A_756, %dma_start3A_757] : memref<80x128xf32, #tpu.memory_space<vmem>> -> memref<40x128xf32, #tpu.memory_space<vmem>>
      tpu.enqueue_dma source(%arg5 : memref<40x128xf32, #tpu.memory_space<hbm>>) target(%dma_start3A_758 : memref<40x128xf32, #tpu.memory_space<vmem>>) target_semaphore(%run_scoped3A_744 : memref<!tpu.dma_semaphore, #tpu.memory_space<semaphore_mem>>)
      %dma_wait3A_759 = arith.constant 0 : i32
      %dma_wait3A_760 = arith.constant 0 : i32
      %dma_wait3A_761 = tpu.memref_slice %arg10[%run_scoped3A, %dma_wait3A_759, %dma_wait3A_760] : memref<4x80x128xf32, #tpu.memory_space<vmem>> -> memref<1x80x128xf32, #tpu.memory_space<vmem>>
      %dma_wait3A_762 = tpu.memref_squeeze %dma_wait3A_761 : memref<1x80x128xf32, #tpu.memory_space<vmem>> -> memref<80x128xf32, #tpu.memory_space<vmem>>
      %dma_wait3A_763 = arith.constant 0 : i32
      %dma_wait3A_764 = arith.constant 0 : i32
      %dma_wait3A_765 = tpu.memref_slice %dma_wait3A_762[%dma_wait3A_763, %dma_wait3A_764] : memref<80x128xf32, #tpu.memory_space<vmem>> -> memref<40x128xf32, #tpu.memory_space<vmem>>
      %dma_wait3A_766 = arith.constant 0 : i32
      %dma_wait3A_767 = arith.constant 0 : i32
      %dma_wait3A_768 = tpu.memref_slice %arg10[%run_scoped3A, %dma_wait3A_766, %dma_wait3A_767] : memref<4x80x128xf32, #tpu.memory_space<vmem>> -> memref<1x80x128xf32, #tpu.memory_space<vmem>>
      %dma_wait3A_769 = tpu.memref_squeeze %dma_wait3A_768 : memref<1x80x128xf32, #tpu.memory_space<vmem>> -> memref<80x128xf32, #tpu.memory_space<vmem>>
      %dma_wait3A_770 = arith.constant 0 : i32
      %dma_wait3A_771 = arith.constant 0 : i32
      %dma_wait3A_772 = tpu.memref_slice %dma_wait3A_769[%dma_wait3A_770, %dma_wait3A_771] : memref<80x128xf32, #tpu.memory_space<vmem>> -> memref<40x128xf32, #tpu.memory_space<vmem>>
      tpu.wait_dma2 semaphore(%run_scoped3A_744 : memref<!tpu.dma_semaphore, #tpu.memory_space<semaphore_mem>>) src(%arg5 : memref<40x128xf32, #tpu.memory_space<hbm>>) dst(%dma_wait3A_772 : memref<40x128xf32, #tpu.memory_space<vmem>>)
      tpu.yield
    }) : () -> ()
    %add3A_1 = arith.constant 0 : i32
    %add3A_2 = arith.addi %add3A_1, %arg1 : i32
    %lt3A = arith.constant 250 : i32
    %lt3A_3 = arith.cmpi slt, %add3A_2, %lt3A : i32
    %convert_element_type3A = arith.extui %lt3A_3 : i1 to i32
    %cond3A = arith.constant 0 : i32
    %cond3A_4 = arith.constant 0 : i32
    %cond3A_5 = arith.cmpi ne, %convert_element_type3A, %cond3A_4 : i32
    scf.if %cond3A_5 {
      %mul3A_744 = arith.constant 40 : i32
      %mul3A_745 = arith.muli %add3A_2, %mul3A_744 : i32
      %dma_start3A_746 = arith.constant 0 : i32
      %dma_start3A_747 = arith.constant 0 : i32
      %dma_start3A_748 = tpu.memref_slice %arg10[%cond3A, %dma_start3A_746, %dma_start3A_747] : memref<4x80x128xf32, #tpu.memory_space<vmem>> -> memref<1x80x128xf32, #tpu.memory_space<vmem>>
      %dma_start3A_749 = tpu.memref_squeeze %dma_start3A_748 : memref<1x80x128xf32, #tpu.memory_space<vmem>> -> memref<80x128xf32, #tpu.memory_space<vmem>>
      %dma_start3A_750 = arith.constant 0 : i32
      %dma_start3A_751 = arith.constant 0 : i32
      %dma_start3A_752 = tpu.memref_slice %dma_start3A_749[%dma_start3A_750, %dma_start3A_751] : memref<80x128xf32, #tpu.memory_space<vmem>> -> memref<40x128xf32, #tpu.memory_space<vmem>>
      %dma_start3A_753 = arith.constant 0 : i32
      %dma_start3A_754 = tpu.memref_slice %arg7[%mul3A_745, %dma_start3A_753] : memref<10008x128xf32, #tpu.memory_space<vmem_shared>> -> memref<40x128xf32, #tpu.memory_space<vmem_shared>>
      %dma_start3A_755 = arith.constant 0 : i32
      %dma_start3A_756 = tpu.memref_slice %arg7[%mul3A_745, %dma_start3A_755] : memref<10008x128xf32, #tpu.memory_space<vmem_shared>> -> memref<40x128xf32, #tpu.memory_space<vmem_shared>>
      %dma_start3A_757 = arith.constant 0 : i32
      %dma_start3A_758 = arith.constant 0 : i32
      %dma_start3A_759 = tpu.memref_slice %arg10[%cond3A, %dma_start3A_757, %dma_start3A_758] : memref<4x80x128xf32, #tpu.memory_space<vmem>> -> memref<1x80x128xf32, #tpu.memory_space<vmem>>
      %dma_start3A_760 = tpu.memref_squeeze %dma_start3A_759 : memref<1x80x128xf32, #tpu.memory_space<vmem>> -> memref<80x128xf32, #tpu.memory_space<vmem>>
      %dma_start3A_761 = arith.constant 0 : i32
      %dma_start3A_762 = arith.constant 0 : i32
      %dma_start3A_763 = tpu.memref_slice %dma_start3A_760[%dma_start3A_761, %dma_start3A_762] : memref<80x128xf32, #tpu.memory_space<vmem>> -> memref<40x128xf32, #tpu.memory_space<vmem>>
      tpu.enqueue_dma source(%dma_start3A_763 : memref<40x128xf32, #tpu.memory_space<vmem>>) target(%dma_start3A_756 : memref<40x128xf32, #tpu.memory_space<vmem_shared>>) target_semaphore(%arg11 : memref<!tpu.dma_semaphore, #tpu.memory_space<semaphore_mem>>)
    } else {
    }
    %add3A_6 = arith.constant 16 : i32
    %add3A_7 = arith.addi %add3A_6, %arg1 : i32
    %lt3A_8 = arith.constant 250 : i32
    %lt3A_9 = arith.cmpi slt, %add3A_7, %lt3A_8 : i32
    %convert_element_type3A_10 = arith.extui %lt3A_9 : i1 to i32
    %cond3A_11 = arith.constant 0 : i32
    %cond3A_12 = arith.constant 0 : i32
    %cond3A_13 = arith.cmpi ne, %convert_element_type3A_10, %cond3A_12 : i32
    scf.if %cond3A_13 {
      %mul3A_744 = arith.constant 40 : i32
      %mul3A_745 = arith.muli %add3A_7, %mul3A_744 : i32
      %dma_start3A_746 = arith.constant 0 : i32
      %dma_start3A_747 = arith.constant 0 : i32
      %dma_start3A_748 = tpu.memref_slice %arg10[%cond3A_11, %dma_start3A_746, %dma_start3A_747] : memref<4x80x128xf32, #tpu.memory_space<vmem>> -> memref<1x80x128xf32, #tpu.memory_space<vmem>>
      %dma_start3A_749 = tpu.memref_squeeze %dma_start3A_748 : memref<1x80x128xf32, #tpu.memory_space<vmem>> -> memref<80x128xf32, #tpu.memory_space<vmem>>
      %dma_start3A_750 = arith.constant 0 : i32
      %dma_start3A_751 = arith.constant 0 : i32
      %dma_start3A_752 = tpu.memref_slice %dma_start3A_749[%dma_start3A_750, %dma_start3A_751] : memref<80x128xf32, #tpu.memory_space<vmem>> -> memref<40x128xf32, #tpu.memory_space<vmem>>
      %dma_start3A_753 = arith.constant 0 : i32
      %dma_start3A_754 = tpu.memref_slice %arg7[%mul3A_745, %dma_start3A_753] : memref<10008x128xf32, #tpu.memory_space<vmem_shared>> -> memref<40x128xf32, #tpu.memory_space<vmem_shared>>
      %dma_start3A_755 = arith.constant 0 : i32
      %dma_start3A_756 = tpu.memref_slice %arg7[%mul3A_745, %dma_start3A_755] : memref<10008x128xf32, #tpu.memory_space<vmem_shared>> -> memref<40x128xf32, #tpu.memory_space<vmem_shared>>
      %dma_start3A_757 = arith.constant 0 : i32
      %dma_start3A_758 = arith.constant 0 : i32
      %dma_start3A_759 = tpu.memref_slice %arg10[%cond3A_11, %dma_start3A_757, %dma_start3A_758] : memref<4x80x128xf32, #tpu.memory_space<vmem>> -> memref<1x80x128xf32, #tpu.memory_space<vmem>>
      %dma_start3A_760 = tpu.memref_squeeze %dma_start3A_759 : memref<1x80x128xf32, #tpu.memory_space<vmem>> -> memref<80x128xf32, #tpu.memory_space<vmem>>
      %dma_start3A_761 = arith.constant 0 : i32
      %dma_start3A_762 = arith.constant 0 : i32
      %dma_start3A_763 = tpu.memref_slice %dma_start3A_760[%dma_start3A_761, %dma_start3A_762] : memref<80x128xf32, #tpu.memory_space<vmem>> -> memref<40x128xf32, #tpu.memory_space<vmem>>
      tpu.enqueue_dma source(%dma_start3A_763 : memref<40x128xf32, #tpu.memory_space<vmem>>) target(%dma_start3A_756 : memref<40x128xf32, #tpu.memory_space<vmem_shared>>) target_semaphore(%arg11 : memref<!tpu.dma_semaphore, #tpu.memory_space<semaphore_mem>>)
    } else {
    }
    %add3A_14 = arith.constant 32 : i32
    %add3A_15 = arith.addi %add3A_14, %arg1 : i32
    %lt3A_16 = arith.constant 250 : i32
    %lt3A_17 = arith.cmpi slt, %add3A_15, %lt3A_16 : i32
    %convert_element_type3A_18 = arith.extui %lt3A_17 : i1 to i32
    %cond3A_19 = arith.constant 0 : i32
    %cond3A_20 = arith.constant 0 : i32
    %cond3A_21 = arith.cmpi ne, %convert_element_type3A_18, %cond3A_20 : i32
    scf.if %cond3A_21 {
      %mul3A_744 = arith.constant 40 : i32
      %mul3A_745 = arith.muli %add3A_15, %mul3A_744 : i32
      %dma_start3A_746 = arith.constant 0 : i32
      %dma_start3A_747 = arith.constant 0 : i32
      %dma_start3A_748 = tpu.memref_slice %arg10[%cond3A_19, %dma_start3A_746, %dma_start3A_747] : memref<4x80x128xf32, #tpu.memory_space<vmem>> -> memref<1x80x128xf32, #tpu.memory_space<vmem>>
      %dma_start3A_749 = tpu.memref_squeeze %dma_start3A_748 : memref<1x80x128xf32, #tpu.memory_space<vmem>> -> memref<80x128xf32, #tpu.memory_space<vmem>>
      %dma_start3A_750 = arith.constant 0 : i32
      %dma_start3A_751 = arith.constant 0 : i32
      %dma_start3A_752 = tpu.memref_slice %dma_start3A_749[%dma_start3A_750, %dma_start3A_751] : memref<80x128xf32, #tpu.memory_space<vmem>> -> memref<40x128xf32, #tpu.memory_space<vmem>>
      %dma_start3A_753 = arith.constant 0 : i32
      %dma_start3A_754 = tpu.memref_slice %arg7[%mul3A_745, %dma_start3A_753] : memref<10008x128xf32, #tpu.memory_space<vmem_shared>> -> memref<40x128xf32, #tpu.memory_space<vmem_shared>>
      %dma_start3A_755 = arith.constant 0 : i32
      %dma_start3A_756 = tpu.memref_slice %arg7[%mul3A_745, %dma_start3A_755] : memref<10008x128xf32, #tpu.memory_space<vmem_shared>> -> memref<40x128xf32, #tpu.memory_space<vmem_shared>>
      %dma_start3A_757 = arith.constant 0 : i32
      %dma_start3A_758 = arith.constant 0 : i32
      %dma_start3A_759 = tpu.memref_slice %arg10[%cond3A_19, %dma_start3A_757, %dma_start3A_758] : memref<4x80x128xf32, #tpu.memory_space<vmem>> -> memref<1x80x128xf32, #tpu.memory_space<vmem>>
      %dma_start3A_760 = tpu.memref_squeeze %dma_start3A_759 : memref<1x80x128xf32, #tpu.memory_space<vmem>> -> memref<80x128xf32, #tpu.memory_space<vmem>>
      %dma_start3A_761 = arith.constant 0 : i32
      %dma_start3A_762 = arith.constant 0 : i32
      %dma_start3A_763 = tpu.memref_slice %dma_start3A_760[%dma_start3A_761, %dma_start3A_762] : memref<80x128xf32, #tpu.memory_space<vmem>> -> memref<40x128xf32, #tpu.memory_space<vmem>>
      tpu.enqueue_dma source(%dma_start3A_763 : memref<40x128xf32, #tpu.memory_space<vmem>>) target(%dma_start3A_756 : memref<40x128xf32, #tpu.memory_space<vmem_shared>>) target_semaphore(%arg11 : memref<!tpu.dma_semaphore, #tpu.memory_space<semaphore_mem>>)
    } else {
    }
    %add3A_22 = arith.constant 48 : i32
    %add3A_23 = arith.addi %add3A_22, %arg1 : i32
    %lt3A_24 = arith.constant 250 : i32
    %lt3A_25 = arith.cmpi slt, %add3A_23, %lt3A_24 : i32
    %convert_element_type3A_26 = arith.extui %lt3A_25 : i1 to i32
    %cond3A_27 = arith.constant 0 : i32
    %cond3A_28 = arith.constant 0 : i32
    %cond3A_29 = arith.cmpi ne, %convert_element_type3A_26, %cond3A_28 : i32
    scf.if %cond3A_29 {
      %mul3A_744 = arith.constant 40 : i32
      %mul3A_745 = arith.muli %add3A_23, %mul3A_744 : i32
      %dma_start3A_746 = arith.constant 0 : i32
      %dma_start3A_747 = arith.constant 0 : i32
      %dma_start3A_748 = tpu.memref_slice %arg10[%cond3A_27, %dma_start3A_746, %dma_start3A_747] : memref<4x80x128xf32, #tpu.memory_space<vmem>> -> memref<1x80x128xf32, #tpu.memory_space<vmem>>
      %dma_start3A_749 = tpu.memref_squeeze %dma_start3A_748 : memref<1x80x128xf32, #tpu.memory_space<vmem>> -> memref<80x128xf32, #tpu.memory_space<vmem>>
      %dma_start3A_750 = arith.constant 0 : i32
      %dma_start3A_751 = arith.constant 0 : i32
      %dma_start3A_752 = tpu.memref_slice %dma_start3A_749[%dma_start3A_750, %dma_start3A_751] : memref<80x128xf32, #tpu.memory_space<vmem>> -> memref<40x128xf32, #tpu.memory_space<vmem>>
      %dma_start3A_753 = arith.constant 0 : i32
      %dma_start3A_754 = tpu.memref_slice %arg7[%mul3A_745, %dma_start3A_753] : memref<10008x128xf32, #tpu.memory_space<vmem_shared>> -> memref<40x128xf32, #tpu.memory_space<vmem_shared>>
      %dma_start3A_755 = arith.constant 0 : i32
      %dma_start3A_756 = tpu.memref_slice %arg7[%mul3A_745, %dma_start3A_755] : memref<10008x128xf32, #tpu.memory_space<vmem_shared>> -> memref<40x128xf32, #tpu.memory_space<vmem_shared>>
      %dma_start3A_757 = arith.constant 0 : i32
      %dma_start3A_758 = arith.constant 0 : i32
      %dma_start3A_759 = tpu.memref_slice %arg10[%cond3A_27, %dma_start3A_757, %dma_start3A_758] : memref<4x80x128xf32, #tpu.memory_space<vmem>> -> memref<1x80x128xf32, #tpu.memory_space<vmem>>
      %dma_start3A_760 = tpu.memref_squeeze %dma_start3A_759 : memref<1x80x128xf32, #tpu.memory_space<vmem>> -> memref<80x128xf32, #tpu.memory_space<vmem>>
      %dma_start3A_761 = arith.constant 0 : i32
      %dma_start3A_762 = arith.constant 0 : i32
      %dma_start3A_763 = tpu.memref_slice %dma_start3A_760[%dma_start3A_761, %dma_start3A_762] : memref<80x128xf32, #tpu.memory_space<vmem>> -> memref<40x128xf32, #tpu.memory_space<vmem>>
      tpu.enqueue_dma source(%dma_start3A_763 : memref<40x128xf32, #tpu.memory_space<vmem>>) target(%dma_start3A_756 : memref<40x128xf32, #tpu.memory_space<vmem_shared>>) target_semaphore(%arg11 : memref<!tpu.dma_semaphore, #tpu.memory_space<semaphore_mem>>)
    } else {
    }
    %add3A_30 = arith.constant 64 : i32
    %add3A_31 = arith.addi %add3A_30, %arg1 : i32
    %lt3A_32 = arith.constant 250 : i32
    %lt3A_33 = arith.cmpi slt, %add3A_31, %lt3A_32 : i32
    %convert_element_type3A_34 = arith.extui %lt3A_33 : i1 to i32
    %cond3A_35 = arith.constant 0 : i32
    %cond3A_36 = arith.constant 0 : i32
    %cond3A_37 = arith.cmpi ne, %convert_element_type3A_34, %cond3A_36 : i32
    scf.if %cond3A_37 {
      %mul3A_744 = arith.constant 40 : i32
      %mul3A_745 = arith.muli %add3A_31, %mul3A_744 : i32
      %dma_start3A_746 = arith.constant 0 : i32
      %dma_start3A_747 = arith.constant 0 : i32
      %dma_start3A_748 = tpu.memref_slice %arg10[%cond3A_35, %dma_start3A_746, %dma_start3A_747] : memref<4x80x128xf32, #tpu.memory_space<vmem>> -> memref<1x80x128xf32, #tpu.memory_space<vmem>>
      %dma_start3A_749 = tpu.memref_squeeze %dma_start3A_748 : memref<1x80x128xf32, #tpu.memory_space<vmem>> -> memref<80x128xf32, #tpu.memory_space<vmem>>
      %dma_start3A_750 = arith.constant 0 : i32
      %dma_start3A_751 = arith.constant 0 : i32
      %dma_start3A_752 = tpu.memref_slice %dma_start3A_749[%dma_start3A_750, %dma_start3A_751] : memref<80x128xf32, #tpu.memory_space<vmem>> -> memref<40x128xf32, #tpu.memory_space<vmem>>
      %dma_start3A_753 = arith.constant 0 : i32
      %dma_start3A_754 = tpu.memref_slice %arg7[%mul3A_745, %dma_start3A_753] : memref<10008x128xf32, #tpu.memory_space<vmem_shared>> -> memref<40x128xf32, #tpu.memory_space<vmem_shared>>
      %dma_start3A_755 = arith.constant 0 : i32
      %dma_start3A_756 = tpu.memref_slice %arg7[%mul3A_745, %dma_start3A_755] : memref<10008x128xf32, #tpu.memory_space<vmem_shared>> -> memref<40x128xf32, #tpu.memory_space<vmem_shared>>
      %dma_start3A_757 = arith.constant 0 : i32
      %dma_start3A_758 = arith.constant 0 : i32
      %dma_start3A_759 = tpu.memref_slice %arg10[%cond3A_35, %dma_start3A_757, %dma_start3A_758] : memref<4x80x128xf32, #tpu.memory_space<vmem>> -> memref<1x80x128xf32, #tpu.memory_space<vmem>>
      %dma_start3A_760 = tpu.memref_squeeze %dma_start3A_759 : memref<1x80x128xf32, #tpu.memory_space<vmem>> -> memref<80x128xf32, #tpu.memory_space<vmem>>
      %dma_start3A_761 = arith.constant 0 : i32
      %dma_start3A_762 = arith.constant 0 : i32
      %dma_start3A_763 = tpu.memref_slice %dma_start3A_760[%dma_start3A_761, %dma_start3A_762] : memref<80x128xf32, #tpu.memory_space<vmem>> -> memref<40x128xf32, #tpu.memory_space<vmem>>
      tpu.enqueue_dma source(%dma_start3A_763 : memref<40x128xf32, #tpu.memory_space<vmem>>) target(%dma_start3A_756 : memref<40x128xf32, #tpu.memory_space<vmem_shared>>) target_semaphore(%arg11 : memref<!tpu.dma_semaphore, #tpu.memory_space<semaphore_mem>>)
    } else {
    }
    %add3A_38 = arith.constant 80 : i32
    %add3A_39 = arith.addi %add3A_38, %arg1 : i32
    %lt3A_40 = arith.constant 250 : i32
    %lt3A_41 = arith.cmpi slt, %add3A_39, %lt3A_40 : i32
    %convert_element_type3A_42 = arith.extui %lt3A_41 : i1 to i32
    %cond3A_43 = arith.constant 0 : i32
    %cond3A_44 = arith.constant 0 : i32
    %cond3A_45 = arith.cmpi ne, %convert_element_type3A_42, %cond3A_44 : i32
    scf.if %cond3A_45 {
      %mul3A_744 = arith.constant 40 : i32
      %mul3A_745 = arith.muli %add3A_39, %mul3A_744 : i32
      %dma_start3A_746 = arith.constant 0 : i32
      %dma_start3A_747 = arith.constant 0 : i32
      %dma_start3A_748 = tpu.memref_slice %arg10[%cond3A_43, %dma_start3A_746, %dma_start3A_747] : memref<4x80x128xf32, #tpu.memory_space<vmem>> -> memref<1x80x128xf32, #tpu.memory_space<vmem>>
      %dma_start3A_749 = tpu.memref_squeeze %dma_start3A_748 : memref<1x80x128xf32, #tpu.memory_space<vmem>> -> memref<80x128xf32, #tpu.memory_space<vmem>>
      %dma_start3A_750 = arith.constant 0 : i32
      %dma_start3A_751 = arith.constant 0 : i32
      %dma_start3A_752 = tpu.memref_slice %dma_start3A_749[%dma_start3A_750, %dma_start3A_751] : memref<80x128xf32, #tpu.memory_space<vmem>> -> memref<40x128xf32, #tpu.memory_space<vmem>>
      %dma_start3A_753 = arith.constant 0 : i32
      %dma_start3A_754 = tpu.memref_slice %arg7[%mul3A_745, %dma_start3A_753] : memref<10008x128xf32, #tpu.memory_space<vmem_shared>> -> memref<40x128xf32, #tpu.memory_space<vmem_shared>>
      %dma_start3A_755 = arith.constant 0 : i32
      %dma_start3A_756 = tpu.memref_slice %arg7[%mul3A_745, %dma_start3A_755] : memref<10008x128xf32, #tpu.memory_space<vmem_shared>> -> memref<40x128xf32, #tpu.memory_space<vmem_shared>>
      %dma_start3A_757 = arith.constant 0 : i32
      %dma_start3A_758 = arith.constant 0 : i32
      %dma_start3A_759 = tpu.memref_slice %arg10[%cond3A_43, %dma_start3A_757, %dma_start3A_758] : memref<4x80x128xf32, #tpu.memory_space<vmem>> -> memref<1x80x128xf32, #tpu.memory_space<vmem>>
      %dma_start3A_760 = tpu.memref_squeeze %dma_start3A_759 : memref<1x80x128xf32, #tpu.memory_space<vmem>> -> memref<80x128xf32, #tpu.memory_space<vmem>>
      %dma_start3A_761 = arith.constant 0 : i32
      %dma_start3A_762 = arith.constant 0 : i32
      %dma_start3A_763 = tpu.memref_slice %dma_start3A_760[%dma_start3A_761, %dma_start3A_762] : memref<80x128xf32, #tpu.memory_space<vmem>> -> memref<40x128xf32, #tpu.memory_space<vmem>>
      tpu.enqueue_dma source(%dma_start3A_763 : memref<40x128xf32, #tpu.memory_space<vmem>>) target(%dma_start3A_756 : memref<40x128xf32, #tpu.memory_space<vmem_shared>>) target_semaphore(%arg11 : memref<!tpu.dma_semaphore, #tpu.memory_space<semaphore_mem>>)
    } else {
    }
    %add3A_46 = arith.constant 96 : i32
    %add3A_47 = arith.addi %add3A_46, %arg1 : i32
    %lt3A_48 = arith.constant 250 : i32
    %lt3A_49 = arith.cmpi slt, %add3A_47, %lt3A_48 : i32
    %convert_element_type3A_50 = arith.extui %lt3A_49 : i1 to i32
    %cond3A_51 = arith.constant 0 : i32
    %cond3A_52 = arith.constant 0 : i32
    %cond3A_53 = arith.cmpi ne, %convert_element_type3A_50, %cond3A_52 : i32
    scf.if %cond3A_53 {
      %mul3A_744 = arith.constant 40 : i32
      %mul3A_745 = arith.muli %add3A_47, %mul3A_744 : i32
      %dma_start3A_746 = arith.constant 0 : i32
      %dma_start3A_747 = arith.constant 0 : i32
      %dma_start3A_748 = tpu.memref_slice %arg10[%cond3A_51, %dma_start3A_746, %dma_start3A_747] : memref<4x80x128xf32, #tpu.memory_space<vmem>> -> memref<1x80x128xf32, #tpu.memory_space<vmem>>
      %dma_start3A_749 = tpu.memref_squeeze %dma_start3A_748 : memref<1x80x128xf32, #tpu.memory_space<vmem>> -> memref<80x128xf32, #tpu.memory_space<vmem>>
      %dma_start3A_750 = arith.constant 0 : i32
      %dma_start3A_751 = arith.constant 0 : i32
      %dma_start3A_752 = tpu.memref_slice %dma_start3A_749[%dma_start3A_750, %dma_start3A_751] : memref<80x128xf32, #tpu.memory_space<vmem>> -> memref<40x128xf32, #tpu.memory_space<vmem>>
      %dma_start3A_753 = arith.constant 0 : i32
      %dma_start3A_754 = tpu.memref_slice %arg7[%mul3A_745, %dma_start3A_753] : memref<10008x128xf32, #tpu.memory_space<vmem_shared>> -> memref<40x128xf32, #tpu.memory_space<vmem_shared>>
      %dma_start3A_755 = arith.constant 0 : i32
      %dma_start3A_756 = tpu.memref_slice %arg7[%mul3A_745, %dma_start3A_755] : memref<10008x128xf32, #tpu.memory_space<vmem_shared>> -> memref<40x128xf32, #tpu.memory_space<vmem_shared>>
      %dma_start3A_757 = arith.constant 0 : i32
      %dma_start3A_758 = arith.constant 0 : i32
      %dma_start3A_759 = tpu.memref_slice %arg10[%cond3A_51, %dma_start3A_757, %dma_start3A_758] : memref<4x80x128xf32, #tpu.memory_space<vmem>> -> memref<1x80x128xf32, #tpu.memory_space<vmem>>
      %dma_start3A_760 = tpu.memref_squeeze %dma_start3A_759 : memref<1x80x128xf32, #tpu.memory_space<vmem>> -> memref<80x128xf32, #tpu.memory_space<vmem>>
      %dma_start3A_761 = arith.constant 0 : i32
      %dma_start3A_762 = arith.constant 0 : i32
      %dma_start3A_763 = tpu.memref_slice %dma_start3A_760[%dma_start3A_761, %dma_start3A_762] : memref<80x128xf32, #tpu.memory_space<vmem>> -> memref<40x128xf32, #tpu.memory_space<vmem>>
      tpu.enqueue_dma source(%dma_start3A_763 : memref<40x128xf32, #tpu.memory_space<vmem>>) target(%dma_start3A_756 : memref<40x128xf32, #tpu.memory_space<vmem_shared>>) target_semaphore(%arg11 : memref<!tpu.dma_semaphore, #tpu.memory_space<semaphore_mem>>)
    } else {
    }
    %add3A_54 = arith.constant 112 : i32
    %add3A_55 = arith.addi %add3A_54, %arg1 : i32
    %lt3A_56 = arith.constant 250 : i32
    %lt3A_57 = arith.cmpi slt, %add3A_55, %lt3A_56 : i32
    %convert_element_type3A_58 = arith.extui %lt3A_57 : i1 to i32
    %cond3A_59 = arith.constant 0 : i32
    %cond3A_60 = arith.constant 0 : i32
    %cond3A_61 = arith.cmpi ne, %convert_element_type3A_58, %cond3A_60 : i32
    scf.if %cond3A_61 {
      %mul3A_744 = arith.constant 40 : i32
      %mul3A_745 = arith.muli %add3A_55, %mul3A_744 : i32
      %dma_start3A_746 = arith.constant 0 : i32
      %dma_start3A_747 = arith.constant 0 : i32
      %dma_start3A_748 = tpu.memref_slice %arg10[%cond3A_59, %dma_start3A_746, %dma_start3A_747] : memref<4x80x128xf32, #tpu.memory_space<vmem>> -> memref<1x80x128xf32, #tpu.memory_space<vmem>>
      %dma_start3A_749 = tpu.memref_squeeze %dma_start3A_748 : memref<1x80x128xf32, #tpu.memory_space<vmem>> -> memref<80x128xf32, #tpu.memory_space<vmem>>
      %dma_start3A_750 = arith.constant 0 : i32
      %dma_start3A_751 = arith.constant 0 : i32
      %dma_start3A_752 = tpu.memref_slice %dma_start3A_749[%dma_start3A_750, %dma_start3A_751] : memref<80x128xf32, #tpu.memory_space<vmem>> -> memref<40x128xf32, #tpu.memory_space<vmem>>
      %dma_start3A_753 = arith.constant 0 : i32
      %dma_start3A_754 = tpu.memref_slice %arg7[%mul3A_745, %dma_start3A_753] : memref<10008x128xf32, #tpu.memory_space<vmem_shared>> -> memref<40x128xf32, #tpu.memory_space<vmem_shared>>
      %dma_start3A_755 = arith.constant 0 : i32
      %dma_start3A_756 = tpu.memref_slice %arg7[%mul3A_745, %dma_start3A_755] : memref<10008x128xf32, #tpu.memory_space<vmem_shared>> -> memref<40x128xf32, #tpu.memory_space<vmem_shared>>
      %dma_start3A_757 = arith.constant 0 : i32
      %dma_start3A_758 = arith.constant 0 : i32
      %dma_start3A_759 = tpu.memref_slice %arg10[%cond3A_59, %dma_start3A_757, %dma_start3A_758] : memref<4x80x128xf32, #tpu.memory_space<vmem>> -> memref<1x80x128xf32, #tpu.memory_space<vmem>>
      %dma_start3A_760 = tpu.memref_squeeze %dma_start3A_759 : memref<1x80x128xf32, #tpu.memory_space<vmem>> -> memref<80x128xf32, #tpu.memory_space<vmem>>
      %dma_start3A_761 = arith.constant 0 : i32
      %dma_start3A_762 = arith.constant 0 : i32
      %dma_start3A_763 = tpu.memref_slice %dma_start3A_760[%dma_start3A_761, %dma_start3A_762] : memref<80x128xf32, #tpu.memory_space<vmem>> -> memref<40x128xf32, #tpu.memory_space<vmem>>
      tpu.enqueue_dma source(%dma_start3A_763 : memref<40x128xf32, #tpu.memory_space<vmem>>) target(%dma_start3A_756 : memref<40x128xf32, #tpu.memory_space<vmem_shared>>) target_semaphore(%arg11 : memref<!tpu.dma_semaphore, #tpu.memory_space<semaphore_mem>>)
    } else {
    }
    %add3A_62 = arith.constant 128 : i32
    %add3A_63 = arith.addi %add3A_62, %arg1 : i32
    %lt3A_64 = arith.constant 250 : i32
    %lt3A_65 = arith.cmpi slt, %add3A_63, %lt3A_64 : i32
    %convert_element_type3A_66 = arith.extui %lt3A_65 : i1 to i32
    %cond3A_67 = arith.constant 0 : i32
    %cond3A_68 = arith.constant 0 : i32
    %cond3A_69 = arith.cmpi ne, %convert_element_type3A_66, %cond3A_68 : i32
    scf.if %cond3A_69 {
      %mul3A_744 = arith.constant 40 : i32
      %mul3A_745 = arith.muli %add3A_63, %mul3A_744 : i32
      %dma_start3A_746 = arith.constant 0 : i32
      %dma_start3A_747 = arith.constant 0 : i32
      %dma_start3A_748 = tpu.memref_slice %arg10[%cond3A_67, %dma_start3A_746, %dma_start3A_747] : memref<4x80x128xf32, #tpu.memory_space<vmem>> -> memref<1x80x128xf32, #tpu.memory_space<vmem>>
      %dma_start3A_749 = tpu.memref_squeeze %dma_start3A_748 : memref<1x80x128xf32, #tpu.memory_space<vmem>> -> memref<80x128xf32, #tpu.memory_space<vmem>>
      %dma_start3A_750 = arith.constant 0 : i32
      %dma_start3A_751 = arith.constant 0 : i32
      %dma_start3A_752 = tpu.memref_slice %dma_start3A_749[%dma_start3A_750, %dma_start3A_751] : memref<80x128xf32, #tpu.memory_space<vmem>> -> memref<40x128xf32, #tpu.memory_space<vmem>>
      %dma_start3A_753 = arith.constant 0 : i32
      %dma_start3A_754 = tpu.memref_slice %arg7[%mul3A_745, %dma_start3A_753] : memref<10008x128xf32, #tpu.memory_space<vmem_shared>> -> memref<40x128xf32, #tpu.memory_space<vmem_shared>>
      %dma_start3A_755 = arith.constant 0 : i32
      %dma_start3A_756 = tpu.memref_slice %arg7[%mul3A_745, %dma_start3A_755] : memref<10008x128xf32, #tpu.memory_space<vmem_shared>> -> memref<40x128xf32, #tpu.memory_space<vmem_shared>>
      %dma_start3A_757 = arith.constant 0 : i32
      %dma_start3A_758 = arith.constant 0 : i32
      %dma_start3A_759 = tpu.memref_slice %arg10[%cond3A_67, %dma_start3A_757, %dma_start3A_758] : memref<4x80x128xf32, #tpu.memory_space<vmem>> -> memref<1x80x128xf32, #tpu.memory_space<vmem>>
      %dma_start3A_760 = tpu.memref_squeeze %dma_start3A_759 : memref<1x80x128xf32, #tpu.memory_space<vmem>> -> memref<80x128xf32, #tpu.memory_space<vmem>>
      %dma_start3A_761 = arith.constant 0 : i32
      %dma_start3A_762 = arith.constant 0 : i32
      %dma_start3A_763 = tpu.memref_slice %dma_start3A_760[%dma_start3A_761, %dma_start3A_762] : memref<80x128xf32, #tpu.memory_space<vmem>> -> memref<40x128xf32, #tpu.memory_space<vmem>>
      tpu.enqueue_dma source(%dma_start3A_763 : memref<40x128xf32, #tpu.memory_space<vmem>>) target(%dma_start3A_756 : memref<40x128xf32, #tpu.memory_space<vmem_shared>>) target_semaphore(%arg11 : memref<!tpu.dma_semaphore, #tpu.memory_space<semaphore_mem>>)
    } else {
    }
    %add3A_70 = arith.constant 144 : i32
    %add3A_71 = arith.addi %add3A_70, %arg1 : i32
    %lt3A_72 = arith.constant 250 : i32
    %lt3A_73 = arith.cmpi slt, %add3A_71, %lt3A_72 : i32
    %convert_element_type3A_74 = arith.extui %lt3A_73 : i1 to i32
    %cond3A_75 = arith.constant 0 : i32
    %cond3A_76 = arith.constant 0 : i32
    %cond3A_77 = arith.cmpi ne, %convert_element_type3A_74, %cond3A_76 : i32
    scf.if %cond3A_77 {
      %mul3A_744 = arith.constant 40 : i32
      %mul3A_745 = arith.muli %add3A_71, %mul3A_744 : i32
      %dma_start3A_746 = arith.constant 0 : i32
      %dma_start3A_747 = arith.constant 0 : i32
      %dma_start3A_748 = tpu.memref_slice %arg10[%cond3A_75, %dma_start3A_746, %dma_start3A_747] : memref<4x80x128xf32, #tpu.memory_space<vmem>> -> memref<1x80x128xf32, #tpu.memory_space<vmem>>
      %dma_start3A_749 = tpu.memref_squeeze %dma_start3A_748 : memref<1x80x128xf32, #tpu.memory_space<vmem>> -> memref<80x128xf32, #tpu.memory_space<vmem>>
      %dma_start3A_750 = arith.constant 0 : i32
      %dma_start3A_751 = arith.constant 0 : i32
      %dma_start3A_752 = tpu.memref_slice %dma_start3A_749[%dma_start3A_750, %dma_start3A_751] : memref<80x128xf32, #tpu.memory_space<vmem>> -> memref<40x128xf32, #tpu.memory_space<vmem>>
      %dma_start3A_753 = arith.constant 0 : i32
      %dma_start3A_754 = tpu.memref_slice %arg7[%mul3A_745, %dma_start3A_753] : memref<10008x128xf32, #tpu.memory_space<vmem_shared>> -> memref<40x128xf32, #tpu.memory_space<vmem_shared>>
      %dma_start3A_755 = arith.constant 0 : i32
      %dma_start3A_756 = tpu.memref_slice %arg7[%mul3A_745, %dma_start3A_755] : memref<10008x128xf32, #tpu.memory_space<vmem_shared>> -> memref<40x128xf32, #tpu.memory_space<vmem_shared>>
      %dma_start3A_757 = arith.constant 0 : i32
      %dma_start3A_758 = arith.constant 0 : i32
      %dma_start3A_759 = tpu.memref_slice %arg10[%cond3A_75, %dma_start3A_757, %dma_start3A_758] : memref<4x80x128xf32, #tpu.memory_space<vmem>> -> memref<1x80x128xf32, #tpu.memory_space<vmem>>
      %dma_start3A_760 = tpu.memref_squeeze %dma_start3A_759 : memref<1x80x128xf32, #tpu.memory_space<vmem>> -> memref<80x128xf32, #tpu.memory_space<vmem>>
      %dma_start3A_761 = arith.constant 0 : i32
      %dma_start3A_762 = arith.constant 0 : i32
      %dma_start3A_763 = tpu.memref_slice %dma_start3A_760[%dma_start3A_761, %dma_start3A_762] : memref<80x128xf32, #tpu.memory_space<vmem>> -> memref<40x128xf32, #tpu.memory_space<vmem>>
      tpu.enqueue_dma source(%dma_start3A_763 : memref<40x128xf32, #tpu.memory_space<vmem>>) target(%dma_start3A_756 : memref<40x128xf32, #tpu.memory_space<vmem_shared>>) target_semaphore(%arg11 : memref<!tpu.dma_semaphore, #tpu.memory_space<semaphore_mem>>)
    } else {
    }
    %add3A_78 = arith.constant 160 : i32
    %add3A_79 = arith.addi %add3A_78, %arg1 : i32
    %lt3A_80 = arith.constant 250 : i32
    %lt3A_81 = arith.cmpi slt, %add3A_79, %lt3A_80 : i32
    %convert_element_type3A_82 = arith.extui %lt3A_81 : i1 to i32
    %cond3A_83 = arith.constant 0 : i32
    %cond3A_84 = arith.constant 0 : i32
    %cond3A_85 = arith.cmpi ne, %convert_element_type3A_82, %cond3A_84 : i32
    scf.if %cond3A_85 {
      %mul3A_744 = arith.constant 40 : i32
      %mul3A_745 = arith.muli %add3A_79, %mul3A_744 : i32
      %dma_start3A_746 = arith.constant 0 : i32
      %dma_start3A_747 = arith.constant 0 : i32
      %dma_start3A_748 = tpu.memref_slice %arg10[%cond3A_83, %dma_start3A_746, %dma_start3A_747] : memref<4x80x128xf32, #tpu.memory_space<vmem>> -> memref<1x80x128xf32, #tpu.memory_space<vmem>>
      %dma_start3A_749 = tpu.memref_squeeze %dma_start3A_748 : memref<1x80x128xf32, #tpu.memory_space<vmem>> -> memref<80x128xf32, #tpu.memory_space<vmem>>
      %dma_start3A_750 = arith.constant 0 : i32
      %dma_start3A_751 = arith.constant 0 : i32
      %dma_start3A_752 = tpu.memref_slice %dma_start3A_749[%dma_start3A_750, %dma_start3A_751] : memref<80x128xf32, #tpu.memory_space<vmem>> -> memref<40x128xf32, #tpu.memory_space<vmem>>
      %dma_start3A_753 = arith.constant 0 : i32
      %dma_start3A_754 = tpu.memref_slice %arg7[%mul3A_745, %dma_start3A_753] : memref<10008x128xf32, #tpu.memory_space<vmem_shared>> -> memref<40x128xf32, #tpu.memory_space<vmem_shared>>
      %dma_start3A_755 = arith.constant 0 : i32
      %dma_start3A_756 = tpu.memref_slice %arg7[%mul3A_745, %dma_start3A_755] : memref<10008x128xf32, #tpu.memory_space<vmem_shared>> -> memref<40x128xf32, #tpu.memory_space<vmem_shared>>
      %dma_start3A_757 = arith.constant 0 : i32
      %dma_start3A_758 = arith.constant 0 : i32
      %dma_start3A_759 = tpu.memref_slice %arg10[%cond3A_83, %dma_start3A_757, %dma_start3A_758] : memref<4x80x128xf32, #tpu.memory_space<vmem>> -> memref<1x80x128xf32, #tpu.memory_space<vmem>>
      %dma_start3A_760 = tpu.memref_squeeze %dma_start3A_759 : memref<1x80x128xf32, #tpu.memory_space<vmem>> -> memref<80x128xf32, #tpu.memory_space<vmem>>
      %dma_start3A_761 = arith.constant 0 : i32
      %dma_start3A_762 = arith.constant 0 : i32
      %dma_start3A_763 = tpu.memref_slice %dma_start3A_760[%dma_start3A_761, %dma_start3A_762] : memref<80x128xf32, #tpu.memory_space<vmem>> -> memref<40x128xf32, #tpu.memory_space<vmem>>
      tpu.enqueue_dma source(%dma_start3A_763 : memref<40x128xf32, #tpu.memory_space<vmem>>) target(%dma_start3A_756 : memref<40x128xf32, #tpu.memory_space<vmem_shared>>) target_semaphore(%arg11 : memref<!tpu.dma_semaphore, #tpu.memory_space<semaphore_mem>>)
    } else {
    }
    %add3A_86 = arith.constant 176 : i32
    %add3A_87 = arith.addi %add3A_86, %arg1 : i32
    %lt3A_88 = arith.constant 250 : i32
    %lt3A_89 = arith.cmpi slt, %add3A_87, %lt3A_88 : i32
    %convert_element_type3A_90 = arith.extui %lt3A_89 : i1 to i32
    %cond3A_91 = arith.constant 0 : i32
    %cond3A_92 = arith.constant 0 : i32
    %cond3A_93 = arith.cmpi ne, %convert_element_type3A_90, %cond3A_92 : i32
    scf.if %cond3A_93 {
      %mul3A_744 = arith.constant 40 : i32
      %mul3A_745 = arith.muli %add3A_87, %mul3A_744 : i32
      %dma_start3A_746 = arith.constant 0 : i32
      %dma_start3A_747 = arith.constant 0 : i32
      %dma_start3A_748 = tpu.memref_slice %arg10[%cond3A_91, %dma_start3A_746, %dma_start3A_747] : memref<4x80x128xf32, #tpu.memory_space<vmem>> -> memref<1x80x128xf32, #tpu.memory_space<vmem>>
      %dma_start3A_749 = tpu.memref_squeeze %dma_start3A_748 : memref<1x80x128xf32, #tpu.memory_space<vmem>> -> memref<80x128xf32, #tpu.memory_space<vmem>>
      %dma_start3A_750 = arith.constant 0 : i32
      %dma_start3A_751 = arith.constant 0 : i32
      %dma_start3A_752 = tpu.memref_slice %dma_start3A_749[%dma_start3A_750, %dma_start3A_751] : memref<80x128xf32, #tpu.memory_space<vmem>> -> memref<40x128xf32, #tpu.memory_space<vmem>>
      %dma_start3A_753 = arith.constant 0 : i32
      %dma_start3A_754 = tpu.memref_slice %arg7[%mul3A_745, %dma_start3A_753] : memref<10008x128xf32, #tpu.memory_space<vmem_shared>> -> memref<40x128xf32, #tpu.memory_space<vmem_shared>>
      %dma_start3A_755 = arith.constant 0 : i32
      %dma_start3A_756 = tpu.memref_slice %arg7[%mul3A_745, %dma_start3A_755] : memref<10008x128xf32, #tpu.memory_space<vmem_shared>> -> memref<40x128xf32, #tpu.memory_space<vmem_shared>>
      %dma_start3A_757 = arith.constant 0 : i32
      %dma_start3A_758 = arith.constant 0 : i32
      %dma_start3A_759 = tpu.memref_slice %arg10[%cond3A_91, %dma_start3A_757, %dma_start3A_758] : memref<4x80x128xf32, #tpu.memory_space<vmem>> -> memref<1x80x128xf32, #tpu.memory_space<vmem>>
      %dma_start3A_760 = tpu.memref_squeeze %dma_start3A_759 : memref<1x80x128xf32, #tpu.memory_space<vmem>> -> memref<80x128xf32, #tpu.memory_space<vmem>>
      %dma_start3A_761 = arith.constant 0 : i32
      %dma_start3A_762 = arith.constant 0 : i32
      %dma_start3A_763 = tpu.memref_slice %dma_start3A_760[%dma_start3A_761, %dma_start3A_762] : memref<80x128xf32, #tpu.memory_space<vmem>> -> memref<40x128xf32, #tpu.memory_space<vmem>>
      tpu.enqueue_dma source(%dma_start3A_763 : memref<40x128xf32, #tpu.memory_space<vmem>>) target(%dma_start3A_756 : memref<40x128xf32, #tpu.memory_space<vmem_shared>>) target_semaphore(%arg11 : memref<!tpu.dma_semaphore, #tpu.memory_space<semaphore_mem>>)
    } else {
    }
    %add3A_94 = arith.constant 192 : i32
    %add3A_95 = arith.addi %add3A_94, %arg1 : i32
    %lt3A_96 = arith.constant 250 : i32
    %lt3A_97 = arith.cmpi slt, %add3A_95, %lt3A_96 : i32
    %convert_element_type3A_98 = arith.extui %lt3A_97 : i1 to i32
    %cond3A_99 = arith.constant 0 : i32
    %cond3A_100 = arith.constant 0 : i32
    %cond3A_101 = arith.cmpi ne, %convert_element_type3A_98, %cond3A_100 : i32
    scf.if %cond3A_101 {
      %mul3A_744 = arith.constant 40 : i32
      %mul3A_745 = arith.muli %add3A_95, %mul3A_744 : i32
      %dma_start3A_746 = arith.constant 0 : i32
      %dma_start3A_747 = arith.constant 0 : i32
      %dma_start3A_748 = tpu.memref_slice %arg10[%cond3A_99, %dma_start3A_746, %dma_start3A_747] : memref<4x80x128xf32, #tpu.memory_space<vmem>> -> memref<1x80x128xf32, #tpu.memory_space<vmem>>
      %dma_start3A_749 = tpu.memref_squeeze %dma_start3A_748 : memref<1x80x128xf32, #tpu.memory_space<vmem>> -> memref<80x128xf32, #tpu.memory_space<vmem>>
      %dma_start3A_750 = arith.constant 0 : i32
      %dma_start3A_751 = arith.constant 0 : i32
      %dma_start3A_752 = tpu.memref_slice %dma_start3A_749[%dma_start3A_750, %dma_start3A_751] : memref<80x128xf32, #tpu.memory_space<vmem>> -> memref<40x128xf32, #tpu.memory_space<vmem>>
      %dma_start3A_753 = arith.constant 0 : i32
      %dma_start3A_754 = tpu.memref_slice %arg7[%mul3A_745, %dma_start3A_753] : memref<10008x128xf32, #tpu.memory_space<vmem_shared>> -> memref<40x128xf32, #tpu.memory_space<vmem_shared>>
      %dma_start3A_755 = arith.constant 0 : i32
      %dma_start3A_756 = tpu.memref_slice %arg7[%mul3A_745, %dma_start3A_755] : memref<10008x128xf32, #tpu.memory_space<vmem_shared>> -> memref<40x128xf32, #tpu.memory_space<vmem_shared>>
      %dma_start3A_757 = arith.constant 0 : i32
      %dma_start3A_758 = arith.constant 0 : i32
      %dma_start3A_759 = tpu.memref_slice %arg10[%cond3A_99, %dma_start3A_757, %dma_start3A_758] : memref<4x80x128xf32, #tpu.memory_space<vmem>> -> memref<1x80x128xf32, #tpu.memory_space<vmem>>
      %dma_start3A_760 = tpu.memref_squeeze %dma_start3A_759 : memref<1x80x128xf32, #tpu.memory_space<vmem>> -> memref<80x128xf32, #tpu.memory_space<vmem>>
      %dma_start3A_761 = arith.constant 0 : i32
      %dma_start3A_762 = arith.constant 0 : i32
      %dma_start3A_763 = tpu.memref_slice %dma_start3A_760[%dma_start3A_761, %dma_start3A_762] : memref<80x128xf32, #tpu.memory_space<vmem>> -> memref<40x128xf32, #tpu.memory_space<vmem>>
      tpu.enqueue_dma source(%dma_start3A_763 : memref<40x128xf32, #tpu.memory_space<vmem>>) target(%dma_start3A_756 : memref<40x128xf32, #tpu.memory_space<vmem_shared>>) target_semaphore(%arg11 : memref<!tpu.dma_semaphore, #tpu.memory_space<semaphore_mem>>)
    } else {
    }
    %add3A_102 = arith.constant 208 : i32
    %add3A_103 = arith.addi %add3A_102, %arg1 : i32
    %lt3A_104 = arith.constant 250 : i32
    %lt3A_105 = arith.cmpi slt, %add3A_103, %lt3A_104 : i32
    %convert_element_type3A_106 = arith.extui %lt3A_105 : i1 to i32
    %cond3A_107 = arith.constant 0 : i32
    %cond3A_108 = arith.constant 0 : i32
    %cond3A_109 = arith.cmpi ne, %convert_element_type3A_106, %cond3A_108 : i32
    scf.if %cond3A_109 {
      %mul3A_744 = arith.constant 40 : i32
      %mul3A_745 = arith.muli %add3A_103, %mul3A_744 : i32
      %dma_start3A_746 = arith.constant 0 : i32
      %dma_start3A_747 = arith.constant 0 : i32
      %dma_start3A_748 = tpu.memref_slice %arg10[%cond3A_107, %dma_start3A_746, %dma_start3A_747] : memref<4x80x128xf32, #tpu.memory_space<vmem>> -> memref<1x80x128xf32, #tpu.memory_space<vmem>>
      %dma_start3A_749 = tpu.memref_squeeze %dma_start3A_748 : memref<1x80x128xf32, #tpu.memory_space<vmem>> -> memref<80x128xf32, #tpu.memory_space<vmem>>
      %dma_start3A_750 = arith.constant 0 : i32
      %dma_start3A_751 = arith.constant 0 : i32
      %dma_start3A_752 = tpu.memref_slice %dma_start3A_749[%dma_start3A_750, %dma_start3A_751] : memref<80x128xf32, #tpu.memory_space<vmem>> -> memref<40x128xf32, #tpu.memory_space<vmem>>
      %dma_start3A_753 = arith.constant 0 : i32
      %dma_start3A_754 = tpu.memref_slice %arg7[%mul3A_745, %dma_start3A_753] : memref<10008x128xf32, #tpu.memory_space<vmem_shared>> -> memref<40x128xf32, #tpu.memory_space<vmem_shared>>
      %dma_start3A_755 = arith.constant 0 : i32
      %dma_start3A_756 = tpu.memref_slice %arg7[%mul3A_745, %dma_start3A_755] : memref<10008x128xf32, #tpu.memory_space<vmem_shared>> -> memref<40x128xf32, #tpu.memory_space<vmem_shared>>
      %dma_start3A_757 = arith.constant 0 : i32
      %dma_start3A_758 = arith.constant 0 : i32
      %dma_start3A_759 = tpu.memref_slice %arg10[%cond3A_107, %dma_start3A_757, %dma_start3A_758] : memref<4x80x128xf32, #tpu.memory_space<vmem>> -> memref<1x80x128xf32, #tpu.memory_space<vmem>>
      %dma_start3A_760 = tpu.memref_squeeze %dma_start3A_759 : memref<1x80x128xf32, #tpu.memory_space<vmem>> -> memref<80x128xf32, #tpu.memory_space<vmem>>
      %dma_start3A_761 = arith.constant 0 : i32
      %dma_start3A_762 = arith.constant 0 : i32
      %dma_start3A_763 = tpu.memref_slice %dma_start3A_760[%dma_start3A_761, %dma_start3A_762] : memref<80x128xf32, #tpu.memory_space<vmem>> -> memref<40x128xf32, #tpu.memory_space<vmem>>
      tpu.enqueue_dma source(%dma_start3A_763 : memref<40x128xf32, #tpu.memory_space<vmem>>) target(%dma_start3A_756 : memref<40x128xf32, #tpu.memory_space<vmem_shared>>) target_semaphore(%arg11 : memref<!tpu.dma_semaphore, #tpu.memory_space<semaphore_mem>>)
    } else {
    }
    %add3A_110 = arith.constant 224 : i32
    %add3A_111 = arith.addi %add3A_110, %arg1 : i32
    %lt3A_112 = arith.constant 250 : i32
    %lt3A_113 = arith.cmpi slt, %add3A_111, %lt3A_112 : i32
    %convert_element_type3A_114 = arith.extui %lt3A_113 : i1 to i32
    %cond3A_115 = arith.constant 0 : i32
    %cond3A_116 = arith.constant 0 : i32
    %cond3A_117 = arith.cmpi ne, %convert_element_type3A_114, %cond3A_116 : i32
    scf.if %cond3A_117 {
      %mul3A_744 = arith.constant 40 : i32
      %mul3A_745 = arith.muli %add3A_111, %mul3A_744 : i32
      %dma_start3A_746 = arith.constant 0 : i32
      %dma_start3A_747 = arith.constant 0 : i32
      %dma_start3A_748 = tpu.memref_slice %arg10[%cond3A_115, %dma_start3A_746, %dma_start3A_747] : memref<4x80x128xf32, #tpu.memory_space<vmem>> -> memref<1x80x128xf32, #tpu.memory_space<vmem>>
      %dma_start3A_749 = tpu.memref_squeeze %dma_start3A_748 : memref<1x80x128xf32, #tpu.memory_space<vmem>> -> memref<80x128xf32, #tpu.memory_space<vmem>>
      %dma_start3A_750 = arith.constant 0 : i32
      %dma_start3A_751 = arith.constant 0 : i32
      %dma_start3A_752 = tpu.memref_slice %dma_start3A_749[%dma_start3A_750, %dma_start3A_751] : memref<80x128xf32, #tpu.memory_space<vmem>> -> memref<40x128xf32, #tpu.memory_space<vmem>>
      %dma_start3A_753 = arith.constant 0 : i32
      %dma_start3A_754 = tpu.memref_slice %arg7[%mul3A_745, %dma_start3A_753] : memref<10008x128xf32, #tpu.memory_space<vmem_shared>> -> memref<40x128xf32, #tpu.memory_space<vmem_shared>>
      %dma_start3A_755 = arith.constant 0 : i32
      %dma_start3A_756 = tpu.memref_slice %arg7[%mul3A_745, %dma_start3A_755] : memref<10008x128xf32, #tpu.memory_space<vmem_shared>> -> memref<40x128xf32, #tpu.memory_space<vmem_shared>>
      %dma_start3A_757 = arith.constant 0 : i32
      %dma_start3A_758 = arith.constant 0 : i32
      %dma_start3A_759 = tpu.memref_slice %arg10[%cond3A_115, %dma_start3A_757, %dma_start3A_758] : memref<4x80x128xf32, #tpu.memory_space<vmem>> -> memref<1x80x128xf32, #tpu.memory_space<vmem>>
      %dma_start3A_760 = tpu.memref_squeeze %dma_start3A_759 : memref<1x80x128xf32, #tpu.memory_space<vmem>> -> memref<80x128xf32, #tpu.memory_space<vmem>>
      %dma_start3A_761 = arith.constant 0 : i32
      %dma_start3A_762 = arith.constant 0 : i32
      %dma_start3A_763 = tpu.memref_slice %dma_start3A_760[%dma_start3A_761, %dma_start3A_762] : memref<80x128xf32, #tpu.memory_space<vmem>> -> memref<40x128xf32, #tpu.memory_space<vmem>>
      tpu.enqueue_dma source(%dma_start3A_763 : memref<40x128xf32, #tpu.memory_space<vmem>>) target(%dma_start3A_756 : memref<40x128xf32, #tpu.memory_space<vmem_shared>>) target_semaphore(%arg11 : memref<!tpu.dma_semaphore, #tpu.memory_space<semaphore_mem>>)
    } else {
    }
    %add3A_118 = arith.constant 240 : i32
    %add3A_119 = arith.addi %add3A_118, %arg1 : i32
    %lt3A_120 = arith.constant 250 : i32
    %lt3A_121 = arith.cmpi slt, %add3A_119, %lt3A_120 : i32
    %convert_element_type3A_122 = arith.extui %lt3A_121 : i1 to i32
    %cond3A_123 = arith.constant 0 : i32
    %cond3A_124 = arith.constant 0 : i32
    %cond3A_125 = arith.cmpi ne, %convert_element_type3A_122, %cond3A_124 : i32
    scf.if %cond3A_125 {
      %mul3A_744 = arith.constant 40 : i32
      %mul3A_745 = arith.muli %add3A_119, %mul3A_744 : i32
      %dma_start3A_746 = arith.constant 0 : i32
      %dma_start3A_747 = arith.constant 0 : i32
      %dma_start3A_748 = tpu.memref_slice %arg10[%cond3A_123, %dma_start3A_746, %dma_start3A_747] : memref<4x80x128xf32, #tpu.memory_space<vmem>> -> memref<1x80x128xf32, #tpu.memory_space<vmem>>
      %dma_start3A_749 = tpu.memref_squeeze %dma_start3A_748 : memref<1x80x128xf32, #tpu.memory_space<vmem>> -> memref<80x128xf32, #tpu.memory_space<vmem>>
      %dma_start3A_750 = arith.constant 0 : i32
      %dma_start3A_751 = arith.constant 0 : i32
      %dma_start3A_752 = tpu.memref_slice %dma_start3A_749[%dma_start3A_750, %dma_start3A_751] : memref<80x128xf32, #tpu.memory_space<vmem>> -> memref<40x128xf32, #tpu.memory_space<vmem>>
      %dma_start3A_753 = arith.constant 0 : i32
      %dma_start3A_754 = tpu.memref_slice %arg7[%mul3A_745, %dma_start3A_753] : memref<10008x128xf32, #tpu.memory_space<vmem_shared>> -> memref<40x128xf32, #tpu.memory_space<vmem_shared>>
      %dma_start3A_755 = arith.constant 0 : i32
      %dma_start3A_756 = tpu.memref_slice %arg7[%mul3A_745, %dma_start3A_755] : memref<10008x128xf32, #tpu.memory_space<vmem_shared>> -> memref<40x128xf32, #tpu.memory_space<vmem_shared>>
      %dma_start3A_757 = arith.constant 0 : i32
      %dma_start3A_758 = arith.constant 0 : i32
      %dma_start3A_759 = tpu.memref_slice %arg10[%cond3A_123, %dma_start3A_757, %dma_start3A_758] : memref<4x80x128xf32, #tpu.memory_space<vmem>> -> memref<1x80x128xf32, #tpu.memory_space<vmem>>
      %dma_start3A_760 = tpu.memref_squeeze %dma_start3A_759 : memref<1x80x128xf32, #tpu.memory_space<vmem>> -> memref<80x128xf32, #tpu.memory_space<vmem>>
      %dma_start3A_761 = arith.constant 0 : i32
      %dma_start3A_762 = arith.constant 0 : i32
      %dma_start3A_763 = tpu.memref_slice %dma_start3A_760[%dma_start3A_761, %dma_start3A_762] : memref<80x128xf32, #tpu.memory_space<vmem>> -> memref<40x128xf32, #tpu.memory_space<vmem>>
      tpu.enqueue_dma source(%dma_start3A_763 : memref<40x128xf32, #tpu.memory_space<vmem>>) target(%dma_start3A_756 : memref<40x128xf32, #tpu.memory_space<vmem_shared>>) target_semaphore(%arg11 : memref<!tpu.dma_semaphore, #tpu.memory_space<semaphore_mem>>)
    } else {
    }
    %add3A_126 = arith.constant 0 : i32
    %add3A_127 = arith.addi %add3A_126, %arg1 : i32
    %lt3A_128 = arith.constant 250 : i32
    %lt3A_129 = arith.cmpi slt, %add3A_127, %lt3A_128 : i32
    %convert_element_type3A_130 = arith.extui %lt3A_129 : i1 to i32
    %cond3A_131 = arith.constant 0 : i32
    %cond3A_132 = arith.constant 0 : i32
    %cond3A_133 = arith.cmpi ne, %convert_element_type3A_130, %cond3A_132 : i32
    scf.if %cond3A_133 {
      %mul3A_744 = arith.constant 40 : i32
      %mul3A_745 = arith.muli %add3A_127, %mul3A_744 : i32
      %dma_wait3A_746 = arith.constant 0 : i32
      %dma_wait3A_747 = arith.constant 0 : i32
      %dma_wait3A_748 = tpu.memref_slice %arg10[%cond3A_131, %dma_wait3A_746, %dma_wait3A_747] : memref<4x80x128xf32, #tpu.memory_space<vmem>> -> memref<1x80x128xf32, #tpu.memory_space<vmem>>
      %dma_wait3A_749 = tpu.memref_squeeze %dma_wait3A_748 : memref<1x80x128xf32, #tpu.memory_space<vmem>> -> memref<80x128xf32, #tpu.memory_space<vmem>>
      %dma_wait3A_750 = arith.constant 0 : i32
      %dma_wait3A_751 = arith.constant 0 : i32
      %dma_wait3A_752 = tpu.memref_slice %dma_wait3A_749[%dma_wait3A_750, %dma_wait3A_751] : memref<80x128xf32, #tpu.memory_space<vmem>> -> memref<40x128xf32, #tpu.memory_space<vmem>>
      %dma_wait3A_753 = arith.constant 0 : i32
      %dma_wait3A_754 = tpu.memref_slice %arg7[%mul3A_745, %dma_wait3A_753] : memref<10008x128xf32, #tpu.memory_space<vmem_shared>> -> memref<40x128xf32, #tpu.memory_space<vmem_shared>>
      %dma_wait3A_755 = arith.constant 0 : i32
      %dma_wait3A_756 = tpu.memref_slice %arg7[%mul3A_745, %dma_wait3A_755] : memref<10008x128xf32, #tpu.memory_space<vmem_shared>> -> memref<40x128xf32, #tpu.memory_space<vmem_shared>>
      %dma_wait3A_757 = arith.constant 0 : i32
      %dma_wait3A_758 = arith.constant 0 : i32
      %dma_wait3A_759 = tpu.memref_slice %arg10[%cond3A_131, %dma_wait3A_757, %dma_wait3A_758] : memref<4x80x128xf32, #tpu.memory_space<vmem>> -> memref<1x80x128xf32, #tpu.memory_space<vmem>>
      %dma_wait3A_760 = tpu.memref_squeeze %dma_wait3A_759 : memref<1x80x128xf32, #tpu.memory_space<vmem>> -> memref<80x128xf32, #tpu.memory_space<vmem>>
      %dma_wait3A_761 = arith.constant 0 : i32
      %dma_wait3A_762 = arith.constant 0 : i32
      %dma_wait3A_763 = tpu.memref_slice %dma_wait3A_760[%dma_wait3A_761, %dma_wait3A_762] : memref<80x128xf32, #tpu.memory_space<vmem>> -> memref<40x128xf32, #tpu.memory_space<vmem>>
      tpu.wait_dma2 semaphore(%arg11 : memref<!tpu.dma_semaphore, #tpu.memory_space<semaphore_mem>>) src(%dma_wait3A_763 : memref<40x128xf32, #tpu.memory_space<vmem>>) dst(%dma_wait3A_756 : memref<40x128xf32, #tpu.memory_space<vmem_shared>>)
    } else {
    }
    %add3A_134 = arith.constant 16 : i32
    %add3A_135 = arith.addi %add3A_134, %arg1 : i32
    %lt3A_136 = arith.constant 250 : i32
    %lt3A_137 = arith.cmpi slt, %add3A_135, %lt3A_136 : i32
    %convert_element_type3A_138 = arith.extui %lt3A_137 : i1 to i32
    %cond3A_139 = arith.constant 0 : i32
    %cond3A_140 = arith.constant 0 : i32
    %cond3A_141 = arith.cmpi ne, %convert_element_type3A_138, %cond3A_140 : i32
    scf.if %cond3A_141 {
      %mul3A_744 = arith.constant 40 : i32
      %mul3A_745 = arith.muli %add3A_135, %mul3A_744 : i32
      %dma_wait3A_746 = arith.constant 0 : i32
      %dma_wait3A_747 = arith.constant 0 : i32
      %dma_wait3A_748 = tpu.memref_slice %arg10[%cond3A_139, %dma_wait3A_746, %dma_wait3A_747] : memref<4x80x128xf32, #tpu.memory_space<vmem>> -> memref<1x80x128xf32, #tpu.memory_space<vmem>>
      %dma_wait3A_749 = tpu.memref_squeeze %dma_wait3A_748 : memref<1x80x128xf32, #tpu.memory_space<vmem>> -> memref<80x128xf32, #tpu.memory_space<vmem>>
      %dma_wait3A_750 = arith.constant 0 : i32
      %dma_wait3A_751 = arith.constant 0 : i32
      %dma_wait3A_752 = tpu.memref_slice %dma_wait3A_749[%dma_wait3A_750, %dma_wait3A_751] : memref<80x128xf32, #tpu.memory_space<vmem>> -> memref<40x128xf32, #tpu.memory_space<vmem>>
      %dma_wait3A_753 = arith.constant 0 : i32
      %dma_wait3A_754 = tpu.memref_slice %arg7[%mul3A_745, %dma_wait3A_753] : memref<10008x128xf32, #tpu.memory_space<vmem_shared>> -> memref<40x128xf32, #tpu.memory_space<vmem_shared>>
      %dma_wait3A_755 = arith.constant 0 : i32
      %dma_wait3A_756 = tpu.memref_slice %arg7[%mul3A_745, %dma_wait3A_755] : memref<10008x128xf32, #tpu.memory_space<vmem_shared>> -> memref<40x128xf32, #tpu.memory_space<vmem_shared>>
      %dma_wait3A_757 = arith.constant 0 : i32
      %dma_wait3A_758 = arith.constant 0 : i32
      %dma_wait3A_759 = tpu.memref_slice %arg10[%cond3A_139, %dma_wait3A_757, %dma_wait3A_758] : memref<4x80x128xf32, #tpu.memory_space<vmem>> -> memref<1x80x128xf32, #tpu.memory_space<vmem>>
      %dma_wait3A_760 = tpu.memref_squeeze %dma_wait3A_759 : memref<1x80x128xf32, #tpu.memory_space<vmem>> -> memref<80x128xf32, #tpu.memory_space<vmem>>
      %dma_wait3A_761 = arith.constant 0 : i32
      %dma_wait3A_762 = arith.constant 0 : i32
      %dma_wait3A_763 = tpu.memref_slice %dma_wait3A_760[%dma_wait3A_761, %dma_wait3A_762] : memref<80x128xf32, #tpu.memory_space<vmem>> -> memref<40x128xf32, #tpu.memory_space<vmem>>
      tpu.wait_dma2 semaphore(%arg11 : memref<!tpu.dma_semaphore, #tpu.memory_space<semaphore_mem>>) src(%dma_wait3A_763 : memref<40x128xf32, #tpu.memory_space<vmem>>) dst(%dma_wait3A_756 : memref<40x128xf32, #tpu.memory_space<vmem_shared>>)
    } else {
    }
    %add3A_142 = arith.constant 32 : i32
    %add3A_143 = arith.addi %add3A_142, %arg1 : i32
    %lt3A_144 = arith.constant 250 : i32
    %lt3A_145 = arith.cmpi slt, %add3A_143, %lt3A_144 : i32
    %convert_element_type3A_146 = arith.extui %lt3A_145 : i1 to i32
    %cond3A_147 = arith.constant 0 : i32
    %cond3A_148 = arith.constant 0 : i32
    %cond3A_149 = arith.cmpi ne, %convert_element_type3A_146, %cond3A_148 : i32
    scf.if %cond3A_149 {
      %mul3A_744 = arith.constant 40 : i32
      %mul3A_745 = arith.muli %add3A_143, %mul3A_744 : i32
      %dma_wait3A_746 = arith.constant 0 : i32
      %dma_wait3A_747 = arith.constant 0 : i32
      %dma_wait3A_748 = tpu.memref_slice %arg10[%cond3A_147, %dma_wait3A_746, %dma_wait3A_747] : memref<4x80x128xf32, #tpu.memory_space<vmem>> -> memref<1x80x128xf32, #tpu.memory_space<vmem>>
      %dma_wait3A_749 = tpu.memref_squeeze %dma_wait3A_748 : memref<1x80x128xf32, #tpu.memory_space<vmem>> -> memref<80x128xf32, #tpu.memory_space<vmem>>
      %dma_wait3A_750 = arith.constant 0 : i32
      %dma_wait3A_751 = arith.constant 0 : i32
      %dma_wait3A_752 = tpu.memref_slice %dma_wait3A_749[%dma_wait3A_750, %dma_wait3A_751] : memref<80x128xf32, #tpu.memory_space<vmem>> -> memref<40x128xf32, #tpu.memory_space<vmem>>
      %dma_wait3A_753 = arith.constant 0 : i32
      %dma_wait3A_754 = tpu.memref_slice %arg7[%mul3A_745, %dma_wait3A_753] : memref<10008x128xf32, #tpu.memory_space<vmem_shared>> -> memref<40x128xf32, #tpu.memory_space<vmem_shared>>
      %dma_wait3A_755 = arith.constant 0 : i32
      %dma_wait3A_756 = tpu.memref_slice %arg7[%mul3A_745, %dma_wait3A_755] : memref<10008x128xf32, #tpu.memory_space<vmem_shared>> -> memref<40x128xf32, #tpu.memory_space<vmem_shared>>
      %dma_wait3A_757 = arith.constant 0 : i32
      %dma_wait3A_758 = arith.constant 0 : i32
      %dma_wait3A_759 = tpu.memref_slice %arg10[%cond3A_147, %dma_wait3A_757, %dma_wait3A_758] : memref<4x80x128xf32, #tpu.memory_space<vmem>> -> memref<1x80x128xf32, #tpu.memory_space<vmem>>
      %dma_wait3A_760 = tpu.memref_squeeze %dma_wait3A_759 : memref<1x80x128xf32, #tpu.memory_space<vmem>> -> memref<80x128xf32, #tpu.memory_space<vmem>>
      %dma_wait3A_761 = arith.constant 0 : i32
      %dma_wait3A_762 = arith.constant 0 : i32
      %dma_wait3A_763 = tpu.memref_slice %dma_wait3A_760[%dma_wait3A_761, %dma_wait3A_762] : memref<80x128xf32, #tpu.memory_space<vmem>> -> memref<40x128xf32, #tpu.memory_space<vmem>>
      tpu.wait_dma2 semaphore(%arg11 : memref<!tpu.dma_semaphore, #tpu.memory_space<semaphore_mem>>) src(%dma_wait3A_763 : memref<40x128xf32, #tpu.memory_space<vmem>>) dst(%dma_wait3A_756 : memref<40x128xf32, #tpu.memory_space<vmem_shared>>)
    } else {
    }
    %add3A_150 = arith.constant 48 : i32
    %add3A_151 = arith.addi %add3A_150, %arg1 : i32
    %lt3A_152 = arith.constant 250 : i32
    %lt3A_153 = arith.cmpi slt, %add3A_151, %lt3A_152 : i32
    %convert_element_type3A_154 = arith.extui %lt3A_153 : i1 to i32
    %cond3A_155 = arith.constant 0 : i32
    %cond3A_156 = arith.constant 0 : i32
    %cond3A_157 = arith.cmpi ne, %convert_element_type3A_154, %cond3A_156 : i32
    scf.if %cond3A_157 {
      %mul3A_744 = arith.constant 40 : i32
      %mul3A_745 = arith.muli %add3A_151, %mul3A_744 : i32
      %dma_wait3A_746 = arith.constant 0 : i32
      %dma_wait3A_747 = arith.constant 0 : i32
      %dma_wait3A_748 = tpu.memref_slice %arg10[%cond3A_155, %dma_wait3A_746, %dma_wait3A_747] : memref<4x80x128xf32, #tpu.memory_space<vmem>> -> memref<1x80x128xf32, #tpu.memory_space<vmem>>
      %dma_wait3A_749 = tpu.memref_squeeze %dma_wait3A_748 : memref<1x80x128xf32, #tpu.memory_space<vmem>> -> memref<80x128xf32, #tpu.memory_space<vmem>>
      %dma_wait3A_750 = arith.constant 0 : i32
      %dma_wait3A_751 = arith.constant 0 : i32
      %dma_wait3A_752 = tpu.memref_slice %dma_wait3A_749[%dma_wait3A_750, %dma_wait3A_751] : memref<80x128xf32, #tpu.memory_space<vmem>> -> memref<40x128xf32, #tpu.memory_space<vmem>>
      %dma_wait3A_753 = arith.constant 0 : i32
      %dma_wait3A_754 = tpu.memref_slice %arg7[%mul3A_745, %dma_wait3A_753] : memref<10008x128xf32, #tpu.memory_space<vmem_shared>> -> memref<40x128xf32, #tpu.memory_space<vmem_shared>>
      %dma_wait3A_755 = arith.constant 0 : i32
      %dma_wait3A_756 = tpu.memref_slice %arg7[%mul3A_745, %dma_wait3A_755] : memref<10008x128xf32, #tpu.memory_space<vmem_shared>> -> memref<40x128xf32, #tpu.memory_space<vmem_shared>>
      %dma_wait3A_757 = arith.constant 0 : i32
      %dma_wait3A_758 = arith.constant 0 : i32
      %dma_wait3A_759 = tpu.memref_slice %arg10[%cond3A_155, %dma_wait3A_757, %dma_wait3A_758] : memref<4x80x128xf32, #tpu.memory_space<vmem>> -> memref<1x80x128xf32, #tpu.memory_space<vmem>>
      %dma_wait3A_760 = tpu.memref_squeeze %dma_wait3A_759 : memref<1x80x128xf32, #tpu.memory_space<vmem>> -> memref<80x128xf32, #tpu.memory_space<vmem>>
      %dma_wait3A_761 = arith.constant 0 : i32
      %dma_wait3A_762 = arith.constant 0 : i32
      %dma_wait3A_763 = tpu.memref_slice %dma_wait3A_760[%dma_wait3A_761, %dma_wait3A_762] : memref<80x128xf32, #tpu.memory_space<vmem>> -> memref<40x128xf32, #tpu.memory_space<vmem>>
      tpu.wait_dma2 semaphore(%arg11 : memref<!tpu.dma_semaphore, #tpu.memory_space<semaphore_mem>>) src(%dma_wait3A_763 : memref<40x128xf32, #tpu.memory_space<vmem>>) dst(%dma_wait3A_756 : memref<40x128xf32, #tpu.memory_space<vmem_shared>>)
    } else {
    }
    %add3A_158 = arith.constant 64 : i32
    %add3A_159 = arith.addi %add3A_158, %arg1 : i32
    %lt3A_160 = arith.constant 250 : i32
    %lt3A_161 = arith.cmpi slt, %add3A_159, %lt3A_160 : i32
    %convert_element_type3A_162 = arith.extui %lt3A_161 : i1 to i32
    %cond3A_163 = arith.constant 0 : i32
    %cond3A_164 = arith.constant 0 : i32
    %cond3A_165 = arith.cmpi ne, %convert_element_type3A_162, %cond3A_164 : i32
    scf.if %cond3A_165 {
      %mul3A_744 = arith.constant 40 : i32
      %mul3A_745 = arith.muli %add3A_159, %mul3A_744 : i32
      %dma_wait3A_746 = arith.constant 0 : i32
      %dma_wait3A_747 = arith.constant 0 : i32
      %dma_wait3A_748 = tpu.memref_slice %arg10[%cond3A_163, %dma_wait3A_746, %dma_wait3A_747] : memref<4x80x128xf32, #tpu.memory_space<vmem>> -> memref<1x80x128xf32, #tpu.memory_space<vmem>>
      %dma_wait3A_749 = tpu.memref_squeeze %dma_wait3A_748 : memref<1x80x128xf32, #tpu.memory_space<vmem>> -> memref<80x128xf32, #tpu.memory_space<vmem>>
      %dma_wait3A_750 = arith.constant 0 : i32
      %dma_wait3A_751 = arith.constant 0 : i32
      %dma_wait3A_752 = tpu.memref_slice %dma_wait3A_749[%dma_wait3A_750, %dma_wait3A_751] : memref<80x128xf32, #tpu.memory_space<vmem>> -> memref<40x128xf32, #tpu.memory_space<vmem>>
      %dma_wait3A_753 = arith.constant 0 : i32
      %dma_wait3A_754 = tpu.memref_slice %arg7[%mul3A_745, %dma_wait3A_753] : memref<10008x128xf32, #tpu.memory_space<vmem_shared>> -> memref<40x128xf32, #tpu.memory_space<vmem_shared>>
      %dma_wait3A_755 = arith.constant 0 : i32
      %dma_wait3A_756 = tpu.memref_slice %arg7[%mul3A_745, %dma_wait3A_755] : memref<10008x128xf32, #tpu.memory_space<vmem_shared>> -> memref<40x128xf32, #tpu.memory_space<vmem_shared>>
      %dma_wait3A_757 = arith.constant 0 : i32
      %dma_wait3A_758 = arith.constant 0 : i32
      %dma_wait3A_759 = tpu.memref_slice %arg10[%cond3A_163, %dma_wait3A_757, %dma_wait3A_758] : memref<4x80x128xf32, #tpu.memory_space<vmem>> -> memref<1x80x128xf32, #tpu.memory_space<vmem>>
      %dma_wait3A_760 = tpu.memref_squeeze %dma_wait3A_759 : memref<1x80x128xf32, #tpu.memory_space<vmem>> -> memref<80x128xf32, #tpu.memory_space<vmem>>
      %dma_wait3A_761 = arith.constant 0 : i32
      %dma_wait3A_762 = arith.constant 0 : i32
      %dma_wait3A_763 = tpu.memref_slice %dma_wait3A_760[%dma_wait3A_761, %dma_wait3A_762] : memref<80x128xf32, #tpu.memory_space<vmem>> -> memref<40x128xf32, #tpu.memory_space<vmem>>
      tpu.wait_dma2 semaphore(%arg11 : memref<!tpu.dma_semaphore, #tpu.memory_space<semaphore_mem>>) src(%dma_wait3A_763 : memref<40x128xf32, #tpu.memory_space<vmem>>) dst(%dma_wait3A_756 : memref<40x128xf32, #tpu.memory_space<vmem_shared>>)
    } else {
    }
    %add3A_166 = arith.constant 80 : i32
    %add3A_167 = arith.addi %add3A_166, %arg1 : i32
    %lt3A_168 = arith.constant 250 : i32
    %lt3A_169 = arith.cmpi slt, %add3A_167, %lt3A_168 : i32
    %convert_element_type3A_170 = arith.extui %lt3A_169 : i1 to i32
    %cond3A_171 = arith.constant 0 : i32
    %cond3A_172 = arith.constant 0 : i32
    %cond3A_173 = arith.cmpi ne, %convert_element_type3A_170, %cond3A_172 : i32
    scf.if %cond3A_173 {
      %mul3A_744 = arith.constant 40 : i32
      %mul3A_745 = arith.muli %add3A_167, %mul3A_744 : i32
      %dma_wait3A_746 = arith.constant 0 : i32
      %dma_wait3A_747 = arith.constant 0 : i32
      %dma_wait3A_748 = tpu.memref_slice %arg10[%cond3A_171, %dma_wait3A_746, %dma_wait3A_747] : memref<4x80x128xf32, #tpu.memory_space<vmem>> -> memref<1x80x128xf32, #tpu.memory_space<vmem>>
      %dma_wait3A_749 = tpu.memref_squeeze %dma_wait3A_748 : memref<1x80x128xf32, #tpu.memory_space<vmem>> -> memref<80x128xf32, #tpu.memory_space<vmem>>
      %dma_wait3A_750 = arith.constant 0 : i32
      %dma_wait3A_751 = arith.constant 0 : i32
      %dma_wait3A_752 = tpu.memref_slice %dma_wait3A_749[%dma_wait3A_750, %dma_wait3A_751] : memref<80x128xf32, #tpu.memory_space<vmem>> -> memref<40x128xf32, #tpu.memory_space<vmem>>
      %dma_wait3A_753 = arith.constant 0 : i32
      %dma_wait3A_754 = tpu.memref_slice %arg7[%mul3A_745, %dma_wait3A_753] : memref<10008x128xf32, #tpu.memory_space<vmem_shared>> -> memref<40x128xf32, #tpu.memory_space<vmem_shared>>
      %dma_wait3A_755 = arith.constant 0 : i32
      %dma_wait3A_756 = tpu.memref_slice %arg7[%mul3A_745, %dma_wait3A_755] : memref<10008x128xf32, #tpu.memory_space<vmem_shared>> -> memref<40x128xf32, #tpu.memory_space<vmem_shared>>
      %dma_wait3A_757 = arith.constant 0 : i32
      %dma_wait3A_758 = arith.constant 0 : i32
      %dma_wait3A_759 = tpu.memref_slice %arg10[%cond3A_171, %dma_wait3A_757, %dma_wait3A_758] : memref<4x80x128xf32, #tpu.memory_space<vmem>> -> memref<1x80x128xf32, #tpu.memory_space<vmem>>
      %dma_wait3A_760 = tpu.memref_squeeze %dma_wait3A_759 : memref<1x80x128xf32, #tpu.memory_space<vmem>> -> memref<80x128xf32, #tpu.memory_space<vmem>>
      %dma_wait3A_761 = arith.constant 0 : i32
      %dma_wait3A_762 = arith.constant 0 : i32
      %dma_wait3A_763 = tpu.memref_slice %dma_wait3A_760[%dma_wait3A_761, %dma_wait3A_762] : memref<80x128xf32, #tpu.memory_space<vmem>> -> memref<40x128xf32, #tpu.memory_space<vmem>>
      tpu.wait_dma2 semaphore(%arg11 : memref<!tpu.dma_semaphore, #tpu.memory_space<semaphore_mem>>) src(%dma_wait3A_763 : memref<40x128xf32, #tpu.memory_space<vmem>>) dst(%dma_wait3A_756 : memref<40x128xf32, #tpu.memory_space<vmem_shared>>)
    } else {
    }
    %add3A_174 = arith.constant 96 : i32
    %add3A_175 = arith.addi %add3A_174, %arg1 : i32
    %lt3A_176 = arith.constant 250 : i32
    %lt3A_177 = arith.cmpi slt, %add3A_175, %lt3A_176 : i32
    %convert_element_type3A_178 = arith.extui %lt3A_177 : i1 to i32
    %cond3A_179 = arith.constant 0 : i32
    %cond3A_180 = arith.constant 0 : i32
    %cond3A_181 = arith.cmpi ne, %convert_element_type3A_178, %cond3A_180 : i32
    scf.if %cond3A_181 {
      %mul3A_744 = arith.constant 40 : i32
      %mul3A_745 = arith.muli %add3A_175, %mul3A_744 : i32
      %dma_wait3A_746 = arith.constant 0 : i32
      %dma_wait3A_747 = arith.constant 0 : i32
      %dma_wait3A_748 = tpu.memref_slice %arg10[%cond3A_179, %dma_wait3A_746, %dma_wait3A_747] : memref<4x80x128xf32, #tpu.memory_space<vmem>> -> memref<1x80x128xf32, #tpu.memory_space<vmem>>
      %dma_wait3A_749 = tpu.memref_squeeze %dma_wait3A_748 : memref<1x80x128xf32, #tpu.memory_space<vmem>> -> memref<80x128xf32, #tpu.memory_space<vmem>>
      %dma_wait3A_750 = arith.constant 0 : i32
      %dma_wait3A_751 = arith.constant 0 : i32
      %dma_wait3A_752 = tpu.memref_slice %dma_wait3A_749[%dma_wait3A_750, %dma_wait3A_751] : memref<80x128xf32, #tpu.memory_space<vmem>> -> memref<40x128xf32, #tpu.memory_space<vmem>>
      %dma_wait3A_753 = arith.constant 0 : i32
      %dma_wait3A_754 = tpu.memref_slice %arg7[%mul3A_745, %dma_wait3A_753] : memref<10008x128xf32, #tpu.memory_space<vmem_shared>> -> memref<40x128xf32, #tpu.memory_space<vmem_shared>>
      %dma_wait3A_755 = arith.constant 0 : i32
      %dma_wait3A_756 = tpu.memref_slice %arg7[%mul3A_745, %dma_wait3A_755] : memref<10008x128xf32, #tpu.memory_space<vmem_shared>> -> memref<40x128xf32, #tpu.memory_space<vmem_shared>>
      %dma_wait3A_757 = arith.constant 0 : i32
      %dma_wait3A_758 = arith.constant 0 : i32
      %dma_wait3A_759 = tpu.memref_slice %arg10[%cond3A_179, %dma_wait3A_757, %dma_wait3A_758] : memref<4x80x128xf32, #tpu.memory_space<vmem>> -> memref<1x80x128xf32, #tpu.memory_space<vmem>>
      %dma_wait3A_760 = tpu.memref_squeeze %dma_wait3A_759 : memref<1x80x128xf32, #tpu.memory_space<vmem>> -> memref<80x128xf32, #tpu.memory_space<vmem>>
      %dma_wait3A_761 = arith.constant 0 : i32
      %dma_wait3A_762 = arith.constant 0 : i32
      %dma_wait3A_763 = tpu.memref_slice %dma_wait3A_760[%dma_wait3A_761, %dma_wait3A_762] : memref<80x128xf32, #tpu.memory_space<vmem>> -> memref<40x128xf32, #tpu.memory_space<vmem>>
      tpu.wait_dma2 semaphore(%arg11 : memref<!tpu.dma_semaphore, #tpu.memory_space<semaphore_mem>>) src(%dma_wait3A_763 : memref<40x128xf32, #tpu.memory_space<vmem>>) dst(%dma_wait3A_756 : memref<40x128xf32, #tpu.memory_space<vmem_shared>>)
    } else {
    }
    %add3A_182 = arith.constant 112 : i32
    %add3A_183 = arith.addi %add3A_182, %arg1 : i32
    %lt3A_184 = arith.constant 250 : i32
    %lt3A_185 = arith.cmpi slt, %add3A_183, %lt3A_184 : i32
    %convert_element_type3A_186 = arith.extui %lt3A_185 : i1 to i32
    %cond3A_187 = arith.constant 0 : i32
    %cond3A_188 = arith.constant 0 : i32
    %cond3A_189 = arith.cmpi ne, %convert_element_type3A_186, %cond3A_188 : i32
    scf.if %cond3A_189 {
      %mul3A_744 = arith.constant 40 : i32
      %mul3A_745 = arith.muli %add3A_183, %mul3A_744 : i32
      %dma_wait3A_746 = arith.constant 0 : i32
      %dma_wait3A_747 = arith.constant 0 : i32
      %dma_wait3A_748 = tpu.memref_slice %arg10[%cond3A_187, %dma_wait3A_746, %dma_wait3A_747] : memref<4x80x128xf32, #tpu.memory_space<vmem>> -> memref<1x80x128xf32, #tpu.memory_space<vmem>>
      %dma_wait3A_749 = tpu.memref_squeeze %dma_wait3A_748 : memref<1x80x128xf32, #tpu.memory_space<vmem>> -> memref<80x128xf32, #tpu.memory_space<vmem>>
      %dma_wait3A_750 = arith.constant 0 : i32
      %dma_wait3A_751 = arith.constant 0 : i32
      %dma_wait3A_752 = tpu.memref_slice %dma_wait3A_749[%dma_wait3A_750, %dma_wait3A_751] : memref<80x128xf32, #tpu.memory_space<vmem>> -> memref<40x128xf32, #tpu.memory_space<vmem>>
      %dma_wait3A_753 = arith.constant 0 : i32
      %dma_wait3A_754 = tpu.memref_slice %arg7[%mul3A_745, %dma_wait3A_753] : memref<10008x128xf32, #tpu.memory_space<vmem_shared>> -> memref<40x128xf32, #tpu.memory_space<vmem_shared>>
      %dma_wait3A_755 = arith.constant 0 : i32
      %dma_wait3A_756 = tpu.memref_slice %arg7[%mul3A_745, %dma_wait3A_755] : memref<10008x128xf32, #tpu.memory_space<vmem_shared>> -> memref<40x128xf32, #tpu.memory_space<vmem_shared>>
      %dma_wait3A_757 = arith.constant 0 : i32
      %dma_wait3A_758 = arith.constant 0 : i32
      %dma_wait3A_759 = tpu.memref_slice %arg10[%cond3A_187, %dma_wait3A_757, %dma_wait3A_758] : memref<4x80x128xf32, #tpu.memory_space<vmem>> -> memref<1x80x128xf32, #tpu.memory_space<vmem>>
      %dma_wait3A_760 = tpu.memref_squeeze %dma_wait3A_759 : memref<1x80x128xf32, #tpu.memory_space<vmem>> -> memref<80x128xf32, #tpu.memory_space<vmem>>
      %dma_wait3A_761 = arith.constant 0 : i32
      %dma_wait3A_762 = arith.constant 0 : i32
      %dma_wait3A_763 = tpu.memref_slice %dma_wait3A_760[%dma_wait3A_761, %dma_wait3A_762] : memref<80x128xf32, #tpu.memory_space<vmem>> -> memref<40x128xf32, #tpu.memory_space<vmem>>
      tpu.wait_dma2 semaphore(%arg11 : memref<!tpu.dma_semaphore, #tpu.memory_space<semaphore_mem>>) src(%dma_wait3A_763 : memref<40x128xf32, #tpu.memory_space<vmem>>) dst(%dma_wait3A_756 : memref<40x128xf32, #tpu.memory_space<vmem_shared>>)
    } else {
    }
    %add3A_190 = arith.constant 128 : i32
    %add3A_191 = arith.addi %add3A_190, %arg1 : i32
    %lt3A_192 = arith.constant 250 : i32
    %lt3A_193 = arith.cmpi slt, %add3A_191, %lt3A_192 : i32
    %convert_element_type3A_194 = arith.extui %lt3A_193 : i1 to i32
    %cond3A_195 = arith.constant 0 : i32
    %cond3A_196 = arith.constant 0 : i32
    %cond3A_197 = arith.cmpi ne, %convert_element_type3A_194, %cond3A_196 : i32
    scf.if %cond3A_197 {
      %mul3A_744 = arith.constant 40 : i32
      %mul3A_745 = arith.muli %add3A_191, %mul3A_744 : i32
      %dma_wait3A_746 = arith.constant 0 : i32
      %dma_wait3A_747 = arith.constant 0 : i32
      %dma_wait3A_748 = tpu.memref_slice %arg10[%cond3A_195, %dma_wait3A_746, %dma_wait3A_747] : memref<4x80x128xf32, #tpu.memory_space<vmem>> -> memref<1x80x128xf32, #tpu.memory_space<vmem>>
      %dma_wait3A_749 = tpu.memref_squeeze %dma_wait3A_748 : memref<1x80x128xf32, #tpu.memory_space<vmem>> -> memref<80x128xf32, #tpu.memory_space<vmem>>
      %dma_wait3A_750 = arith.constant 0 : i32
      %dma_wait3A_751 = arith.constant 0 : i32
      %dma_wait3A_752 = tpu.memref_slice %dma_wait3A_749[%dma_wait3A_750, %dma_wait3A_751] : memref<80x128xf32, #tpu.memory_space<vmem>> -> memref<40x128xf32, #tpu.memory_space<vmem>>
      %dma_wait3A_753 = arith.constant 0 : i32
      %dma_wait3A_754 = tpu.memref_slice %arg7[%mul3A_745, %dma_wait3A_753] : memref<10008x128xf32, #tpu.memory_space<vmem_shared>> -> memref<40x128xf32, #tpu.memory_space<vmem_shared>>
      %dma_wait3A_755 = arith.constant 0 : i32
      %dma_wait3A_756 = tpu.memref_slice %arg7[%mul3A_745, %dma_wait3A_755] : memref<10008x128xf32, #tpu.memory_space<vmem_shared>> -> memref<40x128xf32, #tpu.memory_space<vmem_shared>>
      %dma_wait3A_757 = arith.constant 0 : i32
      %dma_wait3A_758 = arith.constant 0 : i32
      %dma_wait3A_759 = tpu.memref_slice %arg10[%cond3A_195, %dma_wait3A_757, %dma_wait3A_758] : memref<4x80x128xf32, #tpu.memory_space<vmem>> -> memref<1x80x128xf32, #tpu.memory_space<vmem>>
      %dma_wait3A_760 = tpu.memref_squeeze %dma_wait3A_759 : memref<1x80x128xf32, #tpu.memory_space<vmem>> -> memref<80x128xf32, #tpu.memory_space<vmem>>
      %dma_wait3A_761 = arith.constant 0 : i32
      %dma_wait3A_762 = arith.constant 0 : i32
      %dma_wait3A_763 = tpu.memref_slice %dma_wait3A_760[%dma_wait3A_761, %dma_wait3A_762] : memref<80x128xf32, #tpu.memory_space<vmem>> -> memref<40x128xf32, #tpu.memory_space<vmem>>
      tpu.wait_dma2 semaphore(%arg11 : memref<!tpu.dma_semaphore, #tpu.memory_space<semaphore_mem>>) src(%dma_wait3A_763 : memref<40x128xf32, #tpu.memory_space<vmem>>) dst(%dma_wait3A_756 : memref<40x128xf32, #tpu.memory_space<vmem_shared>>)
    } else {
    }
    %add3A_198 = arith.constant 144 : i32
    %add3A_199 = arith.addi %add3A_198, %arg1 : i32
    %lt3A_200 = arith.constant 250 : i32
    %lt3A_201 = arith.cmpi slt, %add3A_199, %lt3A_200 : i32
    %convert_element_type3A_202 = arith.extui %lt3A_201 : i1 to i32
    %cond3A_203 = arith.constant 0 : i32
    %cond3A_204 = arith.constant 0 : i32
    %cond3A_205 = arith.cmpi ne, %convert_element_type3A_202, %cond3A_204 : i32
    scf.if %cond3A_205 {
      %mul3A_744 = arith.constant 40 : i32
      %mul3A_745 = arith.muli %add3A_199, %mul3A_744 : i32
      %dma_wait3A_746 = arith.constant 0 : i32
      %dma_wait3A_747 = arith.constant 0 : i32
      %dma_wait3A_748 = tpu.memref_slice %arg10[%cond3A_203, %dma_wait3A_746, %dma_wait3A_747] : memref<4x80x128xf32, #tpu.memory_space<vmem>> -> memref<1x80x128xf32, #tpu.memory_space<vmem>>
      %dma_wait3A_749 = tpu.memref_squeeze %dma_wait3A_748 : memref<1x80x128xf32, #tpu.memory_space<vmem>> -> memref<80x128xf32, #tpu.memory_space<vmem>>
      %dma_wait3A_750 = arith.constant 0 : i32
      %dma_wait3A_751 = arith.constant 0 : i32
      %dma_wait3A_752 = tpu.memref_slice %dma_wait3A_749[%dma_wait3A_750, %dma_wait3A_751] : memref<80x128xf32, #tpu.memory_space<vmem>> -> memref<40x128xf32, #tpu.memory_space<vmem>>
      %dma_wait3A_753 = arith.constant 0 : i32
      %dma_wait3A_754 = tpu.memref_slice %arg7[%mul3A_745, %dma_wait3A_753] : memref<10008x128xf32, #tpu.memory_space<vmem_shared>> -> memref<40x128xf32, #tpu.memory_space<vmem_shared>>
      %dma_wait3A_755 = arith.constant 0 : i32
      %dma_wait3A_756 = tpu.memref_slice %arg7[%mul3A_745, %dma_wait3A_755] : memref<10008x128xf32, #tpu.memory_space<vmem_shared>> -> memref<40x128xf32, #tpu.memory_space<vmem_shared>>
      %dma_wait3A_757 = arith.constant 0 : i32
      %dma_wait3A_758 = arith.constant 0 : i32
      %dma_wait3A_759 = tpu.memref_slice %arg10[%cond3A_203, %dma_wait3A_757, %dma_wait3A_758] : memref<4x80x128xf32, #tpu.memory_space<vmem>> -> memref<1x80x128xf32, #tpu.memory_space<vmem>>
      %dma_wait3A_760 = tpu.memref_squeeze %dma_wait3A_759 : memref<1x80x128xf32, #tpu.memory_space<vmem>> -> memref<80x128xf32, #tpu.memory_space<vmem>>
      %dma_wait3A_761 = arith.constant 0 : i32
      %dma_wait3A_762 = arith.constant 0 : i32
      %dma_wait3A_763 = tpu.memref_slice %dma_wait3A_760[%dma_wait3A_761, %dma_wait3A_762] : memref<80x128xf32, #tpu.memory_space<vmem>> -> memref<40x128xf32, #tpu.memory_space<vmem>>
      tpu.wait_dma2 semaphore(%arg11 : memref<!tpu.dma_semaphore, #tpu.memory_space<semaphore_mem>>) src(%dma_wait3A_763 : memref<40x128xf32, #tpu.memory_space<vmem>>) dst(%dma_wait3A_756 : memref<40x128xf32, #tpu.memory_space<vmem_shared>>)
    } else {
    }
    %add3A_206 = arith.constant 160 : i32
    %add3A_207 = arith.addi %add3A_206, %arg1 : i32
    %lt3A_208 = arith.constant 250 : i32
    %lt3A_209 = arith.cmpi slt, %add3A_207, %lt3A_208 : i32
    %convert_element_type3A_210 = arith.extui %lt3A_209 : i1 to i32
    %cond3A_211 = arith.constant 0 : i32
    %cond3A_212 = arith.constant 0 : i32
    %cond3A_213 = arith.cmpi ne, %convert_element_type3A_210, %cond3A_212 : i32
    scf.if %cond3A_213 {
      %mul3A_744 = arith.constant 40 : i32
      %mul3A_745 = arith.muli %add3A_207, %mul3A_744 : i32
      %dma_wait3A_746 = arith.constant 0 : i32
      %dma_wait3A_747 = arith.constant 0 : i32
      %dma_wait3A_748 = tpu.memref_slice %arg10[%cond3A_211, %dma_wait3A_746, %dma_wait3A_747] : memref<4x80x128xf32, #tpu.memory_space<vmem>> -> memref<1x80x128xf32, #tpu.memory_space<vmem>>
      %dma_wait3A_749 = tpu.memref_squeeze %dma_wait3A_748 : memref<1x80x128xf32, #tpu.memory_space<vmem>> -> memref<80x128xf32, #tpu.memory_space<vmem>>
      %dma_wait3A_750 = arith.constant 0 : i32
      %dma_wait3A_751 = arith.constant 0 : i32
      %dma_wait3A_752 = tpu.memref_slice %dma_wait3A_749[%dma_wait3A_750, %dma_wait3A_751] : memref<80x128xf32, #tpu.memory_space<vmem>> -> memref<40x128xf32, #tpu.memory_space<vmem>>
      %dma_wait3A_753 = arith.constant 0 : i32
      %dma_wait3A_754 = tpu.memref_slice %arg7[%mul3A_745, %dma_wait3A_753] : memref<10008x128xf32, #tpu.memory_space<vmem_shared>> -> memref<40x128xf32, #tpu.memory_space<vmem_shared>>
      %dma_wait3A_755 = arith.constant 0 : i32
      %dma_wait3A_756 = tpu.memref_slice %arg7[%mul3A_745, %dma_wait3A_755] : memref<10008x128xf32, #tpu.memory_space<vmem_shared>> -> memref<40x128xf32, #tpu.memory_space<vmem_shared>>
      %dma_wait3A_757 = arith.constant 0 : i32
      %dma_wait3A_758 = arith.constant 0 : i32
      %dma_wait3A_759 = tpu.memref_slice %arg10[%cond3A_211, %dma_wait3A_757, %dma_wait3A_758] : memref<4x80x128xf32, #tpu.memory_space<vmem>> -> memref<1x80x128xf32, #tpu.memory_space<vmem>>
      %dma_wait3A_760 = tpu.memref_squeeze %dma_wait3A_759 : memref<1x80x128xf32, #tpu.memory_space<vmem>> -> memref<80x128xf32, #tpu.memory_space<vmem>>
      %dma_wait3A_761 = arith.constant 0 : i32
      %dma_wait3A_762 = arith.constant 0 : i32
      %dma_wait3A_763 = tpu.memref_slice %dma_wait3A_760[%dma_wait3A_761, %dma_wait3A_762] : memref<80x128xf32, #tpu.memory_space<vmem>> -> memref<40x128xf32, #tpu.memory_space<vmem>>
      tpu.wait_dma2 semaphore(%arg11 : memref<!tpu.dma_semaphore, #tpu.memory_space<semaphore_mem>>) src(%dma_wait3A_763 : memref<40x128xf32, #tpu.memory_space<vmem>>) dst(%dma_wait3A_756 : memref<40x128xf32, #tpu.memory_space<vmem_shared>>)
    } else {
    }
    %add3A_214 = arith.constant 176 : i32
    %add3A_215 = arith.addi %add3A_214, %arg1 : i32
    %lt3A_216 = arith.constant 250 : i32
    %lt3A_217 = arith.cmpi slt, %add3A_215, %lt3A_216 : i32
    %convert_element_type3A_218 = arith.extui %lt3A_217 : i1 to i32
    %cond3A_219 = arith.constant 0 : i32
    %cond3A_220 = arith.constant 0 : i32
    %cond3A_221 = arith.cmpi ne, %convert_element_type3A_218, %cond3A_220 : i32
    scf.if %cond3A_221 {
      %mul3A_744 = arith.constant 40 : i32
      %mul3A_745 = arith.muli %add3A_215, %mul3A_744 : i32
      %dma_wait3A_746 = arith.constant 0 : i32
      %dma_wait3A_747 = arith.constant 0 : i32
      %dma_wait3A_748 = tpu.memref_slice %arg10[%cond3A_219, %dma_wait3A_746, %dma_wait3A_747] : memref<4x80x128xf32, #tpu.memory_space<vmem>> -> memref<1x80x128xf32, #tpu.memory_space<vmem>>
      %dma_wait3A_749 = tpu.memref_squeeze %dma_wait3A_748 : memref<1x80x128xf32, #tpu.memory_space<vmem>> -> memref<80x128xf32, #tpu.memory_space<vmem>>
      %dma_wait3A_750 = arith.constant 0 : i32
      %dma_wait3A_751 = arith.constant 0 : i32
      %dma_wait3A_752 = tpu.memref_slice %dma_wait3A_749[%dma_wait3A_750, %dma_wait3A_751] : memref<80x128xf32, #tpu.memory_space<vmem>> -> memref<40x128xf32, #tpu.memory_space<vmem>>
      %dma_wait3A_753 = arith.constant 0 : i32
      %dma_wait3A_754 = tpu.memref_slice %arg7[%mul3A_745, %dma_wait3A_753] : memref<10008x128xf32, #tpu.memory_space<vmem_shared>> -> memref<40x128xf32, #tpu.memory_space<vmem_shared>>
      %dma_wait3A_755 = arith.constant 0 : i32
      %dma_wait3A_756 = tpu.memref_slice %arg7[%mul3A_745, %dma_wait3A_755] : memref<10008x128xf32, #tpu.memory_space<vmem_shared>> -> memref<40x128xf32, #tpu.memory_space<vmem_shared>>
      %dma_wait3A_757 = arith.constant 0 : i32
      %dma_wait3A_758 = arith.constant 0 : i32
      %dma_wait3A_759 = tpu.memref_slice %arg10[%cond3A_219, %dma_wait3A_757, %dma_wait3A_758] : memref<4x80x128xf32, #tpu.memory_space<vmem>> -> memref<1x80x128xf32, #tpu.memory_space<vmem>>
      %dma_wait3A_760 = tpu.memref_squeeze %dma_wait3A_759 : memref<1x80x128xf32, #tpu.memory_space<vmem>> -> memref<80x128xf32, #tpu.memory_space<vmem>>
      %dma_wait3A_761 = arith.constant 0 : i32
      %dma_wait3A_762 = arith.constant 0 : i32
      %dma_wait3A_763 = tpu.memref_slice %dma_wait3A_760[%dma_wait3A_761, %dma_wait3A_762] : memref<80x128xf32, #tpu.memory_space<vmem>> -> memref<40x128xf32, #tpu.memory_space<vmem>>
      tpu.wait_dma2 semaphore(%arg11 : memref<!tpu.dma_semaphore, #tpu.memory_space<semaphore_mem>>) src(%dma_wait3A_763 : memref<40x128xf32, #tpu.memory_space<vmem>>) dst(%dma_wait3A_756 : memref<40x128xf32, #tpu.memory_space<vmem_shared>>)
    } else {
    }
    %add3A_222 = arith.constant 192 : i32
    %add3A_223 = arith.addi %add3A_222, %arg1 : i32
    %lt3A_224 = arith.constant 250 : i32
    %lt3A_225 = arith.cmpi slt, %add3A_223, %lt3A_224 : i32
    %convert_element_type3A_226 = arith.extui %lt3A_225 : i1 to i32
    %cond3A_227 = arith.constant 0 : i32
    %cond3A_228 = arith.constant 0 : i32
    %cond3A_229 = arith.cmpi ne, %convert_element_type3A_226, %cond3A_228 : i32
    scf.if %cond3A_229 {
      %mul3A_744 = arith.constant 40 : i32
      %mul3A_745 = arith.muli %add3A_223, %mul3A_744 : i32
      %dma_wait3A_746 = arith.constant 0 : i32
      %dma_wait3A_747 = arith.constant 0 : i32
      %dma_wait3A_748 = tpu.memref_slice %arg10[%cond3A_227, %dma_wait3A_746, %dma_wait3A_747] : memref<4x80x128xf32, #tpu.memory_space<vmem>> -> memref<1x80x128xf32, #tpu.memory_space<vmem>>
      %dma_wait3A_749 = tpu.memref_squeeze %dma_wait3A_748 : memref<1x80x128xf32, #tpu.memory_space<vmem>> -> memref<80x128xf32, #tpu.memory_space<vmem>>
      %dma_wait3A_750 = arith.constant 0 : i32
      %dma_wait3A_751 = arith.constant 0 : i32
      %dma_wait3A_752 = tpu.memref_slice %dma_wait3A_749[%dma_wait3A_750, %dma_wait3A_751] : memref<80x128xf32, #tpu.memory_space<vmem>> -> memref<40x128xf32, #tpu.memory_space<vmem>>
      %dma_wait3A_753 = arith.constant 0 : i32
      %dma_wait3A_754 = tpu.memref_slice %arg7[%mul3A_745, %dma_wait3A_753] : memref<10008x128xf32, #tpu.memory_space<vmem_shared>> -> memref<40x128xf32, #tpu.memory_space<vmem_shared>>
      %dma_wait3A_755 = arith.constant 0 : i32
      %dma_wait3A_756 = tpu.memref_slice %arg7[%mul3A_745, %dma_wait3A_755] : memref<10008x128xf32, #tpu.memory_space<vmem_shared>> -> memref<40x128xf32, #tpu.memory_space<vmem_shared>>
      %dma_wait3A_757 = arith.constant 0 : i32
      %dma_wait3A_758 = arith.constant 0 : i32
      %dma_wait3A_759 = tpu.memref_slice %arg10[%cond3A_227, %dma_wait3A_757, %dma_wait3A_758] : memref<4x80x128xf32, #tpu.memory_space<vmem>> -> memref<1x80x128xf32, #tpu.memory_space<vmem>>
      %dma_wait3A_760 = tpu.memref_squeeze %dma_wait3A_759 : memref<1x80x128xf32, #tpu.memory_space<vmem>> -> memref<80x128xf32, #tpu.memory_space<vmem>>
      %dma_wait3A_761 = arith.constant 0 : i32
      %dma_wait3A_762 = arith.constant 0 : i32
      %dma_wait3A_763 = tpu.memref_slice %dma_wait3A_760[%dma_wait3A_761, %dma_wait3A_762] : memref<80x128xf32, #tpu.memory_space<vmem>> -> memref<40x128xf32, #tpu.memory_space<vmem>>
      tpu.wait_dma2 semaphore(%arg11 : memref<!tpu.dma_semaphore, #tpu.memory_space<semaphore_mem>>) src(%dma_wait3A_763 : memref<40x128xf32, #tpu.memory_space<vmem>>) dst(%dma_wait3A_756 : memref<40x128xf32, #tpu.memory_space<vmem_shared>>)
    } else {
    }
    %add3A_230 = arith.constant 208 : i32
    %add3A_231 = arith.addi %add3A_230, %arg1 : i32
    %lt3A_232 = arith.constant 250 : i32
    %lt3A_233 = arith.cmpi slt, %add3A_231, %lt3A_232 : i32
    %convert_element_type3A_234 = arith.extui %lt3A_233 : i1 to i32
    %cond3A_235 = arith.constant 0 : i32
    %cond3A_236 = arith.constant 0 : i32
    %cond3A_237 = arith.cmpi ne, %convert_element_type3A_234, %cond3A_236 : i32
    scf.if %cond3A_237 {
      %mul3A_744 = arith.constant 40 : i32
      %mul3A_745 = arith.muli %add3A_231, %mul3A_744 : i32
      %dma_wait3A_746 = arith.constant 0 : i32
      %dma_wait3A_747 = arith.constant 0 : i32
      %dma_wait3A_748 = tpu.memref_slice %arg10[%cond3A_235, %dma_wait3A_746, %dma_wait3A_747] : memref<4x80x128xf32, #tpu.memory_space<vmem>> -> memref<1x80x128xf32, #tpu.memory_space<vmem>>
      %dma_wait3A_749 = tpu.memref_squeeze %dma_wait3A_748 : memref<1x80x128xf32, #tpu.memory_space<vmem>> -> memref<80x128xf32, #tpu.memory_space<vmem>>
      %dma_wait3A_750 = arith.constant 0 : i32
      %dma_wait3A_751 = arith.constant 0 : i32
      %dma_wait3A_752 = tpu.memref_slice %dma_wait3A_749[%dma_wait3A_750, %dma_wait3A_751] : memref<80x128xf32, #tpu.memory_space<vmem>> -> memref<40x128xf32, #tpu.memory_space<vmem>>
      %dma_wait3A_753 = arith.constant 0 : i32
      %dma_wait3A_754 = tpu.memref_slice %arg7[%mul3A_745, %dma_wait3A_753] : memref<10008x128xf32, #tpu.memory_space<vmem_shared>> -> memref<40x128xf32, #tpu.memory_space<vmem_shared>>
      %dma_wait3A_755 = arith.constant 0 : i32
      %dma_wait3A_756 = tpu.memref_slice %arg7[%mul3A_745, %dma_wait3A_755] : memref<10008x128xf32, #tpu.memory_space<vmem_shared>> -> memref<40x128xf32, #tpu.memory_space<vmem_shared>>
      %dma_wait3A_757 = arith.constant 0 : i32
      %dma_wait3A_758 = arith.constant 0 : i32
      %dma_wait3A_759 = tpu.memref_slice %arg10[%cond3A_235, %dma_wait3A_757, %dma_wait3A_758] : memref<4x80x128xf32, #tpu.memory_space<vmem>> -> memref<1x80x128xf32, #tpu.memory_space<vmem>>
      %dma_wait3A_760 = tpu.memref_squeeze %dma_wait3A_759 : memref<1x80x128xf32, #tpu.memory_space<vmem>> -> memref<80x128xf32, #tpu.memory_space<vmem>>
      %dma_wait3A_761 = arith.constant 0 : i32
      %dma_wait3A_762 = arith.constant 0 : i32
      %dma_wait3A_763 = tpu.memref_slice %dma_wait3A_760[%dma_wait3A_761, %dma_wait3A_762] : memref<80x128xf32, #tpu.memory_space<vmem>> -> memref<40x128xf32, #tpu.memory_space<vmem>>
      tpu.wait_dma2 semaphore(%arg11 : memref<!tpu.dma_semaphore, #tpu.memory_space<semaphore_mem>>) src(%dma_wait3A_763 : memref<40x128xf32, #tpu.memory_space<vmem>>) dst(%dma_wait3A_756 : memref<40x128xf32, #tpu.memory_space<vmem_shared>>)
    } else {
    }
    %add3A_238 = arith.constant 224 : i32
    %add3A_239 = arith.addi %add3A_238, %arg1 : i32
    %lt3A_240 = arith.constant 250 : i32
    %lt3A_241 = arith.cmpi slt, %add3A_239, %lt3A_240 : i32
    %convert_element_type3A_242 = arith.extui %lt3A_241 : i1 to i32
    %cond3A_243 = arith.constant 0 : i32
    %cond3A_244 = arith.constant 0 : i32
    %cond3A_245 = arith.cmpi ne, %convert_element_type3A_242, %cond3A_244 : i32
    scf.if %cond3A_245 {
      %mul3A_744 = arith.constant 40 : i32
      %mul3A_745 = arith.muli %add3A_239, %mul3A_744 : i32
      %dma_wait3A_746 = arith.constant 0 : i32
      %dma_wait3A_747 = arith.constant 0 : i32
      %dma_wait3A_748 = tpu.memref_slice %arg10[%cond3A_243, %dma_wait3A_746, %dma_wait3A_747] : memref<4x80x128xf32, #tpu.memory_space<vmem>> -> memref<1x80x128xf32, #tpu.memory_space<vmem>>
      %dma_wait3A_749 = tpu.memref_squeeze %dma_wait3A_748 : memref<1x80x128xf32, #tpu.memory_space<vmem>> -> memref<80x128xf32, #tpu.memory_space<vmem>>
      %dma_wait3A_750 = arith.constant 0 : i32
      %dma_wait3A_751 = arith.constant 0 : i32
      %dma_wait3A_752 = tpu.memref_slice %dma_wait3A_749[%dma_wait3A_750, %dma_wait3A_751] : memref<80x128xf32, #tpu.memory_space<vmem>> -> memref<40x128xf32, #tpu.memory_space<vmem>>
      %dma_wait3A_753 = arith.constant 0 : i32
      %dma_wait3A_754 = tpu.memref_slice %arg7[%mul3A_745, %dma_wait3A_753] : memref<10008x128xf32, #tpu.memory_space<vmem_shared>> -> memref<40x128xf32, #tpu.memory_space<vmem_shared>>
      %dma_wait3A_755 = arith.constant 0 : i32
      %dma_wait3A_756 = tpu.memref_slice %arg7[%mul3A_745, %dma_wait3A_755] : memref<10008x128xf32, #tpu.memory_space<vmem_shared>> -> memref<40x128xf32, #tpu.memory_space<vmem_shared>>
      %dma_wait3A_757 = arith.constant 0 : i32
      %dma_wait3A_758 = arith.constant 0 : i32
      %dma_wait3A_759 = tpu.memref_slice %arg10[%cond3A_243, %dma_wait3A_757, %dma_wait3A_758] : memref<4x80x128xf32, #tpu.memory_space<vmem>> -> memref<1x80x128xf32, #tpu.memory_space<vmem>>
      %dma_wait3A_760 = tpu.memref_squeeze %dma_wait3A_759 : memref<1x80x128xf32, #tpu.memory_space<vmem>> -> memref<80x128xf32, #tpu.memory_space<vmem>>
      %dma_wait3A_761 = arith.constant 0 : i32
      %dma_wait3A_762 = arith.constant 0 : i32
      %dma_wait3A_763 = tpu.memref_slice %dma_wait3A_760[%dma_wait3A_761, %dma_wait3A_762] : memref<80x128xf32, #tpu.memory_space<vmem>> -> memref<40x128xf32, #tpu.memory_space<vmem>>
      tpu.wait_dma2 semaphore(%arg11 : memref<!tpu.dma_semaphore, #tpu.memory_space<semaphore_mem>>) src(%dma_wait3A_763 : memref<40x128xf32, #tpu.memory_space<vmem>>) dst(%dma_wait3A_756 : memref<40x128xf32, #tpu.memory_space<vmem_shared>>)
    } else {
    }
    %add3A_246 = arith.constant 240 : i32
    %add3A_247 = arith.addi %add3A_246, %arg1 : i32
    %lt3A_248 = arith.constant 250 : i32
    %lt3A_249 = arith.cmpi slt, %add3A_247, %lt3A_248 : i32
    %convert_element_type3A_250 = arith.extui %lt3A_249 : i1 to i32
    %cond3A_251 = arith.constant 0 : i32
    %cond3A_252 = arith.constant 0 : i32
    %cond3A_253 = arith.cmpi ne, %convert_element_type3A_250, %cond3A_252 : i32
    scf.if %cond3A_253 {
      %mul3A_744 = arith.constant 40 : i32
      %mul3A_745 = arith.muli %add3A_247, %mul3A_744 : i32
      %dma_wait3A_746 = arith.constant 0 : i32
      %dma_wait3A_747 = arith.constant 0 : i32
      %dma_wait3A_748 = tpu.memref_slice %arg10[%cond3A_251, %dma_wait3A_746, %dma_wait3A_747] : memref<4x80x128xf32, #tpu.memory_space<vmem>> -> memref<1x80x128xf32, #tpu.memory_space<vmem>>
      %dma_wait3A_749 = tpu.memref_squeeze %dma_wait3A_748 : memref<1x80x128xf32, #tpu.memory_space<vmem>> -> memref<80x128xf32, #tpu.memory_space<vmem>>
      %dma_wait3A_750 = arith.constant 0 : i32
      %dma_wait3A_751 = arith.constant 0 : i32
      %dma_wait3A_752 = tpu.memref_slice %dma_wait3A_749[%dma_wait3A_750, %dma_wait3A_751] : memref<80x128xf32, #tpu.memory_space<vmem>> -> memref<40x128xf32, #tpu.memory_space<vmem>>
      %dma_wait3A_753 = arith.constant 0 : i32
      %dma_wait3A_754 = tpu.memref_slice %arg7[%mul3A_745, %dma_wait3A_753] : memref<10008x128xf32, #tpu.memory_space<vmem_shared>> -> memref<40x128xf32, #tpu.memory_space<vmem_shared>>
      %dma_wait3A_755 = arith.constant 0 : i32
      %dma_wait3A_756 = tpu.memref_slice %arg7[%mul3A_745, %dma_wait3A_755] : memref<10008x128xf32, #tpu.memory_space<vmem_shared>> -> memref<40x128xf32, #tpu.memory_space<vmem_shared>>
      %dma_wait3A_757 = arith.constant 0 : i32
      %dma_wait3A_758 = arith.constant 0 : i32
      %dma_wait3A_759 = tpu.memref_slice %arg10[%cond3A_251, %dma_wait3A_757, %dma_wait3A_758] : memref<4x80x128xf32, #tpu.memory_space<vmem>> -> memref<1x80x128xf32, #tpu.memory_space<vmem>>
      %dma_wait3A_760 = tpu.memref_squeeze %dma_wait3A_759 : memref<1x80x128xf32, #tpu.memory_space<vmem>> -> memref<80x128xf32, #tpu.memory_space<vmem>>
      %dma_wait3A_761 = arith.constant 0 : i32
      %dma_wait3A_762 = arith.constant 0 : i32
      %dma_wait3A_763 = tpu.memref_slice %dma_wait3A_760[%dma_wait3A_761, %dma_wait3A_762] : memref<80x128xf32, #tpu.memory_space<vmem>> -> memref<40x128xf32, #tpu.memory_space<vmem>>
      tpu.wait_dma2 semaphore(%arg11 : memref<!tpu.dma_semaphore, #tpu.memory_space<semaphore_mem>>) src(%dma_wait3A_763 : memref<40x128xf32, #tpu.memory_space<vmem>>) dst(%dma_wait3A_756 : memref<40x128xf32, #tpu.memory_space<vmem_shared>>)
    } else {
    }
    %barrier3A = arith.constant 0 : index
    tpu.barrier barrier_id(%barrier3A)
    %dma_start3A = arith.constant 0 : i32
    %dma_start3A_254 = arith.constant 0 : i32
    %dma_start3A_255 = arith.constant 0 : i32
    %dma_start3A_256 = tpu.memref_slice %arg8[%dma_start3A_254, %dma_start3A_255] : memref<4x80xi32, #tpu.memory_space<vmem>> -> memref<1x80xi32, #tpu.memory_space<vmem>>
    %dma_start3A_257 = tpu.memref_squeeze %dma_start3A_256 : memref<1x80xi32, #tpu.memory_space<vmem>> -> memref<80xi32, #tpu.memory_space<vmem>>
    %dma_start3A_258 = arith.constant 0 : i32
    %dma_start3A_259 = arith.constant 0 : i32
    %dma_start3A_260 = tpu.memref_slice %arg3[%add3A, %dma_start3A_258, %dma_start3A_259] : memref<32x125x80xi32, #tpu.memory_space<hbm>> -> memref<1x125x80xi32, #tpu.memory_space<hbm>>
    %dma_start3A_261 = tpu.memref_squeeze %dma_start3A_260 : memref<1x125x80xi32, #tpu.memory_space<hbm>> -> memref<125x80xi32, #tpu.memory_space<hbm>>
    %dma_start3A_262 = arith.constant 0 : i32
    %dma_start3A_263 = tpu.memref_slice %dma_start3A_261[%dma_start3A, %dma_start3A_262] : memref<125x80xi32, #tpu.memory_space<hbm>> -> memref<1x80xi32, #tpu.memory_space<hbm>>
    %dma_start3A_264 = tpu.memref_squeeze %dma_start3A_263 : memref<1x80xi32, #tpu.memory_space<hbm>> -> memref<80xi32, #tpu.memory_space<hbm>>
    %dma_start3A_265 = arith.constant 0 : i32
    %dma_start3A_266 = tpu.memref_slice %arg8[%dma_start3A_254, %dma_start3A_265] : memref<4x80xi32, #tpu.memory_space<vmem>> -> memref<1x80xi32, #tpu.memory_space<vmem>>
    %dma_start3A_267 = tpu.memref_squeeze %dma_start3A_266 : memref<1x80xi32, #tpu.memory_space<vmem>> -> memref<80xi32, #tpu.memory_space<vmem>>
    %dma_start3A_268 = arith.constant 0 : i32
    %dma_start3A_269 = arith.constant 0 : i32
    %dma_start3A_270 = tpu.memref_slice %arg3[%add3A, %dma_start3A_268, %dma_start3A_269] : memref<32x125x80xi32, #tpu.memory_space<hbm>> -> memref<1x125x80xi32, #tpu.memory_space<hbm>>
    %dma_start3A_271 = tpu.memref_squeeze %dma_start3A_270 : memref<1x125x80xi32, #tpu.memory_space<hbm>> -> memref<125x80xi32, #tpu.memory_space<hbm>>
    %dma_start3A_272 = arith.constant 0 : i32
    %dma_start3A_273 = tpu.memref_slice %dma_start3A_271[%dma_start3A, %dma_start3A_272] : memref<125x80xi32, #tpu.memory_space<hbm>> -> memref<1x80xi32, #tpu.memory_space<hbm>>
    %dma_start3A_274 = tpu.memref_squeeze %dma_start3A_273 : memref<1x80xi32, #tpu.memory_space<hbm>> -> memref<80xi32, #tpu.memory_space<hbm>>
    tpu.enqueue_dma source(%dma_start3A_274 : memref<80xi32, #tpu.memory_space<hbm>>) target(%dma_start3A_267 : memref<80xi32, #tpu.memory_space<vmem>>) target_semaphore(%arg16 : memref<!tpu.dma_semaphore, #tpu.memory_space<semaphore_mem>>)
    %dma_start3A_275 = arith.constant 0 : i32
    %dma_start3A_276 = arith.constant 0 : i32
    %dma_start3A_277 = arith.constant 0 : i32
    %dma_start3A_278 = tpu.memref_slice %arg9[%dma_start3A_276, %dma_start3A_277] : memref<4x80xi32, #tpu.memory_space<vmem>> -> memref<1x80xi32, #tpu.memory_space<vmem>>
    %dma_start3A_279 = tpu.memref_squeeze %dma_start3A_278 : memref<1x80xi32, #tpu.memory_space<vmem>> -> memref<80xi32, #tpu.memory_space<vmem>>
    %dma_start3A_280 = arith.constant 0 : i32
    %dma_start3A_281 = arith.constant 0 : i32
    %dma_start3A_282 = tpu.memref_slice %arg4[%add3A, %dma_start3A_280, %dma_start3A_281] : memref<32x125x80xi32, #tpu.memory_space<hbm>> -> memref<1x125x80xi32, #tpu.memory_space<hbm>>
    %dma_start3A_283 = tpu.memref_squeeze %dma_start3A_282 : memref<1x125x80xi32, #tpu.memory_space<hbm>> -> memref<125x80xi32, #tpu.memory_space<hbm>>
    %dma_start3A_284 = arith.constant 0 : i32
    %dma_start3A_285 = tpu.memref_slice %dma_start3A_283[%dma_start3A_275, %dma_start3A_284] : memref<125x80xi32, #tpu.memory_space<hbm>> -> memref<1x80xi32, #tpu.memory_space<hbm>>
    %dma_start3A_286 = tpu.memref_squeeze %dma_start3A_285 : memref<1x80xi32, #tpu.memory_space<hbm>> -> memref<80xi32, #tpu.memory_space<hbm>>
    %dma_start3A_287 = arith.constant 0 : i32
    %dma_start3A_288 = tpu.memref_slice %arg9[%dma_start3A_276, %dma_start3A_287] : memref<4x80xi32, #tpu.memory_space<vmem>> -> memref<1x80xi32, #tpu.memory_space<vmem>>
    %dma_start3A_289 = tpu.memref_squeeze %dma_start3A_288 : memref<1x80xi32, #tpu.memory_space<vmem>> -> memref<80xi32, #tpu.memory_space<vmem>>
    %dma_start3A_290 = arith.constant 0 : i32
    %dma_start3A_291 = arith.constant 0 : i32
    %dma_start3A_292 = tpu.memref_slice %arg4[%add3A, %dma_start3A_290, %dma_start3A_291] : memref<32x125x80xi32, #tpu.memory_space<hbm>> -> memref<1x125x80xi32, #tpu.memory_space<hbm>>
    %dma_start3A_293 = tpu.memref_squeeze %dma_start3A_292 : memref<1x125x80xi32, #tpu.memory_space<hbm>> -> memref<125x80xi32, #tpu.memory_space<hbm>>
    %dma_start3A_294 = arith.constant 0 : i32
    %dma_start3A_295 = tpu.memref_slice %dma_start3A_293[%dma_start3A_275, %dma_start3A_294] : memref<125x80xi32, #tpu.memory_space<hbm>> -> memref<1x80xi32, #tpu.memory_space<hbm>>
    %dma_start3A_296 = tpu.memref_squeeze %dma_start3A_295 : memref<1x80xi32, #tpu.memory_space<hbm>> -> memref<80xi32, #tpu.memory_space<hbm>>
    tpu.enqueue_dma source(%dma_start3A_296 : memref<80xi32, #tpu.memory_space<hbm>>) target(%dma_start3A_289 : memref<80xi32, #tpu.memory_space<vmem>>) target_semaphore(%arg16 : memref<!tpu.dma_semaphore, #tpu.memory_space<semaphore_mem>>)
    %dma_start3A_297 = arith.constant 1 : i32
    %dma_start3A_298 = arith.constant 1 : i32
    %dma_start3A_299 = arith.constant 0 : i32
    %dma_start3A_300 = tpu.memref_slice %arg8[%dma_start3A_298, %dma_start3A_299] : memref<4x80xi32, #tpu.memory_space<vmem>> -> memref<1x80xi32, #tpu.memory_space<vmem>>
    %dma_start3A_301 = tpu.memref_squeeze %dma_start3A_300 : memref<1x80xi32, #tpu.memory_space<vmem>> -> memref<80xi32, #tpu.memory_space<vmem>>
    %dma_start3A_302 = arith.constant 0 : i32
    %dma_start3A_303 = arith.constant 0 : i32
    %dma_start3A_304 = tpu.memref_slice %arg3[%add3A, %dma_start3A_302, %dma_start3A_303] : memref<32x125x80xi32, #tpu.memory_space<hbm>> -> memref<1x125x80xi32, #tpu.memory_space<hbm>>
    %dma_start3A_305 = tpu.memref_squeeze %dma_start3A_304 : memref<1x125x80xi32, #tpu.memory_space<hbm>> -> memref<125x80xi32, #tpu.memory_space<hbm>>
    %dma_start3A_306 = arith.constant 0 : i32
    %dma_start3A_307 = tpu.memref_slice %dma_start3A_305[%dma_start3A_297, %dma_start3A_306] : memref<125x80xi32, #tpu.memory_space<hbm>> -> memref<1x80xi32, #tpu.memory_space<hbm>>
    %dma_start3A_308 = tpu.memref_squeeze %dma_start3A_307 : memref<1x80xi32, #tpu.memory_space<hbm>> -> memref<80xi32, #tpu.memory_space<hbm>>
    %dma_start3A_309 = arith.constant 0 : i32
    %dma_start3A_310 = tpu.memref_slice %arg8[%dma_start3A_298, %dma_start3A_309] : memref<4x80xi32, #tpu.memory_space<vmem>> -> memref<1x80xi32, #tpu.memory_space<vmem>>
    %dma_start3A_311 = tpu.memref_squeeze %dma_start3A_310 : memref<1x80xi32, #tpu.memory_space<vmem>> -> memref<80xi32, #tpu.memory_space<vmem>>
    %dma_start3A_312 = arith.constant 0 : i32
    %dma_start3A_313 = arith.constant 0 : i32
    %dma_start3A_314 = tpu.memref_slice %arg3[%add3A, %dma_start3A_312, %dma_start3A_313] : memref<32x125x80xi32, #tpu.memory_space<hbm>> -> memref<1x125x80xi32, #tpu.memory_space<hbm>>
    %dma_start3A_315 = tpu.memref_squeeze %dma_start3A_314 : memref<1x125x80xi32, #tpu.memory_space<hbm>> -> memref<125x80xi32, #tpu.memory_space<hbm>>
    %dma_start3A_316 = arith.constant 0 : i32
    %dma_start3A_317 = tpu.memref_slice %dma_start3A_315[%dma_start3A_297, %dma_start3A_316] : memref<125x80xi32, #tpu.memory_space<hbm>> -> memref<1x80xi32, #tpu.memory_space<hbm>>
    %dma_start3A_318 = tpu.memref_squeeze %dma_start3A_317 : memref<1x80xi32, #tpu.memory_space<hbm>> -> memref<80xi32, #tpu.memory_space<hbm>>
    tpu.enqueue_dma source(%dma_start3A_318 : memref<80xi32, #tpu.memory_space<hbm>>) target(%dma_start3A_311 : memref<80xi32, #tpu.memory_space<vmem>>) target_semaphore(%arg17 : memref<!tpu.dma_semaphore, #tpu.memory_space<semaphore_mem>>)
    %dma_start3A_319 = arith.constant 1 : i32
    %dma_start3A_320 = arith.constant 1 : i32
    %dma_start3A_321 = arith.constant 0 : i32
    %dma_start3A_322 = tpu.memref_slice %arg9[%dma_start3A_320, %dma_start3A_321] : memref<4x80xi32, #tpu.memory_space<vmem>> -> memref<1x80xi32, #tpu.memory_space<vmem>>
    %dma_start3A_323 = tpu.memref_squeeze %dma_start3A_322 : memref<1x80xi32, #tpu.memory_space<vmem>> -> memref<80xi32, #tpu.memory_space<vmem>>
    %dma_start3A_324 = arith.constant 0 : i32
    %dma_start3A_325 = arith.constant 0 : i32
    %dma_start3A_326 = tpu.memref_slice %arg4[%add3A, %dma_start3A_324, %dma_start3A_325] : memref<32x125x80xi32, #tpu.memory_space<hbm>> -> memref<1x125x80xi32, #tpu.memory_space<hbm>>
    %dma_start3A_327 = tpu.memref_squeeze %dma_start3A_326 : memref<1x125x80xi32, #tpu.memory_space<hbm>> -> memref<125x80xi32, #tpu.memory_space<hbm>>
    %dma_start3A_328 = arith.constant 0 : i32
    %dma_start3A_329 = tpu.memref_slice %dma_start3A_327[%dma_start3A_319, %dma_start3A_328] : memref<125x80xi32, #tpu.memory_space<hbm>> -> memref<1x80xi32, #tpu.memory_space<hbm>>
    %dma_start3A_330 = tpu.memref_squeeze %dma_start3A_329 : memref<1x80xi32, #tpu.memory_space<hbm>> -> memref<80xi32, #tpu.memory_space<hbm>>
    %dma_start3A_331 = arith.constant 0 : i32
    %dma_start3A_332 = tpu.memref_slice %arg9[%dma_start3A_320, %dma_start3A_331] : memref<4x80xi32, #tpu.memory_space<vmem>> -> memref<1x80xi32, #tpu.memory_space<vmem>>
    %dma_start3A_333 = tpu.memref_squeeze %dma_start3A_332 : memref<1x80xi32, #tpu.memory_space<vmem>> -> memref<80xi32, #tpu.memory_space<vmem>>
    %dma_start3A_334 = arith.constant 0 : i32
    %dma_start3A_335 = arith.constant 0 : i32
    %dma_start3A_336 = tpu.memref_slice %arg4[%add3A, %dma_start3A_334, %dma_start3A_335] : memref<32x125x80xi32, #tpu.memory_space<hbm>> -> memref<1x125x80xi32, #tpu.memory_space<hbm>>
    %dma_start3A_337 = tpu.memref_squeeze %dma_start3A_336 : memref<1x125x80xi32, #tpu.memory_space<hbm>> -> memref<125x80xi32, #tpu.memory_space<hbm>>
    %dma_start3A_338 = arith.constant 0 : i32
    %dma_start3A_339 = tpu.memref_slice %dma_start3A_337[%dma_start3A_319, %dma_start3A_338] : memref<125x80xi32, #tpu.memory_space<hbm>> -> memref<1x80xi32, #tpu.memory_space<hbm>>
    %dma_start3A_340 = tpu.memref_squeeze %dma_start3A_339 : memref<1x80xi32, #tpu.memory_space<hbm>> -> memref<80xi32, #tpu.memory_space<hbm>>
    tpu.enqueue_dma source(%dma_start3A_340 : memref<80xi32, #tpu.memory_space<hbm>>) target(%dma_start3A_333 : memref<80xi32, #tpu.memory_space<vmem>>) target_semaphore(%arg17 : memref<!tpu.dma_semaphore, #tpu.memory_space<semaphore_mem>>)
    %dma_start3A_341 = arith.constant 2 : i32
    %dma_start3A_342 = arith.constant 2 : i32
    %dma_start3A_343 = arith.constant 0 : i32
    %dma_start3A_344 = tpu.memref_slice %arg8[%dma_start3A_342, %dma_start3A_343] : memref<4x80xi32, #tpu.memory_space<vmem>> -> memref<1x80xi32, #tpu.memory_space<vmem>>
    %dma_start3A_345 = tpu.memref_squeeze %dma_start3A_344 : memref<1x80xi32, #tpu.memory_space<vmem>> -> memref<80xi32, #tpu.memory_space<vmem>>
    %dma_start3A_346 = arith.constant 0 : i32
    %dma_start3A_347 = arith.constant 0 : i32
    %dma_start3A_348 = tpu.memref_slice %arg3[%add3A, %dma_start3A_346, %dma_start3A_347] : memref<32x125x80xi32, #tpu.memory_space<hbm>> -> memref<1x125x80xi32, #tpu.memory_space<hbm>>
    %dma_start3A_349 = tpu.memref_squeeze %dma_start3A_348 : memref<1x125x80xi32, #tpu.memory_space<hbm>> -> memref<125x80xi32, #tpu.memory_space<hbm>>
    %dma_start3A_350 = arith.constant 0 : i32
    %dma_start3A_351 = tpu.memref_slice %dma_start3A_349[%dma_start3A_341, %dma_start3A_350] : memref<125x80xi32, #tpu.memory_space<hbm>> -> memref<1x80xi32, #tpu.memory_space<hbm>>
    %dma_start3A_352 = tpu.memref_squeeze %dma_start3A_351 : memref<1x80xi32, #tpu.memory_space<hbm>> -> memref<80xi32, #tpu.memory_space<hbm>>
    %dma_start3A_353 = arith.constant 0 : i32
    %dma_start3A_354 = tpu.memref_slice %arg8[%dma_start3A_342, %dma_start3A_353] : memref<4x80xi32, #tpu.memory_space<vmem>> -> memref<1x80xi32, #tpu.memory_space<vmem>>
    %dma_start3A_355 = tpu.memref_squeeze %dma_start3A_354 : memref<1x80xi32, #tpu.memory_space<vmem>> -> memref<80xi32, #tpu.memory_space<vmem>>
    %dma_start3A_356 = arith.constant 0 : i32
    %dma_start3A_357 = arith.constant 0 : i32
    %dma_start3A_358 = tpu.memref_slice %arg3[%add3A, %dma_start3A_356, %dma_start3A_357] : memref<32x125x80xi32, #tpu.memory_space<hbm>> -> memref<1x125x80xi32, #tpu.memory_space<hbm>>
    %dma_start3A_359 = tpu.memref_squeeze %dma_start3A_358 : memref<1x125x80xi32, #tpu.memory_space<hbm>> -> memref<125x80xi32, #tpu.memory_space<hbm>>
    %dma_start3A_360 = arith.constant 0 : i32
    %dma_start3A_361 = tpu.memref_slice %dma_start3A_359[%dma_start3A_341, %dma_start3A_360] : memref<125x80xi32, #tpu.memory_space<hbm>> -> memref<1x80xi32, #tpu.memory_space<hbm>>
    %dma_start3A_362 = tpu.memref_squeeze %dma_start3A_361 : memref<1x80xi32, #tpu.memory_space<hbm>> -> memref<80xi32, #tpu.memory_space<hbm>>
    tpu.enqueue_dma source(%dma_start3A_362 : memref<80xi32, #tpu.memory_space<hbm>>) target(%dma_start3A_355 : memref<80xi32, #tpu.memory_space<vmem>>) target_semaphore(%arg18 : memref<!tpu.dma_semaphore, #tpu.memory_space<semaphore_mem>>)
    %dma_start3A_363 = arith.constant 2 : i32
    %dma_start3A_364 = arith.constant 2 : i32
    %dma_start3A_365 = arith.constant 0 : i32
    %dma_start3A_366 = tpu.memref_slice %arg9[%dma_start3A_364, %dma_start3A_365] : memref<4x80xi32, #tpu.memory_space<vmem>> -> memref<1x80xi32, #tpu.memory_space<vmem>>
    %dma_start3A_367 = tpu.memref_squeeze %dma_start3A_366 : memref<1x80xi32, #tpu.memory_space<vmem>> -> memref<80xi32, #tpu.memory_space<vmem>>
    %dma_start3A_368 = arith.constant 0 : i32
    %dma_start3A_369 = arith.constant 0 : i32
    %dma_start3A_370 = tpu.memref_slice %arg4[%add3A, %dma_start3A_368, %dma_start3A_369] : memref<32x125x80xi32, #tpu.memory_space<hbm>> -> memref<1x125x80xi32, #tpu.memory_space<hbm>>
    %dma_start3A_371 = tpu.memref_squeeze %dma_start3A_370 : memref<1x125x80xi32, #tpu.memory_space<hbm>> -> memref<125x80xi32, #tpu.memory_space<hbm>>
    %dma_start3A_372 = arith.constant 0 : i32
    %dma_start3A_373 = tpu.memref_slice %dma_start3A_371[%dma_start3A_363, %dma_start3A_372] : memref<125x80xi32, #tpu.memory_space<hbm>> -> memref<1x80xi32, #tpu.memory_space<hbm>>
    %dma_start3A_374 = tpu.memref_squeeze %dma_start3A_373 : memref<1x80xi32, #tpu.memory_space<hbm>> -> memref<80xi32, #tpu.memory_space<hbm>>
    %dma_start3A_375 = arith.constant 0 : i32
    %dma_start3A_376 = tpu.memref_slice %arg9[%dma_start3A_364, %dma_start3A_375] : memref<4x80xi32, #tpu.memory_space<vmem>> -> memref<1x80xi32, #tpu.memory_space<vmem>>
    %dma_start3A_377 = tpu.memref_squeeze %dma_start3A_376 : memref<1x80xi32, #tpu.memory_space<vmem>> -> memref<80xi32, #tpu.memory_space<vmem>>
    %dma_start3A_378 = arith.constant 0 : i32
    %dma_start3A_379 = arith.constant 0 : i32
    %dma_start3A_380 = tpu.memref_slice %arg4[%add3A, %dma_start3A_378, %dma_start3A_379] : memref<32x125x80xi32, #tpu.memory_space<hbm>> -> memref<1x125x80xi32, #tpu.memory_space<hbm>>
    %dma_start3A_381 = tpu.memref_squeeze %dma_start3A_380 : memref<1x125x80xi32, #tpu.memory_space<hbm>> -> memref<125x80xi32, #tpu.memory_space<hbm>>
    %dma_start3A_382 = arith.constant 0 : i32
    %dma_start3A_383 = tpu.memref_slice %dma_start3A_381[%dma_start3A_363, %dma_start3A_382] : memref<125x80xi32, #tpu.memory_space<hbm>> -> memref<1x80xi32, #tpu.memory_space<hbm>>
    %dma_start3A_384 = tpu.memref_squeeze %dma_start3A_383 : memref<1x80xi32, #tpu.memory_space<hbm>> -> memref<80xi32, #tpu.memory_space<hbm>>
    tpu.enqueue_dma source(%dma_start3A_384 : memref<80xi32, #tpu.memory_space<hbm>>) target(%dma_start3A_377 : memref<80xi32, #tpu.memory_space<vmem>>) target_semaphore(%arg18 : memref<!tpu.dma_semaphore, #tpu.memory_space<semaphore_mem>>)
    %dma_start3A_385 = arith.constant 3 : i32
    %dma_start3A_386 = arith.constant 3 : i32
    %dma_start3A_387 = arith.constant 0 : i32
    %dma_start3A_388 = tpu.memref_slice %arg8[%dma_start3A_386, %dma_start3A_387] : memref<4x80xi32, #tpu.memory_space<vmem>> -> memref<1x80xi32, #tpu.memory_space<vmem>>
    %dma_start3A_389 = tpu.memref_squeeze %dma_start3A_388 : memref<1x80xi32, #tpu.memory_space<vmem>> -> memref<80xi32, #tpu.memory_space<vmem>>
    %dma_start3A_390 = arith.constant 0 : i32
    %dma_start3A_391 = arith.constant 0 : i32
    %dma_start3A_392 = tpu.memref_slice %arg3[%add3A, %dma_start3A_390, %dma_start3A_391] : memref<32x125x80xi32, #tpu.memory_space<hbm>> -> memref<1x125x80xi32, #tpu.memory_space<hbm>>
    %dma_start3A_393 = tpu.memref_squeeze %dma_start3A_392 : memref<1x125x80xi32, #tpu.memory_space<hbm>> -> memref<125x80xi32, #tpu.memory_space<hbm>>
    %dma_start3A_394 = arith.constant 0 : i32
    %dma_start3A_395 = tpu.memref_slice %dma_start3A_393[%dma_start3A_385, %dma_start3A_394] : memref<125x80xi32, #tpu.memory_space<hbm>> -> memref<1x80xi32, #tpu.memory_space<hbm>>
    %dma_start3A_396 = tpu.memref_squeeze %dma_start3A_395 : memref<1x80xi32, #tpu.memory_space<hbm>> -> memref<80xi32, #tpu.memory_space<hbm>>
    %dma_start3A_397 = arith.constant 0 : i32
    %dma_start3A_398 = tpu.memref_slice %arg8[%dma_start3A_386, %dma_start3A_397] : memref<4x80xi32, #tpu.memory_space<vmem>> -> memref<1x80xi32, #tpu.memory_space<vmem>>
    %dma_start3A_399 = tpu.memref_squeeze %dma_start3A_398 : memref<1x80xi32, #tpu.memory_space<vmem>> -> memref<80xi32, #tpu.memory_space<vmem>>
    %dma_start3A_400 = arith.constant 0 : i32
    %dma_start3A_401 = arith.constant 0 : i32
    %dma_start3A_402 = tpu.memref_slice %arg3[%add3A, %dma_start3A_400, %dma_start3A_401] : memref<32x125x80xi32, #tpu.memory_space<hbm>> -> memref<1x125x80xi32, #tpu.memory_space<hbm>>
    %dma_start3A_403 = tpu.memref_squeeze %dma_start3A_402 : memref<1x125x80xi32, #tpu.memory_space<hbm>> -> memref<125x80xi32, #tpu.memory_space<hbm>>
    %dma_start3A_404 = arith.constant 0 : i32
    %dma_start3A_405 = tpu.memref_slice %dma_start3A_403[%dma_start3A_385, %dma_start3A_404] : memref<125x80xi32, #tpu.memory_space<hbm>> -> memref<1x80xi32, #tpu.memory_space<hbm>>
    %dma_start3A_406 = tpu.memref_squeeze %dma_start3A_405 : memref<1x80xi32, #tpu.memory_space<hbm>> -> memref<80xi32, #tpu.memory_space<hbm>>
    tpu.enqueue_dma source(%dma_start3A_406 : memref<80xi32, #tpu.memory_space<hbm>>) target(%dma_start3A_399 : memref<80xi32, #tpu.memory_space<vmem>>) target_semaphore(%arg19 : memref<!tpu.dma_semaphore, #tpu.memory_space<semaphore_mem>>)
    %dma_start3A_407 = arith.constant 3 : i32
    %dma_start3A_408 = arith.constant 3 : i32
    %dma_start3A_409 = arith.constant 0 : i32
    %dma_start3A_410 = tpu.memref_slice %arg9[%dma_start3A_408, %dma_start3A_409] : memref<4x80xi32, #tpu.memory_space<vmem>> -> memref<1x80xi32, #tpu.memory_space<vmem>>
    %dma_start3A_411 = tpu.memref_squeeze %dma_start3A_410 : memref<1x80xi32, #tpu.memory_space<vmem>> -> memref<80xi32, #tpu.memory_space<vmem>>
    %dma_start3A_412 = arith.constant 0 : i32
    %dma_start3A_413 = arith.constant 0 : i32
    %dma_start3A_414 = tpu.memref_slice %arg4[%add3A, %dma_start3A_412, %dma_start3A_413] : memref<32x125x80xi32, #tpu.memory_space<hbm>> -> memref<1x125x80xi32, #tpu.memory_space<hbm>>
    %dma_start3A_415 = tpu.memref_squeeze %dma_start3A_414 : memref<1x125x80xi32, #tpu.memory_space<hbm>> -> memref<125x80xi32, #tpu.memory_space<hbm>>
    %dma_start3A_416 = arith.constant 0 : i32
    %dma_start3A_417 = tpu.memref_slice %dma_start3A_415[%dma_start3A_407, %dma_start3A_416] : memref<125x80xi32, #tpu.memory_space<hbm>> -> memref<1x80xi32, #tpu.memory_space<hbm>>
    %dma_start3A_418 = tpu.memref_squeeze %dma_start3A_417 : memref<1x80xi32, #tpu.memory_space<hbm>> -> memref<80xi32, #tpu.memory_space<hbm>>
    %dma_start3A_419 = arith.constant 0 : i32
    %dma_start3A_420 = tpu.memref_slice %arg9[%dma_start3A_408, %dma_start3A_419] : memref<4x80xi32, #tpu.memory_space<vmem>> -> memref<1x80xi32, #tpu.memory_space<vmem>>
    %dma_start3A_421 = tpu.memref_squeeze %dma_start3A_420 : memref<1x80xi32, #tpu.memory_space<vmem>> -> memref<80xi32, #tpu.memory_space<vmem>>
    %dma_start3A_422 = arith.constant 0 : i32
    %dma_start3A_423 = arith.constant 0 : i32
    %dma_start3A_424 = tpu.memref_slice %arg4[%add3A, %dma_start3A_422, %dma_start3A_423] : memref<32x125x80xi32, #tpu.memory_space<hbm>> -> memref<1x125x80xi32, #tpu.memory_space<hbm>>
    %dma_start3A_425 = tpu.memref_squeeze %dma_start3A_424 : memref<1x125x80xi32, #tpu.memory_space<hbm>> -> memref<125x80xi32, #tpu.memory_space<hbm>>
    %dma_start3A_426 = arith.constant 0 : i32
    %dma_start3A_427 = tpu.memref_slice %dma_start3A_425[%dma_start3A_407, %dma_start3A_426] : memref<125x80xi32, #tpu.memory_space<hbm>> -> memref<1x80xi32, #tpu.memory_space<hbm>>
    %dma_start3A_428 = tpu.memref_squeeze %dma_start3A_427 : memref<1x80xi32, #tpu.memory_space<hbm>> -> memref<80xi32, #tpu.memory_space<hbm>>
    tpu.enqueue_dma source(%dma_start3A_428 : memref<80xi32, #tpu.memory_space<hbm>>) target(%dma_start3A_421 : memref<80xi32, #tpu.memory_space<vmem>>) target_semaphore(%arg19 : memref<!tpu.dma_semaphore, #tpu.memory_space<semaphore_mem>>)
    %dma_wait3A = arith.constant 0 : i32
    %dma_wait3A_429 = arith.constant 0 : i32
    %dma_wait3A_430 = arith.constant 0 : i32
    %dma_wait3A_431 = tpu.memref_slice %arg8[%dma_wait3A_429, %dma_wait3A_430] : memref<4x80xi32, #tpu.memory_space<vmem>> -> memref<1x80xi32, #tpu.memory_space<vmem>>
    %dma_wait3A_432 = tpu.memref_squeeze %dma_wait3A_431 : memref<1x80xi32, #tpu.memory_space<vmem>> -> memref<80xi32, #tpu.memory_space<vmem>>
    %dma_wait3A_433 = arith.constant 0 : i32
    %dma_wait3A_434 = arith.constant 0 : i32
    %dma_wait3A_435 = tpu.memref_slice %arg3[%add3A, %dma_wait3A_433, %dma_wait3A_434] : memref<32x125x80xi32, #tpu.memory_space<hbm>> -> memref<1x125x80xi32, #tpu.memory_space<hbm>>
    %dma_wait3A_436 = tpu.memref_squeeze %dma_wait3A_435 : memref<1x125x80xi32, #tpu.memory_space<hbm>> -> memref<125x80xi32, #tpu.memory_space<hbm>>
    %dma_wait3A_437 = arith.constant 0 : i32
    %dma_wait3A_438 = tpu.memref_slice %dma_wait3A_436[%dma_wait3A, %dma_wait3A_437] : memref<125x80xi32, #tpu.memory_space<hbm>> -> memref<1x80xi32, #tpu.memory_space<hbm>>
    %dma_wait3A_439 = tpu.memref_squeeze %dma_wait3A_438 : memref<1x80xi32, #tpu.memory_space<hbm>> -> memref<80xi32, #tpu.memory_space<hbm>>
    %dma_wait3A_440 = arith.constant 0 : i32
    %dma_wait3A_441 = tpu.memref_slice %arg8[%dma_wait3A_429, %dma_wait3A_440] : memref<4x80xi32, #tpu.memory_space<vmem>> -> memref<1x80xi32, #tpu.memory_space<vmem>>
    %dma_wait3A_442 = tpu.memref_squeeze %dma_wait3A_441 : memref<1x80xi32, #tpu.memory_space<vmem>> -> memref<80xi32, #tpu.memory_space<vmem>>
    %dma_wait3A_443 = arith.constant 0 : i32
    %dma_wait3A_444 = arith.constant 0 : i32
    %dma_wait3A_445 = tpu.memref_slice %arg3[%add3A, %dma_wait3A_443, %dma_wait3A_444] : memref<32x125x80xi32, #tpu.memory_space<hbm>> -> memref<1x125x80xi32, #tpu.memory_space<hbm>>
    %dma_wait3A_446 = tpu.memref_squeeze %dma_wait3A_445 : memref<1x125x80xi32, #tpu.memory_space<hbm>> -> memref<125x80xi32, #tpu.memory_space<hbm>>
    %dma_wait3A_447 = arith.constant 0 : i32
    %dma_wait3A_448 = tpu.memref_slice %dma_wait3A_446[%dma_wait3A, %dma_wait3A_447] : memref<125x80xi32, #tpu.memory_space<hbm>> -> memref<1x80xi32, #tpu.memory_space<hbm>>
    %dma_wait3A_449 = tpu.memref_squeeze %dma_wait3A_448 : memref<1x80xi32, #tpu.memory_space<hbm>> -> memref<80xi32, #tpu.memory_space<hbm>>
    tpu.wait_dma2 semaphore(%arg16 : memref<!tpu.dma_semaphore, #tpu.memory_space<semaphore_mem>>) src(%dma_wait3A_449 : memref<80xi32, #tpu.memory_space<hbm>>) dst(%dma_wait3A_442 : memref<80xi32, #tpu.memory_space<vmem>>)
    %dma_wait3A_450 = arith.constant 0 : i32
    %dma_wait3A_451 = arith.constant 0 : i32
    %dma_wait3A_452 = arith.constant 0 : i32
    %dma_wait3A_453 = tpu.memref_slice %arg9[%dma_wait3A_451, %dma_wait3A_452] : memref<4x80xi32, #tpu.memory_space<vmem>> -> memref<1x80xi32, #tpu.memory_space<vmem>>
    %dma_wait3A_454 = tpu.memref_squeeze %dma_wait3A_453 : memref<1x80xi32, #tpu.memory_space<vmem>> -> memref<80xi32, #tpu.memory_space<vmem>>
    %dma_wait3A_455 = arith.constant 0 : i32
    %dma_wait3A_456 = arith.constant 0 : i32
    %dma_wait3A_457 = tpu.memref_slice %arg4[%add3A, %dma_wait3A_455, %dma_wait3A_456] : memref<32x125x80xi32, #tpu.memory_space<hbm>> -> memref<1x125x80xi32, #tpu.memory_space<hbm>>
    %dma_wait3A_458 = tpu.memref_squeeze %dma_wait3A_457 : memref<1x125x80xi32, #tpu.memory_space<hbm>> -> memref<125x80xi32, #tpu.memory_space<hbm>>
    %dma_wait3A_459 = arith.constant 0 : i32
    %dma_wait3A_460 = tpu.memref_slice %dma_wait3A_458[%dma_wait3A_450, %dma_wait3A_459] : memref<125x80xi32, #tpu.memory_space<hbm>> -> memref<1x80xi32, #tpu.memory_space<hbm>>
    %dma_wait3A_461 = tpu.memref_squeeze %dma_wait3A_460 : memref<1x80xi32, #tpu.memory_space<hbm>> -> memref<80xi32, #tpu.memory_space<hbm>>
    %dma_wait3A_462 = arith.constant 0 : i32
    %dma_wait3A_463 = tpu.memref_slice %arg9[%dma_wait3A_451, %dma_wait3A_462] : memref<4x80xi32, #tpu.memory_space<vmem>> -> memref<1x80xi32, #tpu.memory_space<vmem>>
    %dma_wait3A_464 = tpu.memref_squeeze %dma_wait3A_463 : memref<1x80xi32, #tpu.memory_space<vmem>> -> memref<80xi32, #tpu.memory_space<vmem>>
    %dma_wait3A_465 = arith.constant 0 : i32
    %dma_wait3A_466 = arith.constant 0 : i32
    %dma_wait3A_467 = tpu.memref_slice %arg4[%add3A, %dma_wait3A_465, %dma_wait3A_466] : memref<32x125x80xi32, #tpu.memory_space<hbm>> -> memref<1x125x80xi32, #tpu.memory_space<hbm>>
    %dma_wait3A_468 = tpu.memref_squeeze %dma_wait3A_467 : memref<1x125x80xi32, #tpu.memory_space<hbm>> -> memref<125x80xi32, #tpu.memory_space<hbm>>
    %dma_wait3A_469 = arith.constant 0 : i32
    %dma_wait3A_470 = tpu.memref_slice %dma_wait3A_468[%dma_wait3A_450, %dma_wait3A_469] : memref<125x80xi32, #tpu.memory_space<hbm>> -> memref<1x80xi32, #tpu.memory_space<hbm>>
    %dma_wait3A_471 = tpu.memref_squeeze %dma_wait3A_470 : memref<1x80xi32, #tpu.memory_space<hbm>> -> memref<80xi32, #tpu.memory_space<hbm>>
    tpu.wait_dma2 semaphore(%arg16 : memref<!tpu.dma_semaphore, #tpu.memory_space<semaphore_mem>>) src(%dma_wait3A_471 : memref<80xi32, #tpu.memory_space<hbm>>) dst(%dma_wait3A_464 : memref<80xi32, #tpu.memory_space<vmem>>)
    %dma_start3A_472 = arith.constant 0 : i32
    %dma_start3A_473 = arith.constant 0 : i32
    %dma_start3A_474 = arith.constant 0 : i32
    %dma_start3A_475 = arith.constant 0 : i32
    %dma_start3A_476 = tpu.memref_slice %arg10[%dma_start3A_473, %dma_start3A_474, %dma_start3A_475] : memref<4x80x128xf32, #tpu.memory_space<vmem>> -> memref<1x80x128xf32, #tpu.memory_space<vmem>>
    %dma_start3A_477 = tpu.memref_squeeze %dma_start3A_476 : memref<1x80x128xf32, #tpu.memory_space<vmem>> -> memref<80x128xf32, #tpu.memory_space<vmem>>
    %dma_start3A_478 = arith.constant 0 : i32
    %dma_start3A_479 = tpu.memref_slice %arg8[%dma_start3A_472, %dma_start3A_478] : memref<4x80xi32, #tpu.memory_space<vmem>> -> memref<1x80xi32, #tpu.memory_space<vmem>>
    %dma_start3A_480 = tpu.memref_squeeze %dma_start3A_479 : memref<1x80xi32, #tpu.memory_space<vmem>> -> memref<80xi32, #tpu.memory_space<vmem>>
    %dma_start3A_481 = arith.constant 0 : i32
    %dma_start3A_482 = arith.constant 0 : i32
    %dma_start3A_483 = tpu.memref_slice %arg2[%dma_start3A_481, %dma_start3A_482] : memref<10000x128xf32, #tpu.memory_space<hbm>> -> memref<10000x128xf32, #tpu.memory_space<hbm>>
    tpu.enqueue_indirect_dma source(%dma_start3A_483 : memref<10000x128xf32, #tpu.memory_space<hbm>>) target(%dma_start3A_477 : memref<80x128xf32, #tpu.memory_space<vmem>>) offsets(%dma_start3A_480 : memref<80xi32, #tpu.memory_space<vmem>>) semaphore(%arg12 : memref<!tpu.dma_semaphore, #tpu.memory_space<semaphore_mem>>)
    %dma_wait3A_484 = arith.constant 1 : i32
    %dma_wait3A_485 = arith.constant 1 : i32
    %dma_wait3A_486 = arith.constant 0 : i32
    %dma_wait3A_487 = tpu.memref_slice %arg8[%dma_wait3A_485, %dma_wait3A_486] : memref<4x80xi32, #tpu.memory_space<vmem>> -> memref<1x80xi32, #tpu.memory_space<vmem>>
    %dma_wait3A_488 = tpu.memref_squeeze %dma_wait3A_487 : memref<1x80xi32, #tpu.memory_space<vmem>> -> memref<80xi32, #tpu.memory_space<vmem>>
    %dma_wait3A_489 = arith.constant 0 : i32
    %dma_wait3A_490 = arith.constant 0 : i32
    %dma_wait3A_491 = tpu.memref_slice %arg3[%add3A, %dma_wait3A_489, %dma_wait3A_490] : memref<32x125x80xi32, #tpu.memory_space<hbm>> -> memref<1x125x80xi32, #tpu.memory_space<hbm>>
    %dma_wait3A_492 = tpu.memref_squeeze %dma_wait3A_491 : memref<1x125x80xi32, #tpu.memory_space<hbm>> -> memref<125x80xi32, #tpu.memory_space<hbm>>
    %dma_wait3A_493 = arith.constant 0 : i32
    %dma_wait3A_494 = tpu.memref_slice %dma_wait3A_492[%dma_wait3A_484, %dma_wait3A_493] : memref<125x80xi32, #tpu.memory_space<hbm>> -> memref<1x80xi32, #tpu.memory_space<hbm>>
    %dma_wait3A_495 = tpu.memref_squeeze %dma_wait3A_494 : memref<1x80xi32, #tpu.memory_space<hbm>> -> memref<80xi32, #tpu.memory_space<hbm>>
    %dma_wait3A_496 = arith.constant 0 : i32
    %dma_wait3A_497 = tpu.memref_slice %arg8[%dma_wait3A_485, %dma_wait3A_496] : memref<4x80xi32, #tpu.memory_space<vmem>> -> memref<1x80xi32, #tpu.memory_space<vmem>>
    %dma_wait3A_498 = tpu.memref_squeeze %dma_wait3A_497 : memref<1x80xi32, #tpu.memory_space<vmem>> -> memref<80xi32, #tpu.memory_space<vmem>>
    %dma_wait3A_499 = arith.constant 0 : i32
    %dma_wait3A_500 = arith.constant 0 : i32
    %dma_wait3A_501 = tpu.memref_slice %arg3[%add3A, %dma_wait3A_499, %dma_wait3A_500] : memref<32x125x80xi32, #tpu.memory_space<hbm>> -> memref<1x125x80xi32, #tpu.memory_space<hbm>>
    %dma_wait3A_502 = tpu.memref_squeeze %dma_wait3A_501 : memref<1x125x80xi32, #tpu.memory_space<hbm>> -> memref<125x80xi32, #tpu.memory_space<hbm>>
    %dma_wait3A_503 = arith.constant 0 : i32
    %dma_wait3A_504 = tpu.memref_slice %dma_wait3A_502[%dma_wait3A_484, %dma_wait3A_503] : memref<125x80xi32, #tpu.memory_space<hbm>> -> memref<1x80xi32, #tpu.memory_space<hbm>>
    %dma_wait3A_505 = tpu.memref_squeeze %dma_wait3A_504 : memref<1x80xi32, #tpu.memory_space<hbm>> -> memref<80xi32, #tpu.memory_space<hbm>>
    tpu.wait_dma2 semaphore(%arg17 : memref<!tpu.dma_semaphore, #tpu.memory_space<semaphore_mem>>) src(%dma_wait3A_505 : memref<80xi32, #tpu.memory_space<hbm>>) dst(%dma_wait3A_498 : memref<80xi32, #tpu.memory_space<vmem>>)
    %dma_wait3A_506 = arith.constant 1 : i32
    %dma_wait3A_507 = arith.constant 1 : i32
    %dma_wait3A_508 = arith.constant 0 : i32
    %dma_wait3A_509 = tpu.memref_slice %arg9[%dma_wait3A_507, %dma_wait3A_508] : memref<4x80xi32, #tpu.memory_space<vmem>> -> memref<1x80xi32, #tpu.memory_space<vmem>>
    %dma_wait3A_510 = tpu.memref_squeeze %dma_wait3A_509 : memref<1x80xi32, #tpu.memory_space<vmem>> -> memref<80xi32, #tpu.memory_space<vmem>>
    %dma_wait3A_511 = arith.constant 0 : i32
    %dma_wait3A_512 = arith.constant 0 : i32
    %dma_wait3A_513 = tpu.memref_slice %arg4[%add3A, %dma_wait3A_511, %dma_wait3A_512] : memref<32x125x80xi32, #tpu.memory_space<hbm>> -> memref<1x125x80xi32, #tpu.memory_space<hbm>>
    %dma_wait3A_514 = tpu.memref_squeeze %dma_wait3A_513 : memref<1x125x80xi32, #tpu.memory_space<hbm>> -> memref<125x80xi32, #tpu.memory_space<hbm>>
    %dma_wait3A_515 = arith.constant 0 : i32
    %dma_wait3A_516 = tpu.memref_slice %dma_wait3A_514[%dma_wait3A_506, %dma_wait3A_515] : memref<125x80xi32, #tpu.memory_space<hbm>> -> memref<1x80xi32, #tpu.memory_space<hbm>>
    %dma_wait3A_517 = tpu.memref_squeeze %dma_wait3A_516 : memref<1x80xi32, #tpu.memory_space<hbm>> -> memref<80xi32, #tpu.memory_space<hbm>>
    %dma_wait3A_518 = arith.constant 0 : i32
    %dma_wait3A_519 = tpu.memref_slice %arg9[%dma_wait3A_507, %dma_wait3A_518] : memref<4x80xi32, #tpu.memory_space<vmem>> -> memref<1x80xi32, #tpu.memory_space<vmem>>
    %dma_wait3A_520 = tpu.memref_squeeze %dma_wait3A_519 : memref<1x80xi32, #tpu.memory_space<vmem>> -> memref<80xi32, #tpu.memory_space<vmem>>
    %dma_wait3A_521 = arith.constant 0 : i32
    %dma_wait3A_522 = arith.constant 0 : i32
    %dma_wait3A_523 = tpu.memref_slice %arg4[%add3A, %dma_wait3A_521, %dma_wait3A_522] : memref<32x125x80xi32, #tpu.memory_space<hbm>> -> memref<1x125x80xi32, #tpu.memory_space<hbm>>
    %dma_wait3A_524 = tpu.memref_squeeze %dma_wait3A_523 : memref<1x125x80xi32, #tpu.memory_space<hbm>> -> memref<125x80xi32, #tpu.memory_space<hbm>>
    %dma_wait3A_525 = arith.constant 0 : i32
    %dma_wait3A_526 = tpu.memref_slice %dma_wait3A_524[%dma_wait3A_506, %dma_wait3A_525] : memref<125x80xi32, #tpu.memory_space<hbm>> -> memref<1x80xi32, #tpu.memory_space<hbm>>
    %dma_wait3A_527 = tpu.memref_squeeze %dma_wait3A_526 : memref<1x80xi32, #tpu.memory_space<hbm>> -> memref<80xi32, #tpu.memory_space<hbm>>
    tpu.wait_dma2 semaphore(%arg17 : memref<!tpu.dma_semaphore, #tpu.memory_space<semaphore_mem>>) src(%dma_wait3A_527 : memref<80xi32, #tpu.memory_space<hbm>>) dst(%dma_wait3A_520 : memref<80xi32, #tpu.memory_space<vmem>>)
    %dma_start3A_528 = arith.constant 1 : i32
    %dma_start3A_529 = arith.constant 1 : i32
    %dma_start3A_530 = arith.constant 0 : i32
    %dma_start3A_531 = arith.constant 0 : i32
    %dma_start3A_532 = tpu.memref_slice %arg10[%dma_start3A_529, %dma_start3A_530, %dma_start3A_531] : memref<4x80x128xf32, #tpu.memory_space<vmem>> -> memref<1x80x128xf32, #tpu.memory_space<vmem>>
    %dma_start3A_533 = tpu.memref_squeeze %dma_start3A_532 : memref<1x80x128xf32, #tpu.memory_space<vmem>> -> memref<80x128xf32, #tpu.memory_space<vmem>>
    %dma_start3A_534 = arith.constant 0 : i32
    %dma_start3A_535 = tpu.memref_slice %arg8[%dma_start3A_528, %dma_start3A_534] : memref<4x80xi32, #tpu.memory_space<vmem>> -> memref<1x80xi32, #tpu.memory_space<vmem>>
    %dma_start3A_536 = tpu.memref_squeeze %dma_start3A_535 : memref<1x80xi32, #tpu.memory_space<vmem>> -> memref<80xi32, #tpu.memory_space<vmem>>
    %dma_start3A_537 = arith.constant 0 : i32
    %dma_start3A_538 = arith.constant 0 : i32
    %dma_start3A_539 = tpu.memref_slice %arg2[%dma_start3A_537, %dma_start3A_538] : memref<10000x128xf32, #tpu.memory_space<hbm>> -> memref<10000x128xf32, #tpu.memory_space<hbm>>
    tpu.enqueue_indirect_dma source(%dma_start3A_539 : memref<10000x128xf32, #tpu.memory_space<hbm>>) target(%dma_start3A_533 : memref<80x128xf32, #tpu.memory_space<vmem>>) offsets(%dma_start3A_536 : memref<80xi32, #tpu.memory_space<vmem>>) semaphore(%arg13 : memref<!tpu.dma_semaphore, #tpu.memory_space<semaphore_mem>>)
    %dma_wait3A_540 = arith.constant 2 : i32
    %dma_wait3A_541 = arith.constant 2 : i32
    %dma_wait3A_542 = arith.constant 0 : i32
    %dma_wait3A_543 = tpu.memref_slice %arg8[%dma_wait3A_541, %dma_wait3A_542] : memref<4x80xi32, #tpu.memory_space<vmem>> -> memref<1x80xi32, #tpu.memory_space<vmem>>
    %dma_wait3A_544 = tpu.memref_squeeze %dma_wait3A_543 : memref<1x80xi32, #tpu.memory_space<vmem>> -> memref<80xi32, #tpu.memory_space<vmem>>
    %dma_wait3A_545 = arith.constant 0 : i32
    %dma_wait3A_546 = arith.constant 0 : i32
    %dma_wait3A_547 = tpu.memref_slice %arg3[%add3A, %dma_wait3A_545, %dma_wait3A_546] : memref<32x125x80xi32, #tpu.memory_space<hbm>> -> memref<1x125x80xi32, #tpu.memory_space<hbm>>
    %dma_wait3A_548 = tpu.memref_squeeze %dma_wait3A_547 : memref<1x125x80xi32, #tpu.memory_space<hbm>> -> memref<125x80xi32, #tpu.memory_space<hbm>>
    %dma_wait3A_549 = arith.constant 0 : i32
    %dma_wait3A_550 = tpu.memref_slice %dma_wait3A_548[%dma_wait3A_540, %dma_wait3A_549] : memref<125x80xi32, #tpu.memory_space<hbm>> -> memref<1x80xi32, #tpu.memory_space<hbm>>
    %dma_wait3A_551 = tpu.memref_squeeze %dma_wait3A_550 : memref<1x80xi32, #tpu.memory_space<hbm>> -> memref<80xi32, #tpu.memory_space<hbm>>
    %dma_wait3A_552 = arith.constant 0 : i32
    %dma_wait3A_553 = tpu.memref_slice %arg8[%dma_wait3A_541, %dma_wait3A_552] : memref<4x80xi32, #tpu.memory_space<vmem>> -> memref<1x80xi32, #tpu.memory_space<vmem>>
    %dma_wait3A_554 = tpu.memref_squeeze %dma_wait3A_553 : memref<1x80xi32, #tpu.memory_space<vmem>> -> memref<80xi32, #tpu.memory_space<vmem>>
    %dma_wait3A_555 = arith.constant 0 : i32
    %dma_wait3A_556 = arith.constant 0 : i32
    %dma_wait3A_557 = tpu.memref_slice %arg3[%add3A, %dma_wait3A_555, %dma_wait3A_556] : memref<32x125x80xi32, #tpu.memory_space<hbm>> -> memref<1x125x80xi32, #tpu.memory_space<hbm>>
    %dma_wait3A_558 = tpu.memref_squeeze %dma_wait3A_557 : memref<1x125x80xi32, #tpu.memory_space<hbm>> -> memref<125x80xi32, #tpu.memory_space<hbm>>
    %dma_wait3A_559 = arith.constant 0 : i32
    %dma_wait3A_560 = tpu.memref_slice %dma_wait3A_558[%dma_wait3A_540, %dma_wait3A_559] : memref<125x80xi32, #tpu.memory_space<hbm>> -> memref<1x80xi32, #tpu.memory_space<hbm>>
    %dma_wait3A_561 = tpu.memref_squeeze %dma_wait3A_560 : memref<1x80xi32, #tpu.memory_space<hbm>> -> memref<80xi32, #tpu.memory_space<hbm>>
    tpu.wait_dma2 semaphore(%arg18 : memref<!tpu.dma_semaphore, #tpu.memory_space<semaphore_mem>>) src(%dma_wait3A_561 : memref<80xi32, #tpu.memory_space<hbm>>) dst(%dma_wait3A_554 : memref<80xi32, #tpu.memory_space<vmem>>)
    %dma_wait3A_562 = arith.constant 2 : i32
    %dma_wait3A_563 = arith.constant 2 : i32
    %dma_wait3A_564 = arith.constant 0 : i32
    %dma_wait3A_565 = tpu.memref_slice %arg9[%dma_wait3A_563, %dma_wait3A_564] : memref<4x80xi32, #tpu.memory_space<vmem>> -> memref<1x80xi32, #tpu.memory_space<vmem>>
    %dma_wait3A_566 = tpu.memref_squeeze %dma_wait3A_565 : memref<1x80xi32, #tpu.memory_space<vmem>> -> memref<80xi32, #tpu.memory_space<vmem>>
    %dma_wait3A_567 = arith.constant 0 : i32
    %dma_wait3A_568 = arith.constant 0 : i32
    %dma_wait3A_569 = tpu.memref_slice %arg4[%add3A, %dma_wait3A_567, %dma_wait3A_568] : memref<32x125x80xi32, #tpu.memory_space<hbm>> -> memref<1x125x80xi32, #tpu.memory_space<hbm>>
    %dma_wait3A_570 = tpu.memref_squeeze %dma_wait3A_569 : memref<1x125x80xi32, #tpu.memory_space<hbm>> -> memref<125x80xi32, #tpu.memory_space<hbm>>
    %dma_wait3A_571 = arith.constant 0 : i32
    %dma_wait3A_572 = tpu.memref_slice %dma_wait3A_570[%dma_wait3A_562, %dma_wait3A_571] : memref<125x80xi32, #tpu.memory_space<hbm>> -> memref<1x80xi32, #tpu.memory_space<hbm>>
    %dma_wait3A_573 = tpu.memref_squeeze %dma_wait3A_572 : memref<1x80xi32, #tpu.memory_space<hbm>> -> memref<80xi32, #tpu.memory_space<hbm>>
    %dma_wait3A_574 = arith.constant 0 : i32
    %dma_wait3A_575 = tpu.memref_slice %arg9[%dma_wait3A_563, %dma_wait3A_574] : memref<4x80xi32, #tpu.memory_space<vmem>> -> memref<1x80xi32, #tpu.memory_space<vmem>>
    %dma_wait3A_576 = tpu.memref_squeeze %dma_wait3A_575 : memref<1x80xi32, #tpu.memory_space<vmem>> -> memref<80xi32, #tpu.memory_space<vmem>>
    %dma_wait3A_577 = arith.constant 0 : i32
    %dma_wait3A_578 = arith.constant 0 : i32
    %dma_wait3A_579 = tpu.memref_slice %arg4[%add3A, %dma_wait3A_577, %dma_wait3A_578] : memref<32x125x80xi32, #tpu.memory_space<hbm>> -> memref<1x125x80xi32, #tpu.memory_space<hbm>>
    %dma_wait3A_580 = tpu.memref_squeeze %dma_wait3A_579 : memref<1x125x80xi32, #tpu.memory_space<hbm>> -> memref<125x80xi32, #tpu.memory_space<hbm>>
    %dma_wait3A_581 = arith.constant 0 : i32
    %dma_wait3A_582 = tpu.memref_slice %dma_wait3A_580[%dma_wait3A_562, %dma_wait3A_581] : memref<125x80xi32, #tpu.memory_space<hbm>> -> memref<1x80xi32, #tpu.memory_space<hbm>>
    %dma_wait3A_583 = tpu.memref_squeeze %dma_wait3A_582 : memref<1x80xi32, #tpu.memory_space<hbm>> -> memref<80xi32, #tpu.memory_space<hbm>>
    tpu.wait_dma2 semaphore(%arg18 : memref<!tpu.dma_semaphore, #tpu.memory_space<semaphore_mem>>) src(%dma_wait3A_583 : memref<80xi32, #tpu.memory_space<hbm>>) dst(%dma_wait3A_576 : memref<80xi32, #tpu.memory_space<vmem>>)
    %dma_start3A_584 = arith.constant 2 : i32
    %dma_start3A_585 = arith.constant 2 : i32
    %dma_start3A_586 = arith.constant 0 : i32
    %dma_start3A_587 = arith.constant 0 : i32
    %dma_start3A_588 = tpu.memref_slice %arg10[%dma_start3A_585, %dma_start3A_586, %dma_start3A_587] : memref<4x80x128xf32, #tpu.memory_space<vmem>> -> memref<1x80x128xf32, #tpu.memory_space<vmem>>
    %dma_start3A_589 = tpu.memref_squeeze %dma_start3A_588 : memref<1x80x128xf32, #tpu.memory_space<vmem>> -> memref<80x128xf32, #tpu.memory_space<vmem>>
    %dma_start3A_590 = arith.constant 0 : i32
    %dma_start3A_591 = tpu.memref_slice %arg8[%dma_start3A_584, %dma_start3A_590] : memref<4x80xi32, #tpu.memory_space<vmem>> -> memref<1x80xi32, #tpu.memory_space<vmem>>
    %dma_start3A_592 = tpu.memref_squeeze %dma_start3A_591 : memref<1x80xi32, #tpu.memory_space<vmem>> -> memref<80xi32, #tpu.memory_space<vmem>>
    %dma_start3A_593 = arith.constant 0 : i32
    %dma_start3A_594 = arith.constant 0 : i32
    %dma_start3A_595 = tpu.memref_slice %arg2[%dma_start3A_593, %dma_start3A_594] : memref<10000x128xf32, #tpu.memory_space<hbm>> -> memref<10000x128xf32, #tpu.memory_space<hbm>>
    tpu.enqueue_indirect_dma source(%dma_start3A_595 : memref<10000x128xf32, #tpu.memory_space<hbm>>) target(%dma_start3A_589 : memref<80x128xf32, #tpu.memory_space<vmem>>) offsets(%dma_start3A_592 : memref<80xi32, #tpu.memory_space<vmem>>) semaphore(%arg14 : memref<!tpu.dma_semaphore, #tpu.memory_space<semaphore_mem>>)
    %scan3A = arith.constant 0 : i32
    %scan3A_596 = arith.constant 0 : i32
    %scan3A_597 = arith.constant 31 : i32
    %scan3A_598 = arith.addi %scan3A_596, %scan3A_597 : i32
    %scan3A_599 = arith.constant 1 : i32
    scf.for %scan3A_744 = %scan3A_596 to %scan3A_598 step %scan3A_599  : i32 {
      %mul3A_745 = arith.constant 4 : i32
      %mul3A_746 = arith.muli %mul3A_745, %scan3A_744 : i32
      %add3A_747 = arith.constant 0 : i32
      %add3A_748 = arith.addi %mul3A_746, %add3A_747 : i32
      %add3A_749 = arith.constant 4 : i32
      %add3A_750 = arith.addi %add3A_748, %add3A_749 : i32
      %sub3A = arith.constant 1 : i32
      %sub3A_751 = arith.subi %add3A_750, %sub3A : i32
      %lt3A_752 = arith.constant 125 : i32
      %lt3A_753 = arith.cmpi slt, %sub3A_751, %lt3A_752 : i32
      %convert_element_type3A_754 = arith.extui %lt3A_753 : i1 to i32
      %cond3A_755 = arith.constant 0 : i32
      %cond3A_756 = arith.cmpi ne, %convert_element_type3A_754, %cond3A_755 : i32
      scf.if %cond3A_756 {
        %add3A_880 = arith.constant 4 : i32
        %add3A_881 = arith.addi %add3A_748, %add3A_880 : i32
        %sub3A_882 = arith.constant 1 : i32
        %sub3A_883 = arith.subi %add3A_881, %sub3A_882 : i32
        %dma_wait3A_884 = arith.constant 3 : i32
        %dma_wait3A_885 = arith.constant 0 : i32
        %dma_wait3A_886 = tpu.memref_slice %arg8[%dma_wait3A_884, %dma_wait3A_885] : memref<4x80xi32, #tpu.memory_space<vmem>> -> memref<1x80xi32, #tpu.memory_space<vmem>>
        %dma_wait3A_887 = tpu.memref_squeeze %dma_wait3A_886 : memref<1x80xi32, #tpu.memory_space<vmem>> -> memref<80xi32, #tpu.memory_space<vmem>>
        %dma_wait3A_888 = arith.constant 0 : i32
        %dma_wait3A_889 = arith.constant 0 : i32
        %dma_wait3A_890 = tpu.memref_slice %arg3[%add3A, %dma_wait3A_888, %dma_wait3A_889] : memref<32x125x80xi32, #tpu.memory_space<hbm>> -> memref<1x125x80xi32, #tpu.memory_space<hbm>>
        %dma_wait3A_891 = tpu.memref_squeeze %dma_wait3A_890 : memref<1x125x80xi32, #tpu.memory_space<hbm>> -> memref<125x80xi32, #tpu.memory_space<hbm>>
        %dma_wait3A_892 = arith.constant 0 : i32
        %dma_wait3A_893 = tpu.memref_slice %dma_wait3A_891[%sub3A_883, %dma_wait3A_892] : memref<125x80xi32, #tpu.memory_space<hbm>> -> memref<1x80xi32, #tpu.memory_space<hbm>>
        %dma_wait3A_894 = tpu.memref_squeeze %dma_wait3A_893 : memref<1x80xi32, #tpu.memory_space<hbm>> -> memref<80xi32, #tpu.memory_space<hbm>>
        %dma_wait3A_895 = arith.constant 0 : i32
        %dma_wait3A_896 = tpu.memref_slice %arg8[%dma_wait3A_884, %dma_wait3A_895] : memref<4x80xi32, #tpu.memory_space<vmem>> -> memref<1x80xi32, #tpu.memory_space<vmem>>
        %dma_wait3A_897 = tpu.memref_squeeze %dma_wait3A_896 : memref<1x80xi32, #tpu.memory_space<vmem>> -> memref<80xi32, #tpu.memory_space<vmem>>
        %dma_wait3A_898 = arith.constant 0 : i32
        %dma_wait3A_899 = arith.constant 0 : i32
        %dma_wait3A_900 = tpu.memref_slice %arg3[%add3A, %dma_wait3A_898, %dma_wait3A_899] : memref<32x125x80xi32, #tpu.memory_space<hbm>> -> memref<1x125x80xi32, #tpu.memory_space<hbm>>
        %dma_wait3A_901 = tpu.memref_squeeze %dma_wait3A_900 : memref<1x125x80xi32, #tpu.memory_space<hbm>> -> memref<125x80xi32, #tpu.memory_space<hbm>>
        %dma_wait3A_902 = arith.constant 0 : i32
        %dma_wait3A_903 = tpu.memref_slice %dma_wait3A_901[%sub3A_883, %dma_wait3A_902] : memref<125x80xi32, #tpu.memory_space<hbm>> -> memref<1x80xi32, #tpu.memory_space<hbm>>
        %dma_wait3A_904 = tpu.memref_squeeze %dma_wait3A_903 : memref<1x80xi32, #tpu.memory_space<hbm>> -> memref<80xi32, #tpu.memory_space<hbm>>
        tpu.wait_dma2 semaphore(%arg19 : memref<!tpu.dma_semaphore, #tpu.memory_space<semaphore_mem>>) src(%dma_wait3A_904 : memref<80xi32, #tpu.memory_space<hbm>>) dst(%dma_wait3A_897 : memref<80xi32, #tpu.memory_space<vmem>>)
        %dma_wait3A_905 = arith.constant 3 : i32
        %dma_wait3A_906 = arith.constant 0 : i32
        %dma_wait3A_907 = tpu.memref_slice %arg9[%dma_wait3A_905, %dma_wait3A_906] : memref<4x80xi32, #tpu.memory_space<vmem>> -> memref<1x80xi32, #tpu.memory_space<vmem>>
        %dma_wait3A_908 = tpu.memref_squeeze %dma_wait3A_907 : memref<1x80xi32, #tpu.memory_space<vmem>> -> memref<80xi32, #tpu.memory_space<vmem>>
        %dma_wait3A_909 = arith.constant 0 : i32
        %dma_wait3A_910 = arith.constant 0 : i32
        %dma_wait3A_911 = tpu.memref_slice %arg4[%add3A, %dma_wait3A_909, %dma_wait3A_910] : memref<32x125x80xi32, #tpu.memory_space<hbm>> -> memref<1x125x80xi32, #tpu.memory_space<hbm>>
        %dma_wait3A_912 = tpu.memref_squeeze %dma_wait3A_911 : memref<1x125x80xi32, #tpu.memory_space<hbm>> -> memref<125x80xi32, #tpu.memory_space<hbm>>
        %dma_wait3A_913 = arith.constant 0 : i32
        %dma_wait3A_914 = tpu.memref_slice %dma_wait3A_912[%sub3A_883, %dma_wait3A_913] : memref<125x80xi32, #tpu.memory_space<hbm>> -> memref<1x80xi32, #tpu.memory_space<hbm>>
        %dma_wait3A_915 = tpu.memref_squeeze %dma_wait3A_914 : memref<1x80xi32, #tpu.memory_space<hbm>> -> memref<80xi32, #tpu.memory_space<hbm>>
        %dma_wait3A_916 = arith.constant 0 : i32
        %dma_wait3A_917 = tpu.memref_slice %arg9[%dma_wait3A_905, %dma_wait3A_916] : memref<4x80xi32, #tpu.memory_space<vmem>> -> memref<1x80xi32, #tpu.memory_space<vmem>>
        %dma_wait3A_918 = tpu.memref_squeeze %dma_wait3A_917 : memref<1x80xi32, #tpu.memory_space<vmem>> -> memref<80xi32, #tpu.memory_space<vmem>>
        %dma_wait3A_919 = arith.constant 0 : i32
        %dma_wait3A_920 = arith.constant 0 : i32
        %dma_wait3A_921 = tpu.memref_slice %arg4[%add3A, %dma_wait3A_919, %dma_wait3A_920] : memref<32x125x80xi32, #tpu.memory_space<hbm>> -> memref<1x125x80xi32, #tpu.memory_space<hbm>>
        %dma_wait3A_922 = tpu.memref_squeeze %dma_wait3A_921 : memref<1x125x80xi32, #tpu.memory_space<hbm>> -> memref<125x80xi32, #tpu.memory_space<hbm>>
        %dma_wait3A_923 = arith.constant 0 : i32
        %dma_wait3A_924 = tpu.memref_slice %dma_wait3A_922[%sub3A_883, %dma_wait3A_923] : memref<125x80xi32, #tpu.memory_space<hbm>> -> memref<1x80xi32, #tpu.memory_space<hbm>>
        %dma_wait3A_925 = tpu.memref_squeeze %dma_wait3A_924 : memref<1x80xi32, #tpu.memory_space<hbm>> -> memref<80xi32, #tpu.memory_space<hbm>>
        tpu.wait_dma2 semaphore(%arg19 : memref<!tpu.dma_semaphore, #tpu.memory_space<semaphore_mem>>) src(%dma_wait3A_925 : memref<80xi32, #tpu.memory_space<hbm>>) dst(%dma_wait3A_918 : memref<80xi32, #tpu.memory_space<vmem>>)
        %add3A_926 = arith.constant 4 : i32
        %add3A_927 = arith.addi %add3A_748, %add3A_926 : i32
        %sub3A_928 = arith.constant 1 : i32
        %sub3A_929 = arith.subi %add3A_927, %sub3A_928 : i32
        %dma_start3A_930 = arith.constant 3 : i32
        %dma_start3A_931 = arith.constant 3 : i32
        %dma_start3A_932 = arith.constant 0 : i32
        %dma_start3A_933 = arith.constant 0 : i32
        %dma_start3A_934 = tpu.memref_slice %arg10[%dma_start3A_931, %dma_start3A_932, %dma_start3A_933] : memref<4x80x128xf32, #tpu.memory_space<vmem>> -> memref<1x80x128xf32, #tpu.memory_space<vmem>>
        %dma_start3A_935 = tpu.memref_squeeze %dma_start3A_934 : memref<1x80x128xf32, #tpu.memory_space<vmem>> -> memref<80x128xf32, #tpu.memory_space<vmem>>
        %dma_start3A_936 = arith.constant 0 : i32
        %dma_start3A_937 = tpu.memref_slice %arg8[%dma_start3A_930, %dma_start3A_936] : memref<4x80xi32, #tpu.memory_space<vmem>> -> memref<1x80xi32, #tpu.memory_space<vmem>>
        %dma_start3A_938 = tpu.memref_squeeze %dma_start3A_937 : memref<1x80xi32, #tpu.memory_space<vmem>> -> memref<80xi32, #tpu.memory_space<vmem>>
        %dma_start3A_939 = arith.constant 0 : i32
        %dma_start3A_940 = arith.constant 0 : i32
        %dma_start3A_941 = tpu.memref_slice %arg2[%dma_start3A_939, %dma_start3A_940] : memref<10000x128xf32, #tpu.memory_space<hbm>> -> memref<10000x128xf32, #tpu.memory_space<hbm>>
        tpu.enqueue_indirect_dma source(%dma_start3A_941 : memref<10000x128xf32, #tpu.memory_space<hbm>>) target(%dma_start3A_935 : memref<80x128xf32, #tpu.memory_space<vmem>>) offsets(%dma_start3A_938 : memref<80xi32, #tpu.memory_space<vmem>>) semaphore(%arg15 : memref<!tpu.dma_semaphore, #tpu.memory_space<semaphore_mem>>)
      } else {
      }
      %dma_wait3A_757 = arith.constant 0 : i32
      %dma_wait3A_758 = arith.constant 0 : i32
      %dma_wait3A_759 = arith.constant 0 : i32
      %dma_wait3A_760 = arith.constant 0 : i32
      %dma_wait3A_761 = tpu.memref_slice %arg10[%dma_wait3A_758, %dma_wait3A_759, %dma_wait3A_760] : memref<4x80x128xf32, #tpu.memory_space<vmem>> -> memref<1x80x128xf32, #tpu.memory_space<vmem>>
      %dma_wait3A_762 = tpu.memref_squeeze %dma_wait3A_761 : memref<1x80x128xf32, #tpu.memory_space<vmem>> -> memref<80x128xf32, #tpu.memory_space<vmem>>
      %dma_wait3A_763 = arith.constant 0 : i32
      %dma_wait3A_764 = tpu.memref_slice %arg8[%dma_wait3A_757, %dma_wait3A_763] : memref<4x80xi32, #tpu.memory_space<vmem>> -> memref<1x80xi32, #tpu.memory_space<vmem>>
      %dma_wait3A_765 = tpu.memref_squeeze %dma_wait3A_764 : memref<1x80xi32, #tpu.memory_space<vmem>> -> memref<80xi32, #tpu.memory_space<vmem>>
      %dma_wait3A_766 = arith.constant 0 : i32
      %dma_wait3A_767 = arith.constant 0 : i32
      %dma_wait3A_768 = tpu.memref_slice %arg2[%dma_wait3A_766, %dma_wait3A_767] : memref<10000x128xf32, #tpu.memory_space<hbm>> -> memref<10000x128xf32, #tpu.memory_space<hbm>>
      tpu.wait_indirect_dma semaphore(%arg12 : memref<!tpu.dma_semaphore, #tpu.memory_space<semaphore_mem>>) src(%dma_wait3A_768 : memref<10000x128xf32, #tpu.memory_space<hbm>>) dst(%dma_wait3A_762 : memref<80x128xf32, #tpu.memory_space<vmem>>)
      %run_scoped3A_769 = arith.constant 0 : i32
      %run_scoped3A_770 = arith.constant 0 : i32
      "tpu.region"() ({
        %run_scoped3A_880 = tpu.sem_alloc : memref<!tpu.dma_semaphore, #tpu.memory_space<semaphore_mem>>
        %dma_start3A_881 = arith.constant 0 : i32
        %dma_start3A_882 = arith.constant 0 : i32
        %dma_start3A_883 = tpu.memref_slice %arg10[%run_scoped3A_769, %dma_start3A_881, %dma_start3A_882] : memref<4x80x128xf32, #tpu.memory_space<vmem>> -> memref<1x80x128xf32, #tpu.memory_space<vmem>>
        %dma_start3A_884 = tpu.memref_squeeze %dma_start3A_883 : memref<1x80x128xf32, #tpu.memory_space<vmem>> -> memref<80x128xf32, #tpu.memory_space<vmem>>
        %dma_start3A_885 = arith.constant 0 : i32
        %dma_start3A_886 = tpu.memref_slice %arg9[%run_scoped3A_770, %dma_start3A_885] : memref<4x80xi32, #tpu.memory_space<vmem>> -> memref<1x80xi32, #tpu.memory_space<vmem>>
        %dma_start3A_887 = tpu.memref_squeeze %dma_start3A_886 : memref<1x80xi32, #tpu.memory_space<vmem>> -> memref<80xi32, #tpu.memory_space<vmem>>
        %dma_start3A_888 = arith.constant 0 : i32
        %dma_start3A_889 = arith.constant 0 : i32
        %dma_start3A_890 = tpu.memref_slice %arg7[%dma_start3A_888, %dma_start3A_889] : memref<10008x128xf32, #tpu.memory_space<vmem_shared>> -> memref<10008x128xf32, #tpu.memory_space<vmem_shared>>
        tpu.enqueue_indirect_dma source(%dma_start3A_884 : memref<80x128xf32, #tpu.memory_space<vmem>>) target(%dma_start3A_890 : memref<10008x128xf32, #tpu.memory_space<vmem_shared>>) offsets(%dma_start3A_887 : memref<80xi32, #tpu.memory_space<vmem>>) semaphore(%run_scoped3A_880 : memref<!tpu.dma_semaphore, #tpu.memory_space<semaphore_mem>>) {add = true}
        %dma_wait3A_891 = arith.constant 0 : i32
        %dma_wait3A_892 = arith.constant 0 : i32
        %dma_wait3A_893 = tpu.memref_slice %arg10[%run_scoped3A_769, %dma_wait3A_891, %dma_wait3A_892] : memref<4x80x128xf32, #tpu.memory_space<vmem>> -> memref<1x80x128xf32, #tpu.memory_space<vmem>>
        %dma_wait3A_894 = tpu.memref_squeeze %dma_wait3A_893 : memref<1x80x128xf32, #tpu.memory_space<vmem>> -> memref<80x128xf32, #tpu.memory_space<vmem>>
        %dma_wait3A_895 = arith.constant 0 : i32
        %dma_wait3A_896 = tpu.memref_slice %arg9[%run_scoped3A_770, %dma_wait3A_895] : memref<4x80xi32, #tpu.memory_space<vmem>> -> memref<1x80xi32, #tpu.memory_space<vmem>>
        %dma_wait3A_897 = tpu.memref_squeeze %dma_wait3A_896 : memref<1x80xi32, #tpu.memory_space<vmem>> -> memref<80xi32, #tpu.memory_space<vmem>>
        %dma_wait3A_898 = arith.constant 0 : i32
        %dma_wait3A_899 = arith.constant 0 : i32
        %dma_wait3A_900 = tpu.memref_slice %arg7[%dma_wait3A_898, %dma_wait3A_899] : memref<10008x128xf32, #tpu.memory_space<vmem_shared>> -> memref<10008x128xf32, #tpu.memory_space<vmem_shared>>
        tpu.wait_indirect_dma semaphore(%run_scoped3A_880 : memref<!tpu.dma_semaphore, #tpu.memory_space<semaphore_mem>>) src(%dma_wait3A_894 : memref<80x128xf32, #tpu.memory_space<vmem>>) dst(%dma_wait3A_900 : memref<10008x128xf32, #tpu.memory_space<vmem_shared>>)
        tpu.yield
      }) : () -> ()
      %add3A_771 = arith.constant 4 : i32
      %add3A_772 = arith.addi %add3A_748, %add3A_771 : i32
      %lt3A_773 = arith.constant 125 : i32
      %lt3A_774 = arith.cmpi slt, %add3A_772, %lt3A_773 : i32
      %convert_element_type3A_775 = arith.extui %lt3A_774 : i1 to i32
      %cond3A_776 = arith.constant 0 : i32
      %cond3A_777 = arith.cmpi ne, %convert_element_type3A_775, %cond3A_776 : i32
      scf.if %cond3A_777 {
        %add3A_880 = arith.constant 4 : i32
        %add3A_881 = arith.addi %add3A_748, %add3A_880 : i32
        %dma_start3A_882 = arith.constant 0 : i32
        %dma_start3A_883 = arith.constant 0 : i32
        %dma_start3A_884 = tpu.memref_slice %arg8[%dma_start3A_882, %dma_start3A_883] : memref<4x80xi32, #tpu.memory_space<vmem>> -> memref<1x80xi32, #tpu.memory_space<vmem>>
        %dma_start3A_885 = tpu.memref_squeeze %dma_start3A_884 : memref<1x80xi32, #tpu.memory_space<vmem>> -> memref<80xi32, #tpu.memory_space<vmem>>
        %dma_start3A_886 = arith.constant 0 : i32
        %dma_start3A_887 = arith.constant 0 : i32
        %dma_start3A_888 = tpu.memref_slice %arg3[%add3A, %dma_start3A_886, %dma_start3A_887] : memref<32x125x80xi32, #tpu.memory_space<hbm>> -> memref<1x125x80xi32, #tpu.memory_space<hbm>>
        %dma_start3A_889 = tpu.memref_squeeze %dma_start3A_888 : memref<1x125x80xi32, #tpu.memory_space<hbm>> -> memref<125x80xi32, #tpu.memory_space<hbm>>
        %dma_start3A_890 = arith.constant 0 : i32
        %dma_start3A_891 = tpu.memref_slice %dma_start3A_889[%add3A_881, %dma_start3A_890] : memref<125x80xi32, #tpu.memory_space<hbm>> -> memref<1x80xi32, #tpu.memory_space<hbm>>
        %dma_start3A_892 = tpu.memref_squeeze %dma_start3A_891 : memref<1x80xi32, #tpu.memory_space<hbm>> -> memref<80xi32, #tpu.memory_space<hbm>>
        %dma_start3A_893 = arith.constant 0 : i32
        %dma_start3A_894 = tpu.memref_slice %arg8[%dma_start3A_882, %dma_start3A_893] : memref<4x80xi32, #tpu.memory_space<vmem>> -> memref<1x80xi32, #tpu.memory_space<vmem>>
        %dma_start3A_895 = tpu.memref_squeeze %dma_start3A_894 : memref<1x80xi32, #tpu.memory_space<vmem>> -> memref<80xi32, #tpu.memory_space<vmem>>
        %dma_start3A_896 = arith.constant 0 : i32
        %dma_start3A_897 = arith.constant 0 : i32
        %dma_start3A_898 = tpu.memref_slice %arg3[%add3A, %dma_start3A_896, %dma_start3A_897] : memref<32x125x80xi32, #tpu.memory_space<hbm>> -> memref<1x125x80xi32, #tpu.memory_space<hbm>>
        %dma_start3A_899 = tpu.memref_squeeze %dma_start3A_898 : memref<1x125x80xi32, #tpu.memory_space<hbm>> -> memref<125x80xi32, #tpu.memory_space<hbm>>
        %dma_start3A_900 = arith.constant 0 : i32
        %dma_start3A_901 = tpu.memref_slice %dma_start3A_899[%add3A_881, %dma_start3A_900] : memref<125x80xi32, #tpu.memory_space<hbm>> -> memref<1x80xi32, #tpu.memory_space<hbm>>
        %dma_start3A_902 = tpu.memref_squeeze %dma_start3A_901 : memref<1x80xi32, #tpu.memory_space<hbm>> -> memref<80xi32, #tpu.memory_space<hbm>>
        tpu.enqueue_dma source(%dma_start3A_902 : memref<80xi32, #tpu.memory_space<hbm>>) target(%dma_start3A_895 : memref<80xi32, #tpu.memory_space<vmem>>) target_semaphore(%arg16 : memref<!tpu.dma_semaphore, #tpu.memory_space<semaphore_mem>>)
        %dma_start3A_903 = arith.constant 0 : i32
        %dma_start3A_904 = arith.constant 0 : i32
        %dma_start3A_905 = tpu.memref_slice %arg9[%dma_start3A_903, %dma_start3A_904] : memref<4x80xi32, #tpu.memory_space<vmem>> -> memref<1x80xi32, #tpu.memory_space<vmem>>
        %dma_start3A_906 = tpu.memref_squeeze %dma_start3A_905 : memref<1x80xi32, #tpu.memory_space<vmem>> -> memref<80xi32, #tpu.memory_space<vmem>>
        %dma_start3A_907 = arith.constant 0 : i32
        %dma_start3A_908 = arith.constant 0 : i32
        %dma_start3A_909 = tpu.memref_slice %arg4[%add3A, %dma_start3A_907, %dma_start3A_908] : memref<32x125x80xi32, #tpu.memory_space<hbm>> -> memref<1x125x80xi32, #tpu.memory_space<hbm>>
        %dma_start3A_910 = tpu.memref_squeeze %dma_start3A_909 : memref<1x125x80xi32, #tpu.memory_space<hbm>> -> memref<125x80xi32, #tpu.memory_space<hbm>>
        %dma_start3A_911 = arith.constant 0 : i32
        %dma_start3A_912 = tpu.memref_slice %dma_start3A_910[%add3A_881, %dma_start3A_911] : memref<125x80xi32, #tpu.memory_space<hbm>> -> memref<1x80xi32, #tpu.memory_space<hbm>>
        %dma_start3A_913 = tpu.memref_squeeze %dma_start3A_912 : memref<1x80xi32, #tpu.memory_space<hbm>> -> memref<80xi32, #tpu.memory_space<hbm>>
        %dma_start3A_914 = arith.constant 0 : i32
        %dma_start3A_915 = tpu.memref_slice %arg9[%dma_start3A_903, %dma_start3A_914] : memref<4x80xi32, #tpu.memory_space<vmem>> -> memref<1x80xi32, #tpu.memory_space<vmem>>
        %dma_start3A_916 = tpu.memref_squeeze %dma_start3A_915 : memref<1x80xi32, #tpu.memory_space<vmem>> -> memref<80xi32, #tpu.memory_space<vmem>>
        %dma_start3A_917 = arith.constant 0 : i32
        %dma_start3A_918 = arith.constant 0 : i32
        %dma_start3A_919 = tpu.memref_slice %arg4[%add3A, %dma_start3A_917, %dma_start3A_918] : memref<32x125x80xi32, #tpu.memory_space<hbm>> -> memref<1x125x80xi32, #tpu.memory_space<hbm>>
        %dma_start3A_920 = tpu.memref_squeeze %dma_start3A_919 : memref<1x125x80xi32, #tpu.memory_space<hbm>> -> memref<125x80xi32, #tpu.memory_space<hbm>>
        %dma_start3A_921 = arith.constant 0 : i32
        %dma_start3A_922 = tpu.memref_slice %dma_start3A_920[%add3A_881, %dma_start3A_921] : memref<125x80xi32, #tpu.memory_space<hbm>> -> memref<1x80xi32, #tpu.memory_space<hbm>>
        %dma_start3A_923 = tpu.memref_squeeze %dma_start3A_922 : memref<1x80xi32, #tpu.memory_space<hbm>> -> memref<80xi32, #tpu.memory_space<hbm>>
        tpu.enqueue_dma source(%dma_start3A_923 : memref<80xi32, #tpu.memory_space<hbm>>) target(%dma_start3A_916 : memref<80xi32, #tpu.memory_space<vmem>>) target_semaphore(%arg16 : memref<!tpu.dma_semaphore, #tpu.memory_space<semaphore_mem>>)
      } else {
      }
      %mul3A_778 = arith.constant 4 : i32
      %mul3A_779 = arith.muli %mul3A_778, %scan3A_744 : i32
      %add3A_780 = arith.constant 1 : i32
      %add3A_781 = arith.addi %mul3A_779, %add3A_780 : i32
      %add3A_782 = arith.constant 4 : i32
      %add3A_783 = arith.addi %add3A_781, %add3A_782 : i32
      %sub3A_784 = arith.constant 1 : i32
      %sub3A_785 = arith.subi %add3A_783, %sub3A_784 : i32
      %lt3A_786 = arith.constant 125 : i32
      %lt3A_787 = arith.cmpi slt, %sub3A_785, %lt3A_786 : i32
      %convert_element_type3A_788 = arith.extui %lt3A_787 : i1 to i32
      %cond3A_789 = arith.constant 0 : i32
      %cond3A_790 = arith.cmpi ne, %convert_element_type3A_788, %cond3A_789 : i32
      scf.if %cond3A_790 {
        %add3A_880 = arith.constant 4 : i32
        %add3A_881 = arith.addi %add3A_781, %add3A_880 : i32
        %sub3A_882 = arith.constant 1 : i32
        %sub3A_883 = arith.subi %add3A_881, %sub3A_882 : i32
        %dma_wait3A_884 = arith.constant 0 : i32
        %dma_wait3A_885 = arith.constant 0 : i32
        %dma_wait3A_886 = tpu.memref_slice %arg8[%dma_wait3A_884, %dma_wait3A_885] : memref<4x80xi32, #tpu.memory_space<vmem>> -> memref<1x80xi32, #tpu.memory_space<vmem>>
        %dma_wait3A_887 = tpu.memref_squeeze %dma_wait3A_886 : memref<1x80xi32, #tpu.memory_space<vmem>> -> memref<80xi32, #tpu.memory_space<vmem>>
        %dma_wait3A_888 = arith.constant 0 : i32
        %dma_wait3A_889 = arith.constant 0 : i32
        %dma_wait3A_890 = tpu.memref_slice %arg3[%add3A, %dma_wait3A_888, %dma_wait3A_889] : memref<32x125x80xi32, #tpu.memory_space<hbm>> -> memref<1x125x80xi32, #tpu.memory_space<hbm>>
        %dma_wait3A_891 = tpu.memref_squeeze %dma_wait3A_890 : memref<1x125x80xi32, #tpu.memory_space<hbm>> -> memref<125x80xi32, #tpu.memory_space<hbm>>
        %dma_wait3A_892 = arith.constant 0 : i32
        %dma_wait3A_893 = tpu.memref_slice %dma_wait3A_891[%sub3A_883, %dma_wait3A_892] : memref<125x80xi32, #tpu.memory_space<hbm>> -> memref<1x80xi32, #tpu.memory_space<hbm>>
        %dma_wait3A_894 = tpu.memref_squeeze %dma_wait3A_893 : memref<1x80xi32, #tpu.memory_space<hbm>> -> memref<80xi32, #tpu.memory_space<hbm>>
        %dma_wait3A_895 = arith.constant 0 : i32
        %dma_wait3A_896 = tpu.memref_slice %arg8[%dma_wait3A_884, %dma_wait3A_895] : memref<4x80xi32, #tpu.memory_space<vmem>> -> memref<1x80xi32, #tpu.memory_space<vmem>>
        %dma_wait3A_897 = tpu.memref_squeeze %dma_wait3A_896 : memref<1x80xi32, #tpu.memory_space<vmem>> -> memref<80xi32, #tpu.memory_space<vmem>>
        %dma_wait3A_898 = arith.constant 0 : i32
        %dma_wait3A_899 = arith.constant 0 : i32
        %dma_wait3A_900 = tpu.memref_slice %arg3[%add3A, %dma_wait3A_898, %dma_wait3A_899] : memref<32x125x80xi32, #tpu.memory_space<hbm>> -> memref<1x125x80xi32, #tpu.memory_space<hbm>>
        %dma_wait3A_901 = tpu.memref_squeeze %dma_wait3A_900 : memref<1x125x80xi32, #tpu.memory_space<hbm>> -> memref<125x80xi32, #tpu.memory_space<hbm>>
        %dma_wait3A_902 = arith.constant 0 : i32
        %dma_wait3A_903 = tpu.memref_slice %dma_wait3A_901[%sub3A_883, %dma_wait3A_902] : memref<125x80xi32, #tpu.memory_space<hbm>> -> memref<1x80xi32, #tpu.memory_space<hbm>>
        %dma_wait3A_904 = tpu.memref_squeeze %dma_wait3A_903 : memref<1x80xi32, #tpu.memory_space<hbm>> -> memref<80xi32, #tpu.memory_space<hbm>>
        tpu.wait_dma2 semaphore(%arg16 : memref<!tpu.dma_semaphore, #tpu.memory_space<semaphore_mem>>) src(%dma_wait3A_904 : memref<80xi32, #tpu.memory_space<hbm>>) dst(%dma_wait3A_897 : memref<80xi32, #tpu.memory_space<vmem>>)
        %dma_wait3A_905 = arith.constant 0 : i32
        %dma_wait3A_906 = arith.constant 0 : i32
        %dma_wait3A_907 = tpu.memref_slice %arg9[%dma_wait3A_905, %dma_wait3A_906] : memref<4x80xi32, #tpu.memory_space<vmem>> -> memref<1x80xi32, #tpu.memory_space<vmem>>
        %dma_wait3A_908 = tpu.memref_squeeze %dma_wait3A_907 : memref<1x80xi32, #tpu.memory_space<vmem>> -> memref<80xi32, #tpu.memory_space<vmem>>
        %dma_wait3A_909 = arith.constant 0 : i32
        %dma_wait3A_910 = arith.constant 0 : i32
        %dma_wait3A_911 = tpu.memref_slice %arg4[%add3A, %dma_wait3A_909, %dma_wait3A_910] : memref<32x125x80xi32, #tpu.memory_space<hbm>> -> memref<1x125x80xi32, #tpu.memory_space<hbm>>
        %dma_wait3A_912 = tpu.memref_squeeze %dma_wait3A_911 : memref<1x125x80xi32, #tpu.memory_space<hbm>> -> memref<125x80xi32, #tpu.memory_space<hbm>>
        %dma_wait3A_913 = arith.constant 0 : i32
        %dma_wait3A_914 = tpu.memref_slice %dma_wait3A_912[%sub3A_883, %dma_wait3A_913] : memref<125x80xi32, #tpu.memory_space<hbm>> -> memref<1x80xi32, #tpu.memory_space<hbm>>
        %dma_wait3A_915 = tpu.memref_squeeze %dma_wait3A_914 : memref<1x80xi32, #tpu.memory_space<hbm>> -> memref<80xi32, #tpu.memory_space<hbm>>
        %dma_wait3A_916 = arith.constant 0 : i32
        %dma_wait3A_917 = tpu.memref_slice %arg9[%dma_wait3A_905, %dma_wait3A_916] : memref<4x80xi32, #tpu.memory_space<vmem>> -> memref<1x80xi32, #tpu.memory_space<vmem>>
        %dma_wait3A_918 = tpu.memref_squeeze %dma_wait3A_917 : memref<1x80xi32, #tpu.memory_space<vmem>> -> memref<80xi32, #tpu.memory_space<vmem>>
        %dma_wait3A_919 = arith.constant 0 : i32
        %dma_wait3A_920 = arith.constant 0 : i32
        %dma_wait3A_921 = tpu.memref_slice %arg4[%add3A, %dma_wait3A_919, %dma_wait3A_920] : memref<32x125x80xi32, #tpu.memory_space<hbm>> -> memref<1x125x80xi32, #tpu.memory_space<hbm>>
        %dma_wait3A_922 = tpu.memref_squeeze %dma_wait3A_921 : memref<1x125x80xi32, #tpu.memory_space<hbm>> -> memref<125x80xi32, #tpu.memory_space<hbm>>
        %dma_wait3A_923 = arith.constant 0 : i32
        %dma_wait3A_924 = tpu.memref_slice %dma_wait3A_922[%sub3A_883, %dma_wait3A_923] : memref<125x80xi32, #tpu.memory_space<hbm>> -> memref<1x80xi32, #tpu.memory_space<hbm>>
        %dma_wait3A_925 = tpu.memref_squeeze %dma_wait3A_924 : memref<1x80xi32, #tpu.memory_space<hbm>> -> memref<80xi32, #tpu.memory_space<hbm>>
        tpu.wait_dma2 semaphore(%arg16 : memref<!tpu.dma_semaphore, #tpu.memory_space<semaphore_mem>>) src(%dma_wait3A_925 : memref<80xi32, #tpu.memory_space<hbm>>) dst(%dma_wait3A_918 : memref<80xi32, #tpu.memory_space<vmem>>)
        %add3A_926 = arith.constant 4 : i32
        %add3A_927 = arith.addi %add3A_781, %add3A_926 : i32
        %sub3A_928 = arith.constant 1 : i32
        %sub3A_929 = arith.subi %add3A_927, %sub3A_928 : i32
        %dma_start3A_930 = arith.constant 0 : i32
        %dma_start3A_931 = arith.constant 0 : i32
        %dma_start3A_932 = arith.constant 0 : i32
        %dma_start3A_933 = arith.constant 0 : i32
        %dma_start3A_934 = tpu.memref_slice %arg10[%dma_start3A_931, %dma_start3A_932, %dma_start3A_933] : memref<4x80x128xf32, #tpu.memory_space<vmem>> -> memref<1x80x128xf32, #tpu.memory_space<vmem>>
        %dma_start3A_935 = tpu.memref_squeeze %dma_start3A_934 : memref<1x80x128xf32, #tpu.memory_space<vmem>> -> memref<80x128xf32, #tpu.memory_space<vmem>>
        %dma_start3A_936 = arith.constant 0 : i32
        %dma_start3A_937 = tpu.memref_slice %arg8[%dma_start3A_930, %dma_start3A_936] : memref<4x80xi32, #tpu.memory_space<vmem>> -> memref<1x80xi32, #tpu.memory_space<vmem>>
        %dma_start3A_938 = tpu.memref_squeeze %dma_start3A_937 : memref<1x80xi32, #tpu.memory_space<vmem>> -> memref<80xi32, #tpu.memory_space<vmem>>
        %dma_start3A_939 = arith.constant 0 : i32
        %dma_start3A_940 = arith.constant 0 : i32
        %dma_start3A_941 = tpu.memref_slice %arg2[%dma_start3A_939, %dma_start3A_940] : memref<10000x128xf32, #tpu.memory_space<hbm>> -> memref<10000x128xf32, #tpu.memory_space<hbm>>
        tpu.enqueue_indirect_dma source(%dma_start3A_941 : memref<10000x128xf32, #tpu.memory_space<hbm>>) target(%dma_start3A_935 : memref<80x128xf32, #tpu.memory_space<vmem>>) offsets(%dma_start3A_938 : memref<80xi32, #tpu.memory_space<vmem>>) semaphore(%arg12 : memref<!tpu.dma_semaphore, #tpu.memory_space<semaphore_mem>>)
      } else {
      }
      %dma_wait3A_791 = arith.constant 1 : i32
      %dma_wait3A_792 = arith.constant 1 : i32
      %dma_wait3A_793 = arith.constant 0 : i32
      %dma_wait3A_794 = arith.constant 0 : i32
      %dma_wait3A_795 = tpu.memref_slice %arg10[%dma_wait3A_792, %dma_wait3A_793, %dma_wait3A_794] : memref<4x80x128xf32, #tpu.memory_space<vmem>> -> memref<1x80x128xf32, #tpu.memory_space<vmem>>
      %dma_wait3A_796 = tpu.memref_squeeze %dma_wait3A_795 : memref<1x80x128xf32, #tpu.memory_space<vmem>> -> memref<80x128xf32, #tpu.memory_space<vmem>>
      %dma_wait3A_797 = arith.constant 0 : i32
      %dma_wait3A_798 = tpu.memref_slice %arg8[%dma_wait3A_791, %dma_wait3A_797] : memref<4x80xi32, #tpu.memory_space<vmem>> -> memref<1x80xi32, #tpu.memory_space<vmem>>
      %dma_wait3A_799 = tpu.memref_squeeze %dma_wait3A_798 : memref<1x80xi32, #tpu.memory_space<vmem>> -> memref<80xi32, #tpu.memory_space<vmem>>
      %dma_wait3A_800 = arith.constant 0 : i32
      %dma_wait3A_801 = arith.constant 0 : i32
      %dma_wait3A_802 = tpu.memref_slice %arg2[%dma_wait3A_800, %dma_wait3A_801] : memref<10000x128xf32, #tpu.memory_space<hbm>> -> memref<10000x128xf32, #tpu.memory_space<hbm>>
      tpu.wait_indirect_dma semaphore(%arg13 : memref<!tpu.dma_semaphore, #tpu.memory_space<semaphore_mem>>) src(%dma_wait3A_802 : memref<10000x128xf32, #tpu.memory_space<hbm>>) dst(%dma_wait3A_796 : memref<80x128xf32, #tpu.memory_space<vmem>>)
      %run_scoped3A_803 = arith.constant 1 : i32
      %run_scoped3A_804 = arith.constant 1 : i32
      "tpu.region"() ({
        %run_scoped3A_880 = tpu.sem_alloc : memref<!tpu.dma_semaphore, #tpu.memory_space<semaphore_mem>>
        %dma_start3A_881 = arith.constant 0 : i32
        %dma_start3A_882 = arith.constant 0 : i32
        %dma_start3A_883 = tpu.memref_slice %arg10[%run_scoped3A_803, %dma_start3A_881, %dma_start3A_882] : memref<4x80x128xf32, #tpu.memory_space<vmem>> -> memref<1x80x128xf32, #tpu.memory_space<vmem>>
        %dma_start3A_884 = tpu.memref_squeeze %dma_start3A_883 : memref<1x80x128xf32, #tpu.memory_space<vmem>> -> memref<80x128xf32, #tpu.memory_space<vmem>>
        %dma_start3A_885 = arith.constant 0 : i32
        %dma_start3A_886 = tpu.memref_slice %arg9[%run_scoped3A_804, %dma_start3A_885] : memref<4x80xi32, #tpu.memory_space<vmem>> -> memref<1x80xi32, #tpu.memory_space<vmem>>
        %dma_start3A_887 = tpu.memref_squeeze %dma_start3A_886 : memref<1x80xi32, #tpu.memory_space<vmem>> -> memref<80xi32, #tpu.memory_space<vmem>>
        %dma_start3A_888 = arith.constant 0 : i32
        %dma_start3A_889 = arith.constant 0 : i32
        %dma_start3A_890 = tpu.memref_slice %arg7[%dma_start3A_888, %dma_start3A_889] : memref<10008x128xf32, #tpu.memory_space<vmem_shared>> -> memref<10008x128xf32, #tpu.memory_space<vmem_shared>>
        tpu.enqueue_indirect_dma source(%dma_start3A_884 : memref<80x128xf32, #tpu.memory_space<vmem>>) target(%dma_start3A_890 : memref<10008x128xf32, #tpu.memory_space<vmem_shared>>) offsets(%dma_start3A_887 : memref<80xi32, #tpu.memory_space<vmem>>) semaphore(%run_scoped3A_880 : memref<!tpu.dma_semaphore, #tpu.memory_space<semaphore_mem>>) {add = true}
        %dma_wait3A_891 = arith.constant 0 : i32
        %dma_wait3A_892 = arith.constant 0 : i32
        %dma_wait3A_893 = tpu.memref_slice %arg10[%run_scoped3A_803, %dma_wait3A_891, %dma_wait3A_892] : memref<4x80x128xf32, #tpu.memory_space<vmem>> -> memref<1x80x128xf32, #tpu.memory_space<vmem>>
        %dma_wait3A_894 = tpu.memref_squeeze %dma_wait3A_893 : memref<1x80x128xf32, #tpu.memory_space<vmem>> -> memref<80x128xf32, #tpu.memory_space<vmem>>
        %dma_wait3A_895 = arith.constant 0 : i32
        %dma_wait3A_896 = tpu.memref_slice %arg9[%run_scoped3A_804, %dma_wait3A_895] : memref<4x80xi32, #tpu.memory_space<vmem>> -> memref<1x80xi32, #tpu.memory_space<vmem>>
        %dma_wait3A_897 = tpu.memref_squeeze %dma_wait3A_896 : memref<1x80xi32, #tpu.memory_space<vmem>> -> memref<80xi32, #tpu.memory_space<vmem>>
        %dma_wait3A_898 = arith.constant 0 : i32
        %dma_wait3A_899 = arith.constant 0 : i32
        %dma_wait3A_900 = tpu.memref_slice %arg7[%dma_wait3A_898, %dma_wait3A_899] : memref<10008x128xf32, #tpu.memory_space<vmem_shared>> -> memref<10008x128xf32, #tpu.memory_space<vmem_shared>>
        tpu.wait_indirect_dma semaphore(%run_scoped3A_880 : memref<!tpu.dma_semaphore, #tpu.memory_space<semaphore_mem>>) src(%dma_wait3A_894 : memref<80x128xf32, #tpu.memory_space<vmem>>) dst(%dma_wait3A_900 : memref<10008x128xf32, #tpu.memory_space<vmem_shared>>)
        tpu.yield
      }) : () -> ()
      %add3A_805 = arith.constant 4 : i32
      %add3A_806 = arith.addi %add3A_781, %add3A_805 : i32
      %lt3A_807 = arith.constant 125 : i32
      %lt3A_808 = arith.cmpi slt, %add3A_806, %lt3A_807 : i32
      %convert_element_type3A_809 = arith.extui %lt3A_808 : i1 to i32
      %cond3A_810 = arith.constant 0 : i32
      %cond3A_811 = arith.cmpi ne, %convert_element_type3A_809, %cond3A_810 : i32
      scf.if %cond3A_811 {
        %add3A_880 = arith.constant 4 : i32
        %add3A_881 = arith.addi %add3A_781, %add3A_880 : i32
        %dma_start3A_882 = arith.constant 1 : i32
        %dma_start3A_883 = arith.constant 0 : i32
        %dma_start3A_884 = tpu.memref_slice %arg8[%dma_start3A_882, %dma_start3A_883] : memref<4x80xi32, #tpu.memory_space<vmem>> -> memref<1x80xi32, #tpu.memory_space<vmem>>
        %dma_start3A_885 = tpu.memref_squeeze %dma_start3A_884 : memref<1x80xi32, #tpu.memory_space<vmem>> -> memref<80xi32, #tpu.memory_space<vmem>>
        %dma_start3A_886 = arith.constant 0 : i32
        %dma_start3A_887 = arith.constant 0 : i32
        %dma_start3A_888 = tpu.memref_slice %arg3[%add3A, %dma_start3A_886, %dma_start3A_887] : memref<32x125x80xi32, #tpu.memory_space<hbm>> -> memref<1x125x80xi32, #tpu.memory_space<hbm>>
        %dma_start3A_889 = tpu.memref_squeeze %dma_start3A_888 : memref<1x125x80xi32, #tpu.memory_space<hbm>> -> memref<125x80xi32, #tpu.memory_space<hbm>>
        %dma_start3A_890 = arith.constant 0 : i32
        %dma_start3A_891 = tpu.memref_slice %dma_start3A_889[%add3A_881, %dma_start3A_890] : memref<125x80xi32, #tpu.memory_space<hbm>> -> memref<1x80xi32, #tpu.memory_space<hbm>>
        %dma_start3A_892 = tpu.memref_squeeze %dma_start3A_891 : memref<1x80xi32, #tpu.memory_space<hbm>> -> memref<80xi32, #tpu.memory_space<hbm>>
        %dma_start3A_893 = arith.constant 0 : i32
        %dma_start3A_894 = tpu.memref_slice %arg8[%dma_start3A_882, %dma_start3A_893] : memref<4x80xi32, #tpu.memory_space<vmem>> -> memref<1x80xi32, #tpu.memory_space<vmem>>
        %dma_start3A_895 = tpu.memref_squeeze %dma_start3A_894 : memref<1x80xi32, #tpu.memory_space<vmem>> -> memref<80xi32, #tpu.memory_space<vmem>>
        %dma_start3A_896 = arith.constant 0 : i32
        %dma_start3A_897 = arith.constant 0 : i32
        %dma_start3A_898 = tpu.memref_slice %arg3[%add3A, %dma_start3A_896, %dma_start3A_897] : memref<32x125x80xi32, #tpu.memory_space<hbm>> -> memref<1x125x80xi32, #tpu.memory_space<hbm>>
        %dma_start3A_899 = tpu.memref_squeeze %dma_start3A_898 : memref<1x125x80xi32, #tpu.memory_space<hbm>> -> memref<125x80xi32, #tpu.memory_space<hbm>>
        %dma_start3A_900 = arith.constant 0 : i32
        %dma_start3A_901 = tpu.memref_slice %dma_start3A_899[%add3A_881, %dma_start3A_900] : memref<125x80xi32, #tpu.memory_space<hbm>> -> memref<1x80xi32, #tpu.memory_space<hbm>>
        %dma_start3A_902 = tpu.memref_squeeze %dma_start3A_901 : memref<1x80xi32, #tpu.memory_space<hbm>> -> memref<80xi32, #tpu.memory_space<hbm>>
        tpu.enqueue_dma source(%dma_start3A_902 : memref<80xi32, #tpu.memory_space<hbm>>) target(%dma_start3A_895 : memref<80xi32, #tpu.memory_space<vmem>>) target_semaphore(%arg17 : memref<!tpu.dma_semaphore, #tpu.memory_space<semaphore_mem>>)
        %dma_start3A_903 = arith.constant 1 : i32
        %dma_start3A_904 = arith.constant 0 : i32
        %dma_start3A_905 = tpu.memref_slice %arg9[%dma_start3A_903, %dma_start3A_904] : memref<4x80xi32, #tpu.memory_space<vmem>> -> memref<1x80xi32, #tpu.memory_space<vmem>>
        %dma_start3A_906 = tpu.memref_squeeze %dma_start3A_905 : memref<1x80xi32, #tpu.memory_space<vmem>> -> memref<80xi32, #tpu.memory_space<vmem>>
        %dma_start3A_907 = arith.constant 0 : i32
        %dma_start3A_908 = arith.constant 0 : i32
        %dma_start3A_909 = tpu.memref_slice %arg4[%add3A, %dma_start3A_907, %dma_start3A_908] : memref<32x125x80xi32, #tpu.memory_space<hbm>> -> memref<1x125x80xi32, #tpu.memory_space<hbm>>
        %dma_start3A_910 = tpu.memref_squeeze %dma_start3A_909 : memref<1x125x80xi32, #tpu.memory_space<hbm>> -> memref<125x80xi32, #tpu.memory_space<hbm>>
        %dma_start3A_911 = arith.constant 0 : i32
        %dma_start3A_912 = tpu.memref_slice %dma_start3A_910[%add3A_881, %dma_start3A_911] : memref<125x80xi32, #tpu.memory_space<hbm>> -> memref<1x80xi32, #tpu.memory_space<hbm>>
        %dma_start3A_913 = tpu.memref_squeeze %dma_start3A_912 : memref<1x80xi32, #tpu.memory_space<hbm>> -> memref<80xi32, #tpu.memory_space<hbm>>
        %dma_start3A_914 = arith.constant 0 : i32
        %dma_start3A_915 = tpu.memref_slice %arg9[%dma_start3A_903, %dma_start3A_914] : memref<4x80xi32, #tpu.memory_space<vmem>> -> memref<1x80xi32, #tpu.memory_space<vmem>>
        %dma_start3A_916 = tpu.memref_squeeze %dma_start3A_915 : memref<1x80xi32, #tpu.memory_space<vmem>> -> memref<80xi32, #tpu.memory_space<vmem>>
        %dma_start3A_917 = arith.constant 0 : i32
        %dma_start3A_918 = arith.constant 0 : i32
        %dma_start3A_919 = tpu.memref_slice %arg4[%add3A, %dma_start3A_917, %dma_start3A_918] : memref<32x125x80xi32, #tpu.memory_space<hbm>> -> memref<1x125x80xi32, #tpu.memory_space<hbm>>
        %dma_start3A_920 = tpu.memref_squeeze %dma_start3A_919 : memref<1x125x80xi32, #tpu.memory_space<hbm>> -> memref<125x80xi32, #tpu.memory_space<hbm>>
        %dma_start3A_921 = arith.constant 0 : i32
        %dma_start3A_922 = tpu.memref_slice %dma_start3A_920[%add3A_881, %dma_start3A_921] : memref<125x80xi32, #tpu.memory_space<hbm>> -> memref<1x80xi32, #tpu.memory_space<hbm>>
        %dma_start3A_923 = tpu.memref_squeeze %dma_start3A_922 : memref<1x80xi32, #tpu.memory_space<hbm>> -> memref<80xi32, #tpu.memory_space<hbm>>
        tpu.enqueue_dma source(%dma_start3A_923 : memref<80xi32, #tpu.memory_space<hbm>>) target(%dma_start3A_916 : memref<80xi32, #tpu.memory_space<vmem>>) target_semaphore(%arg17 : memref<!tpu.dma_semaphore, #tpu.memory_space<semaphore_mem>>)
      } else {
      }
      %mul3A_812 = arith.constant 4 : i32
      %mul3A_813 = arith.muli %mul3A_812, %scan3A_744 : i32
      %add3A_814 = arith.constant 2 : i32
      %add3A_815 = arith.addi %mul3A_813, %add3A_814 : i32
      %add3A_816 = arith.constant 4 : i32
      %add3A_817 = arith.addi %add3A_815, %add3A_816 : i32
      %sub3A_818 = arith.constant 1 : i32
      %sub3A_819 = arith.subi %add3A_817, %sub3A_818 : i32
      %lt3A_820 = arith.constant 125 : i32
      %lt3A_821 = arith.cmpi slt, %sub3A_819, %lt3A_820 : i32
      %convert_element_type3A_822 = arith.extui %lt3A_821 : i1 to i32
      %cond3A_823 = arith.constant 0 : i32
      %cond3A_824 = arith.cmpi ne, %convert_element_type3A_822, %cond3A_823 : i32
      scf.if %cond3A_824 {
        %add3A_880 = arith.constant 4 : i32
        %add3A_881 = arith.addi %add3A_815, %add3A_880 : i32
        %sub3A_882 = arith.constant 1 : i32
        %sub3A_883 = arith.subi %add3A_881, %sub3A_882 : i32
        %dma_wait3A_884 = arith.constant 1 : i32
        %dma_wait3A_885 = arith.constant 0 : i32
        %dma_wait3A_886 = tpu.memref_slice %arg8[%dma_wait3A_884, %dma_wait3A_885] : memref<4x80xi32, #tpu.memory_space<vmem>> -> memref<1x80xi32, #tpu.memory_space<vmem>>
        %dma_wait3A_887 = tpu.memref_squeeze %dma_wait3A_886 : memref<1x80xi32, #tpu.memory_space<vmem>> -> memref<80xi32, #tpu.memory_space<vmem>>
        %dma_wait3A_888 = arith.constant 0 : i32
        %dma_wait3A_889 = arith.constant 0 : i32
        %dma_wait3A_890 = tpu.memref_slice %arg3[%add3A, %dma_wait3A_888, %dma_wait3A_889] : memref<32x125x80xi32, #tpu.memory_space<hbm>> -> memref<1x125x80xi32, #tpu.memory_space<hbm>>
        %dma_wait3A_891 = tpu.memref_squeeze %dma_wait3A_890 : memref<1x125x80xi32, #tpu.memory_space<hbm>> -> memref<125x80xi32, #tpu.memory_space<hbm>>
        %dma_wait3A_892 = arith.constant 0 : i32
        %dma_wait3A_893 = tpu.memref_slice %dma_wait3A_891[%sub3A_883, %dma_wait3A_892] : memref<125x80xi32, #tpu.memory_space<hbm>> -> memref<1x80xi32, #tpu.memory_space<hbm>>
        %dma_wait3A_894 = tpu.memref_squeeze %dma_wait3A_893 : memref<1x80xi32, #tpu.memory_space<hbm>> -> memref<80xi32, #tpu.memory_space<hbm>>
        %dma_wait3A_895 = arith.constant 0 : i32
        %dma_wait3A_896 = tpu.memref_slice %arg8[%dma_wait3A_884, %dma_wait3A_895] : memref<4x80xi32, #tpu.memory_space<vmem>> -> memref<1x80xi32, #tpu.memory_space<vmem>>
        %dma_wait3A_897 = tpu.memref_squeeze %dma_wait3A_896 : memref<1x80xi32, #tpu.memory_space<vmem>> -> memref<80xi32, #tpu.memory_space<vmem>>
        %dma_wait3A_898 = arith.constant 0 : i32
        %dma_wait3A_899 = arith.constant 0 : i32
        %dma_wait3A_900 = tpu.memref_slice %arg3[%add3A, %dma_wait3A_898, %dma_wait3A_899] : memref<32x125x80xi32, #tpu.memory_space<hbm>> -> memref<1x125x80xi32, #tpu.memory_space<hbm>>
        %dma_wait3A_901 = tpu.memref_squeeze %dma_wait3A_900 : memref<1x125x80xi32, #tpu.memory_space<hbm>> -> memref<125x80xi32, #tpu.memory_space<hbm>>
        %dma_wait3A_902 = arith.constant 0 : i32
        %dma_wait3A_903 = tpu.memref_slice %dma_wait3A_901[%sub3A_883, %dma_wait3A_902] : memref<125x80xi32, #tpu.memory_space<hbm>> -> memref<1x80xi32, #tpu.memory_space<hbm>>
        %dma_wait3A_904 = tpu.memref_squeeze %dma_wait3A_903 : memref<1x80xi32, #tpu.memory_space<hbm>> -> memref<80xi32, #tpu.memory_space<hbm>>
        tpu.wait_dma2 semaphore(%arg17 : memref<!tpu.dma_semaphore, #tpu.memory_space<semaphore_mem>>) src(%dma_wait3A_904 : memref<80xi32, #tpu.memory_space<hbm>>) dst(%dma_wait3A_897 : memref<80xi32, #tpu.memory_space<vmem>>)
        %dma_wait3A_905 = arith.constant 1 : i32
        %dma_wait3A_906 = arith.constant 0 : i32
        %dma_wait3A_907 = tpu.memref_slice %arg9[%dma_wait3A_905, %dma_wait3A_906] : memref<4x80xi32, #tpu.memory_space<vmem>> -> memref<1x80xi32, #tpu.memory_space<vmem>>
        %dma_wait3A_908 = tpu.memref_squeeze %dma_wait3A_907 : memref<1x80xi32, #tpu.memory_space<vmem>> -> memref<80xi32, #tpu.memory_space<vmem>>
        %dma_wait3A_909 = arith.constant 0 : i32
        %dma_wait3A_910 = arith.constant 0 : i32
        %dma_wait3A_911 = tpu.memref_slice %arg4[%add3A, %dma_wait3A_909, %dma_wait3A_910] : memref<32x125x80xi32, #tpu.memory_space<hbm>> -> memref<1x125x80xi32, #tpu.memory_space<hbm>>
        %dma_wait3A_912 = tpu.memref_squeeze %dma_wait3A_911 : memref<1x125x80xi32, #tpu.memory_space<hbm>> -> memref<125x80xi32, #tpu.memory_space<hbm>>
        %dma_wait3A_913 = arith.constant 0 : i32
        %dma_wait3A_914 = tpu.memref_slice %dma_wait3A_912[%sub3A_883, %dma_wait3A_913] : memref<125x80xi32, #tpu.memory_space<hbm>> -> memref<1x80xi32, #tpu.memory_space<hbm>>
        %dma_wait3A_915 = tpu.memref_squeeze %dma_wait3A_914 : memref<1x80xi32, #tpu.memory_space<hbm>> -> memref<80xi32, #tpu.memory_space<hbm>>
        %dma_wait3A_916 = arith.constant 0 : i32
        %dma_wait3A_917 = tpu.memref_slice %arg9[%dma_wait3A_905, %dma_wait3A_916] : memref<4x80xi32, #tpu.memory_space<vmem>> -> memref<1x80xi32, #tpu.memory_space<vmem>>
        %dma_wait3A_918 = tpu.memref_squeeze %dma_wait3A_917 : memref<1x80xi32, #tpu.memory_space<vmem>> -> memref<80xi32, #tpu.memory_space<vmem>>
        %dma_wait3A_919 = arith.constant 0 : i32
        %dma_wait3A_920 = arith.constant 0 : i32
        %dma_wait3A_921 = tpu.memref_slice %arg4[%add3A, %dma_wait3A_919, %dma_wait3A_920] : memref<32x125x80xi32, #tpu.memory_space<hbm>> -> memref<1x125x80xi32, #tpu.memory_space<hbm>>
        %dma_wait3A_922 = tpu.memref_squeeze %dma_wait3A_921 : memref<1x125x80xi32, #tpu.memory_space<hbm>> -> memref<125x80xi32, #tpu.memory_space<hbm>>
        %dma_wait3A_923 = arith.constant 0 : i32
        %dma_wait3A_924 = tpu.memref_slice %dma_wait3A_922[%sub3A_883, %dma_wait3A_923] : memref<125x80xi32, #tpu.memory_space<hbm>> -> memref<1x80xi32, #tpu.memory_space<hbm>>
        %dma_wait3A_925 = tpu.memref_squeeze %dma_wait3A_924 : memref<1x80xi32, #tpu.memory_space<hbm>> -> memref<80xi32, #tpu.memory_space<hbm>>
        tpu.wait_dma2 semaphore(%arg17 : memref<!tpu.dma_semaphore, #tpu.memory_space<semaphore_mem>>) src(%dma_wait3A_925 : memref<80xi32, #tpu.memory_space<hbm>>) dst(%dma_wait3A_918 : memref<80xi32, #tpu.memory_space<vmem>>)
        %add3A_926 = arith.constant 4 : i32
        %add3A_927 = arith.addi %add3A_815, %add3A_926 : i32
        %sub3A_928 = arith.constant 1 : i32
        %sub3A_929 = arith.subi %add3A_927, %sub3A_928 : i32
        %dma_start3A_930 = arith.constant 1 : i32
        %dma_start3A_931 = arith.constant 1 : i32
        %dma_start3A_932 = arith.constant 0 : i32
        %dma_start3A_933 = arith.constant 0 : i32
        %dma_start3A_934 = tpu.memref_slice %arg10[%dma_start3A_931, %dma_start3A_932, %dma_start3A_933] : memref<4x80x128xf32, #tpu.memory_space<vmem>> -> memref<1x80x128xf32, #tpu.memory_space<vmem>>
        %dma_start3A_935 = tpu.memref_squeeze %dma_start3A_934 : memref<1x80x128xf32, #tpu.memory_space<vmem>> -> memref<80x128xf32, #tpu.memory_space<vmem>>
        %dma_start3A_936 = arith.constant 0 : i32
        %dma_start3A_937 = tpu.memref_slice %arg8[%dma_start3A_930, %dma_start3A_936] : memref<4x80xi32, #tpu.memory_space<vmem>> -> memref<1x80xi32, #tpu.memory_space<vmem>>
        %dma_start3A_938 = tpu.memref_squeeze %dma_start3A_937 : memref<1x80xi32, #tpu.memory_space<vmem>> -> memref<80xi32, #tpu.memory_space<vmem>>
        %dma_start3A_939 = arith.constant 0 : i32
        %dma_start3A_940 = arith.constant 0 : i32
        %dma_start3A_941 = tpu.memref_slice %arg2[%dma_start3A_939, %dma_start3A_940] : memref<10000x128xf32, #tpu.memory_space<hbm>> -> memref<10000x128xf32, #tpu.memory_space<hbm>>
        tpu.enqueue_indirect_dma source(%dma_start3A_941 : memref<10000x128xf32, #tpu.memory_space<hbm>>) target(%dma_start3A_935 : memref<80x128xf32, #tpu.memory_space<vmem>>) offsets(%dma_start3A_938 : memref<80xi32, #tpu.memory_space<vmem>>) semaphore(%arg13 : memref<!tpu.dma_semaphore, #tpu.memory_space<semaphore_mem>>)
      } else {
      }
      %dma_wait3A_825 = arith.constant 2 : i32
      %dma_wait3A_826 = arith.constant 2 : i32
      %dma_wait3A_827 = arith.constant 0 : i32
      %dma_wait3A_828 = arith.constant 0 : i32
      %dma_wait3A_829 = tpu.memref_slice %arg10[%dma_wait3A_826, %dma_wait3A_827, %dma_wait3A_828] : memref<4x80x128xf32, #tpu.memory_space<vmem>> -> memref<1x80x128xf32, #tpu.memory_space<vmem>>
      %dma_wait3A_830 = tpu.memref_squeeze %dma_wait3A_829 : memref<1x80x128xf32, #tpu.memory_space<vmem>> -> memref<80x128xf32, #tpu.memory_space<vmem>>
      %dma_wait3A_831 = arith.constant 0 : i32
      %dma_wait3A_832 = tpu.memref_slice %arg8[%dma_wait3A_825, %dma_wait3A_831] : memref<4x80xi32, #tpu.memory_space<vmem>> -> memref<1x80xi32, #tpu.memory_space<vmem>>
      %dma_wait3A_833 = tpu.memref_squeeze %dma_wait3A_832 : memref<1x80xi32, #tpu.memory_space<vmem>> -> memref<80xi32, #tpu.memory_space<vmem>>
      %dma_wait3A_834 = arith.constant 0 : i32
      %dma_wait3A_835 = arith.constant 0 : i32
      %dma_wait3A_836 = tpu.memref_slice %arg2[%dma_wait3A_834, %dma_wait3A_835] : memref<10000x128xf32, #tpu.memory_space<hbm>> -> memref<10000x128xf32, #tpu.memory_space<hbm>>
      tpu.wait_indirect_dma semaphore(%arg14 : memref<!tpu.dma_semaphore, #tpu.memory_space<semaphore_mem>>) src(%dma_wait3A_836 : memref<10000x128xf32, #tpu.memory_space<hbm>>) dst(%dma_wait3A_830 : memref<80x128xf32, #tpu.memory_space<vmem>>)
      %run_scoped3A_837 = arith.constant 2 : i32
      %run_scoped3A_838 = arith.constant 2 : i32
      "tpu.region"() ({
        %run_scoped3A_880 = tpu.sem_alloc : memref<!tpu.dma_semaphore, #tpu.memory_space<semaphore_mem>>
        %dma_start3A_881 = arith.constant 0 : i32
        %dma_start3A_882 = arith.constant 0 : i32
        %dma_start3A_883 = tpu.memref_slice %arg10[%run_scoped3A_837, %dma_start3A_881, %dma_start3A_882] : memref<4x80x128xf32, #tpu.memory_space<vmem>> -> memref<1x80x128xf32, #tpu.memory_space<vmem>>
        %dma_start3A_884 = tpu.memref_squeeze %dma_start3A_883 : memref<1x80x128xf32, #tpu.memory_space<vmem>> -> memref<80x128xf32, #tpu.memory_space<vmem>>
        %dma_start3A_885 = arith.constant 0 : i32
        %dma_start3A_886 = tpu.memref_slice %arg9[%run_scoped3A_838, %dma_start3A_885] : memref<4x80xi32, #tpu.memory_space<vmem>> -> memref<1x80xi32, #tpu.memory_space<vmem>>
        %dma_start3A_887 = tpu.memref_squeeze %dma_start3A_886 : memref<1x80xi32, #tpu.memory_space<vmem>> -> memref<80xi32, #tpu.memory_space<vmem>>
        %dma_start3A_888 = arith.constant 0 : i32
        %dma_start3A_889 = arith.constant 0 : i32
        %dma_start3A_890 = tpu.memref_slice %arg7[%dma_start3A_888, %dma_start3A_889] : memref<10008x128xf32, #tpu.memory_space<vmem_shared>> -> memref<10008x128xf32, #tpu.memory_space<vmem_shared>>
        tpu.enqueue_indirect_dma source(%dma_start3A_884 : memref<80x128xf32, #tpu.memory_space<vmem>>) target(%dma_start3A_890 : memref<10008x128xf32, #tpu.memory_space<vmem_shared>>) offsets(%dma_start3A_887 : memref<80xi32, #tpu.memory_space<vmem>>) semaphore(%run_scoped3A_880 : memref<!tpu.dma_semaphore, #tpu.memory_space<semaphore_mem>>) {add = true}
        %dma_wait3A_891 = arith.constant 0 : i32
        %dma_wait3A_892 = arith.constant 0 : i32
        %dma_wait3A_893 = tpu.memref_slice %arg10[%run_scoped3A_837, %dma_wait3A_891, %dma_wait3A_892] : memref<4x80x128xf32, #tpu.memory_space<vmem>> -> memref<1x80x128xf32, #tpu.memory_space<vmem>>
        %dma_wait3A_894 = tpu.memref_squeeze %dma_wait3A_893 : memref<1x80x128xf32, #tpu.memory_space<vmem>> -> memref<80x128xf32, #tpu.memory_space<vmem>>
        %dma_wait3A_895 = arith.constant 0 : i32
        %dma_wait3A_896 = tpu.memref_slice %arg9[%run_scoped3A_838, %dma_wait3A_895] : memref<4x80xi32, #tpu.memory_space<vmem>> -> memref<1x80xi32, #tpu.memory_space<vmem>>
        %dma_wait3A_897 = tpu.memref_squeeze %dma_wait3A_896 : memref<1x80xi32, #tpu.memory_space<vmem>> -> memref<80xi32, #tpu.memory_space<vmem>>
        %dma_wait3A_898 = arith.constant 0 : i32
        %dma_wait3A_899 = arith.constant 0 : i32
        %dma_wait3A_900 = tpu.memref_slice %arg7[%dma_wait3A_898, %dma_wait3A_899] : memref<10008x128xf32, #tpu.memory_space<vmem_shared>> -> memref<10008x128xf32, #tpu.memory_space<vmem_shared>>
        tpu.wait_indirect_dma semaphore(%run_scoped3A_880 : memref<!tpu.dma_semaphore, #tpu.memory_space<semaphore_mem>>) src(%dma_wait3A_894 : memref<80x128xf32, #tpu.memory_space<vmem>>) dst(%dma_wait3A_900 : memref<10008x128xf32, #tpu.memory_space<vmem_shared>>)
        tpu.yield
      }) : () -> ()
      %add3A_839 = arith.constant 4 : i32
      %add3A_840 = arith.addi %add3A_815, %add3A_839 : i32
      %lt3A_841 = arith.constant 125 : i32
      %lt3A_842 = arith.cmpi slt, %add3A_840, %lt3A_841 : i32
      %convert_element_type3A_843 = arith.extui %lt3A_842 : i1 to i32
      %cond3A_844 = arith.constant 0 : i32
      %cond3A_845 = arith.cmpi ne, %convert_element_type3A_843, %cond3A_844 : i32
      scf.if %cond3A_845 {
        %add3A_880 = arith.constant 4 : i32
        %add3A_881 = arith.addi %add3A_815, %add3A_880 : i32
        %dma_start3A_882 = arith.constant 2 : i32
        %dma_start3A_883 = arith.constant 0 : i32
        %dma_start3A_884 = tpu.memref_slice %arg8[%dma_start3A_882, %dma_start3A_883] : memref<4x80xi32, #tpu.memory_space<vmem>> -> memref<1x80xi32, #tpu.memory_space<vmem>>
        %dma_start3A_885 = tpu.memref_squeeze %dma_start3A_884 : memref<1x80xi32, #tpu.memory_space<vmem>> -> memref<80xi32, #tpu.memory_space<vmem>>
        %dma_start3A_886 = arith.constant 0 : i32
        %dma_start3A_887 = arith.constant 0 : i32
        %dma_start3A_888 = tpu.memref_slice %arg3[%add3A, %dma_start3A_886, %dma_start3A_887] : memref<32x125x80xi32, #tpu.memory_space<hbm>> -> memref<1x125x80xi32, #tpu.memory_space<hbm>>
        %dma_start3A_889 = tpu.memref_squeeze %dma_start3A_888 : memref<1x125x80xi32, #tpu.memory_space<hbm>> -> memref<125x80xi32, #tpu.memory_space<hbm>>
        %dma_start3A_890 = arith.constant 0 : i32
        %dma_start3A_891 = tpu.memref_slice %dma_start3A_889[%add3A_881, %dma_start3A_890] : memref<125x80xi32, #tpu.memory_space<hbm>> -> memref<1x80xi32, #tpu.memory_space<hbm>>
        %dma_start3A_892 = tpu.memref_squeeze %dma_start3A_891 : memref<1x80xi32, #tpu.memory_space<hbm>> -> memref<80xi32, #tpu.memory_space<hbm>>
        %dma_start3A_893 = arith.constant 0 : i32
        %dma_start3A_894 = tpu.memref_slice %arg8[%dma_start3A_882, %dma_start3A_893] : memref<4x80xi32, #tpu.memory_space<vmem>> -> memref<1x80xi32, #tpu.memory_space<vmem>>
        %dma_start3A_895 = tpu.memref_squeeze %dma_start3A_894 : memref<1x80xi32, #tpu.memory_space<vmem>> -> memref<80xi32, #tpu.memory_space<vmem>>
        %dma_start3A_896 = arith.constant 0 : i32
        %dma_start3A_897 = arith.constant 0 : i32
        %dma_start3A_898 = tpu.memref_slice %arg3[%add3A, %dma_start3A_896, %dma_start3A_897] : memref<32x125x80xi32, #tpu.memory_space<hbm>> -> memref<1x125x80xi32, #tpu.memory_space<hbm>>
        %dma_start3A_899 = tpu.memref_squeeze %dma_start3A_898 : memref<1x125x80xi32, #tpu.memory_space<hbm>> -> memref<125x80xi32, #tpu.memory_space<hbm>>
        %dma_start3A_900 = arith.constant 0 : i32
        %dma_start3A_901 = tpu.memref_slice %dma_start3A_899[%add3A_881, %dma_start3A_900] : memref<125x80xi32, #tpu.memory_space<hbm>> -> memref<1x80xi32, #tpu.memory_space<hbm>>
        %dma_start3A_902 = tpu.memref_squeeze %dma_start3A_901 : memref<1x80xi32, #tpu.memory_space<hbm>> -> memref<80xi32, #tpu.memory_space<hbm>>
        tpu.enqueue_dma source(%dma_start3A_902 : memref<80xi32, #tpu.memory_space<hbm>>) target(%dma_start3A_895 : memref<80xi32, #tpu.memory_space<vmem>>) target_semaphore(%arg18 : memref<!tpu.dma_semaphore, #tpu.memory_space<semaphore_mem>>)
        %dma_start3A_903 = arith.constant 2 : i32
        %dma_start3A_904 = arith.constant 0 : i32
        %dma_start3A_905 = tpu.memref_slice %arg9[%dma_start3A_903, %dma_start3A_904] : memref<4x80xi32, #tpu.memory_space<vmem>> -> memref<1x80xi32, #tpu.memory_space<vmem>>
        %dma_start3A_906 = tpu.memref_squeeze %dma_start3A_905 : memref<1x80xi32, #tpu.memory_space<vmem>> -> memref<80xi32, #tpu.memory_space<vmem>>
        %dma_start3A_907 = arith.constant 0 : i32
        %dma_start3A_908 = arith.constant 0 : i32
        %dma_start3A_909 = tpu.memref_slice %arg4[%add3A, %dma_start3A_907, %dma_start3A_908] : memref<32x125x80xi32, #tpu.memory_space<hbm>> -> memref<1x125x80xi32, #tpu.memory_space<hbm>>
        %dma_start3A_910 = tpu.memref_squeeze %dma_start3A_909 : memref<1x125x80xi32, #tpu.memory_space<hbm>> -> memref<125x80xi32, #tpu.memory_space<hbm>>
        %dma_start3A_911 = arith.constant 0 : i32
        %dma_start3A_912 = tpu.memref_slice %dma_start3A_910[%add3A_881, %dma_start3A_911] : memref<125x80xi32, #tpu.memory_space<hbm>> -> memref<1x80xi32, #tpu.memory_space<hbm>>
        %dma_start3A_913 = tpu.memref_squeeze %dma_start3A_912 : memref<1x80xi32, #tpu.memory_space<hbm>> -> memref<80xi32, #tpu.memory_space<hbm>>
        %dma_start3A_914 = arith.constant 0 : i32
        %dma_start3A_915 = tpu.memref_slice %arg9[%dma_start3A_903, %dma_start3A_914] : memref<4x80xi32, #tpu.memory_space<vmem>> -> memref<1x80xi32, #tpu.memory_space<vmem>>
        %dma_start3A_916 = tpu.memref_squeeze %dma_start3A_915 : memref<1x80xi32, #tpu.memory_space<vmem>> -> memref<80xi32, #tpu.memory_space<vmem>>
        %dma_start3A_917 = arith.constant 0 : i32
        %dma_start3A_918 = arith.constant 0 : i32
        %dma_start3A_919 = tpu.memref_slice %arg4[%add3A, %dma_start3A_917, %dma_start3A_918] : memref<32x125x80xi32, #tpu.memory_space<hbm>> -> memref<1x125x80xi32, #tpu.memory_space<hbm>>
        %dma_start3A_920 = tpu.memref_squeeze %dma_start3A_919 : memref<1x125x80xi32, #tpu.memory_space<hbm>> -> memref<125x80xi32, #tpu.memory_space<hbm>>
        %dma_start3A_921 = arith.constant 0 : i32
        %dma_start3A_922 = tpu.memref_slice %dma_start3A_920[%add3A_881, %dma_start3A_921] : memref<125x80xi32, #tpu.memory_space<hbm>> -> memref<1x80xi32, #tpu.memory_space<hbm>>
        %dma_start3A_923 = tpu.memref_squeeze %dma_start3A_922 : memref<1x80xi32, #tpu.memory_space<hbm>> -> memref<80xi32, #tpu.memory_space<hbm>>
        tpu.enqueue_dma source(%dma_start3A_923 : memref<80xi32, #tpu.memory_space<hbm>>) target(%dma_start3A_916 : memref<80xi32, #tpu.memory_space<vmem>>) target_semaphore(%arg18 : memref<!tpu.dma_semaphore, #tpu.memory_space<semaphore_mem>>)
      } else {
      }
      %mul3A_846 = arith.constant 4 : i32
      %mul3A_847 = arith.muli %mul3A_846, %scan3A_744 : i32
      %add3A_848 = arith.constant 3 : i32
      %add3A_849 = arith.addi %mul3A_847, %add3A_848 : i32
      %add3A_850 = arith.constant 4 : i32
      %add3A_851 = arith.addi %add3A_849, %add3A_850 : i32
      %sub3A_852 = arith.constant 1 : i32
      %sub3A_853 = arith.subi %add3A_851, %sub3A_852 : i32
      %lt3A_854 = arith.constant 125 : i32
      %lt3A_855 = arith.cmpi slt, %sub3A_853, %lt3A_854 : i32
      %convert_element_type3A_856 = arith.extui %lt3A_855 : i1 to i32
      %cond3A_857 = arith.constant 0 : i32
      %cond3A_858 = arith.cmpi ne, %convert_element_type3A_856, %cond3A_857 : i32
      scf.if %cond3A_858 {
        %add3A_880 = arith.constant 4 : i32
        %add3A_881 = arith.addi %add3A_849, %add3A_880 : i32
        %sub3A_882 = arith.constant 1 : i32
        %sub3A_883 = arith.subi %add3A_881, %sub3A_882 : i32
        %dma_wait3A_884 = arith.constant 2 : i32
        %dma_wait3A_885 = arith.constant 0 : i32
        %dma_wait3A_886 = tpu.memref_slice %arg8[%dma_wait3A_884, %dma_wait3A_885] : memref<4x80xi32, #tpu.memory_space<vmem>> -> memref<1x80xi32, #tpu.memory_space<vmem>>
        %dma_wait3A_887 = tpu.memref_squeeze %dma_wait3A_886 : memref<1x80xi32, #tpu.memory_space<vmem>> -> memref<80xi32, #tpu.memory_space<vmem>>
        %dma_wait3A_888 = arith.constant 0 : i32
        %dma_wait3A_889 = arith.constant 0 : i32
        %dma_wait3A_890 = tpu.memref_slice %arg3[%add3A, %dma_wait3A_888, %dma_wait3A_889] : memref<32x125x80xi32, #tpu.memory_space<hbm>> -> memref<1x125x80xi32, #tpu.memory_space<hbm>>
        %dma_wait3A_891 = tpu.memref_squeeze %dma_wait3A_890 : memref<1x125x80xi32, #tpu.memory_space<hbm>> -> memref<125x80xi32, #tpu.memory_space<hbm>>
        %dma_wait3A_892 = arith.constant 0 : i32
        %dma_wait3A_893 = tpu.memref_slice %dma_wait3A_891[%sub3A_883, %dma_wait3A_892] : memref<125x80xi32, #tpu.memory_space<hbm>> -> memref<1x80xi32, #tpu.memory_space<hbm>>
        %dma_wait3A_894 = tpu.memref_squeeze %dma_wait3A_893 : memref<1x80xi32, #tpu.memory_space<hbm>> -> memref<80xi32, #tpu.memory_space<hbm>>
        %dma_wait3A_895 = arith.constant 0 : i32
        %dma_wait3A_896 = tpu.memref_slice %arg8[%dma_wait3A_884, %dma_wait3A_895] : memref<4x80xi32, #tpu.memory_space<vmem>> -> memref<1x80xi32, #tpu.memory_space<vmem>>
        %dma_wait3A_897 = tpu.memref_squeeze %dma_wait3A_896 : memref<1x80xi32, #tpu.memory_space<vmem>> -> memref<80xi32, #tpu.memory_space<vmem>>
        %dma_wait3A_898 = arith.constant 0 : i32
        %dma_wait3A_899 = arith.constant 0 : i32
        %dma_wait3A_900 = tpu.memref_slice %arg3[%add3A, %dma_wait3A_898, %dma_wait3A_899] : memref<32x125x80xi32, #tpu.memory_space<hbm>> -> memref<1x125x80xi32, #tpu.memory_space<hbm>>
        %dma_wait3A_901 = tpu.memref_squeeze %dma_wait3A_900 : memref<1x125x80xi32, #tpu.memory_space<hbm>> -> memref<125x80xi32, #tpu.memory_space<hbm>>
        %dma_wait3A_902 = arith.constant 0 : i32
        %dma_wait3A_903 = tpu.memref_slice %dma_wait3A_901[%sub3A_883, %dma_wait3A_902] : memref<125x80xi32, #tpu.memory_space<hbm>> -> memref<1x80xi32, #tpu.memory_space<hbm>>
        %dma_wait3A_904 = tpu.memref_squeeze %dma_wait3A_903 : memref<1x80xi32, #tpu.memory_space<hbm>> -> memref<80xi32, #tpu.memory_space<hbm>>
        tpu.wait_dma2 semaphore(%arg18 : memref<!tpu.dma_semaphore, #tpu.memory_space<semaphore_mem>>) src(%dma_wait3A_904 : memref<80xi32, #tpu.memory_space<hbm>>) dst(%dma_wait3A_897 : memref<80xi32, #tpu.memory_space<vmem>>)
        %dma_wait3A_905 = arith.constant 2 : i32
        %dma_wait3A_906 = arith.constant 0 : i32
        %dma_wait3A_907 = tpu.memref_slice %arg9[%dma_wait3A_905, %dma_wait3A_906] : memref<4x80xi32, #tpu.memory_space<vmem>> -> memref<1x80xi32, #tpu.memory_space<vmem>>
        %dma_wait3A_908 = tpu.memref_squeeze %dma_wait3A_907 : memref<1x80xi32, #tpu.memory_space<vmem>> -> memref<80xi32, #tpu.memory_space<vmem>>
        %dma_wait3A_909 = arith.constant 0 : i32
        %dma_wait3A_910 = arith.constant 0 : i32
        %dma_wait3A_911 = tpu.memref_slice %arg4[%add3A, %dma_wait3A_909, %dma_wait3A_910] : memref<32x125x80xi32, #tpu.memory_space<hbm>> -> memref<1x125x80xi32, #tpu.memory_space<hbm>>
        %dma_wait3A_912 = tpu.memref_squeeze %dma_wait3A_911 : memref<1x125x80xi32, #tpu.memory_space<hbm>> -> memref<125x80xi32, #tpu.memory_space<hbm>>
        %dma_wait3A_913 = arith.constant 0 : i32
        %dma_wait3A_914 = tpu.memref_slice %dma_wait3A_912[%sub3A_883, %dma_wait3A_913] : memref<125x80xi32, #tpu.memory_space<hbm>> -> memref<1x80xi32, #tpu.memory_space<hbm>>
        %dma_wait3A_915 = tpu.memref_squeeze %dma_wait3A_914 : memref<1x80xi32, #tpu.memory_space<hbm>> -> memref<80xi32, #tpu.memory_space<hbm>>
        %dma_wait3A_916 = arith.constant 0 : i32
        %dma_wait3A_917 = tpu.memref_slice %arg9[%dma_wait3A_905, %dma_wait3A_916] : memref<4x80xi32, #tpu.memory_space<vmem>> -> memref<1x80xi32, #tpu.memory_space<vmem>>
        %dma_wait3A_918 = tpu.memref_squeeze %dma_wait3A_917 : memref<1x80xi32, #tpu.memory_space<vmem>> -> memref<80xi32, #tpu.memory_space<vmem>>
        %dma_wait3A_919 = arith.constant 0 : i32
        %dma_wait3A_920 = arith.constant 0 : i32
        %dma_wait3A_921 = tpu.memref_slice %arg4[%add3A, %dma_wait3A_919, %dma_wait3A_920] : memref<32x125x80xi32, #tpu.memory_space<hbm>> -> memref<1x125x80xi32, #tpu.memory_space<hbm>>
        %dma_wait3A_922 = tpu.memref_squeeze %dma_wait3A_921 : memref<1x125x80xi32, #tpu.memory_space<hbm>> -> memref<125x80xi32, #tpu.memory_space<hbm>>
        %dma_wait3A_923 = arith.constant 0 : i32
        %dma_wait3A_924 = tpu.memref_slice %dma_wait3A_922[%sub3A_883, %dma_wait3A_923] : memref<125x80xi32, #tpu.memory_space<hbm>> -> memref<1x80xi32, #tpu.memory_space<hbm>>
        %dma_wait3A_925 = tpu.memref_squeeze %dma_wait3A_924 : memref<1x80xi32, #tpu.memory_space<hbm>> -> memref<80xi32, #tpu.memory_space<hbm>>
        tpu.wait_dma2 semaphore(%arg18 : memref<!tpu.dma_semaphore, #tpu.memory_space<semaphore_mem>>) src(%dma_wait3A_925 : memref<80xi32, #tpu.memory_space<hbm>>) dst(%dma_wait3A_918 : memref<80xi32, #tpu.memory_space<vmem>>)
        %add3A_926 = arith.constant 4 : i32
        %add3A_927 = arith.addi %add3A_849, %add3A_926 : i32
        %sub3A_928 = arith.constant 1 : i32
        %sub3A_929 = arith.subi %add3A_927, %sub3A_928 : i32
        %dma_start3A_930 = arith.constant 2 : i32
        %dma_start3A_931 = arith.constant 2 : i32
        %dma_start3A_932 = arith.constant 0 : i32
        %dma_start3A_933 = arith.constant 0 : i32
        %dma_start3A_934 = tpu.memref_slice %arg10[%dma_start3A_931, %dma_start3A_932, %dma_start3A_933] : memref<4x80x128xf32, #tpu.memory_space<vmem>> -> memref<1x80x128xf32, #tpu.memory_space<vmem>>
        %dma_start3A_935 = tpu.memref_squeeze %dma_start3A_934 : memref<1x80x128xf32, #tpu.memory_space<vmem>> -> memref<80x128xf32, #tpu.memory_space<vmem>>
        %dma_start3A_936 = arith.constant 0 : i32
        %dma_start3A_937 = tpu.memref_slice %arg8[%dma_start3A_930, %dma_start3A_936] : memref<4x80xi32, #tpu.memory_space<vmem>> -> memref<1x80xi32, #tpu.memory_space<vmem>>
        %dma_start3A_938 = tpu.memref_squeeze %dma_start3A_937 : memref<1x80xi32, #tpu.memory_space<vmem>> -> memref<80xi32, #tpu.memory_space<vmem>>
        %dma_start3A_939 = arith.constant 0 : i32
        %dma_start3A_940 = arith.constant 0 : i32
        %dma_start3A_941 = tpu.memref_slice %arg2[%dma_start3A_939, %dma_start3A_940] : memref<10000x128xf32, #tpu.memory_space<hbm>> -> memref<10000x128xf32, #tpu.memory_space<hbm>>
        tpu.enqueue_indirect_dma source(%dma_start3A_941 : memref<10000x128xf32, #tpu.memory_space<hbm>>) target(%dma_start3A_935 : memref<80x128xf32, #tpu.memory_space<vmem>>) offsets(%dma_start3A_938 : memref<80xi32, #tpu.memory_space<vmem>>) semaphore(%arg14 : memref<!tpu.dma_semaphore, #tpu.memory_space<semaphore_mem>>)
      } else {
      }
      %dma_wait3A_859 = arith.constant 3 : i32
      %dma_wait3A_860 = arith.constant 3 : i32
      %dma_wait3A_861 = arith.constant 0 : i32
      %dma_wait3A_862 = arith.constant 0 : i32
      %dma_wait3A_863 = tpu.memref_slice %arg10[%dma_wait3A_860, %dma_wait3A_861, %dma_wait3A_862] : memref<4x80x128xf32, #tpu.memory_space<vmem>> -> memref<1x80x128xf32, #tpu.memory_space<vmem>>
      %dma_wait3A_864 = tpu.memref_squeeze %dma_wait3A_863 : memref<1x80x128xf32, #tpu.memory_space<vmem>> -> memref<80x128xf32, #tpu.memory_space<vmem>>
      %dma_wait3A_865 = arith.constant 0 : i32
      %dma_wait3A_866 = tpu.memref_slice %arg8[%dma_wait3A_859, %dma_wait3A_865] : memref<4x80xi32, #tpu.memory_space<vmem>> -> memref<1x80xi32, #tpu.memory_space<vmem>>
      %dma_wait3A_867 = tpu.memref_squeeze %dma_wait3A_866 : memref<1x80xi32, #tpu.memory_space<vmem>> -> memref<80xi32, #tpu.memory_space<vmem>>
      %dma_wait3A_868 = arith.constant 0 : i32
      %dma_wait3A_869 = arith.constant 0 : i32
      %dma_wait3A_870 = tpu.memref_slice %arg2[%dma_wait3A_868, %dma_wait3A_869] : memref<10000x128xf32, #tpu.memory_space<hbm>> -> memref<10000x128xf32, #tpu.memory_space<hbm>>
      tpu.wait_indirect_dma semaphore(%arg15 : memref<!tpu.dma_semaphore, #tpu.memory_space<semaphore_mem>>) src(%dma_wait3A_870 : memref<10000x128xf32, #tpu.memory_space<hbm>>) dst(%dma_wait3A_864 : memref<80x128xf32, #tpu.memory_space<vmem>>)
      %run_scoped3A_871 = arith.constant 3 : i32
      %run_scoped3A_872 = arith.constant 3 : i32
      "tpu.region"() ({
        %run_scoped3A_880 = tpu.sem_alloc : memref<!tpu.dma_semaphore, #tpu.memory_space<semaphore_mem>>
        %dma_start3A_881 = arith.constant 0 : i32
        %dma_start3A_882 = arith.constant 0 : i32
        %dma_start3A_883 = tpu.memref_slice %arg10[%run_scoped3A_871, %dma_start3A_881, %dma_start3A_882] : memref<4x80x128xf32, #tpu.memory_space<vmem>> -> memref<1x80x128xf32, #tpu.memory_space<vmem>>
        %dma_start3A_884 = tpu.memref_squeeze %dma_start3A_883 : memref<1x80x128xf32, #tpu.memory_space<vmem>> -> memref<80x128xf32, #tpu.memory_space<vmem>>
        %dma_start3A_885 = arith.constant 0 : i32
        %dma_start3A_886 = tpu.memref_slice %arg9[%run_scoped3A_872, %dma_start3A_885] : memref<4x80xi32, #tpu.memory_space<vmem>> -> memref<1x80xi32, #tpu.memory_space<vmem>>
        %dma_start3A_887 = tpu.memref_squeeze %dma_start3A_886 : memref<1x80xi32, #tpu.memory_space<vmem>> -> memref<80xi32, #tpu.memory_space<vmem>>
        %dma_start3A_888 = arith.constant 0 : i32
        %dma_start3A_889 = arith.constant 0 : i32
        %dma_start3A_890 = tpu.memref_slice %arg7[%dma_start3A_888, %dma_start3A_889] : memref<10008x128xf32, #tpu.memory_space<vmem_shared>> -> memref<10008x128xf32, #tpu.memory_space<vmem_shared>>
        tpu.enqueue_indirect_dma source(%dma_start3A_884 : memref<80x128xf32, #tpu.memory_space<vmem>>) target(%dma_start3A_890 : memref<10008x128xf32, #tpu.memory_space<vmem_shared>>) offsets(%dma_start3A_887 : memref<80xi32, #tpu.memory_space<vmem>>) semaphore(%run_scoped3A_880 : memref<!tpu.dma_semaphore, #tpu.memory_space<semaphore_mem>>) {add = true}
        %dma_wait3A_891 = arith.constant 0 : i32
        %dma_wait3A_892 = arith.constant 0 : i32
        %dma_wait3A_893 = tpu.memref_slice %arg10[%run_scoped3A_871, %dma_wait3A_891, %dma_wait3A_892] : memref<4x80x128xf32, #tpu.memory_space<vmem>> -> memref<1x80x128xf32, #tpu.memory_space<vmem>>
        %dma_wait3A_894 = tpu.memref_squeeze %dma_wait3A_893 : memref<1x80x128xf32, #tpu.memory_space<vmem>> -> memref<80x128xf32, #tpu.memory_space<vmem>>
        %dma_wait3A_895 = arith.constant 0 : i32
        %dma_wait3A_896 = tpu.memref_slice %arg9[%run_scoped3A_872, %dma_wait3A_895] : memref<4x80xi32, #tpu.memory_space<vmem>> -> memref<1x80xi32, #tpu.memory_space<vmem>>
        %dma_wait3A_897 = tpu.memref_squeeze %dma_wait3A_896 : memref<1x80xi32, #tpu.memory_space<vmem>> -> memref<80xi32, #tpu.memory_space<vmem>>
        %dma_wait3A_898 = arith.constant 0 : i32
        %dma_wait3A_899 = arith.constant 0 : i32
        %dma_wait3A_900 = tpu.memref_slice %arg7[%dma_wait3A_898, %dma_wait3A_899] : memref<10008x128xf32, #tpu.memory_space<vmem_shared>> -> memref<10008x128xf32, #tpu.memory_space<vmem_shared>>
        tpu.wait_indirect_dma semaphore(%run_scoped3A_880 : memref<!tpu.dma_semaphore, #tpu.memory_space<semaphore_mem>>) src(%dma_wait3A_894 : memref<80x128xf32, #tpu.memory_space<vmem>>) dst(%dma_wait3A_900 : memref<10008x128xf32, #tpu.memory_space<vmem_shared>>)
        tpu.yield
      }) : () -> ()
      %add3A_873 = arith.constant 4 : i32
      %add3A_874 = arith.addi %add3A_849, %add3A_873 : i32
      %lt3A_875 = arith.constant 125 : i32
      %lt3A_876 = arith.cmpi slt, %add3A_874, %lt3A_875 : i32
      %convert_element_type3A_877 = arith.extui %lt3A_876 : i1 to i32
      %cond3A_878 = arith.constant 0 : i32
      %cond3A_879 = arith.cmpi ne, %convert_element_type3A_877, %cond3A_878 : i32
      scf.if %cond3A_879 {
        %add3A_880 = arith.constant 4 : i32
        %add3A_881 = arith.addi %add3A_849, %add3A_880 : i32
        %dma_start3A_882 = arith.constant 3 : i32
        %dma_start3A_883 = arith.constant 0 : i32
        %dma_start3A_884 = tpu.memref_slice %arg8[%dma_start3A_882, %dma_start3A_883] : memref<4x80xi32, #tpu.memory_space<vmem>> -> memref<1x80xi32, #tpu.memory_space<vmem>>
        %dma_start3A_885 = tpu.memref_squeeze %dma_start3A_884 : memref<1x80xi32, #tpu.memory_space<vmem>> -> memref<80xi32, #tpu.memory_space<vmem>>
        %dma_start3A_886 = arith.constant 0 : i32
        %dma_start3A_887 = arith.constant 0 : i32
        %dma_start3A_888 = tpu.memref_slice %arg3[%add3A, %dma_start3A_886, %dma_start3A_887] : memref<32x125x80xi32, #tpu.memory_space<hbm>> -> memref<1x125x80xi32, #tpu.memory_space<hbm>>
        %dma_start3A_889 = tpu.memref_squeeze %dma_start3A_888 : memref<1x125x80xi32, #tpu.memory_space<hbm>> -> memref<125x80xi32, #tpu.memory_space<hbm>>
        %dma_start3A_890 = arith.constant 0 : i32
        %dma_start3A_891 = tpu.memref_slice %dma_start3A_889[%add3A_881, %dma_start3A_890] : memref<125x80xi32, #tpu.memory_space<hbm>> -> memref<1x80xi32, #tpu.memory_space<hbm>>
        %dma_start3A_892 = tpu.memref_squeeze %dma_start3A_891 : memref<1x80xi32, #tpu.memory_space<hbm>> -> memref<80xi32, #tpu.memory_space<hbm>>
        %dma_start3A_893 = arith.constant 0 : i32
        %dma_start3A_894 = tpu.memref_slice %arg8[%dma_start3A_882, %dma_start3A_893] : memref<4x80xi32, #tpu.memory_space<vmem>> -> memref<1x80xi32, #tpu.memory_space<vmem>>
        %dma_start3A_895 = tpu.memref_squeeze %dma_start3A_894 : memref<1x80xi32, #tpu.memory_space<vmem>> -> memref<80xi32, #tpu.memory_space<vmem>>
        %dma_start3A_896 = arith.constant 0 : i32
        %dma_start3A_897 = arith.constant 0 : i32
        %dma_start3A_898 = tpu.memref_slice %arg3[%add3A, %dma_start3A_896, %dma_start3A_897] : memref<32x125x80xi32, #tpu.memory_space<hbm>> -> memref<1x125x80xi32, #tpu.memory_space<hbm>>
        %dma_start3A_899 = tpu.memref_squeeze %dma_start3A_898 : memref<1x125x80xi32, #tpu.memory_space<hbm>> -> memref<125x80xi32, #tpu.memory_space<hbm>>
        %dma_start3A_900 = arith.constant 0 : i32
        %dma_start3A_901 = tpu.memref_slice %dma_start3A_899[%add3A_881, %dma_start3A_900] : memref<125x80xi32, #tpu.memory_space<hbm>> -> memref<1x80xi32, #tpu.memory_space<hbm>>
        %dma_start3A_902 = tpu.memref_squeeze %dma_start3A_901 : memref<1x80xi32, #tpu.memory_space<hbm>> -> memref<80xi32, #tpu.memory_space<hbm>>
        tpu.enqueue_dma source(%dma_start3A_902 : memref<80xi32, #tpu.memory_space<hbm>>) target(%dma_start3A_895 : memref<80xi32, #tpu.memory_space<vmem>>) target_semaphore(%arg19 : memref<!tpu.dma_semaphore, #tpu.memory_space<semaphore_mem>>)
        %dma_start3A_903 = arith.constant 3 : i32
        %dma_start3A_904 = arith.constant 0 : i32
        %dma_start3A_905 = tpu.memref_slice %arg9[%dma_start3A_903, %dma_start3A_904] : memref<4x80xi32, #tpu.memory_space<vmem>> -> memref<1x80xi32, #tpu.memory_space<vmem>>
        %dma_start3A_906 = tpu.memref_squeeze %dma_start3A_905 : memref<1x80xi32, #tpu.memory_space<vmem>> -> memref<80xi32, #tpu.memory_space<vmem>>
        %dma_start3A_907 = arith.constant 0 : i32
        %dma_start3A_908 = arith.constant 0 : i32
        %dma_start3A_909 = tpu.memref_slice %arg4[%add3A, %dma_start3A_907, %dma_start3A_908] : memref<32x125x80xi32, #tpu.memory_space<hbm>> -> memref<1x125x80xi32, #tpu.memory_space<hbm>>
        %dma_start3A_910 = tpu.memref_squeeze %dma_start3A_909 : memref<1x125x80xi32, #tpu.memory_space<hbm>> -> memref<125x80xi32, #tpu.memory_space<hbm>>
        %dma_start3A_911 = arith.constant 0 : i32
        %dma_start3A_912 = tpu.memref_slice %dma_start3A_910[%add3A_881, %dma_start3A_911] : memref<125x80xi32, #tpu.memory_space<hbm>> -> memref<1x80xi32, #tpu.memory_space<hbm>>
        %dma_start3A_913 = tpu.memref_squeeze %dma_start3A_912 : memref<1x80xi32, #tpu.memory_space<hbm>> -> memref<80xi32, #tpu.memory_space<hbm>>
        %dma_start3A_914 = arith.constant 0 : i32
        %dma_start3A_915 = tpu.memref_slice %arg9[%dma_start3A_903, %dma_start3A_914] : memref<4x80xi32, #tpu.memory_space<vmem>> -> memref<1x80xi32, #tpu.memory_space<vmem>>
        %dma_start3A_916 = tpu.memref_squeeze %dma_start3A_915 : memref<1x80xi32, #tpu.memory_space<vmem>> -> memref<80xi32, #tpu.memory_space<vmem>>
        %dma_start3A_917 = arith.constant 0 : i32
        %dma_start3A_918 = arith.constant 0 : i32
        %dma_start3A_919 = tpu.memref_slice %arg4[%add3A, %dma_start3A_917, %dma_start3A_918] : memref<32x125x80xi32, #tpu.memory_space<hbm>> -> memref<1x125x80xi32, #tpu.memory_space<hbm>>
        %dma_start3A_920 = tpu.memref_squeeze %dma_start3A_919 : memref<1x125x80xi32, #tpu.memory_space<hbm>> -> memref<125x80xi32, #tpu.memory_space<hbm>>
        %dma_start3A_921 = arith.constant 0 : i32
        %dma_start3A_922 = tpu.memref_slice %dma_start3A_920[%add3A_881, %dma_start3A_921] : memref<125x80xi32, #tpu.memory_space<hbm>> -> memref<1x80xi32, #tpu.memory_space<hbm>>
        %dma_start3A_923 = tpu.memref_squeeze %dma_start3A_922 : memref<1x80xi32, #tpu.memory_space<hbm>> -> memref<80xi32, #tpu.memory_space<hbm>>
        tpu.enqueue_dma source(%dma_start3A_923 : memref<80xi32, #tpu.memory_space<hbm>>) target(%dma_start3A_916 : memref<80xi32, #tpu.memory_space<vmem>>) target_semaphore(%arg19 : memref<!tpu.dma_semaphore, #tpu.memory_space<semaphore_mem>>)
      } else {
      }
    }
    %scan3A_600 = arith.constant 31 : i32
    %dma_wait3A_601 = arith.constant 0 : i32
    %dma_wait3A_602 = arith.constant 0 : i32
    %dma_wait3A_603 = arith.constant 0 : i32
    %dma_wait3A_604 = arith.constant 0 : i32
    %dma_wait3A_605 = tpu.memref_slice %arg10[%dma_wait3A_602, %dma_wait3A_603, %dma_wait3A_604] : memref<4x80x128xf32, #tpu.memory_space<vmem>> -> memref<1x80x128xf32, #tpu.memory_space<vmem>>
    %dma_wait3A_606 = tpu.memref_squeeze %dma_wait3A_605 : memref<1x80x128xf32, #tpu.memory_space<vmem>> -> memref<80x128xf32, #tpu.memory_space<vmem>>
    %dma_wait3A_607 = arith.constant 0 : i32
    %dma_wait3A_608 = tpu.memref_slice %arg8[%dma_wait3A_601, %dma_wait3A_607] : memref<4x80xi32, #tpu.memory_space<vmem>> -> memref<1x80xi32, #tpu.memory_space<vmem>>
    %dma_wait3A_609 = tpu.memref_squeeze %dma_wait3A_608 : memref<1x80xi32, #tpu.memory_space<vmem>> -> memref<80xi32, #tpu.memory_space<vmem>>
    %dma_wait3A_610 = arith.constant 0 : i32
    %dma_wait3A_611 = arith.constant 0 : i32
    %dma_wait3A_612 = tpu.memref_slice %arg2[%dma_wait3A_610, %dma_wait3A_611] : memref<10000x128xf32, #tpu.memory_space<hbm>> -> memref<10000x128xf32, #tpu.memory_space<hbm>>
    tpu.wait_indirect_dma semaphore(%arg12 : memref<!tpu.dma_semaphore, #tpu.memory_space<semaphore_mem>>) src(%dma_wait3A_612 : memref<10000x128xf32, #tpu.memory_space<hbm>>) dst(%dma_wait3A_606 : memref<80x128xf32, #tpu.memory_space<vmem>>)
    %run_scoped3A_613 = arith.constant 0 : i32
    %run_scoped3A_614 = arith.constant 0 : i32
    "tpu.region"() ({
      %run_scoped3A_744 = tpu.sem_alloc : memref<!tpu.dma_semaphore, #tpu.memory_space<semaphore_mem>>
      %dma_start3A_745 = arith.constant 0 : i32
      %dma_start3A_746 = arith.constant 0 : i32
      %dma_start3A_747 = tpu.memref_slice %arg10[%run_scoped3A_613, %dma_start3A_745, %dma_start3A_746] : memref<4x80x128xf32, #tpu.memory_space<vmem>> -> memref<1x80x128xf32, #tpu.memory_space<vmem>>
      %dma_start3A_748 = tpu.memref_squeeze %dma_start3A_747 : memref<1x80x128xf32, #tpu.memory_space<vmem>> -> memref<80x128xf32, #tpu.memory_space<vmem>>
      %dma_start3A_749 = arith.constant 0 : i32
      %dma_start3A_750 = tpu.memref_slice %arg9[%run_scoped3A_614, %dma_start3A_749] : memref<4x80xi32, #tpu.memory_space<vmem>> -> memref<1x80xi32, #tpu.memory_space<vmem>>
      %dma_start3A_751 = tpu.memref_squeeze %dma_start3A_750 : memref<1x80xi32, #tpu.memory_space<vmem>> -> memref<80xi32, #tpu.memory_space<vmem>>
      %dma_start3A_752 = arith.constant 0 : i32
      %dma_start3A_753 = arith.constant 0 : i32
      %dma_start3A_754 = tpu.memref_slice %arg7[%dma_start3A_752, %dma_start3A_753] : memref<10008x128xf32, #tpu.memory_space<vmem_shared>> -> memref<10008x128xf32, #tpu.memory_space<vmem_shared>>
      tpu.enqueue_indirect_dma source(%dma_start3A_748 : memref<80x128xf32, #tpu.memory_space<vmem>>) target(%dma_start3A_754 : memref<10008x128xf32, #tpu.memory_space<vmem_shared>>) offsets(%dma_start3A_751 : memref<80xi32, #tpu.memory_space<vmem>>) semaphore(%run_scoped3A_744 : memref<!tpu.dma_semaphore, #tpu.memory_space<semaphore_mem>>) {add = true}
      %dma_wait3A_755 = arith.constant 0 : i32
      %dma_wait3A_756 = arith.constant 0 : i32
      %dma_wait3A_757 = tpu.memref_slice %arg10[%run_scoped3A_613, %dma_wait3A_755, %dma_wait3A_756] : memref<4x80x128xf32, #tpu.memory_space<vmem>> -> memref<1x80x128xf32, #tpu.memory_space<vmem>>
      %dma_wait3A_758 = tpu.memref_squeeze %dma_wait3A_757 : memref<1x80x128xf32, #tpu.memory_space<vmem>> -> memref<80x128xf32, #tpu.memory_space<vmem>>
      %dma_wait3A_759 = arith.constant 0 : i32
      %dma_wait3A_760 = tpu.memref_slice %arg9[%run_scoped3A_614, %dma_wait3A_759] : memref<4x80xi32, #tpu.memory_space<vmem>> -> memref<1x80xi32, #tpu.memory_space<vmem>>
      %dma_wait3A_761 = tpu.memref_squeeze %dma_wait3A_760 : memref<1x80xi32, #tpu.memory_space<vmem>> -> memref<80xi32, #tpu.memory_space<vmem>>
      %dma_wait3A_762 = arith.constant 0 : i32
      %dma_wait3A_763 = arith.constant 0 : i32
      %dma_wait3A_764 = tpu.memref_slice %arg7[%dma_wait3A_762, %dma_wait3A_763] : memref<10008x128xf32, #tpu.memory_space<vmem_shared>> -> memref<10008x128xf32, #tpu.memory_space<vmem_shared>>
      tpu.wait_indirect_dma semaphore(%run_scoped3A_744 : memref<!tpu.dma_semaphore, #tpu.memory_space<semaphore_mem>>) src(%dma_wait3A_758 : memref<80x128xf32, #tpu.memory_space<vmem>>) dst(%dma_wait3A_764 : memref<10008x128xf32, #tpu.memory_space<vmem_shared>>)
      tpu.yield
    }) : () -> ()
    %barrier3A_615 = arith.constant 0 : index
    tpu.barrier barrier_id(%barrier3A_615)
    %add3A_616 = arith.constant 0 : i32
    %add3A_617 = arith.addi %add3A_616, %arg1 : i32
    %lt3A_618 = arith.constant 250 : i32
    %lt3A_619 = arith.cmpi slt, %add3A_617, %lt3A_618 : i32
    %convert_element_type3A_620 = arith.extui %lt3A_619 : i1 to i32
    %cond3A_621 = arith.constant 0 : i32
    %cond3A_622 = arith.constant 0 : i32
    %cond3A_623 = arith.cmpi ne, %convert_element_type3A_620, %cond3A_622 : i32
    scf.if %cond3A_623 {
      %mul3A_744 = arith.constant 40 : i32
      %mul3A_745 = arith.muli %add3A_617, %mul3A_744 : i32
      "tpu.region"() ({
        %run_scoped3A_746 = tpu.sem_alloc : memref<!tpu.dma_semaphore, #tpu.memory_space<semaphore_mem>>
        %dma_start3A_747 = arith.constant 0 : i32
        %dma_start3A_748 = arith.constant 0 : i32
        %dma_start3A_749 = tpu.memref_slice %arg10[%cond3A_621, %dma_start3A_747, %dma_start3A_748] : memref<4x80x128xf32, #tpu.memory_space<vmem>> -> memref<1x80x128xf32, #tpu.memory_space<vmem>>
        %dma_start3A_750 = tpu.memref_squeeze %dma_start3A_749 : memref<1x80x128xf32, #tpu.memory_space<vmem>> -> memref<80x128xf32, #tpu.memory_space<vmem>>
        %dma_start3A_751 = arith.constant 0 : i32
        %dma_start3A_752 = arith.constant 0 : i32
        %dma_start3A_753 = tpu.memref_slice %dma_start3A_750[%dma_start3A_751, %dma_start3A_752] : memref<80x128xf32, #tpu.memory_space<vmem>> -> memref<40x128xf32, #tpu.memory_space<vmem>>
        %dma_start3A_754 = arith.constant 0 : i32
        %dma_start3A_755 = tpu.memref_slice %arg7[%mul3A_745, %dma_start3A_754] : memref<10008x128xf32, #tpu.memory_space<vmem_shared>> -> memref<40x128xf32, #tpu.memory_space<vmem_shared>>
        %dma_start3A_756 = arith.constant 0 : i32
        %dma_start3A_757 = arith.constant 0 : i32
        %dma_start3A_758 = tpu.memref_slice %arg10[%cond3A_621, %dma_start3A_756, %dma_start3A_757] : memref<4x80x128xf32, #tpu.memory_space<vmem>> -> memref<1x80x128xf32, #tpu.memory_space<vmem>>
        %dma_start3A_759 = tpu.memref_squeeze %dma_start3A_758 : memref<1x80x128xf32, #tpu.memory_space<vmem>> -> memref<80x128xf32, #tpu.memory_space<vmem>>
        %dma_start3A_760 = arith.constant 0 : i32
        %dma_start3A_761 = arith.constant 0 : i32
        %dma_start3A_762 = tpu.memref_slice %dma_start3A_759[%dma_start3A_760, %dma_start3A_761] : memref<80x128xf32, #tpu.memory_space<vmem>> -> memref<40x128xf32, #tpu.memory_space<vmem>>
        %dma_start3A_763 = arith.constant 0 : i32
        %dma_start3A_764 = tpu.memref_slice %arg7[%mul3A_745, %dma_start3A_763] : memref<10008x128xf32, #tpu.memory_space<vmem_shared>> -> memref<40x128xf32, #tpu.memory_space<vmem_shared>>
        tpu.enqueue_dma source(%dma_start3A_764 : memref<40x128xf32, #tpu.memory_space<vmem_shared>>) target(%dma_start3A_762 : memref<40x128xf32, #tpu.memory_space<vmem>>) target_semaphore(%run_scoped3A_746 : memref<!tpu.dma_semaphore, #tpu.memory_space<semaphore_mem>>)
        %dma_wait3A_765 = arith.constant 0 : i32
        %dma_wait3A_766 = arith.constant 0 : i32
        %dma_wait3A_767 = tpu.memref_slice %arg10[%cond3A_621, %dma_wait3A_765, %dma_wait3A_766] : memref<4x80x128xf32, #tpu.memory_space<vmem>> -> memref<1x80x128xf32, #tpu.memory_space<vmem>>
        %dma_wait3A_768 = tpu.memref_squeeze %dma_wait3A_767 : memref<1x80x128xf32, #tpu.memory_space<vmem>> -> memref<80x128xf32, #tpu.memory_space<vmem>>
        %dma_wait3A_769 = arith.constant 0 : i32
        %dma_wait3A_770 = arith.constant 0 : i32
        %dma_wait3A_771 = tpu.memref_slice %dma_wait3A_768[%dma_wait3A_769, %dma_wait3A_770] : memref<80x128xf32, #tpu.memory_space<vmem>> -> memref<40x128xf32, #tpu.memory_space<vmem>>
        %dma_wait3A_772 = arith.constant 0 : i32
        %dma_wait3A_773 = tpu.memref_slice %arg7[%mul3A_745, %dma_wait3A_772] : memref<10008x128xf32, #tpu.memory_space<vmem_shared>> -> memref<40x128xf32, #tpu.memory_space<vmem_shared>>
        %dma_wait3A_774 = arith.constant 0 : i32
        %dma_wait3A_775 = arith.constant 0 : i32
        %dma_wait3A_776 = tpu.memref_slice %arg10[%cond3A_621, %dma_wait3A_774, %dma_wait3A_775] : memref<4x80x128xf32, #tpu.memory_space<vmem>> -> memref<1x80x128xf32, #tpu.memory_space<vmem>>
        %dma_wait3A_777 = tpu.memref_squeeze %dma_wait3A_776 : memref<1x80x128xf32, #tpu.memory_space<vmem>> -> memref<80x128xf32, #tpu.memory_space<vmem>>
        %dma_wait3A_778 = arith.constant 0 : i32
        %dma_wait3A_779 = arith.constant 0 : i32
        %dma_wait3A_780 = tpu.memref_slice %dma_wait3A_777[%dma_wait3A_778, %dma_wait3A_779] : memref<80x128xf32, #tpu.memory_space<vmem>> -> memref<40x128xf32, #tpu.memory_space<vmem>>
        %dma_wait3A_781 = arith.constant 0 : i32
        %dma_wait3A_782 = tpu.memref_slice %arg7[%mul3A_745, %dma_wait3A_781] : memref<10008x128xf32, #tpu.memory_space<vmem_shared>> -> memref<40x128xf32, #tpu.memory_space<vmem_shared>>
        tpu.wait_dma2 semaphore(%run_scoped3A_746 : memref<!tpu.dma_semaphore, #tpu.memory_space<semaphore_mem>>) src(%dma_wait3A_782 : memref<40x128xf32, #tpu.memory_space<vmem_shared>>) dst(%dma_wait3A_780 : memref<40x128xf32, #tpu.memory_space<vmem>>)
        tpu.yield
      }) : () -> ()
      "tpu.region"() ({
        %run_scoped3A_746 = tpu.sem_alloc : memref<!tpu.dma_semaphore, #tpu.memory_space<semaphore_mem>>
        %dma_start3A_747 = arith.constant 0 : i32
        %dma_start3A_748 = arith.constant 0 : i32
        %dma_start3A_749 = tpu.memref_slice %arg10[%cond3A_621, %dma_start3A_747, %dma_start3A_748] : memref<4x80x128xf32, #tpu.memory_space<vmem>> -> memref<1x80x128xf32, #tpu.memory_space<vmem>>
        %dma_start3A_750 = tpu.memref_squeeze %dma_start3A_749 : memref<1x80x128xf32, #tpu.memory_space<vmem>> -> memref<80x128xf32, #tpu.memory_space<vmem>>
        %dma_start3A_751 = arith.constant 0 : i32
        %dma_start3A_752 = arith.constant 0 : i32
        %dma_start3A_753 = tpu.memref_slice %dma_start3A_750[%dma_start3A_751, %dma_start3A_752] : memref<80x128xf32, #tpu.memory_space<vmem>> -> memref<40x128xf32, #tpu.memory_space<vmem>>
        %dma_start3A_754 = arith.constant 0 : i32
        %dma_start3A_755 = arith.constant 0 : i32
        %dma_start3A_756 = tpu.memref_slice %arg6[%arg0, %dma_start3A_754, %dma_start3A_755] : memref<2x10000x128xf32, #tpu.memory_space<hbm>> -> memref<1x10000x128xf32, #tpu.memory_space<hbm>>
        %dma_start3A_757 = tpu.memref_squeeze %dma_start3A_756 : memref<1x10000x128xf32, #tpu.memory_space<hbm>> -> memref<10000x128xf32, #tpu.memory_space<hbm>>
        %dma_start3A_758 = arith.constant 0 : i32
        %dma_start3A_759 = tpu.memref_slice %dma_start3A_757[%mul3A_745, %dma_start3A_758] : memref<10000x128xf32, #tpu.memory_space<hbm>> -> memref<40x128xf32, #tpu.memory_space<hbm>>
        %dma_start3A_760 = arith.constant 0 : i32
        %dma_start3A_761 = arith.constant 0 : i32
        %dma_start3A_762 = tpu.memref_slice %arg6[%arg0, %dma_start3A_760, %dma_start3A_761] : memref<2x10000x128xf32, #tpu.memory_space<hbm>> -> memref<1x10000x128xf32, #tpu.memory_space<hbm>>
        %dma_start3A_763 = tpu.memref_squeeze %dma_start3A_762 : memref<1x10000x128xf32, #tpu.memory_space<hbm>> -> memref<10000x128xf32, #tpu.memory_space<hbm>>
        %dma_start3A_764 = arith.constant 0 : i32
        %dma_start3A_765 = tpu.memref_slice %dma_start3A_763[%mul3A_745, %dma_start3A_764] : memref<10000x128xf32, #tpu.memory_space<hbm>> -> memref<40x128xf32, #tpu.memory_space<hbm>>
        %dma_start3A_766 = arith.constant 0 : i32
        %dma_start3A_767 = arith.constant 0 : i32
        %dma_start3A_768 = tpu.memref_slice %arg10[%cond3A_621, %dma_start3A_766, %dma_start3A_767] : memref<4x80x128xf32, #tpu.memory_space<vmem>> -> memref<1x80x128xf32, #tpu.memory_space<vmem>>
        %dma_start3A_769 = tpu.memref_squeeze %dma_start3A_768 : memref<1x80x128xf32, #tpu.memory_space<vmem>> -> memref<80x128xf32, #tpu.memory_space<vmem>>
        %dma_start3A_770 = arith.constant 0 : i32
        %dma_start3A_771 = arith.constant 0 : i32
        %dma_start3A_772 = tpu.memref_slice %dma_start3A_769[%dma_start3A_770, %dma_start3A_771] : memref<80x128xf32, #tpu.memory_space<vmem>> -> memref<40x128xf32, #tpu.memory_space<vmem>>
        tpu.enqueue_dma source(%dma_start3A_772 : memref<40x128xf32, #tpu.memory_space<vmem>>) target(%dma_start3A_765 : memref<40x128xf32, #tpu.memory_space<hbm>>) target_semaphore(%run_scoped3A_746 : memref<!tpu.dma_semaphore, #tpu.memory_space<semaphore_mem>>)
        %dma_wait3A_773 = arith.constant 0 : i32
        %dma_wait3A_774 = arith.constant 0 : i32
        %dma_wait3A_775 = tpu.memref_slice %arg10[%cond3A_621, %dma_wait3A_773, %dma_wait3A_774] : memref<4x80x128xf32, #tpu.memory_space<vmem>> -> memref<1x80x128xf32, #tpu.memory_space<vmem>>
        %dma_wait3A_776 = tpu.memref_squeeze %dma_wait3A_775 : memref<1x80x128xf32, #tpu.memory_space<vmem>> -> memref<80x128xf32, #tpu.memory_space<vmem>>
        %dma_wait3A_777 = arith.constant 0 : i32
        %dma_wait3A_778 = arith.constant 0 : i32
        %dma_wait3A_779 = tpu.memref_slice %dma_wait3A_776[%dma_wait3A_777, %dma_wait3A_778] : memref<80x128xf32, #tpu.memory_space<vmem>> -> memref<40x128xf32, #tpu.memory_space<vmem>>
        %dma_wait3A_780 = arith.constant 0 : i32
        %dma_wait3A_781 = arith.constant 0 : i32
        %dma_wait3A_782 = tpu.memref_slice %arg6[%arg0, %dma_wait3A_780, %dma_wait3A_781] : memref<2x10000x128xf32, #tpu.memory_space<hbm>> -> memref<1x10000x128xf32, #tpu.memory_space<hbm>>
        %dma_wait3A_783 = tpu.memref_squeeze %dma_wait3A_782 : memref<1x10000x128xf32, #tpu.memory_space<hbm>> -> memref<10000x128xf32, #tpu.memory_space<hbm>>
        %dma_wait3A_784 = arith.constant 0 : i32
        %dma_wait3A_785 = tpu.memref_slice %dma_wait3A_783[%mul3A_745, %dma_wait3A_784] : memref<10000x128xf32, #tpu.memory_space<hbm>> -> memref<40x128xf32, #tpu.memory_space<hbm>>
        %dma_wait3A_786 = arith.constant 0 : i32
        %dma_wait3A_787 = arith.constant 0 : i32
        %dma_wait3A_788 = tpu.memref_slice %arg6[%arg0, %dma_wait3A_786, %dma_wait3A_787] : memref<2x10000x128xf32, #tpu.memory_space<hbm>> -> memref<1x10000x128xf32, #tpu.memory_space<hbm>>
        %dma_wait3A_789 = tpu.memref_squeeze %dma_wait3A_788 : memref<1x10000x128xf32, #tpu.memory_space<hbm>> -> memref<10000x128xf32, #tpu.memory_space<hbm>>
        %dma_wait3A_790 = arith.constant 0 : i32
        %dma_wait3A_791 = tpu.memref_slice %dma_wait3A_789[%mul3A_745, %dma_wait3A_790] : memref<10000x128xf32, #tpu.memory_space<hbm>> -> memref<40x128xf32, #tpu.memory_space<hbm>>
        %dma_wait3A_792 = arith.constant 0 : i32
        %dma_wait3A_793 = arith.constant 0 : i32
        %dma_wait3A_794 = tpu.memref_slice %arg10[%cond3A_621, %dma_wait3A_792, %dma_wait3A_793] : memref<4x80x128xf32, #tpu.memory_space<vmem>> -> memref<1x80x128xf32, #tpu.memory_space<vmem>>
        %dma_wait3A_795 = tpu.memref_squeeze %dma_wait3A_794 : memref<1x80x128xf32, #tpu.memory_space<vmem>> -> memref<80x128xf32, #tpu.memory_space<vmem>>
        %dma_wait3A_796 = arith.constant 0 : i32
        %dma_wait3A_797 = arith.constant 0 : i32
        %dma_wait3A_798 = tpu.memref_slice %dma_wait3A_795[%dma_wait3A_796, %dma_wait3A_797] : memref<80x128xf32, #tpu.memory_space<vmem>> -> memref<40x128xf32, #tpu.memory_space<vmem>>
        tpu.wait_dma2 semaphore(%run_scoped3A_746 : memref<!tpu.dma_semaphore, #tpu.memory_space<semaphore_mem>>) src(%dma_wait3A_798 : memref<40x128xf32, #tpu.memory_space<vmem>>) dst(%dma_wait3A_791 : memref<40x128xf32, #tpu.memory_space<hbm>>)
        tpu.yield
      }) : () -> ()
    } else {
    }
    %add3A_624 = arith.constant 16 : i32
    %add3A_625 = arith.addi %add3A_624, %arg1 : i32
    %lt3A_626 = arith.constant 250 : i32
    %lt3A_627 = arith.cmpi slt, %add3A_625, %lt3A_626 : i32
    %convert_element_type3A_628 = arith.extui %lt3A_627 : i1 to i32
    %cond3A_629 = arith.constant 0 : i32
    %cond3A_630 = arith.constant 0 : i32
    %cond3A_631 = arith.cmpi ne, %convert_element_type3A_628, %cond3A_630 : i32
    scf.if %cond3A_631 {
      %mul3A_744 = arith.constant 40 : i32
      %mul3A_745 = arith.muli %add3A_625, %mul3A_744 : i32
      "tpu.region"() ({
        %run_scoped3A_746 = tpu.sem_alloc : memref<!tpu.dma_semaphore, #tpu.memory_space<semaphore_mem>>
        %dma_start3A_747 = arith.constant 0 : i32
        %dma_start3A_748 = arith.constant 0 : i32
        %dma_start3A_749 = tpu.memref_slice %arg10[%cond3A_629, %dma_start3A_747, %dma_start3A_748] : memref<4x80x128xf32, #tpu.memory_space<vmem>> -> memref<1x80x128xf32, #tpu.memory_space<vmem>>
        %dma_start3A_750 = tpu.memref_squeeze %dma_start3A_749 : memref<1x80x128xf32, #tpu.memory_space<vmem>> -> memref<80x128xf32, #tpu.memory_space<vmem>>
        %dma_start3A_751 = arith.constant 0 : i32
        %dma_start3A_752 = arith.constant 0 : i32
        %dma_start3A_753 = tpu.memref_slice %dma_start3A_750[%dma_start3A_751, %dma_start3A_752] : memref<80x128xf32, #tpu.memory_space<vmem>> -> memref<40x128xf32, #tpu.memory_space<vmem>>
        %dma_start3A_754 = arith.constant 0 : i32
        %dma_start3A_755 = tpu.memref_slice %arg7[%mul3A_745, %dma_start3A_754] : memref<10008x128xf32, #tpu.memory_space<vmem_shared>> -> memref<40x128xf32, #tpu.memory_space<vmem_shared>>
        %dma_start3A_756 = arith.constant 0 : i32
        %dma_start3A_757 = arith.constant 0 : i32
        %dma_start3A_758 = tpu.memref_slice %arg10[%cond3A_629, %dma_start3A_756, %dma_start3A_757] : memref<4x80x128xf32, #tpu.memory_space<vmem>> -> memref<1x80x128xf32, #tpu.memory_space<vmem>>
        %dma_start3A_759 = tpu.memref_squeeze %dma_start3A_758 : memref<1x80x128xf32, #tpu.memory_space<vmem>> -> memref<80x128xf32, #tpu.memory_space<vmem>>
        %dma_start3A_760 = arith.constant 0 : i32
        %dma_start3A_761 = arith.constant 0 : i32
        %dma_start3A_762 = tpu.memref_slice %dma_start3A_759[%dma_start3A_760, %dma_start3A_761] : memref<80x128xf32, #tpu.memory_space<vmem>> -> memref<40x128xf32, #tpu.memory_space<vmem>>
        %dma_start3A_763 = arith.constant 0 : i32
        %dma_start3A_764 = tpu.memref_slice %arg7[%mul3A_745, %dma_start3A_763] : memref<10008x128xf32, #tpu.memory_space<vmem_shared>> -> memref<40x128xf32, #tpu.memory_space<vmem_shared>>
        tpu.enqueue_dma source(%dma_start3A_764 : memref<40x128xf32, #tpu.memory_space<vmem_shared>>) target(%dma_start3A_762 : memref<40x128xf32, #tpu.memory_space<vmem>>) target_semaphore(%run_scoped3A_746 : memref<!tpu.dma_semaphore, #tpu.memory_space<semaphore_mem>>)
        %dma_wait3A_765 = arith.constant 0 : i32
        %dma_wait3A_766 = arith.constant 0 : i32
        %dma_wait3A_767 = tpu.memref_slice %arg10[%cond3A_629, %dma_wait3A_765, %dma_wait3A_766] : memref<4x80x128xf32, #tpu.memory_space<vmem>> -> memref<1x80x128xf32, #tpu.memory_space<vmem>>
        %dma_wait3A_768 = tpu.memref_squeeze %dma_wait3A_767 : memref<1x80x128xf32, #tpu.memory_space<vmem>> -> memref<80x128xf32, #tpu.memory_space<vmem>>
        %dma_wait3A_769 = arith.constant 0 : i32
        %dma_wait3A_770 = arith.constant 0 : i32
        %dma_wait3A_771 = tpu.memref_slice %dma_wait3A_768[%dma_wait3A_769, %dma_wait3A_770] : memref<80x128xf32, #tpu.memory_space<vmem>> -> memref<40x128xf32, #tpu.memory_space<vmem>>
        %dma_wait3A_772 = arith.constant 0 : i32
        %dma_wait3A_773 = tpu.memref_slice %arg7[%mul3A_745, %dma_wait3A_772] : memref<10008x128xf32, #tpu.memory_space<vmem_shared>> -> memref<40x128xf32, #tpu.memory_space<vmem_shared>>
        %dma_wait3A_774 = arith.constant 0 : i32
        %dma_wait3A_775 = arith.constant 0 : i32
        %dma_wait3A_776 = tpu.memref_slice %arg10[%cond3A_629, %dma_wait3A_774, %dma_wait3A_775] : memref<4x80x128xf32, #tpu.memory_space<vmem>> -> memref<1x80x128xf32, #tpu.memory_space<vmem>>
        %dma_wait3A_777 = tpu.memref_squeeze %dma_wait3A_776 : memref<1x80x128xf32, #tpu.memory_space<vmem>> -> memref<80x128xf32, #tpu.memory_space<vmem>>
        %dma_wait3A_778 = arith.constant 0 : i32
        %dma_wait3A_779 = arith.constant 0 : i32
        %dma_wait3A_780 = tpu.memref_slice %dma_wait3A_777[%dma_wait3A_778, %dma_wait3A_779] : memref<80x128xf32, #tpu.memory_space<vmem>> -> memref<40x128xf32, #tpu.memory_space<vmem>>
        %dma_wait3A_781 = arith.constant 0 : i32
        %dma_wait3A_782 = tpu.memref_slice %arg7[%mul3A_745, %dma_wait3A_781] : memref<10008x128xf32, #tpu.memory_space<vmem_shared>> -> memref<40x128xf32, #tpu.memory_space<vmem_shared>>
        tpu.wait_dma2 semaphore(%run_scoped3A_746 : memref<!tpu.dma_semaphore, #tpu.memory_space<semaphore_mem>>) src(%dma_wait3A_782 : memref<40x128xf32, #tpu.memory_space<vmem_shared>>) dst(%dma_wait3A_780 : memref<40x128xf32, #tpu.memory_space<vmem>>)
        tpu.yield
      }) : () -> ()
      "tpu.region"() ({
        %run_scoped3A_746 = tpu.sem_alloc : memref<!tpu.dma_semaphore, #tpu.memory_space<semaphore_mem>>
        %dma_start3A_747 = arith.constant 0 : i32
        %dma_start3A_748 = arith.constant 0 : i32
        %dma_start3A_749 = tpu.memref_slice %arg10[%cond3A_629, %dma_start3A_747, %dma_start3A_748] : memref<4x80x128xf32, #tpu.memory_space<vmem>> -> memref<1x80x128xf32, #tpu.memory_space<vmem>>
        %dma_start3A_750 = tpu.memref_squeeze %dma_start3A_749 : memref<1x80x128xf32, #tpu.memory_space<vmem>> -> memref<80x128xf32, #tpu.memory_space<vmem>>
        %dma_start3A_751 = arith.constant 0 : i32
        %dma_start3A_752 = arith.constant 0 : i32
        %dma_start3A_753 = tpu.memref_slice %dma_start3A_750[%dma_start3A_751, %dma_start3A_752] : memref<80x128xf32, #tpu.memory_space<vmem>> -> memref<40x128xf32, #tpu.memory_space<vmem>>
        %dma_start3A_754 = arith.constant 0 : i32
        %dma_start3A_755 = arith.constant 0 : i32
        %dma_start3A_756 = tpu.memref_slice %arg6[%arg0, %dma_start3A_754, %dma_start3A_755] : memref<2x10000x128xf32, #tpu.memory_space<hbm>> -> memref<1x10000x128xf32, #tpu.memory_space<hbm>>
        %dma_start3A_757 = tpu.memref_squeeze %dma_start3A_756 : memref<1x10000x128xf32, #tpu.memory_space<hbm>> -> memref<10000x128xf32, #tpu.memory_space<hbm>>
        %dma_start3A_758 = arith.constant 0 : i32
        %dma_start3A_759 = tpu.memref_slice %dma_start3A_757[%mul3A_745, %dma_start3A_758] : memref<10000x128xf32, #tpu.memory_space<hbm>> -> memref<40x128xf32, #tpu.memory_space<hbm>>
        %dma_start3A_760 = arith.constant 0 : i32
        %dma_start3A_761 = arith.constant 0 : i32
        %dma_start3A_762 = tpu.memref_slice %arg6[%arg0, %dma_start3A_760, %dma_start3A_761] : memref<2x10000x128xf32, #tpu.memory_space<hbm>> -> memref<1x10000x128xf32, #tpu.memory_space<hbm>>
        %dma_start3A_763 = tpu.memref_squeeze %dma_start3A_762 : memref<1x10000x128xf32, #tpu.memory_space<hbm>> -> memref<10000x128xf32, #tpu.memory_space<hbm>>
        %dma_start3A_764 = arith.constant 0 : i32
        %dma_start3A_765 = tpu.memref_slice %dma_start3A_763[%mul3A_745, %dma_start3A_764] : memref<10000x128xf32, #tpu.memory_space<hbm>> -> memref<40x128xf32, #tpu.memory_space<hbm>>
        %dma_start3A_766 = arith.constant 0 : i32
        %dma_start3A_767 = arith.constant 0 : i32
        %dma_start3A_768 = tpu.memref_slice %arg10[%cond3A_629, %dma_start3A_766, %dma_start3A_767] : memref<4x80x128xf32, #tpu.memory_space<vmem>> -> memref<1x80x128xf32, #tpu.memory_space<vmem>>
        %dma_start3A_769 = tpu.memref_squeeze %dma_start3A_768 : memref<1x80x128xf32, #tpu.memory_space<vmem>> -> memref<80x128xf32, #tpu.memory_space<vmem>>
        %dma_start3A_770 = arith.constant 0 : i32
        %dma_start3A_771 = arith.constant 0 : i32
        %dma_start3A_772 = tpu.memref_slice %dma_start3A_769[%dma_start3A_770, %dma_start3A_771] : memref<80x128xf32, #tpu.memory_space<vmem>> -> memref<40x128xf32, #tpu.memory_space<vmem>>
        tpu.enqueue_dma source(%dma_start3A_772 : memref<40x128xf32, #tpu.memory_space<vmem>>) target(%dma_start3A_765 : memref<40x128xf32, #tpu.memory_space<hbm>>) target_semaphore(%run_scoped3A_746 : memref<!tpu.dma_semaphore, #tpu.memory_space<semaphore_mem>>)
        %dma_wait3A_773 = arith.constant 0 : i32
        %dma_wait3A_774 = arith.constant 0 : i32
        %dma_wait3A_775 = tpu.memref_slice %arg10[%cond3A_629, %dma_wait3A_773, %dma_wait3A_774] : memref<4x80x128xf32, #tpu.memory_space<vmem>> -> memref<1x80x128xf32, #tpu.memory_space<vmem>>
        %dma_wait3A_776 = tpu.memref_squeeze %dma_wait3A_775 : memref<1x80x128xf32, #tpu.memory_space<vmem>> -> memref<80x128xf32, #tpu.memory_space<vmem>>
        %dma_wait3A_777 = arith.constant 0 : i32
        %dma_wait3A_778 = arith.constant 0 : i32
        %dma_wait3A_779 = tpu.memref_slice %dma_wait3A_776[%dma_wait3A_777, %dma_wait3A_778] : memref<80x128xf32, #tpu.memory_space<vmem>> -> memref<40x128xf32, #tpu.memory_space<vmem>>
        %dma_wait3A_780 = arith.constant 0 : i32
        %dma_wait3A_781 = arith.constant 0 : i32
        %dma_wait3A_782 = tpu.memref_slice %arg6[%arg0, %dma_wait3A_780, %dma_wait3A_781] : memref<2x10000x128xf32, #tpu.memory_space<hbm>> -> memref<1x10000x128xf32, #tpu.memory_space<hbm>>
        %dma_wait3A_783 = tpu.memref_squeeze %dma_wait3A_782 : memref<1x10000x128xf32, #tpu.memory_space<hbm>> -> memref<10000x128xf32, #tpu.memory_space<hbm>>
        %dma_wait3A_784 = arith.constant 0 : i32
        %dma_wait3A_785 = tpu.memref_slice %dma_wait3A_783[%mul3A_745, %dma_wait3A_784] : memref<10000x128xf32, #tpu.memory_space<hbm>> -> memref<40x128xf32, #tpu.memory_space<hbm>>
        %dma_wait3A_786 = arith.constant 0 : i32
        %dma_wait3A_787 = arith.constant 0 : i32
        %dma_wait3A_788 = tpu.memref_slice %arg6[%arg0, %dma_wait3A_786, %dma_wait3A_787] : memref<2x10000x128xf32, #tpu.memory_space<hbm>> -> memref<1x10000x128xf32, #tpu.memory_space<hbm>>
        %dma_wait3A_789 = tpu.memref_squeeze %dma_wait3A_788 : memref<1x10000x128xf32, #tpu.memory_space<hbm>> -> memref<10000x128xf32, #tpu.memory_space<hbm>>
        %dma_wait3A_790 = arith.constant 0 : i32
        %dma_wait3A_791 = tpu.memref_slice %dma_wait3A_789[%mul3A_745, %dma_wait3A_790] : memref<10000x128xf32, #tpu.memory_space<hbm>> -> memref<40x128xf32, #tpu.memory_space<hbm>>
        %dma_wait3A_792 = arith.constant 0 : i32
        %dma_wait3A_793 = arith.constant 0 : i32
        %dma_wait3A_794 = tpu.memref_slice %arg10[%cond3A_629, %dma_wait3A_792, %dma_wait3A_793] : memref<4x80x128xf32, #tpu.memory_space<vmem>> -> memref<1x80x128xf32, #tpu.memory_space<vmem>>
        %dma_wait3A_795 = tpu.memref_squeeze %dma_wait3A_794 : memref<1x80x128xf32, #tpu.memory_space<vmem>> -> memref<80x128xf32, #tpu.memory_space<vmem>>
        %dma_wait3A_796 = arith.constant 0 : i32
        %dma_wait3A_797 = arith.constant 0 : i32
        %dma_wait3A_798 = tpu.memref_slice %dma_wait3A_795[%dma_wait3A_796, %dma_wait3A_797] : memref<80x128xf32, #tpu.memory_space<vmem>> -> memref<40x128xf32, #tpu.memory_space<vmem>>
        tpu.wait_dma2 semaphore(%run_scoped3A_746 : memref<!tpu.dma_semaphore, #tpu.memory_space<semaphore_mem>>) src(%dma_wait3A_798 : memref<40x128xf32, #tpu.memory_space<vmem>>) dst(%dma_wait3A_791 : memref<40x128xf32, #tpu.memory_space<hbm>>)
        tpu.yield
      }) : () -> ()
    } else {
    }
    %add3A_632 = arith.constant 32 : i32
    %add3A_633 = arith.addi %add3A_632, %arg1 : i32
    %lt3A_634 = arith.constant 250 : i32
    %lt3A_635 = arith.cmpi slt, %add3A_633, %lt3A_634 : i32
    %convert_element_type3A_636 = arith.extui %lt3A_635 : i1 to i32
    %cond3A_637 = arith.constant 0 : i32
    %cond3A_638 = arith.constant 0 : i32
    %cond3A_639 = arith.cmpi ne, %convert_element_type3A_636, %cond3A_638 : i32
    scf.if %cond3A_639 {
      %mul3A_744 = arith.constant 40 : i32
      %mul3A_745 = arith.muli %add3A_633, %mul3A_744 : i32
      "tpu.region"() ({
        %run_scoped3A_746 = tpu.sem_alloc : memref<!tpu.dma_semaphore, #tpu.memory_space<semaphore_mem>>
        %dma_start3A_747 = arith.constant 0 : i32
        %dma_start3A_748 = arith.constant 0 : i32
        %dma_start3A_749 = tpu.memref_slice %arg10[%cond3A_637, %dma_start3A_747, %dma_start3A_748] : memref<4x80x128xf32, #tpu.memory_space<vmem>> -> memref<1x80x128xf32, #tpu.memory_space<vmem>>
        %dma_start3A_750 = tpu.memref_squeeze %dma_start3A_749 : memref<1x80x128xf32, #tpu.memory_space<vmem>> -> memref<80x128xf32, #tpu.memory_space<vmem>>
        %dma_start3A_751 = arith.constant 0 : i32
        %dma_start3A_752 = arith.constant 0 : i32
        %dma_start3A_753 = tpu.memref_slice %dma_start3A_750[%dma_start3A_751, %dma_start3A_752] : memref<80x128xf32, #tpu.memory_space<vmem>> -> memref<40x128xf32, #tpu.memory_space<vmem>>
        %dma_start3A_754 = arith.constant 0 : i32
        %dma_start3A_755 = tpu.memref_slice %arg7[%mul3A_745, %dma_start3A_754] : memref<10008x128xf32, #tpu.memory_space<vmem_shared>> -> memref<40x128xf32, #tpu.memory_space<vmem_shared>>
        %dma_start3A_756 = arith.constant 0 : i32
        %dma_start3A_757 = arith.constant 0 : i32
        %dma_start3A_758 = tpu.memref_slice %arg10[%cond3A_637, %dma_start3A_756, %dma_start3A_757] : memref<4x80x128xf32, #tpu.memory_space<vmem>> -> memref<1x80x128xf32, #tpu.memory_space<vmem>>
        %dma_start3A_759 = tpu.memref_squeeze %dma_start3A_758 : memref<1x80x128xf32, #tpu.memory_space<vmem>> -> memref<80x128xf32, #tpu.memory_space<vmem>>
        %dma_start3A_760 = arith.constant 0 : i32
        %dma_start3A_761 = arith.constant 0 : i32
        %dma_start3A_762 = tpu.memref_slice %dma_start3A_759[%dma_start3A_760, %dma_start3A_761] : memref<80x128xf32, #tpu.memory_space<vmem>> -> memref<40x128xf32, #tpu.memory_space<vmem>>
        %dma_start3A_763 = arith.constant 0 : i32
        %dma_start3A_764 = tpu.memref_slice %arg7[%mul3A_745, %dma_start3A_763] : memref<10008x128xf32, #tpu.memory_space<vmem_shared>> -> memref<40x128xf32, #tpu.memory_space<vmem_shared>>
        tpu.enqueue_dma source(%dma_start3A_764 : memref<40x128xf32, #tpu.memory_space<vmem_shared>>) target(%dma_start3A_762 : memref<40x128xf32, #tpu.memory_space<vmem>>) target_semaphore(%run_scoped3A_746 : memref<!tpu.dma_semaphore, #tpu.memory_space<semaphore_mem>>)
        %dma_wait3A_765 = arith.constant 0 : i32
        %dma_wait3A_766 = arith.constant 0 : i32
        %dma_wait3A_767 = tpu.memref_slice %arg10[%cond3A_637, %dma_wait3A_765, %dma_wait3A_766] : memref<4x80x128xf32, #tpu.memory_space<vmem>> -> memref<1x80x128xf32, #tpu.memory_space<vmem>>
        %dma_wait3A_768 = tpu.memref_squeeze %dma_wait3A_767 : memref<1x80x128xf32, #tpu.memory_space<vmem>> -> memref<80x128xf32, #tpu.memory_space<vmem>>
        %dma_wait3A_769 = arith.constant 0 : i32
        %dma_wait3A_770 = arith.constant 0 : i32
        %dma_wait3A_771 = tpu.memref_slice %dma_wait3A_768[%dma_wait3A_769, %dma_wait3A_770] : memref<80x128xf32, #tpu.memory_space<vmem>> -> memref<40x128xf32, #tpu.memory_space<vmem>>
        %dma_wait3A_772 = arith.constant 0 : i32
        %dma_wait3A_773 = tpu.memref_slice %arg7[%mul3A_745, %dma_wait3A_772] : memref<10008x128xf32, #tpu.memory_space<vmem_shared>> -> memref<40x128xf32, #tpu.memory_space<vmem_shared>>
        %dma_wait3A_774 = arith.constant 0 : i32
        %dma_wait3A_775 = arith.constant 0 : i32
        %dma_wait3A_776 = tpu.memref_slice %arg10[%cond3A_637, %dma_wait3A_774, %dma_wait3A_775] : memref<4x80x128xf32, #tpu.memory_space<vmem>> -> memref<1x80x128xf32, #tpu.memory_space<vmem>>
        %dma_wait3A_777 = tpu.memref_squeeze %dma_wait3A_776 : memref<1x80x128xf32, #tpu.memory_space<vmem>> -> memref<80x128xf32, #tpu.memory_space<vmem>>
        %dma_wait3A_778 = arith.constant 0 : i32
        %dma_wait3A_779 = arith.constant 0 : i32
        %dma_wait3A_780 = tpu.memref_slice %dma_wait3A_777[%dma_wait3A_778, %dma_wait3A_779] : memref<80x128xf32, #tpu.memory_space<vmem>> -> memref<40x128xf32, #tpu.memory_space<vmem>>
        %dma_wait3A_781 = arith.constant 0 : i32
        %dma_wait3A_782 = tpu.memref_slice %arg7[%mul3A_745, %dma_wait3A_781] : memref<10008x128xf32, #tpu.memory_space<vmem_shared>> -> memref<40x128xf32, #tpu.memory_space<vmem_shared>>
        tpu.wait_dma2 semaphore(%run_scoped3A_746 : memref<!tpu.dma_semaphore, #tpu.memory_space<semaphore_mem>>) src(%dma_wait3A_782 : memref<40x128xf32, #tpu.memory_space<vmem_shared>>) dst(%dma_wait3A_780 : memref<40x128xf32, #tpu.memory_space<vmem>>)
        tpu.yield
      }) : () -> ()
      "tpu.region"() ({
        %run_scoped3A_746 = tpu.sem_alloc : memref<!tpu.dma_semaphore, #tpu.memory_space<semaphore_mem>>
        %dma_start3A_747 = arith.constant 0 : i32
        %dma_start3A_748 = arith.constant 0 : i32
        %dma_start3A_749 = tpu.memref_slice %arg10[%cond3A_637, %dma_start3A_747, %dma_start3A_748] : memref<4x80x128xf32, #tpu.memory_space<vmem>> -> memref<1x80x128xf32, #tpu.memory_space<vmem>>
        %dma_start3A_750 = tpu.memref_squeeze %dma_start3A_749 : memref<1x80x128xf32, #tpu.memory_space<vmem>> -> memref<80x128xf32, #tpu.memory_space<vmem>>
        %dma_start3A_751 = arith.constant 0 : i32
        %dma_start3A_752 = arith.constant 0 : i32
        %dma_start3A_753 = tpu.memref_slice %dma_start3A_750[%dma_start3A_751, %dma_start3A_752] : memref<80x128xf32, #tpu.memory_space<vmem>> -> memref<40x128xf32, #tpu.memory_space<vmem>>
        %dma_start3A_754 = arith.constant 0 : i32
        %dma_start3A_755 = arith.constant 0 : i32
        %dma_start3A_756 = tpu.memref_slice %arg6[%arg0, %dma_start3A_754, %dma_start3A_755] : memref<2x10000x128xf32, #tpu.memory_space<hbm>> -> memref<1x10000x128xf32, #tpu.memory_space<hbm>>
        %dma_start3A_757 = tpu.memref_squeeze %dma_start3A_756 : memref<1x10000x128xf32, #tpu.memory_space<hbm>> -> memref<10000x128xf32, #tpu.memory_space<hbm>>
        %dma_start3A_758 = arith.constant 0 : i32
        %dma_start3A_759 = tpu.memref_slice %dma_start3A_757[%mul3A_745, %dma_start3A_758] : memref<10000x128xf32, #tpu.memory_space<hbm>> -> memref<40x128xf32, #tpu.memory_space<hbm>>
        %dma_start3A_760 = arith.constant 0 : i32
        %dma_start3A_761 = arith.constant 0 : i32
        %dma_start3A_762 = tpu.memref_slice %arg6[%arg0, %dma_start3A_760, %dma_start3A_761] : memref<2x10000x128xf32, #tpu.memory_space<hbm>> -> memref<1x10000x128xf32, #tpu.memory_space<hbm>>
        %dma_start3A_763 = tpu.memref_squeeze %dma_start3A_762 : memref<1x10000x128xf32, #tpu.memory_space<hbm>> -> memref<10000x128xf32, #tpu.memory_space<hbm>>
        %dma_start3A_764 = arith.constant 0 : i32
        %dma_start3A_765 = tpu.memref_slice %dma_start3A_763[%mul3A_745, %dma_start3A_764] : memref<10000x128xf32, #tpu.memory_space<hbm>> -> memref<40x128xf32, #tpu.memory_space<hbm>>
        %dma_start3A_766 = arith.constant 0 : i32
        %dma_start3A_767 = arith.constant 0 : i32
        %dma_start3A_768 = tpu.memref_slice %arg10[%cond3A_637, %dma_start3A_766, %dma_start3A_767] : memref<4x80x128xf32, #tpu.memory_space<vmem>> -> memref<1x80x128xf32, #tpu.memory_space<vmem>>
        %dma_start3A_769 = tpu.memref_squeeze %dma_start3A_768 : memref<1x80x128xf32, #tpu.memory_space<vmem>> -> memref<80x128xf32, #tpu.memory_space<vmem>>
        %dma_start3A_770 = arith.constant 0 : i32
        %dma_start3A_771 = arith.constant 0 : i32
        %dma_start3A_772 = tpu.memref_slice %dma_start3A_769[%dma_start3A_770, %dma_start3A_771] : memref<80x128xf32, #tpu.memory_space<vmem>> -> memref<40x128xf32, #tpu.memory_space<vmem>>
        tpu.enqueue_dma source(%dma_start3A_772 : memref<40x128xf32, #tpu.memory_space<vmem>>) target(%dma_start3A_765 : memref<40x128xf32, #tpu.memory_space<hbm>>) target_semaphore(%run_scoped3A_746 : memref<!tpu.dma_semaphore, #tpu.memory_space<semaphore_mem>>)
        %dma_wait3A_773 = arith.constant 0 : i32
        %dma_wait3A_774 = arith.constant 0 : i32
        %dma_wait3A_775 = tpu.memref_slice %arg10[%cond3A_637, %dma_wait3A_773, %dma_wait3A_774] : memref<4x80x128xf32, #tpu.memory_space<vmem>> -> memref<1x80x128xf32, #tpu.memory_space<vmem>>
        %dma_wait3A_776 = tpu.memref_squeeze %dma_wait3A_775 : memref<1x80x128xf32, #tpu.memory_space<vmem>> -> memref<80x128xf32, #tpu.memory_space<vmem>>
        %dma_wait3A_777 = arith.constant 0 : i32
        %dma_wait3A_778 = arith.constant 0 : i32
        %dma_wait3A_779 = tpu.memref_slice %dma_wait3A_776[%dma_wait3A_777, %dma_wait3A_778] : memref<80x128xf32, #tpu.memory_space<vmem>> -> memref<40x128xf32, #tpu.memory_space<vmem>>
        %dma_wait3A_780 = arith.constant 0 : i32
        %dma_wait3A_781 = arith.constant 0 : i32
        %dma_wait3A_782 = tpu.memref_slice %arg6[%arg0, %dma_wait3A_780, %dma_wait3A_781] : memref<2x10000x128xf32, #tpu.memory_space<hbm>> -> memref<1x10000x128xf32, #tpu.memory_space<hbm>>
        %dma_wait3A_783 = tpu.memref_squeeze %dma_wait3A_782 : memref<1x10000x128xf32, #tpu.memory_space<hbm>> -> memref<10000x128xf32, #tpu.memory_space<hbm>>
        %dma_wait3A_784 = arith.constant 0 : i32
        %dma_wait3A_785 = tpu.memref_slice %dma_wait3A_783[%mul3A_745, %dma_wait3A_784] : memref<10000x128xf32, #tpu.memory_space<hbm>> -> memref<40x128xf32, #tpu.memory_space<hbm>>
        %dma_wait3A_786 = arith.constant 0 : i32
        %dma_wait3A_787 = arith.constant 0 : i32
        %dma_wait3A_788 = tpu.memref_slice %arg6[%arg0, %dma_wait3A_786, %dma_wait3A_787] : memref<2x10000x128xf32, #tpu.memory_space<hbm>> -> memref<1x10000x128xf32, #tpu.memory_space<hbm>>
        %dma_wait3A_789 = tpu.memref_squeeze %dma_wait3A_788 : memref<1x10000x128xf32, #tpu.memory_space<hbm>> -> memref<10000x128xf32, #tpu.memory_space<hbm>>
        %dma_wait3A_790 = arith.constant 0 : i32
        %dma_wait3A_791 = tpu.memref_slice %dma_wait3A_789[%mul3A_745, %dma_wait3A_790] : memref<10000x128xf32, #tpu.memory_space<hbm>> -> memref<40x128xf32, #tpu.memory_space<hbm>>
        %dma_wait3A_792 = arith.constant 0 : i32
        %dma_wait3A_793 = arith.constant 0 : i32
        %dma_wait3A_794 = tpu.memref_slice %arg10[%cond3A_637, %dma_wait3A_792, %dma_wait3A_793] : memref<4x80x128xf32, #tpu.memory_space<vmem>> -> memref<1x80x128xf32, #tpu.memory_space<vmem>>
        %dma_wait3A_795 = tpu.memref_squeeze %dma_wait3A_794 : memref<1x80x128xf32, #tpu.memory_space<vmem>> -> memref<80x128xf32, #tpu.memory_space<vmem>>
        %dma_wait3A_796 = arith.constant 0 : i32
        %dma_wait3A_797 = arith.constant 0 : i32
        %dma_wait3A_798 = tpu.memref_slice %dma_wait3A_795[%dma_wait3A_796, %dma_wait3A_797] : memref<80x128xf32, #tpu.memory_space<vmem>> -> memref<40x128xf32, #tpu.memory_space<vmem>>
        tpu.wait_dma2 semaphore(%run_scoped3A_746 : memref<!tpu.dma_semaphore, #tpu.memory_space<semaphore_mem>>) src(%dma_wait3A_798 : memref<40x128xf32, #tpu.memory_space<vmem>>) dst(%dma_wait3A_791 : memref<40x128xf32, #tpu.memory_space<hbm>>)
        tpu.yield
      }) : () -> ()
    } else {
    }
    %add3A_640 = arith.constant 48 : i32
    %add3A_641 = arith.addi %add3A_640, %arg1 : i32
    %lt3A_642 = arith.constant 250 : i32
    %lt3A_643 = arith.cmpi slt, %add3A_641, %lt3A_642 : i32
    %convert_element_type3A_644 = arith.extui %lt3A_643 : i1 to i32
    %cond3A_645 = arith.constant 0 : i32
    %cond3A_646 = arith.constant 0 : i32
    %cond3A_647 = arith.cmpi ne, %convert_element_type3A_644, %cond3A_646 : i32
    scf.if %cond3A_647 {
      %mul3A_744 = arith.constant 40 : i32
      %mul3A_745 = arith.muli %add3A_641, %mul3A_744 : i32
      "tpu.region"() ({
        %run_scoped3A_746 = tpu.sem_alloc : memref<!tpu.dma_semaphore, #tpu.memory_space<semaphore_mem>>
        %dma_start3A_747 = arith.constant 0 : i32
        %dma_start3A_748 = arith.constant 0 : i32
        %dma_start3A_749 = tpu.memref_slice %arg10[%cond3A_645, %dma_start3A_747, %dma_start3A_748] : memref<4x80x128xf32, #tpu.memory_space<vmem>> -> memref<1x80x128xf32, #tpu.memory_space<vmem>>
        %dma_start3A_750 = tpu.memref_squeeze %dma_start3A_749 : memref<1x80x128xf32, #tpu.memory_space<vmem>> -> memref<80x128xf32, #tpu.memory_space<vmem>>
        %dma_start3A_751 = arith.constant 0 : i32
        %dma_start3A_752 = arith.constant 0 : i32
        %dma_start3A_753 = tpu.memref_slice %dma_start3A_750[%dma_start3A_751, %dma_start3A_752] : memref<80x128xf32, #tpu.memory_space<vmem>> -> memref<40x128xf32, #tpu.memory_space<vmem>>
        %dma_start3A_754 = arith.constant 0 : i32
        %dma_start3A_755 = tpu.memref_slice %arg7[%mul3A_745, %dma_start3A_754] : memref<10008x128xf32, #tpu.memory_space<vmem_shared>> -> memref<40x128xf32, #tpu.memory_space<vmem_shared>>
        %dma_start3A_756 = arith.constant 0 : i32
        %dma_start3A_757 = arith.constant 0 : i32
        %dma_start3A_758 = tpu.memref_slice %arg10[%cond3A_645, %dma_start3A_756, %dma_start3A_757] : memref<4x80x128xf32, #tpu.memory_space<vmem>> -> memref<1x80x128xf32, #tpu.memory_space<vmem>>
        %dma_start3A_759 = tpu.memref_squeeze %dma_start3A_758 : memref<1x80x128xf32, #tpu.memory_space<vmem>> -> memref<80x128xf32, #tpu.memory_space<vmem>>
        %dma_start3A_760 = arith.constant 0 : i32
        %dma_start3A_761 = arith.constant 0 : i32
        %dma_start3A_762 = tpu.memref_slice %dma_start3A_759[%dma_start3A_760, %dma_start3A_761] : memref<80x128xf32, #tpu.memory_space<vmem>> -> memref<40x128xf32, #tpu.memory_space<vmem>>
        %dma_start3A_763 = arith.constant 0 : i32
        %dma_start3A_764 = tpu.memref_slice %arg7[%mul3A_745, %dma_start3A_763] : memref<10008x128xf32, #tpu.memory_space<vmem_shared>> -> memref<40x128xf32, #tpu.memory_space<vmem_shared>>
        tpu.enqueue_dma source(%dma_start3A_764 : memref<40x128xf32, #tpu.memory_space<vmem_shared>>) target(%dma_start3A_762 : memref<40x128xf32, #tpu.memory_space<vmem>>) target_semaphore(%run_scoped3A_746 : memref<!tpu.dma_semaphore, #tpu.memory_space<semaphore_mem>>)
        %dma_wait3A_765 = arith.constant 0 : i32
        %dma_wait3A_766 = arith.constant 0 : i32
        %dma_wait3A_767 = tpu.memref_slice %arg10[%cond3A_645, %dma_wait3A_765, %dma_wait3A_766] : memref<4x80x128xf32, #tpu.memory_space<vmem>> -> memref<1x80x128xf32, #tpu.memory_space<vmem>>
        %dma_wait3A_768 = tpu.memref_squeeze %dma_wait3A_767 : memref<1x80x128xf32, #tpu.memory_space<vmem>> -> memref<80x128xf32, #tpu.memory_space<vmem>>
        %dma_wait3A_769 = arith.constant 0 : i32
        %dma_wait3A_770 = arith.constant 0 : i32
        %dma_wait3A_771 = tpu.memref_slice %dma_wait3A_768[%dma_wait3A_769, %dma_wait3A_770] : memref<80x128xf32, #tpu.memory_space<vmem>> -> memref<40x128xf32, #tpu.memory_space<vmem>>
        %dma_wait3A_772 = arith.constant 0 : i32
        %dma_wait3A_773 = tpu.memref_slice %arg7[%mul3A_745, %dma_wait3A_772] : memref<10008x128xf32, #tpu.memory_space<vmem_shared>> -> memref<40x128xf32, #tpu.memory_space<vmem_shared>>
        %dma_wait3A_774 = arith.constant 0 : i32
        %dma_wait3A_775 = arith.constant 0 : i32
        %dma_wait3A_776 = tpu.memref_slice %arg10[%cond3A_645, %dma_wait3A_774, %dma_wait3A_775] : memref<4x80x128xf32, #tpu.memory_space<vmem>> -> memref<1x80x128xf32, #tpu.memory_space<vmem>>
        %dma_wait3A_777 = tpu.memref_squeeze %dma_wait3A_776 : memref<1x80x128xf32, #tpu.memory_space<vmem>> -> memref<80x128xf32, #tpu.memory_space<vmem>>
        %dma_wait3A_778 = arith.constant 0 : i32
        %dma_wait3A_779 = arith.constant 0 : i32
        %dma_wait3A_780 = tpu.memref_slice %dma_wait3A_777[%dma_wait3A_778, %dma_wait3A_779] : memref<80x128xf32, #tpu.memory_space<vmem>> -> memref<40x128xf32, #tpu.memory_space<vmem>>
        %dma_wait3A_781 = arith.constant 0 : i32
        %dma_wait3A_782 = tpu.memref_slice %arg7[%mul3A_745, %dma_wait3A_781] : memref<10008x128xf32, #tpu.memory_space<vmem_shared>> -> memref<40x128xf32, #tpu.memory_space<vmem_shared>>
        tpu.wait_dma2 semaphore(%run_scoped3A_746 : memref<!tpu.dma_semaphore, #tpu.memory_space<semaphore_mem>>) src(%dma_wait3A_782 : memref<40x128xf32, #tpu.memory_space<vmem_shared>>) dst(%dma_wait3A_780 : memref<40x128xf32, #tpu.memory_space<vmem>>)
        tpu.yield
      }) : () -> ()
      "tpu.region"() ({
        %run_scoped3A_746 = tpu.sem_alloc : memref<!tpu.dma_semaphore, #tpu.memory_space<semaphore_mem>>
        %dma_start3A_747 = arith.constant 0 : i32
        %dma_start3A_748 = arith.constant 0 : i32
        %dma_start3A_749 = tpu.memref_slice %arg10[%cond3A_645, %dma_start3A_747, %dma_start3A_748] : memref<4x80x128xf32, #tpu.memory_space<vmem>> -> memref<1x80x128xf32, #tpu.memory_space<vmem>>
        %dma_start3A_750 = tpu.memref_squeeze %dma_start3A_749 : memref<1x80x128xf32, #tpu.memory_space<vmem>> -> memref<80x128xf32, #tpu.memory_space<vmem>>
        %dma_start3A_751 = arith.constant 0 : i32
        %dma_start3A_752 = arith.constant 0 : i32
        %dma_start3A_753 = tpu.memref_slice %dma_start3A_750[%dma_start3A_751, %dma_start3A_752] : memref<80x128xf32, #tpu.memory_space<vmem>> -> memref<40x128xf32, #tpu.memory_space<vmem>>
        %dma_start3A_754 = arith.constant 0 : i32
        %dma_start3A_755 = arith.constant 0 : i32
        %dma_start3A_756 = tpu.memref_slice %arg6[%arg0, %dma_start3A_754, %dma_start3A_755] : memref<2x10000x128xf32, #tpu.memory_space<hbm>> -> memref<1x10000x128xf32, #tpu.memory_space<hbm>>
        %dma_start3A_757 = tpu.memref_squeeze %dma_start3A_756 : memref<1x10000x128xf32, #tpu.memory_space<hbm>> -> memref<10000x128xf32, #tpu.memory_space<hbm>>
        %dma_start3A_758 = arith.constant 0 : i32
        %dma_start3A_759 = tpu.memref_slice %dma_start3A_757[%mul3A_745, %dma_start3A_758] : memref<10000x128xf32, #tpu.memory_space<hbm>> -> memref<40x128xf32, #tpu.memory_space<hbm>>
        %dma_start3A_760 = arith.constant 0 : i32
        %dma_start3A_761 = arith.constant 0 : i32
        %dma_start3A_762 = tpu.memref_slice %arg6[%arg0, %dma_start3A_760, %dma_start3A_761] : memref<2x10000x128xf32, #tpu.memory_space<hbm>> -> memref<1x10000x128xf32, #tpu.memory_space<hbm>>
        %dma_start3A_763 = tpu.memref_squeeze %dma_start3A_762 : memref<1x10000x128xf32, #tpu.memory_space<hbm>> -> memref<10000x128xf32, #tpu.memory_space<hbm>>
        %dma_start3A_764 = arith.constant 0 : i32
        %dma_start3A_765 = tpu.memref_slice %dma_start3A_763[%mul3A_745, %dma_start3A_764] : memref<10000x128xf32, #tpu.memory_space<hbm>> -> memref<40x128xf32, #tpu.memory_space<hbm>>
        %dma_start3A_766 = arith.constant 0 : i32
        %dma_start3A_767 = arith.constant 0 : i32
        %dma_start3A_768 = tpu.memref_slice %arg10[%cond3A_645, %dma_start3A_766, %dma_start3A_767] : memref<4x80x128xf32, #tpu.memory_space<vmem>> -> memref<1x80x128xf32, #tpu.memory_space<vmem>>
        %dma_start3A_769 = tpu.memref_squeeze %dma_start3A_768 : memref<1x80x128xf32, #tpu.memory_space<vmem>> -> memref<80x128xf32, #tpu.memory_space<vmem>>
        %dma_start3A_770 = arith.constant 0 : i32
        %dma_start3A_771 = arith.constant 0 : i32
        %dma_start3A_772 = tpu.memref_slice %dma_start3A_769[%dma_start3A_770, %dma_start3A_771] : memref<80x128xf32, #tpu.memory_space<vmem>> -> memref<40x128xf32, #tpu.memory_space<vmem>>
        tpu.enqueue_dma source(%dma_start3A_772 : memref<40x128xf32, #tpu.memory_space<vmem>>) target(%dma_start3A_765 : memref<40x128xf32, #tpu.memory_space<hbm>>) target_semaphore(%run_scoped3A_746 : memref<!tpu.dma_semaphore, #tpu.memory_space<semaphore_mem>>)
        %dma_wait3A_773 = arith.constant 0 : i32
        %dma_wait3A_774 = arith.constant 0 : i32
        %dma_wait3A_775 = tpu.memref_slice %arg10[%cond3A_645, %dma_wait3A_773, %dma_wait3A_774] : memref<4x80x128xf32, #tpu.memory_space<vmem>> -> memref<1x80x128xf32, #tpu.memory_space<vmem>>
        %dma_wait3A_776 = tpu.memref_squeeze %dma_wait3A_775 : memref<1x80x128xf32, #tpu.memory_space<vmem>> -> memref<80x128xf32, #tpu.memory_space<vmem>>
        %dma_wait3A_777 = arith.constant 0 : i32
        %dma_wait3A_778 = arith.constant 0 : i32
        %dma_wait3A_779 = tpu.memref_slice %dma_wait3A_776[%dma_wait3A_777, %dma_wait3A_778] : memref<80x128xf32, #tpu.memory_space<vmem>> -> memref<40x128xf32, #tpu.memory_space<vmem>>
        %dma_wait3A_780 = arith.constant 0 : i32
        %dma_wait3A_781 = arith.constant 0 : i32
        %dma_wait3A_782 = tpu.memref_slice %arg6[%arg0, %dma_wait3A_780, %dma_wait3A_781] : memref<2x10000x128xf32, #tpu.memory_space<hbm>> -> memref<1x10000x128xf32, #tpu.memory_space<hbm>>
        %dma_wait3A_783 = tpu.memref_squeeze %dma_wait3A_782 : memref<1x10000x128xf32, #tpu.memory_space<hbm>> -> memref<10000x128xf32, #tpu.memory_space<hbm>>
        %dma_wait3A_784 = arith.constant 0 : i32
        %dma_wait3A_785 = tpu.memref_slice %dma_wait3A_783[%mul3A_745, %dma_wait3A_784] : memref<10000x128xf32, #tpu.memory_space<hbm>> -> memref<40x128xf32, #tpu.memory_space<hbm>>
        %dma_wait3A_786 = arith.constant 0 : i32
        %dma_wait3A_787 = arith.constant 0 : i32
        %dma_wait3A_788 = tpu.memref_slice %arg6[%arg0, %dma_wait3A_786, %dma_wait3A_787] : memref<2x10000x128xf32, #tpu.memory_space<hbm>> -> memref<1x10000x128xf32, #tpu.memory_space<hbm>>
        %dma_wait3A_789 = tpu.memref_squeeze %dma_wait3A_788 : memref<1x10000x128xf32, #tpu.memory_space<hbm>> -> memref<10000x128xf32, #tpu.memory_space<hbm>>
        %dma_wait3A_790 = arith.constant 0 : i32
        %dma_wait3A_791 = tpu.memref_slice %dma_wait3A_789[%mul3A_745, %dma_wait3A_790] : memref<10000x128xf32, #tpu.memory_space<hbm>> -> memref<40x128xf32, #tpu.memory_space<hbm>>
        %dma_wait3A_792 = arith.constant 0 : i32
        %dma_wait3A_793 = arith.constant 0 : i32
        %dma_wait3A_794 = tpu.memref_slice %arg10[%cond3A_645, %dma_wait3A_792, %dma_wait3A_793] : memref<4x80x128xf32, #tpu.memory_space<vmem>> -> memref<1x80x128xf32, #tpu.memory_space<vmem>>
        %dma_wait3A_795 = tpu.memref_squeeze %dma_wait3A_794 : memref<1x80x128xf32, #tpu.memory_space<vmem>> -> memref<80x128xf32, #tpu.memory_space<vmem>>
        %dma_wait3A_796 = arith.constant 0 : i32
        %dma_wait3A_797 = arith.constant 0 : i32
        %dma_wait3A_798 = tpu.memref_slice %dma_wait3A_795[%dma_wait3A_796, %dma_wait3A_797] : memref<80x128xf32, #tpu.memory_space<vmem>> -> memref<40x128xf32, #tpu.memory_space<vmem>>
        tpu.wait_dma2 semaphore(%run_scoped3A_746 : memref<!tpu.dma_semaphore, #tpu.memory_space<semaphore_mem>>) src(%dma_wait3A_798 : memref<40x128xf32, #tpu.memory_space<vmem>>) dst(%dma_wait3A_791 : memref<40x128xf32, #tpu.memory_space<hbm>>)
        tpu.yield
      }) : () -> ()
    } else {
    }
    %add3A_648 = arith.constant 64 : i32
    %add3A_649 = arith.addi %add3A_648, %arg1 : i32
    %lt3A_650 = arith.constant 250 : i32
    %lt3A_651 = arith.cmpi slt, %add3A_649, %lt3A_650 : i32
    %convert_element_type3A_652 = arith.extui %lt3A_651 : i1 to i32
    %cond3A_653 = arith.constant 0 : i32
    %cond3A_654 = arith.constant 0 : i32
    %cond3A_655 = arith.cmpi ne, %convert_element_type3A_652, %cond3A_654 : i32
    scf.if %cond3A_655 {
      %mul3A_744 = arith.constant 40 : i32
      %mul3A_745 = arith.muli %add3A_649, %mul3A_744 : i32
      "tpu.region"() ({
        %run_scoped3A_746 = tpu.sem_alloc : memref<!tpu.dma_semaphore, #tpu.memory_space<semaphore_mem>>
        %dma_start3A_747 = arith.constant 0 : i32
        %dma_start3A_748 = arith.constant 0 : i32
        %dma_start3A_749 = tpu.memref_slice %arg10[%cond3A_653, %dma_start3A_747, %dma_start3A_748] : memref<4x80x128xf32, #tpu.memory_space<vmem>> -> memref<1x80x128xf32, #tpu.memory_space<vmem>>
        %dma_start3A_750 = tpu.memref_squeeze %dma_start3A_749 : memref<1x80x128xf32, #tpu.memory_space<vmem>> -> memref<80x128xf32, #tpu.memory_space<vmem>>
        %dma_start3A_751 = arith.constant 0 : i32
        %dma_start3A_752 = arith.constant 0 : i32
        %dma_start3A_753 = tpu.memref_slice %dma_start3A_750[%dma_start3A_751, %dma_start3A_752] : memref<80x128xf32, #tpu.memory_space<vmem>> -> memref<40x128xf32, #tpu.memory_space<vmem>>
        %dma_start3A_754 = arith.constant 0 : i32
        %dma_start3A_755 = tpu.memref_slice %arg7[%mul3A_745, %dma_start3A_754] : memref<10008x128xf32, #tpu.memory_space<vmem_shared>> -> memref<40x128xf32, #tpu.memory_space<vmem_shared>>
        %dma_start3A_756 = arith.constant 0 : i32
        %dma_start3A_757 = arith.constant 0 : i32
        %dma_start3A_758 = tpu.memref_slice %arg10[%cond3A_653, %dma_start3A_756, %dma_start3A_757] : memref<4x80x128xf32, #tpu.memory_space<vmem>> -> memref<1x80x128xf32, #tpu.memory_space<vmem>>
        %dma_start3A_759 = tpu.memref_squeeze %dma_start3A_758 : memref<1x80x128xf32, #tpu.memory_space<vmem>> -> memref<80x128xf32, #tpu.memory_space<vmem>>
        %dma_start3A_760 = arith.constant 0 : i32
        %dma_start3A_761 = arith.constant 0 : i32
        %dma_start3A_762 = tpu.memref_slice %dma_start3A_759[%dma_start3A_760, %dma_start3A_761] : memref<80x128xf32, #tpu.memory_space<vmem>> -> memref<40x128xf32, #tpu.memory_space<vmem>>
        %dma_start3A_763 = arith.constant 0 : i32
        %dma_start3A_764 = tpu.memref_slice %arg7[%mul3A_745, %dma_start3A_763] : memref<10008x128xf32, #tpu.memory_space<vmem_shared>> -> memref<40x128xf32, #tpu.memory_space<vmem_shared>>
        tpu.enqueue_dma source(%dma_start3A_764 : memref<40x128xf32, #tpu.memory_space<vmem_shared>>) target(%dma_start3A_762 : memref<40x128xf32, #tpu.memory_space<vmem>>) target_semaphore(%run_scoped3A_746 : memref<!tpu.dma_semaphore, #tpu.memory_space<semaphore_mem>>)
        %dma_wait3A_765 = arith.constant 0 : i32
        %dma_wait3A_766 = arith.constant 0 : i32
        %dma_wait3A_767 = tpu.memref_slice %arg10[%cond3A_653, %dma_wait3A_765, %dma_wait3A_766] : memref<4x80x128xf32, #tpu.memory_space<vmem>> -> memref<1x80x128xf32, #tpu.memory_space<vmem>>
        %dma_wait3A_768 = tpu.memref_squeeze %dma_wait3A_767 : memref<1x80x128xf32, #tpu.memory_space<vmem>> -> memref<80x128xf32, #tpu.memory_space<vmem>>
        %dma_wait3A_769 = arith.constant 0 : i32
        %dma_wait3A_770 = arith.constant 0 : i32
        %dma_wait3A_771 = tpu.memref_slice %dma_wait3A_768[%dma_wait3A_769, %dma_wait3A_770] : memref<80x128xf32, #tpu.memory_space<vmem>> -> memref<40x128xf32, #tpu.memory_space<vmem>>
        %dma_wait3A_772 = arith.constant 0 : i32
        %dma_wait3A_773 = tpu.memref_slice %arg7[%mul3A_745, %dma_wait3A_772] : memref<10008x128xf32, #tpu.memory_space<vmem_shared>> -> memref<40x128xf32, #tpu.memory_space<vmem_shared>>
        %dma_wait3A_774 = arith.constant 0 : i32
        %dma_wait3A_775 = arith.constant 0 : i32
        %dma_wait3A_776 = tpu.memref_slice %arg10[%cond3A_653, %dma_wait3A_774, %dma_wait3A_775] : memref<4x80x128xf32, #tpu.memory_space<vmem>> -> memref<1x80x128xf32, #tpu.memory_space<vmem>>
        %dma_wait3A_777 = tpu.memref_squeeze %dma_wait3A_776 : memref<1x80x128xf32, #tpu.memory_space<vmem>> -> memref<80x128xf32, #tpu.memory_space<vmem>>
        %dma_wait3A_778 = arith.constant 0 : i32
        %dma_wait3A_779 = arith.constant 0 : i32
        %dma_wait3A_780 = tpu.memref_slice %dma_wait3A_777[%dma_wait3A_778, %dma_wait3A_779] : memref<80x128xf32, #tpu.memory_space<vmem>> -> memref<40x128xf32, #tpu.memory_space<vmem>>
        %dma_wait3A_781 = arith.constant 0 : i32
        %dma_wait3A_782 = tpu.memref_slice %arg7[%mul3A_745, %dma_wait3A_781] : memref<10008x128xf32, #tpu.memory_space<vmem_shared>> -> memref<40x128xf32, #tpu.memory_space<vmem_shared>>
        tpu.wait_dma2 semaphore(%run_scoped3A_746 : memref<!tpu.dma_semaphore, #tpu.memory_space<semaphore_mem>>) src(%dma_wait3A_782 : memref<40x128xf32, #tpu.memory_space<vmem_shared>>) dst(%dma_wait3A_780 : memref<40x128xf32, #tpu.memory_space<vmem>>)
        tpu.yield
      }) : () -> ()
      "tpu.region"() ({
        %run_scoped3A_746 = tpu.sem_alloc : memref<!tpu.dma_semaphore, #tpu.memory_space<semaphore_mem>>
        %dma_start3A_747 = arith.constant 0 : i32
        %dma_start3A_748 = arith.constant 0 : i32
        %dma_start3A_749 = tpu.memref_slice %arg10[%cond3A_653, %dma_start3A_747, %dma_start3A_748] : memref<4x80x128xf32, #tpu.memory_space<vmem>> -> memref<1x80x128xf32, #tpu.memory_space<vmem>>
        %dma_start3A_750 = tpu.memref_squeeze %dma_start3A_749 : memref<1x80x128xf32, #tpu.memory_space<vmem>> -> memref<80x128xf32, #tpu.memory_space<vmem>>
        %dma_start3A_751 = arith.constant 0 : i32
        %dma_start3A_752 = arith.constant 0 : i32
        %dma_start3A_753 = tpu.memref_slice %dma_start3A_750[%dma_start3A_751, %dma_start3A_752] : memref<80x128xf32, #tpu.memory_space<vmem>> -> memref<40x128xf32, #tpu.memory_space<vmem>>
        %dma_start3A_754 = arith.constant 0 : i32
        %dma_start3A_755 = arith.constant 0 : i32
        %dma_start3A_756 = tpu.memref_slice %arg6[%arg0, %dma_start3A_754, %dma_start3A_755] : memref<2x10000x128xf32, #tpu.memory_space<hbm>> -> memref<1x10000x128xf32, #tpu.memory_space<hbm>>
        %dma_start3A_757 = tpu.memref_squeeze %dma_start3A_756 : memref<1x10000x128xf32, #tpu.memory_space<hbm>> -> memref<10000x128xf32, #tpu.memory_space<hbm>>
        %dma_start3A_758 = arith.constant 0 : i32
        %dma_start3A_759 = tpu.memref_slice %dma_start3A_757[%mul3A_745, %dma_start3A_758] : memref<10000x128xf32, #tpu.memory_space<hbm>> -> memref<40x128xf32, #tpu.memory_space<hbm>>
        %dma_start3A_760 = arith.constant 0 : i32
        %dma_start3A_761 = arith.constant 0 : i32
        %dma_start3A_762 = tpu.memref_slice %arg6[%arg0, %dma_start3A_760, %dma_start3A_761] : memref<2x10000x128xf32, #tpu.memory_space<hbm>> -> memref<1x10000x128xf32, #tpu.memory_space<hbm>>
        %dma_start3A_763 = tpu.memref_squeeze %dma_start3A_762 : memref<1x10000x128xf32, #tpu.memory_space<hbm>> -> memref<10000x128xf32, #tpu.memory_space<hbm>>
        %dma_start3A_764 = arith.constant 0 : i32
        %dma_start3A_765 = tpu.memref_slice %dma_start3A_763[%mul3A_745, %dma_start3A_764] : memref<10000x128xf32, #tpu.memory_space<hbm>> -> memref<40x128xf32, #tpu.memory_space<hbm>>
        %dma_start3A_766 = arith.constant 0 : i32
        %dma_start3A_767 = arith.constant 0 : i32
        %dma_start3A_768 = tpu.memref_slice %arg10[%cond3A_653, %dma_start3A_766, %dma_start3A_767] : memref<4x80x128xf32, #tpu.memory_space<vmem>> -> memref<1x80x128xf32, #tpu.memory_space<vmem>>
        %dma_start3A_769 = tpu.memref_squeeze %dma_start3A_768 : memref<1x80x128xf32, #tpu.memory_space<vmem>> -> memref<80x128xf32, #tpu.memory_space<vmem>>
        %dma_start3A_770 = arith.constant 0 : i32
        %dma_start3A_771 = arith.constant 0 : i32
        %dma_start3A_772 = tpu.memref_slice %dma_start3A_769[%dma_start3A_770, %dma_start3A_771] : memref<80x128xf32, #tpu.memory_space<vmem>> -> memref<40x128xf32, #tpu.memory_space<vmem>>
        tpu.enqueue_dma source(%dma_start3A_772 : memref<40x128xf32, #tpu.memory_space<vmem>>) target(%dma_start3A_765 : memref<40x128xf32, #tpu.memory_space<hbm>>) target_semaphore(%run_scoped3A_746 : memref<!tpu.dma_semaphore, #tpu.memory_space<semaphore_mem>>)
        %dma_wait3A_773 = arith.constant 0 : i32
        %dma_wait3A_774 = arith.constant 0 : i32
        %dma_wait3A_775 = tpu.memref_slice %arg10[%cond3A_653, %dma_wait3A_773, %dma_wait3A_774] : memref<4x80x128xf32, #tpu.memory_space<vmem>> -> memref<1x80x128xf32, #tpu.memory_space<vmem>>
        %dma_wait3A_776 = tpu.memref_squeeze %dma_wait3A_775 : memref<1x80x128xf32, #tpu.memory_space<vmem>> -> memref<80x128xf32, #tpu.memory_space<vmem>>
        %dma_wait3A_777 = arith.constant 0 : i32
        %dma_wait3A_778 = arith.constant 0 : i32
        %dma_wait3A_779 = tpu.memref_slice %dma_wait3A_776[%dma_wait3A_777, %dma_wait3A_778] : memref<80x128xf32, #tpu.memory_space<vmem>> -> memref<40x128xf32, #tpu.memory_space<vmem>>
        %dma_wait3A_780 = arith.constant 0 : i32
        %dma_wait3A_781 = arith.constant 0 : i32
        %dma_wait3A_782 = tpu.memref_slice %arg6[%arg0, %dma_wait3A_780, %dma_wait3A_781] : memref<2x10000x128xf32, #tpu.memory_space<hbm>> -> memref<1x10000x128xf32, #tpu.memory_space<hbm>>
        %dma_wait3A_783 = tpu.memref_squeeze %dma_wait3A_782 : memref<1x10000x128xf32, #tpu.memory_space<hbm>> -> memref<10000x128xf32, #tpu.memory_space<hbm>>
        %dma_wait3A_784 = arith.constant 0 : i32
        %dma_wait3A_785 = tpu.memref_slice %dma_wait3A_783[%mul3A_745, %dma_wait3A_784] : memref<10000x128xf32, #tpu.memory_space<hbm>> -> memref<40x128xf32, #tpu.memory_space<hbm>>
        %dma_wait3A_786 = arith.constant 0 : i32
        %dma_wait3A_787 = arith.constant 0 : i32
        %dma_wait3A_788 = tpu.memref_slice %arg6[%arg0, %dma_wait3A_786, %dma_wait3A_787] : memref<2x10000x128xf32, #tpu.memory_space<hbm>> -> memref<1x10000x128xf32, #tpu.memory_space<hbm>>
        %dma_wait3A_789 = tpu.memref_squeeze %dma_wait3A_788 : memref<1x10000x128xf32, #tpu.memory_space<hbm>> -> memref<10000x128xf32, #tpu.memory_space<hbm>>
        %dma_wait3A_790 = arith.constant 0 : i32
        %dma_wait3A_791 = tpu.memref_slice %dma_wait3A_789[%mul3A_745, %dma_wait3A_790] : memref<10000x128xf32, #tpu.memory_space<hbm>> -> memref<40x128xf32, #tpu.memory_space<hbm>>
        %dma_wait3A_792 = arith.constant 0 : i32
        %dma_wait3A_793 = arith.constant 0 : i32
        %dma_wait3A_794 = tpu.memref_slice %arg10[%cond3A_653, %dma_wait3A_792, %dma_wait3A_793] : memref<4x80x128xf32, #tpu.memory_space<vmem>> -> memref<1x80x128xf32, #tpu.memory_space<vmem>>
        %dma_wait3A_795 = tpu.memref_squeeze %dma_wait3A_794 : memref<1x80x128xf32, #tpu.memory_space<vmem>> -> memref<80x128xf32, #tpu.memory_space<vmem>>
        %dma_wait3A_796 = arith.constant 0 : i32
        %dma_wait3A_797 = arith.constant 0 : i32
        %dma_wait3A_798 = tpu.memref_slice %dma_wait3A_795[%dma_wait3A_796, %dma_wait3A_797] : memref<80x128xf32, #tpu.memory_space<vmem>> -> memref<40x128xf32, #tpu.memory_space<vmem>>
        tpu.wait_dma2 semaphore(%run_scoped3A_746 : memref<!tpu.dma_semaphore, #tpu.memory_space<semaphore_mem>>) src(%dma_wait3A_798 : memref<40x128xf32, #tpu.memory_space<vmem>>) dst(%dma_wait3A_791 : memref<40x128xf32, #tpu.memory_space<hbm>>)
        tpu.yield
      }) : () -> ()
    } else {
    }
    %add3A_656 = arith.constant 80 : i32
    %add3A_657 = arith.addi %add3A_656, %arg1 : i32
    %lt3A_658 = arith.constant 250 : i32
    %lt3A_659 = arith.cmpi slt, %add3A_657, %lt3A_658 : i32
    %convert_element_type3A_660 = arith.extui %lt3A_659 : i1 to i32
    %cond3A_661 = arith.constant 0 : i32
    %cond3A_662 = arith.constant 0 : i32
    %cond3A_663 = arith.cmpi ne, %convert_element_type3A_660, %cond3A_662 : i32
    scf.if %cond3A_663 {
      %mul3A_744 = arith.constant 40 : i32
      %mul3A_745 = arith.muli %add3A_657, %mul3A_744 : i32
      "tpu.region"() ({
        %run_scoped3A_746 = tpu.sem_alloc : memref<!tpu.dma_semaphore, #tpu.memory_space<semaphore_mem>>
        %dma_start3A_747 = arith.constant 0 : i32
        %dma_start3A_748 = arith.constant 0 : i32
        %dma_start3A_749 = tpu.memref_slice %arg10[%cond3A_661, %dma_start3A_747, %dma_start3A_748] : memref<4x80x128xf32, #tpu.memory_space<vmem>> -> memref<1x80x128xf32, #tpu.memory_space<vmem>>
        %dma_start3A_750 = tpu.memref_squeeze %dma_start3A_749 : memref<1x80x128xf32, #tpu.memory_space<vmem>> -> memref<80x128xf32, #tpu.memory_space<vmem>>
        %dma_start3A_751 = arith.constant 0 : i32
        %dma_start3A_752 = arith.constant 0 : i32
        %dma_start3A_753 = tpu.memref_slice %dma_start3A_750[%dma_start3A_751, %dma_start3A_752] : memref<80x128xf32, #tpu.memory_space<vmem>> -> memref<40x128xf32, #tpu.memory_space<vmem>>
        %dma_start3A_754 = arith.constant 0 : i32
        %dma_start3A_755 = tpu.memref_slice %arg7[%mul3A_745, %dma_start3A_754] : memref<10008x128xf32, #tpu.memory_space<vmem_shared>> -> memref<40x128xf32, #tpu.memory_space<vmem_shared>>
        %dma_start3A_756 = arith.constant 0 : i32
        %dma_start3A_757 = arith.constant 0 : i32
        %dma_start3A_758 = tpu.memref_slice %arg10[%cond3A_661, %dma_start3A_756, %dma_start3A_757] : memref<4x80x128xf32, #tpu.memory_space<vmem>> -> memref<1x80x128xf32, #tpu.memory_space<vmem>>
        %dma_start3A_759 = tpu.memref_squeeze %dma_start3A_758 : memref<1x80x128xf32, #tpu.memory_space<vmem>> -> memref<80x128xf32, #tpu.memory_space<vmem>>
        %dma_start3A_760 = arith.constant 0 : i32
        %dma_start3A_761 = arith.constant 0 : i32
        %dma_start3A_762 = tpu.memref_slice %dma_start3A_759[%dma_start3A_760, %dma_start3A_761] : memref<80x128xf32, #tpu.memory_space<vmem>> -> memref<40x128xf32, #tpu.memory_space<vmem>>
        %dma_start3A_763 = arith.constant 0 : i32
        %dma_start3A_764 = tpu.memref_slice %arg7[%mul3A_745, %dma_start3A_763] : memref<10008x128xf32, #tpu.memory_space<vmem_shared>> -> memref<40x128xf32, #tpu.memory_space<vmem_shared>>
        tpu.enqueue_dma source(%dma_start3A_764 : memref<40x128xf32, #tpu.memory_space<vmem_shared>>) target(%dma_start3A_762 : memref<40x128xf32, #tpu.memory_space<vmem>>) target_semaphore(%run_scoped3A_746 : memref<!tpu.dma_semaphore, #tpu.memory_space<semaphore_mem>>)
        %dma_wait3A_765 = arith.constant 0 : i32
        %dma_wait3A_766 = arith.constant 0 : i32
        %dma_wait3A_767 = tpu.memref_slice %arg10[%cond3A_661, %dma_wait3A_765, %dma_wait3A_766] : memref<4x80x128xf32, #tpu.memory_space<vmem>> -> memref<1x80x128xf32, #tpu.memory_space<vmem>>
        %dma_wait3A_768 = tpu.memref_squeeze %dma_wait3A_767 : memref<1x80x128xf32, #tpu.memory_space<vmem>> -> memref<80x128xf32, #tpu.memory_space<vmem>>
        %dma_wait3A_769 = arith.constant 0 : i32
        %dma_wait3A_770 = arith.constant 0 : i32
        %dma_wait3A_771 = tpu.memref_slice %dma_wait3A_768[%dma_wait3A_769, %dma_wait3A_770] : memref<80x128xf32, #tpu.memory_space<vmem>> -> memref<40x128xf32, #tpu.memory_space<vmem>>
        %dma_wait3A_772 = arith.constant 0 : i32
        %dma_wait3A_773 = tpu.memref_slice %arg7[%mul3A_745, %dma_wait3A_772] : memref<10008x128xf32, #tpu.memory_space<vmem_shared>> -> memref<40x128xf32, #tpu.memory_space<vmem_shared>>
        %dma_wait3A_774 = arith.constant 0 : i32
        %dma_wait3A_775 = arith.constant 0 : i32
        %dma_wait3A_776 = tpu.memref_slice %arg10[%cond3A_661, %dma_wait3A_774, %dma_wait3A_775] : memref<4x80x128xf32, #tpu.memory_space<vmem>> -> memref<1x80x128xf32, #tpu.memory_space<vmem>>
        %dma_wait3A_777 = tpu.memref_squeeze %dma_wait3A_776 : memref<1x80x128xf32, #tpu.memory_space<vmem>> -> memref<80x128xf32, #tpu.memory_space<vmem>>
        %dma_wait3A_778 = arith.constant 0 : i32
        %dma_wait3A_779 = arith.constant 0 : i32
        %dma_wait3A_780 = tpu.memref_slice %dma_wait3A_777[%dma_wait3A_778, %dma_wait3A_779] : memref<80x128xf32, #tpu.memory_space<vmem>> -> memref<40x128xf32, #tpu.memory_space<vmem>>
        %dma_wait3A_781 = arith.constant 0 : i32
        %dma_wait3A_782 = tpu.memref_slice %arg7[%mul3A_745, %dma_wait3A_781] : memref<10008x128xf32, #tpu.memory_space<vmem_shared>> -> memref<40x128xf32, #tpu.memory_space<vmem_shared>>
        tpu.wait_dma2 semaphore(%run_scoped3A_746 : memref<!tpu.dma_semaphore, #tpu.memory_space<semaphore_mem>>) src(%dma_wait3A_782 : memref<40x128xf32, #tpu.memory_space<vmem_shared>>) dst(%dma_wait3A_780 : memref<40x128xf32, #tpu.memory_space<vmem>>)
        tpu.yield
      }) : () -> ()
      "tpu.region"() ({
        %run_scoped3A_746 = tpu.sem_alloc : memref<!tpu.dma_semaphore, #tpu.memory_space<semaphore_mem>>
        %dma_start3A_747 = arith.constant 0 : i32
        %dma_start3A_748 = arith.constant 0 : i32
        %dma_start3A_749 = tpu.memref_slice %arg10[%cond3A_661, %dma_start3A_747, %dma_start3A_748] : memref<4x80x128xf32, #tpu.memory_space<vmem>> -> memref<1x80x128xf32, #tpu.memory_space<vmem>>
        %dma_start3A_750 = tpu.memref_squeeze %dma_start3A_749 : memref<1x80x128xf32, #tpu.memory_space<vmem>> -> memref<80x128xf32, #tpu.memory_space<vmem>>
        %dma_start3A_751 = arith.constant 0 : i32
        %dma_start3A_752 = arith.constant 0 : i32
        %dma_start3A_753 = tpu.memref_slice %dma_start3A_750[%dma_start3A_751, %dma_start3A_752] : memref<80x128xf32, #tpu.memory_space<vmem>> -> memref<40x128xf32, #tpu.memory_space<vmem>>
        %dma_start3A_754 = arith.constant 0 : i32
        %dma_start3A_755 = arith.constant 0 : i32
        %dma_start3A_756 = tpu.memref_slice %arg6[%arg0, %dma_start3A_754, %dma_start3A_755] : memref<2x10000x128xf32, #tpu.memory_space<hbm>> -> memref<1x10000x128xf32, #tpu.memory_space<hbm>>
        %dma_start3A_757 = tpu.memref_squeeze %dma_start3A_756 : memref<1x10000x128xf32, #tpu.memory_space<hbm>> -> memref<10000x128xf32, #tpu.memory_space<hbm>>
        %dma_start3A_758 = arith.constant 0 : i32
        %dma_start3A_759 = tpu.memref_slice %dma_start3A_757[%mul3A_745, %dma_start3A_758] : memref<10000x128xf32, #tpu.memory_space<hbm>> -> memref<40x128xf32, #tpu.memory_space<hbm>>
        %dma_start3A_760 = arith.constant 0 : i32
        %dma_start3A_761 = arith.constant 0 : i32
        %dma_start3A_762 = tpu.memref_slice %arg6[%arg0, %dma_start3A_760, %dma_start3A_761] : memref<2x10000x128xf32, #tpu.memory_space<hbm>> -> memref<1x10000x128xf32, #tpu.memory_space<hbm>>
        %dma_start3A_763 = tpu.memref_squeeze %dma_start3A_762 : memref<1x10000x128xf32, #tpu.memory_space<hbm>> -> memref<10000x128xf32, #tpu.memory_space<hbm>>
        %dma_start3A_764 = arith.constant 0 : i32
        %dma_start3A_765 = tpu.memref_slice %dma_start3A_763[%mul3A_745, %dma_start3A_764] : memref<10000x128xf32, #tpu.memory_space<hbm>> -> memref<40x128xf32, #tpu.memory_space<hbm>>
        %dma_start3A_766 = arith.constant 0 : i32
        %dma_start3A_767 = arith.constant 0 : i32
        %dma_start3A_768 = tpu.memref_slice %arg10[%cond3A_661, %dma_start3A_766, %dma_start3A_767] : memref<4x80x128xf32, #tpu.memory_space<vmem>> -> memref<1x80x128xf32, #tpu.memory_space<vmem>>
        %dma_start3A_769 = tpu.memref_squeeze %dma_start3A_768 : memref<1x80x128xf32, #tpu.memory_space<vmem>> -> memref<80x128xf32, #tpu.memory_space<vmem>>
        %dma_start3A_770 = arith.constant 0 : i32
        %dma_start3A_771 = arith.constant 0 : i32
        %dma_start3A_772 = tpu.memref_slice %dma_start3A_769[%dma_start3A_770, %dma_start3A_771] : memref<80x128xf32, #tpu.memory_space<vmem>> -> memref<40x128xf32, #tpu.memory_space<vmem>>
        tpu.enqueue_dma source(%dma_start3A_772 : memref<40x128xf32, #tpu.memory_space<vmem>>) target(%dma_start3A_765 : memref<40x128xf32, #tpu.memory_space<hbm>>) target_semaphore(%run_scoped3A_746 : memref<!tpu.dma_semaphore, #tpu.memory_space<semaphore_mem>>)
        %dma_wait3A_773 = arith.constant 0 : i32
        %dma_wait3A_774 = arith.constant 0 : i32
        %dma_wait3A_775 = tpu.memref_slice %arg10[%cond3A_661, %dma_wait3A_773, %dma_wait3A_774] : memref<4x80x128xf32, #tpu.memory_space<vmem>> -> memref<1x80x128xf32, #tpu.memory_space<vmem>>
        %dma_wait3A_776 = tpu.memref_squeeze %dma_wait3A_775 : memref<1x80x128xf32, #tpu.memory_space<vmem>> -> memref<80x128xf32, #tpu.memory_space<vmem>>
        %dma_wait3A_777 = arith.constant 0 : i32
        %dma_wait3A_778 = arith.constant 0 : i32
        %dma_wait3A_779 = tpu.memref_slice %dma_wait3A_776[%dma_wait3A_777, %dma_wait3A_778] : memref<80x128xf32, #tpu.memory_space<vmem>> -> memref<40x128xf32, #tpu.memory_space<vmem>>
        %dma_wait3A_780 = arith.constant 0 : i32
        %dma_wait3A_781 = arith.constant 0 : i32
        %dma_wait3A_782 = tpu.memref_slice %arg6[%arg0, %dma_wait3A_780, %dma_wait3A_781] : memref<2x10000x128xf32, #tpu.memory_space<hbm>> -> memref<1x10000x128xf32, #tpu.memory_space<hbm>>
        %dma_wait3A_783 = tpu.memref_squeeze %dma_wait3A_782 : memref<1x10000x128xf32, #tpu.memory_space<hbm>> -> memref<10000x128xf32, #tpu.memory_space<hbm>>
        %dma_wait3A_784 = arith.constant 0 : i32
        %dma_wait3A_785 = tpu.memref_slice %dma_wait3A_783[%mul3A_745, %dma_wait3A_784] : memref<10000x128xf32, #tpu.memory_space<hbm>> -> memref<40x128xf32, #tpu.memory_space<hbm>>
        %dma_wait3A_786 = arith.constant 0 : i32
        %dma_wait3A_787 = arith.constant 0 : i32
        %dma_wait3A_788 = tpu.memref_slice %arg6[%arg0, %dma_wait3A_786, %dma_wait3A_787] : memref<2x10000x128xf32, #tpu.memory_space<hbm>> -> memref<1x10000x128xf32, #tpu.memory_space<hbm>>
        %dma_wait3A_789 = tpu.memref_squeeze %dma_wait3A_788 : memref<1x10000x128xf32, #tpu.memory_space<hbm>> -> memref<10000x128xf32, #tpu.memory_space<hbm>>
        %dma_wait3A_790 = arith.constant 0 : i32
        %dma_wait3A_791 = tpu.memref_slice %dma_wait3A_789[%mul3A_745, %dma_wait3A_790] : memref<10000x128xf32, #tpu.memory_space<hbm>> -> memref<40x128xf32, #tpu.memory_space<hbm>>
        %dma_wait3A_792 = arith.constant 0 : i32
        %dma_wait3A_793 = arith.constant 0 : i32
        %dma_wait3A_794 = tpu.memref_slice %arg10[%cond3A_661, %dma_wait3A_792, %dma_wait3A_793] : memref<4x80x128xf32, #tpu.memory_space<vmem>> -> memref<1x80x128xf32, #tpu.memory_space<vmem>>
        %dma_wait3A_795 = tpu.memref_squeeze %dma_wait3A_794 : memref<1x80x128xf32, #tpu.memory_space<vmem>> -> memref<80x128xf32, #tpu.memory_space<vmem>>
        %dma_wait3A_796 = arith.constant 0 : i32
        %dma_wait3A_797 = arith.constant 0 : i32
        %dma_wait3A_798 = tpu.memref_slice %dma_wait3A_795[%dma_wait3A_796, %dma_wait3A_797] : memref<80x128xf32, #tpu.memory_space<vmem>> -> memref<40x128xf32, #tpu.memory_space<vmem>>
        tpu.wait_dma2 semaphore(%run_scoped3A_746 : memref<!tpu.dma_semaphore, #tpu.memory_space<semaphore_mem>>) src(%dma_wait3A_798 : memref<40x128xf32, #tpu.memory_space<vmem>>) dst(%dma_wait3A_791 : memref<40x128xf32, #tpu.memory_space<hbm>>)
        tpu.yield
      }) : () -> ()
    } else {
    }
    %add3A_664 = arith.constant 96 : i32
    %add3A_665 = arith.addi %add3A_664, %arg1 : i32
    %lt3A_666 = arith.constant 250 : i32
    %lt3A_667 = arith.cmpi slt, %add3A_665, %lt3A_666 : i32
    %convert_element_type3A_668 = arith.extui %lt3A_667 : i1 to i32
    %cond3A_669 = arith.constant 0 : i32
    %cond3A_670 = arith.constant 0 : i32
    %cond3A_671 = arith.cmpi ne, %convert_element_type3A_668, %cond3A_670 : i32
    scf.if %cond3A_671 {
      %mul3A_744 = arith.constant 40 : i32
      %mul3A_745 = arith.muli %add3A_665, %mul3A_744 : i32
      "tpu.region"() ({
        %run_scoped3A_746 = tpu.sem_alloc : memref<!tpu.dma_semaphore, #tpu.memory_space<semaphore_mem>>
        %dma_start3A_747 = arith.constant 0 : i32
        %dma_start3A_748 = arith.constant 0 : i32
        %dma_start3A_749 = tpu.memref_slice %arg10[%cond3A_669, %dma_start3A_747, %dma_start3A_748] : memref<4x80x128xf32, #tpu.memory_space<vmem>> -> memref<1x80x128xf32, #tpu.memory_space<vmem>>
        %dma_start3A_750 = tpu.memref_squeeze %dma_start3A_749 : memref<1x80x128xf32, #tpu.memory_space<vmem>> -> memref<80x128xf32, #tpu.memory_space<vmem>>
        %dma_start3A_751 = arith.constant 0 : i32
        %dma_start3A_752 = arith.constant 0 : i32
        %dma_start3A_753 = tpu.memref_slice %dma_start3A_750[%dma_start3A_751, %dma_start3A_752] : memref<80x128xf32, #tpu.memory_space<vmem>> -> memref<40x128xf32, #tpu.memory_space<vmem>>
        %dma_start3A_754 = arith.constant 0 : i32
        %dma_start3A_755 = tpu.memref_slice %arg7[%mul3A_745, %dma_start3A_754] : memref<10008x128xf32, #tpu.memory_space<vmem_shared>> -> memref<40x128xf32, #tpu.memory_space<vmem_shared>>
        %dma_start3A_756 = arith.constant 0 : i32
        %dma_start3A_757 = arith.constant 0 : i32
        %dma_start3A_758 = tpu.memref_slice %arg10[%cond3A_669, %dma_start3A_756, %dma_start3A_757] : memref<4x80x128xf32, #tpu.memory_space<vmem>> -> memref<1x80x128xf32, #tpu.memory_space<vmem>>
        %dma_start3A_759 = tpu.memref_squeeze %dma_start3A_758 : memref<1x80x128xf32, #tpu.memory_space<vmem>> -> memref<80x128xf32, #tpu.memory_space<vmem>>
        %dma_start3A_760 = arith.constant 0 : i32
        %dma_start3A_761 = arith.constant 0 : i32
        %dma_start3A_762 = tpu.memref_slice %dma_start3A_759[%dma_start3A_760, %dma_start3A_761] : memref<80x128xf32, #tpu.memory_space<vmem>> -> memref<40x128xf32, #tpu.memory_space<vmem>>
        %dma_start3A_763 = arith.constant 0 : i32
        %dma_start3A_764 = tpu.memref_slice %arg7[%mul3A_745, %dma_start3A_763] : memref<10008x128xf32, #tpu.memory_space<vmem_shared>> -> memref<40x128xf32, #tpu.memory_space<vmem_shared>>
        tpu.enqueue_dma source(%dma_start3A_764 : memref<40x128xf32, #tpu.memory_space<vmem_shared>>) target(%dma_start3A_762 : memref<40x128xf32, #tpu.memory_space<vmem>>) target_semaphore(%run_scoped3A_746 : memref<!tpu.dma_semaphore, #tpu.memory_space<semaphore_mem>>)
        %dma_wait3A_765 = arith.constant 0 : i32
        %dma_wait3A_766 = arith.constant 0 : i32
        %dma_wait3A_767 = tpu.memref_slice %arg10[%cond3A_669, %dma_wait3A_765, %dma_wait3A_766] : memref<4x80x128xf32, #tpu.memory_space<vmem>> -> memref<1x80x128xf32, #tpu.memory_space<vmem>>
        %dma_wait3A_768 = tpu.memref_squeeze %dma_wait3A_767 : memref<1x80x128xf32, #tpu.memory_space<vmem>> -> memref<80x128xf32, #tpu.memory_space<vmem>>
        %dma_wait3A_769 = arith.constant 0 : i32
        %dma_wait3A_770 = arith.constant 0 : i32
        %dma_wait3A_771 = tpu.memref_slice %dma_wait3A_768[%dma_wait3A_769, %dma_wait3A_770] : memref<80x128xf32, #tpu.memory_space<vmem>> -> memref<40x128xf32, #tpu.memory_space<vmem>>
        %dma_wait3A_772 = arith.constant 0 : i32
        %dma_wait3A_773 = tpu.memref_slice %arg7[%mul3A_745, %dma_wait3A_772] : memref<10008x128xf32, #tpu.memory_space<vmem_shared>> -> memref<40x128xf32, #tpu.memory_space<vmem_shared>>
        %dma_wait3A_774 = arith.constant 0 : i32
        %dma_wait3A_775 = arith.constant 0 : i32
        %dma_wait3A_776 = tpu.memref_slice %arg10[%cond3A_669, %dma_wait3A_774, %dma_wait3A_775] : memref<4x80x128xf32, #tpu.memory_space<vmem>> -> memref<1x80x128xf32, #tpu.memory_space<vmem>>
        %dma_wait3A_777 = tpu.memref_squeeze %dma_wait3A_776 : memref<1x80x128xf32, #tpu.memory_space<vmem>> -> memref<80x128xf32, #tpu.memory_space<vmem>>
        %dma_wait3A_778 = arith.constant 0 : i32
        %dma_wait3A_779 = arith.constant 0 : i32
        %dma_wait3A_780 = tpu.memref_slice %dma_wait3A_777[%dma_wait3A_778, %dma_wait3A_779] : memref<80x128xf32, #tpu.memory_space<vmem>> -> memref<40x128xf32, #tpu.memory_space<vmem>>
        %dma_wait3A_781 = arith.constant 0 : i32
        %dma_wait3A_782 = tpu.memref_slice %arg7[%mul3A_745, %dma_wait3A_781] : memref<10008x128xf32, #tpu.memory_space<vmem_shared>> -> memref<40x128xf32, #tpu.memory_space<vmem_shared>>
        tpu.wait_dma2 semaphore(%run_scoped3A_746 : memref<!tpu.dma_semaphore, #tpu.memory_space<semaphore_mem>>) src(%dma_wait3A_782 : memref<40x128xf32, #tpu.memory_space<vmem_shared>>) dst(%dma_wait3A_780 : memref<40x128xf32, #tpu.memory_space<vmem>>)
        tpu.yield
      }) : () -> ()
      "tpu.region"() ({
        %run_scoped3A_746 = tpu.sem_alloc : memref<!tpu.dma_semaphore, #tpu.memory_space<semaphore_mem>>
        %dma_start3A_747 = arith.constant 0 : i32
        %dma_start3A_748 = arith.constant 0 : i32
        %dma_start3A_749 = tpu.memref_slice %arg10[%cond3A_669, %dma_start3A_747, %dma_start3A_748] : memref<4x80x128xf32, #tpu.memory_space<vmem>> -> memref<1x80x128xf32, #tpu.memory_space<vmem>>
        %dma_start3A_750 = tpu.memref_squeeze %dma_start3A_749 : memref<1x80x128xf32, #tpu.memory_space<vmem>> -> memref<80x128xf32, #tpu.memory_space<vmem>>
        %dma_start3A_751 = arith.constant 0 : i32
        %dma_start3A_752 = arith.constant 0 : i32
        %dma_start3A_753 = tpu.memref_slice %dma_start3A_750[%dma_start3A_751, %dma_start3A_752] : memref<80x128xf32, #tpu.memory_space<vmem>> -> memref<40x128xf32, #tpu.memory_space<vmem>>
        %dma_start3A_754 = arith.constant 0 : i32
        %dma_start3A_755 = arith.constant 0 : i32
        %dma_start3A_756 = tpu.memref_slice %arg6[%arg0, %dma_start3A_754, %dma_start3A_755] : memref<2x10000x128xf32, #tpu.memory_space<hbm>> -> memref<1x10000x128xf32, #tpu.memory_space<hbm>>
        %dma_start3A_757 = tpu.memref_squeeze %dma_start3A_756 : memref<1x10000x128xf32, #tpu.memory_space<hbm>> -> memref<10000x128xf32, #tpu.memory_space<hbm>>
        %dma_start3A_758 = arith.constant 0 : i32
        %dma_start3A_759 = tpu.memref_slice %dma_start3A_757[%mul3A_745, %dma_start3A_758] : memref<10000x128xf32, #tpu.memory_space<hbm>> -> memref<40x128xf32, #tpu.memory_space<hbm>>
        %dma_start3A_760 = arith.constant 0 : i32
        %dma_start3A_761 = arith.constant 0 : i32
        %dma_start3A_762 = tpu.memref_slice %arg6[%arg0, %dma_start3A_760, %dma_start3A_761] : memref<2x10000x128xf32, #tpu.memory_space<hbm>> -> memref<1x10000x128xf32, #tpu.memory_space<hbm>>
        %dma_start3A_763 = tpu.memref_squeeze %dma_start3A_762 : memref<1x10000x128xf32, #tpu.memory_space<hbm>> -> memref<10000x128xf32, #tpu.memory_space<hbm>>
        %dma_start3A_764 = arith.constant 0 : i32
        %dma_start3A_765 = tpu.memref_slice %dma_start3A_763[%mul3A_745, %dma_start3A_764] : memref<10000x128xf32, #tpu.memory_space<hbm>> -> memref<40x128xf32, #tpu.memory_space<hbm>>
        %dma_start3A_766 = arith.constant 0 : i32
        %dma_start3A_767 = arith.constant 0 : i32
        %dma_start3A_768 = tpu.memref_slice %arg10[%cond3A_669, %dma_start3A_766, %dma_start3A_767] : memref<4x80x128xf32, #tpu.memory_space<vmem>> -> memref<1x80x128xf32, #tpu.memory_space<vmem>>
        %dma_start3A_769 = tpu.memref_squeeze %dma_start3A_768 : memref<1x80x128xf32, #tpu.memory_space<vmem>> -> memref<80x128xf32, #tpu.memory_space<vmem>>
        %dma_start3A_770 = arith.constant 0 : i32
        %dma_start3A_771 = arith.constant 0 : i32
        %dma_start3A_772 = tpu.memref_slice %dma_start3A_769[%dma_start3A_770, %dma_start3A_771] : memref<80x128xf32, #tpu.memory_space<vmem>> -> memref<40x128xf32, #tpu.memory_space<vmem>>
        tpu.enqueue_dma source(%dma_start3A_772 : memref<40x128xf32, #tpu.memory_space<vmem>>) target(%dma_start3A_765 : memref<40x128xf32, #tpu.memory_space<hbm>>) target_semaphore(%run_scoped3A_746 : memref<!tpu.dma_semaphore, #tpu.memory_space<semaphore_mem>>)
        %dma_wait3A_773 = arith.constant 0 : i32
        %dma_wait3A_774 = arith.constant 0 : i32
        %dma_wait3A_775 = tpu.memref_slice %arg10[%cond3A_669, %dma_wait3A_773, %dma_wait3A_774] : memref<4x80x128xf32, #tpu.memory_space<vmem>> -> memref<1x80x128xf32, #tpu.memory_space<vmem>>
        %dma_wait3A_776 = tpu.memref_squeeze %dma_wait3A_775 : memref<1x80x128xf32, #tpu.memory_space<vmem>> -> memref<80x128xf32, #tpu.memory_space<vmem>>
        %dma_wait3A_777 = arith.constant 0 : i32
        %dma_wait3A_778 = arith.constant 0 : i32
        %dma_wait3A_779 = tpu.memref_slice %dma_wait3A_776[%dma_wait3A_777, %dma_wait3A_778] : memref<80x128xf32, #tpu.memory_space<vmem>> -> memref<40x128xf32, #tpu.memory_space<vmem>>
        %dma_wait3A_780 = arith.constant 0 : i32
        %dma_wait3A_781 = arith.constant 0 : i32
        %dma_wait3A_782 = tpu.memref_slice %arg6[%arg0, %dma_wait3A_780, %dma_wait3A_781] : memref<2x10000x128xf32, #tpu.memory_space<hbm>> -> memref<1x10000x128xf32, #tpu.memory_space<hbm>>
        %dma_wait3A_783 = tpu.memref_squeeze %dma_wait3A_782 : memref<1x10000x128xf32, #tpu.memory_space<hbm>> -> memref<10000x128xf32, #tpu.memory_space<hbm>>
        %dma_wait3A_784 = arith.constant 0 : i32
        %dma_wait3A_785 = tpu.memref_slice %dma_wait3A_783[%mul3A_745, %dma_wait3A_784] : memref<10000x128xf32, #tpu.memory_space<hbm>> -> memref<40x128xf32, #tpu.memory_space<hbm>>
        %dma_wait3A_786 = arith.constant 0 : i32
        %dma_wait3A_787 = arith.constant 0 : i32
        %dma_wait3A_788 = tpu.memref_slice %arg6[%arg0, %dma_wait3A_786, %dma_wait3A_787] : memref<2x10000x128xf32, #tpu.memory_space<hbm>> -> memref<1x10000x128xf32, #tpu.memory_space<hbm>>
        %dma_wait3A_789 = tpu.memref_squeeze %dma_wait3A_788 : memref<1x10000x128xf32, #tpu.memory_space<hbm>> -> memref<10000x128xf32, #tpu.memory_space<hbm>>
        %dma_wait3A_790 = arith.constant 0 : i32
        %dma_wait3A_791 = tpu.memref_slice %dma_wait3A_789[%mul3A_745, %dma_wait3A_790] : memref<10000x128xf32, #tpu.memory_space<hbm>> -> memref<40x128xf32, #tpu.memory_space<hbm>>
        %dma_wait3A_792 = arith.constant 0 : i32
        %dma_wait3A_793 = arith.constant 0 : i32
        %dma_wait3A_794 = tpu.memref_slice %arg10[%cond3A_669, %dma_wait3A_792, %dma_wait3A_793] : memref<4x80x128xf32, #tpu.memory_space<vmem>> -> memref<1x80x128xf32, #tpu.memory_space<vmem>>
        %dma_wait3A_795 = tpu.memref_squeeze %dma_wait3A_794 : memref<1x80x128xf32, #tpu.memory_space<vmem>> -> memref<80x128xf32, #tpu.memory_space<vmem>>
        %dma_wait3A_796 = arith.constant 0 : i32
        %dma_wait3A_797 = arith.constant 0 : i32
        %dma_wait3A_798 = tpu.memref_slice %dma_wait3A_795[%dma_wait3A_796, %dma_wait3A_797] : memref<80x128xf32, #tpu.memory_space<vmem>> -> memref<40x128xf32, #tpu.memory_space<vmem>>
        tpu.wait_dma2 semaphore(%run_scoped3A_746 : memref<!tpu.dma_semaphore, #tpu.memory_space<semaphore_mem>>) src(%dma_wait3A_798 : memref<40x128xf32, #tpu.memory_space<vmem>>) dst(%dma_wait3A_791 : memref<40x128xf32, #tpu.memory_space<hbm>>)
        tpu.yield
      }) : () -> ()
    } else {
    }
    %add3A_672 = arith.constant 112 : i32
    %add3A_673 = arith.addi %add3A_672, %arg1 : i32
    %lt3A_674 = arith.constant 250 : i32
    %lt3A_675 = arith.cmpi slt, %add3A_673, %lt3A_674 : i32
    %convert_element_type3A_676 = arith.extui %lt3A_675 : i1 to i32
    %cond3A_677 = arith.constant 0 : i32
    %cond3A_678 = arith.constant 0 : i32
    %cond3A_679 = arith.cmpi ne, %convert_element_type3A_676, %cond3A_678 : i32
    scf.if %cond3A_679 {
      %mul3A_744 = arith.constant 40 : i32
      %mul3A_745 = arith.muli %add3A_673, %mul3A_744 : i32
      "tpu.region"() ({
        %run_scoped3A_746 = tpu.sem_alloc : memref<!tpu.dma_semaphore, #tpu.memory_space<semaphore_mem>>
        %dma_start3A_747 = arith.constant 0 : i32
        %dma_start3A_748 = arith.constant 0 : i32
        %dma_start3A_749 = tpu.memref_slice %arg10[%cond3A_677, %dma_start3A_747, %dma_start3A_748] : memref<4x80x128xf32, #tpu.memory_space<vmem>> -> memref<1x80x128xf32, #tpu.memory_space<vmem>>
        %dma_start3A_750 = tpu.memref_squeeze %dma_start3A_749 : memref<1x80x128xf32, #tpu.memory_space<vmem>> -> memref<80x128xf32, #tpu.memory_space<vmem>>
        %dma_start3A_751 = arith.constant 0 : i32
        %dma_start3A_752 = arith.constant 0 : i32
        %dma_start3A_753 = tpu.memref_slice %dma_start3A_750[%dma_start3A_751, %dma_start3A_752] : memref<80x128xf32, #tpu.memory_space<vmem>> -> memref<40x128xf32, #tpu.memory_space<vmem>>
        %dma_start3A_754 = arith.constant 0 : i32
        %dma_start3A_755 = tpu.memref_slice %arg7[%mul3A_745, %dma_start3A_754] : memref<10008x128xf32, #tpu.memory_space<vmem_shared>> -> memref<40x128xf32, #tpu.memory_space<vmem_shared>>
        %dma_start3A_756 = arith.constant 0 : i32
        %dma_start3A_757 = arith.constant 0 : i32
        %dma_start3A_758 = tpu.memref_slice %arg10[%cond3A_677, %dma_start3A_756, %dma_start3A_757] : memref<4x80x128xf32, #tpu.memory_space<vmem>> -> memref<1x80x128xf32, #tpu.memory_space<vmem>>
        %dma_start3A_759 = tpu.memref_squeeze %dma_start3A_758 : memref<1x80x128xf32, #tpu.memory_space<vmem>> -> memref<80x128xf32, #tpu.memory_space<vmem>>
        %dma_start3A_760 = arith.constant 0 : i32
        %dma_start3A_761 = arith.constant 0 : i32
        %dma_start3A_762 = tpu.memref_slice %dma_start3A_759[%dma_start3A_760, %dma_start3A_761] : memref<80x128xf32, #tpu.memory_space<vmem>> -> memref<40x128xf32, #tpu.memory_space<vmem>>
        %dma_start3A_763 = arith.constant 0 : i32
        %dma_start3A_764 = tpu.memref_slice %arg7[%mul3A_745, %dma_start3A_763] : memref<10008x128xf32, #tpu.memory_space<vmem_shared>> -> memref<40x128xf32, #tpu.memory_space<vmem_shared>>
        tpu.enqueue_dma source(%dma_start3A_764 : memref<40x128xf32, #tpu.memory_space<vmem_shared>>) target(%dma_start3A_762 : memref<40x128xf32, #tpu.memory_space<vmem>>) target_semaphore(%run_scoped3A_746 : memref<!tpu.dma_semaphore, #tpu.memory_space<semaphore_mem>>)
        %dma_wait3A_765 = arith.constant 0 : i32
        %dma_wait3A_766 = arith.constant 0 : i32
        %dma_wait3A_767 = tpu.memref_slice %arg10[%cond3A_677, %dma_wait3A_765, %dma_wait3A_766] : memref<4x80x128xf32, #tpu.memory_space<vmem>> -> memref<1x80x128xf32, #tpu.memory_space<vmem>>
        %dma_wait3A_768 = tpu.memref_squeeze %dma_wait3A_767 : memref<1x80x128xf32, #tpu.memory_space<vmem>> -> memref<80x128xf32, #tpu.memory_space<vmem>>
        %dma_wait3A_769 = arith.constant 0 : i32
        %dma_wait3A_770 = arith.constant 0 : i32
        %dma_wait3A_771 = tpu.memref_slice %dma_wait3A_768[%dma_wait3A_769, %dma_wait3A_770] : memref<80x128xf32, #tpu.memory_space<vmem>> -> memref<40x128xf32, #tpu.memory_space<vmem>>
        %dma_wait3A_772 = arith.constant 0 : i32
        %dma_wait3A_773 = tpu.memref_slice %arg7[%mul3A_745, %dma_wait3A_772] : memref<10008x128xf32, #tpu.memory_space<vmem_shared>> -> memref<40x128xf32, #tpu.memory_space<vmem_shared>>
        %dma_wait3A_774 = arith.constant 0 : i32
        %dma_wait3A_775 = arith.constant 0 : i32
        %dma_wait3A_776 = tpu.memref_slice %arg10[%cond3A_677, %dma_wait3A_774, %dma_wait3A_775] : memref<4x80x128xf32, #tpu.memory_space<vmem>> -> memref<1x80x128xf32, #tpu.memory_space<vmem>>
        %dma_wait3A_777 = tpu.memref_squeeze %dma_wait3A_776 : memref<1x80x128xf32, #tpu.memory_space<vmem>> -> memref<80x128xf32, #tpu.memory_space<vmem>>
        %dma_wait3A_778 = arith.constant 0 : i32
        %dma_wait3A_779 = arith.constant 0 : i32
        %dma_wait3A_780 = tpu.memref_slice %dma_wait3A_777[%dma_wait3A_778, %dma_wait3A_779] : memref<80x128xf32, #tpu.memory_space<vmem>> -> memref<40x128xf32, #tpu.memory_space<vmem>>
        %dma_wait3A_781 = arith.constant 0 : i32
        %dma_wait3A_782 = tpu.memref_slice %arg7[%mul3A_745, %dma_wait3A_781] : memref<10008x128xf32, #tpu.memory_space<vmem_shared>> -> memref<40x128xf32, #tpu.memory_space<vmem_shared>>
        tpu.wait_dma2 semaphore(%run_scoped3A_746 : memref<!tpu.dma_semaphore, #tpu.memory_space<semaphore_mem>>) src(%dma_wait3A_782 : memref<40x128xf32, #tpu.memory_space<vmem_shared>>) dst(%dma_wait3A_780 : memref<40x128xf32, #tpu.memory_space<vmem>>)
        tpu.yield
      }) : () -> ()
      "tpu.region"() ({
        %run_scoped3A_746 = tpu.sem_alloc : memref<!tpu.dma_semaphore, #tpu.memory_space<semaphore_mem>>
        %dma_start3A_747 = arith.constant 0 : i32
        %dma_start3A_748 = arith.constant 0 : i32
        %dma_start3A_749 = tpu.memref_slice %arg10[%cond3A_677, %dma_start3A_747, %dma_start3A_748] : memref<4x80x128xf32, #tpu.memory_space<vmem>> -> memref<1x80x128xf32, #tpu.memory_space<vmem>>
        %dma_start3A_750 = tpu.memref_squeeze %dma_start3A_749 : memref<1x80x128xf32, #tpu.memory_space<vmem>> -> memref<80x128xf32, #tpu.memory_space<vmem>>
        %dma_start3A_751 = arith.constant 0 : i32
        %dma_start3A_752 = arith.constant 0 : i32
        %dma_start3A_753 = tpu.memref_slice %dma_start3A_750[%dma_start3A_751, %dma_start3A_752] : memref<80x128xf32, #tpu.memory_space<vmem>> -> memref<40x128xf32, #tpu.memory_space<vmem>>
        %dma_start3A_754 = arith.constant 0 : i32
        %dma_start3A_755 = arith.constant 0 : i32
        %dma_start3A_756 = tpu.memref_slice %arg6[%arg0, %dma_start3A_754, %dma_start3A_755] : memref<2x10000x128xf32, #tpu.memory_space<hbm>> -> memref<1x10000x128xf32, #tpu.memory_space<hbm>>
        %dma_start3A_757 = tpu.memref_squeeze %dma_start3A_756 : memref<1x10000x128xf32, #tpu.memory_space<hbm>> -> memref<10000x128xf32, #tpu.memory_space<hbm>>
        %dma_start3A_758 = arith.constant 0 : i32
        %dma_start3A_759 = tpu.memref_slice %dma_start3A_757[%mul3A_745, %dma_start3A_758] : memref<10000x128xf32, #tpu.memory_space<hbm>> -> memref<40x128xf32, #tpu.memory_space<hbm>>
        %dma_start3A_760 = arith.constant 0 : i32
        %dma_start3A_761 = arith.constant 0 : i32
        %dma_start3A_762 = tpu.memref_slice %arg6[%arg0, %dma_start3A_760, %dma_start3A_761] : memref<2x10000x128xf32, #tpu.memory_space<hbm>> -> memref<1x10000x128xf32, #tpu.memory_space<hbm>>
        %dma_start3A_763 = tpu.memref_squeeze %dma_start3A_762 : memref<1x10000x128xf32, #tpu.memory_space<hbm>> -> memref<10000x128xf32, #tpu.memory_space<hbm>>
        %dma_start3A_764 = arith.constant 0 : i32
        %dma_start3A_765 = tpu.memref_slice %dma_start3A_763[%mul3A_745, %dma_start3A_764] : memref<10000x128xf32, #tpu.memory_space<hbm>> -> memref<40x128xf32, #tpu.memory_space<hbm>>
        %dma_start3A_766 = arith.constant 0 : i32
        %dma_start3A_767 = arith.constant 0 : i32
        %dma_start3A_768 = tpu.memref_slice %arg10[%cond3A_677, %dma_start3A_766, %dma_start3A_767] : memref<4x80x128xf32, #tpu.memory_space<vmem>> -> memref<1x80x128xf32, #tpu.memory_space<vmem>>
        %dma_start3A_769 = tpu.memref_squeeze %dma_start3A_768 : memref<1x80x128xf32, #tpu.memory_space<vmem>> -> memref<80x128xf32, #tpu.memory_space<vmem>>
        %dma_start3A_770 = arith.constant 0 : i32
        %dma_start3A_771 = arith.constant 0 : i32
        %dma_start3A_772 = tpu.memref_slice %dma_start3A_769[%dma_start3A_770, %dma_start3A_771] : memref<80x128xf32, #tpu.memory_space<vmem>> -> memref<40x128xf32, #tpu.memory_space<vmem>>
        tpu.enqueue_dma source(%dma_start3A_772 : memref<40x128xf32, #tpu.memory_space<vmem>>) target(%dma_start3A_765 : memref<40x128xf32, #tpu.memory_space<hbm>>) target_semaphore(%run_scoped3A_746 : memref<!tpu.dma_semaphore, #tpu.memory_space<semaphore_mem>>)
        %dma_wait3A_773 = arith.constant 0 : i32
        %dma_wait3A_774 = arith.constant 0 : i32
        %dma_wait3A_775 = tpu.memref_slice %arg10[%cond3A_677, %dma_wait3A_773, %dma_wait3A_774] : memref<4x80x128xf32, #tpu.memory_space<vmem>> -> memref<1x80x128xf32, #tpu.memory_space<vmem>>
        %dma_wait3A_776 = tpu.memref_squeeze %dma_wait3A_775 : memref<1x80x128xf32, #tpu.memory_space<vmem>> -> memref<80x128xf32, #tpu.memory_space<vmem>>
        %dma_wait3A_777 = arith.constant 0 : i32
        %dma_wait3A_778 = arith.constant 0 : i32
        %dma_wait3A_779 = tpu.memref_slice %dma_wait3A_776[%dma_wait3A_777, %dma_wait3A_778] : memref<80x128xf32, #tpu.memory_space<vmem>> -> memref<40x128xf32, #tpu.memory_space<vmem>>
        %dma_wait3A_780 = arith.constant 0 : i32
        %dma_wait3A_781 = arith.constant 0 : i32
        %dma_wait3A_782 = tpu.memref_slice %arg6[%arg0, %dma_wait3A_780, %dma_wait3A_781] : memref<2x10000x128xf32, #tpu.memory_space<hbm>> -> memref<1x10000x128xf32, #tpu.memory_space<hbm>>
        %dma_wait3A_783 = tpu.memref_squeeze %dma_wait3A_782 : memref<1x10000x128xf32, #tpu.memory_space<hbm>> -> memref<10000x128xf32, #tpu.memory_space<hbm>>
        %dma_wait3A_784 = arith.constant 0 : i32
        %dma_wait3A_785 = tpu.memref_slice %dma_wait3A_783[%mul3A_745, %dma_wait3A_784] : memref<10000x128xf32, #tpu.memory_space<hbm>> -> memref<40x128xf32, #tpu.memory_space<hbm>>
        %dma_wait3A_786 = arith.constant 0 : i32
        %dma_wait3A_787 = arith.constant 0 : i32
        %dma_wait3A_788 = tpu.memref_slice %arg6[%arg0, %dma_wait3A_786, %dma_wait3A_787] : memref<2x10000x128xf32, #tpu.memory_space<hbm>> -> memref<1x10000x128xf32, #tpu.memory_space<hbm>>
        %dma_wait3A_789 = tpu.memref_squeeze %dma_wait3A_788 : memref<1x10000x128xf32, #tpu.memory_space<hbm>> -> memref<10000x128xf32, #tpu.memory_space<hbm>>
        %dma_wait3A_790 = arith.constant 0 : i32
        %dma_wait3A_791 = tpu.memref_slice %dma_wait3A_789[%mul3A_745, %dma_wait3A_790] : memref<10000x128xf32, #tpu.memory_space<hbm>> -> memref<40x128xf32, #tpu.memory_space<hbm>>
        %dma_wait3A_792 = arith.constant 0 : i32
        %dma_wait3A_793 = arith.constant 0 : i32
        %dma_wait3A_794 = tpu.memref_slice %arg10[%cond3A_677, %dma_wait3A_792, %dma_wait3A_793] : memref<4x80x128xf32, #tpu.memory_space<vmem>> -> memref<1x80x128xf32, #tpu.memory_space<vmem>>
        %dma_wait3A_795 = tpu.memref_squeeze %dma_wait3A_794 : memref<1x80x128xf32, #tpu.memory_space<vmem>> -> memref<80x128xf32, #tpu.memory_space<vmem>>
        %dma_wait3A_796 = arith.constant 0 : i32
        %dma_wait3A_797 = arith.constant 0 : i32
        %dma_wait3A_798 = tpu.memref_slice %dma_wait3A_795[%dma_wait3A_796, %dma_wait3A_797] : memref<80x128xf32, #tpu.memory_space<vmem>> -> memref<40x128xf32, #tpu.memory_space<vmem>>
        tpu.wait_dma2 semaphore(%run_scoped3A_746 : memref<!tpu.dma_semaphore, #tpu.memory_space<semaphore_mem>>) src(%dma_wait3A_798 : memref<40x128xf32, #tpu.memory_space<vmem>>) dst(%dma_wait3A_791 : memref<40x128xf32, #tpu.memory_space<hbm>>)
        tpu.yield
      }) : () -> ()
    } else {
    }
    %add3A_680 = arith.constant 128 : i32
    %add3A_681 = arith.addi %add3A_680, %arg1 : i32
    %lt3A_682 = arith.constant 250 : i32
    %lt3A_683 = arith.cmpi slt, %add3A_681, %lt3A_682 : i32
    %convert_element_type3A_684 = arith.extui %lt3A_683 : i1 to i32
    %cond3A_685 = arith.constant 0 : i32
    %cond3A_686 = arith.constant 0 : i32
    %cond3A_687 = arith.cmpi ne, %convert_element_type3A_684, %cond3A_686 : i32
    scf.if %cond3A_687 {
      %mul3A_744 = arith.constant 40 : i32
      %mul3A_745 = arith.muli %add3A_681, %mul3A_744 : i32
      "tpu.region"() ({
        %run_scoped3A_746 = tpu.sem_alloc : memref<!tpu.dma_semaphore, #tpu.memory_space<semaphore_mem>>
        %dma_start3A_747 = arith.constant 0 : i32
        %dma_start3A_748 = arith.constant 0 : i32
        %dma_start3A_749 = tpu.memref_slice %arg10[%cond3A_685, %dma_start3A_747, %dma_start3A_748] : memref<4x80x128xf32, #tpu.memory_space<vmem>> -> memref<1x80x128xf32, #tpu.memory_space<vmem>>
        %dma_start3A_750 = tpu.memref_squeeze %dma_start3A_749 : memref<1x80x128xf32, #tpu.memory_space<vmem>> -> memref<80x128xf32, #tpu.memory_space<vmem>>
        %dma_start3A_751 = arith.constant 0 : i32
        %dma_start3A_752 = arith.constant 0 : i32
        %dma_start3A_753 = tpu.memref_slice %dma_start3A_750[%dma_start3A_751, %dma_start3A_752] : memref<80x128xf32, #tpu.memory_space<vmem>> -> memref<40x128xf32, #tpu.memory_space<vmem>>
        %dma_start3A_754 = arith.constant 0 : i32
        %dma_start3A_755 = tpu.memref_slice %arg7[%mul3A_745, %dma_start3A_754] : memref<10008x128xf32, #tpu.memory_space<vmem_shared>> -> memref<40x128xf32, #tpu.memory_space<vmem_shared>>
        %dma_start3A_756 = arith.constant 0 : i32
        %dma_start3A_757 = arith.constant 0 : i32
        %dma_start3A_758 = tpu.memref_slice %arg10[%cond3A_685, %dma_start3A_756, %dma_start3A_757] : memref<4x80x128xf32, #tpu.memory_space<vmem>> -> memref<1x80x128xf32, #tpu.memory_space<vmem>>
        %dma_start3A_759 = tpu.memref_squeeze %dma_start3A_758 : memref<1x80x128xf32, #tpu.memory_space<vmem>> -> memref<80x128xf32, #tpu.memory_space<vmem>>
        %dma_start3A_760 = arith.constant 0 : i32
        %dma_start3A_761 = arith.constant 0 : i32
        %dma_start3A_762 = tpu.memref_slice %dma_start3A_759[%dma_start3A_760, %dma_start3A_761] : memref<80x128xf32, #tpu.memory_space<vmem>> -> memref<40x128xf32, #tpu.memory_space<vmem>>
        %dma_start3A_763 = arith.constant 0 : i32
        %dma_start3A_764 = tpu.memref_slice %arg7[%mul3A_745, %dma_start3A_763] : memref<10008x128xf32, #tpu.memory_space<vmem_shared>> -> memref<40x128xf32, #tpu.memory_space<vmem_shared>>
        tpu.enqueue_dma source(%dma_start3A_764 : memref<40x128xf32, #tpu.memory_space<vmem_shared>>) target(%dma_start3A_762 : memref<40x128xf32, #tpu.memory_space<vmem>>) target_semaphore(%run_scoped3A_746 : memref<!tpu.dma_semaphore, #tpu.memory_space<semaphore_mem>>)
        %dma_wait3A_765 = arith.constant 0 : i32
        %dma_wait3A_766 = arith.constant 0 : i32
        %dma_wait3A_767 = tpu.memref_slice %arg10[%cond3A_685, %dma_wait3A_765, %dma_wait3A_766] : memref<4x80x128xf32, #tpu.memory_space<vmem>> -> memref<1x80x128xf32, #tpu.memory_space<vmem>>
        %dma_wait3A_768 = tpu.memref_squeeze %dma_wait3A_767 : memref<1x80x128xf32, #tpu.memory_space<vmem>> -> memref<80x128xf32, #tpu.memory_space<vmem>>
        %dma_wait3A_769 = arith.constant 0 : i32
        %dma_wait3A_770 = arith.constant 0 : i32
        %dma_wait3A_771 = tpu.memref_slice %dma_wait3A_768[%dma_wait3A_769, %dma_wait3A_770] : memref<80x128xf32, #tpu.memory_space<vmem>> -> memref<40x128xf32, #tpu.memory_space<vmem>>
        %dma_wait3A_772 = arith.constant 0 : i32
        %dma_wait3A_773 = tpu.memref_slice %arg7[%mul3A_745, %dma_wait3A_772] : memref<10008x128xf32, #tpu.memory_space<vmem_shared>> -> memref<40x128xf32, #tpu.memory_space<vmem_shared>>
        %dma_wait3A_774 = arith.constant 0 : i32
        %dma_wait3A_775 = arith.constant 0 : i32
        %dma_wait3A_776 = tpu.memref_slice %arg10[%cond3A_685, %dma_wait3A_774, %dma_wait3A_775] : memref<4x80x128xf32, #tpu.memory_space<vmem>> -> memref<1x80x128xf32, #tpu.memory_space<vmem>>
        %dma_wait3A_777 = tpu.memref_squeeze %dma_wait3A_776 : memref<1x80x128xf32, #tpu.memory_space<vmem>> -> memref<80x128xf32, #tpu.memory_space<vmem>>
        %dma_wait3A_778 = arith.constant 0 : i32
        %dma_wait3A_779 = arith.constant 0 : i32
        %dma_wait3A_780 = tpu.memref_slice %dma_wait3A_777[%dma_wait3A_778, %dma_wait3A_779] : memref<80x128xf32, #tpu.memory_space<vmem>> -> memref<40x128xf32, #tpu.memory_space<vmem>>
        %dma_wait3A_781 = arith.constant 0 : i32
        %dma_wait3A_782 = tpu.memref_slice %arg7[%mul3A_745, %dma_wait3A_781] : memref<10008x128xf32, #tpu.memory_space<vmem_shared>> -> memref<40x128xf32, #tpu.memory_space<vmem_shared>>
        tpu.wait_dma2 semaphore(%run_scoped3A_746 : memref<!tpu.dma_semaphore, #tpu.memory_space<semaphore_mem>>) src(%dma_wait3A_782 : memref<40x128xf32, #tpu.memory_space<vmem_shared>>) dst(%dma_wait3A_780 : memref<40x128xf32, #tpu.memory_space<vmem>>)
        tpu.yield
      }) : () -> ()
      "tpu.region"() ({
        %run_scoped3A_746 = tpu.sem_alloc : memref<!tpu.dma_semaphore, #tpu.memory_space<semaphore_mem>>
        %dma_start3A_747 = arith.constant 0 : i32
        %dma_start3A_748 = arith.constant 0 : i32
        %dma_start3A_749 = tpu.memref_slice %arg10[%cond3A_685, %dma_start3A_747, %dma_start3A_748] : memref<4x80x128xf32, #tpu.memory_space<vmem>> -> memref<1x80x128xf32, #tpu.memory_space<vmem>>
        %dma_start3A_750 = tpu.memref_squeeze %dma_start3A_749 : memref<1x80x128xf32, #tpu.memory_space<vmem>> -> memref<80x128xf32, #tpu.memory_space<vmem>>
        %dma_start3A_751 = arith.constant 0 : i32
        %dma_start3A_752 = arith.constant 0 : i32
        %dma_start3A_753 = tpu.memref_slice %dma_start3A_750[%dma_start3A_751, %dma_start3A_752] : memref<80x128xf32, #tpu.memory_space<vmem>> -> memref<40x128xf32, #tpu.memory_space<vmem>>
        %dma_start3A_754 = arith.constant 0 : i32
        %dma_start3A_755 = arith.constant 0 : i32
        %dma_start3A_756 = tpu.memref_slice %arg6[%arg0, %dma_start3A_754, %dma_start3A_755] : memref<2x10000x128xf32, #tpu.memory_space<hbm>> -> memref<1x10000x128xf32, #tpu.memory_space<hbm>>
        %dma_start3A_757 = tpu.memref_squeeze %dma_start3A_756 : memref<1x10000x128xf32, #tpu.memory_space<hbm>> -> memref<10000x128xf32, #tpu.memory_space<hbm>>
        %dma_start3A_758 = arith.constant 0 : i32
        %dma_start3A_759 = tpu.memref_slice %dma_start3A_757[%mul3A_745, %dma_start3A_758] : memref<10000x128xf32, #tpu.memory_space<hbm>> -> memref<40x128xf32, #tpu.memory_space<hbm>>
        %dma_start3A_760 = arith.constant 0 : i32
        %dma_start3A_761 = arith.constant 0 : i32
        %dma_start3A_762 = tpu.memref_slice %arg6[%arg0, %dma_start3A_760, %dma_start3A_761] : memref<2x10000x128xf32, #tpu.memory_space<hbm>> -> memref<1x10000x128xf32, #tpu.memory_space<hbm>>
        %dma_start3A_763 = tpu.memref_squeeze %dma_start3A_762 : memref<1x10000x128xf32, #tpu.memory_space<hbm>> -> memref<10000x128xf32, #tpu.memory_space<hbm>>
        %dma_start3A_764 = arith.constant 0 : i32
        %dma_start3A_765 = tpu.memref_slice %dma_start3A_763[%mul3A_745, %dma_start3A_764] : memref<10000x128xf32, #tpu.memory_space<hbm>> -> memref<40x128xf32, #tpu.memory_space<hbm>>
        %dma_start3A_766 = arith.constant 0 : i32
        %dma_start3A_767 = arith.constant 0 : i32
        %dma_start3A_768 = tpu.memref_slice %arg10[%cond3A_685, %dma_start3A_766, %dma_start3A_767] : memref<4x80x128xf32, #tpu.memory_space<vmem>> -> memref<1x80x128xf32, #tpu.memory_space<vmem>>
        %dma_start3A_769 = tpu.memref_squeeze %dma_start3A_768 : memref<1x80x128xf32, #tpu.memory_space<vmem>> -> memref<80x128xf32, #tpu.memory_space<vmem>>
        %dma_start3A_770 = arith.constant 0 : i32
        %dma_start3A_771 = arith.constant 0 : i32
        %dma_start3A_772 = tpu.memref_slice %dma_start3A_769[%dma_start3A_770, %dma_start3A_771] : memref<80x128xf32, #tpu.memory_space<vmem>> -> memref<40x128xf32, #tpu.memory_space<vmem>>
        tpu.enqueue_dma source(%dma_start3A_772 : memref<40x128xf32, #tpu.memory_space<vmem>>) target(%dma_start3A_765 : memref<40x128xf32, #tpu.memory_space<hbm>>) target_semaphore(%run_scoped3A_746 : memref<!tpu.dma_semaphore, #tpu.memory_space<semaphore_mem>>)
        %dma_wait3A_773 = arith.constant 0 : i32
        %dma_wait3A_774 = arith.constant 0 : i32
        %dma_wait3A_775 = tpu.memref_slice %arg10[%cond3A_685, %dma_wait3A_773, %dma_wait3A_774] : memref<4x80x128xf32, #tpu.memory_space<vmem>> -> memref<1x80x128xf32, #tpu.memory_space<vmem>>
        %dma_wait3A_776 = tpu.memref_squeeze %dma_wait3A_775 : memref<1x80x128xf32, #tpu.memory_space<vmem>> -> memref<80x128xf32, #tpu.memory_space<vmem>>
        %dma_wait3A_777 = arith.constant 0 : i32
        %dma_wait3A_778 = arith.constant 0 : i32
        %dma_wait3A_779 = tpu.memref_slice %dma_wait3A_776[%dma_wait3A_777, %dma_wait3A_778] : memref<80x128xf32, #tpu.memory_space<vmem>> -> memref<40x128xf32, #tpu.memory_space<vmem>>
        %dma_wait3A_780 = arith.constant 0 : i32
        %dma_wait3A_781 = arith.constant 0 : i32
        %dma_wait3A_782 = tpu.memref_slice %arg6[%arg0, %dma_wait3A_780, %dma_wait3A_781] : memref<2x10000x128xf32, #tpu.memory_space<hbm>> -> memref<1x10000x128xf32, #tpu.memory_space<hbm>>
        %dma_wait3A_783 = tpu.memref_squeeze %dma_wait3A_782 : memref<1x10000x128xf32, #tpu.memory_space<hbm>> -> memref<10000x128xf32, #tpu.memory_space<hbm>>
        %dma_wait3A_784 = arith.constant 0 : i32
        %dma_wait3A_785 = tpu.memref_slice %dma_wait3A_783[%mul3A_745, %dma_wait3A_784] : memref<10000x128xf32, #tpu.memory_space<hbm>> -> memref<40x128xf32, #tpu.memory_space<hbm>>
        %dma_wait3A_786 = arith.constant 0 : i32
        %dma_wait3A_787 = arith.constant 0 : i32
        %dma_wait3A_788 = tpu.memref_slice %arg6[%arg0, %dma_wait3A_786, %dma_wait3A_787] : memref<2x10000x128xf32, #tpu.memory_space<hbm>> -> memref<1x10000x128xf32, #tpu.memory_space<hbm>>
        %dma_wait3A_789 = tpu.memref_squeeze %dma_wait3A_788 : memref<1x10000x128xf32, #tpu.memory_space<hbm>> -> memref<10000x128xf32, #tpu.memory_space<hbm>>
        %dma_wait3A_790 = arith.constant 0 : i32
        %dma_wait3A_791 = tpu.memref_slice %dma_wait3A_789[%mul3A_745, %dma_wait3A_790] : memref<10000x128xf32, #tpu.memory_space<hbm>> -> memref<40x128xf32, #tpu.memory_space<hbm>>
        %dma_wait3A_792 = arith.constant 0 : i32
        %dma_wait3A_793 = arith.constant 0 : i32
        %dma_wait3A_794 = tpu.memref_slice %arg10[%cond3A_685, %dma_wait3A_792, %dma_wait3A_793] : memref<4x80x128xf32, #tpu.memory_space<vmem>> -> memref<1x80x128xf32, #tpu.memory_space<vmem>>
        %dma_wait3A_795 = tpu.memref_squeeze %dma_wait3A_794 : memref<1x80x128xf32, #tpu.memory_space<vmem>> -> memref<80x128xf32, #tpu.memory_space<vmem>>
        %dma_wait3A_796 = arith.constant 0 : i32
        %dma_wait3A_797 = arith.constant 0 : i32
        %dma_wait3A_798 = tpu.memref_slice %dma_wait3A_795[%dma_wait3A_796, %dma_wait3A_797] : memref<80x128xf32, #tpu.memory_space<vmem>> -> memref<40x128xf32, #tpu.memory_space<vmem>>
        tpu.wait_dma2 semaphore(%run_scoped3A_746 : memref<!tpu.dma_semaphore, #tpu.memory_space<semaphore_mem>>) src(%dma_wait3A_798 : memref<40x128xf32, #tpu.memory_space<vmem>>) dst(%dma_wait3A_791 : memref<40x128xf32, #tpu.memory_space<hbm>>)
        tpu.yield
      }) : () -> ()
    } else {
    }
    %add3A_688 = arith.constant 144 : i32
    %add3A_689 = arith.addi %add3A_688, %arg1 : i32
    %lt3A_690 = arith.constant 250 : i32
    %lt3A_691 = arith.cmpi slt, %add3A_689, %lt3A_690 : i32
    %convert_element_type3A_692 = arith.extui %lt3A_691 : i1 to i32
    %cond3A_693 = arith.constant 0 : i32
    %cond3A_694 = arith.constant 0 : i32
    %cond3A_695 = arith.cmpi ne, %convert_element_type3A_692, %cond3A_694 : i32
    scf.if %cond3A_695 {
      %mul3A_744 = arith.constant 40 : i32
      %mul3A_745 = arith.muli %add3A_689, %mul3A_744 : i32
      "tpu.region"() ({
        %run_scoped3A_746 = tpu.sem_alloc : memref<!tpu.dma_semaphore, #tpu.memory_space<semaphore_mem>>
        %dma_start3A_747 = arith.constant 0 : i32
        %dma_start3A_748 = arith.constant 0 : i32
        %dma_start3A_749 = tpu.memref_slice %arg10[%cond3A_693, %dma_start3A_747, %dma_start3A_748] : memref<4x80x128xf32, #tpu.memory_space<vmem>> -> memref<1x80x128xf32, #tpu.memory_space<vmem>>
        %dma_start3A_750 = tpu.memref_squeeze %dma_start3A_749 : memref<1x80x128xf32, #tpu.memory_space<vmem>> -> memref<80x128xf32, #tpu.memory_space<vmem>>
        %dma_start3A_751 = arith.constant 0 : i32
        %dma_start3A_752 = arith.constant 0 : i32
        %dma_start3A_753 = tpu.memref_slice %dma_start3A_750[%dma_start3A_751, %dma_start3A_752] : memref<80x128xf32, #tpu.memory_space<vmem>> -> memref<40x128xf32, #tpu.memory_space<vmem>>
        %dma_start3A_754 = arith.constant 0 : i32
        %dma_start3A_755 = tpu.memref_slice %arg7[%mul3A_745, %dma_start3A_754] : memref<10008x128xf32, #tpu.memory_space<vmem_shared>> -> memref<40x128xf32, #tpu.memory_space<vmem_shared>>
        %dma_start3A_756 = arith.constant 0 : i32
        %dma_start3A_757 = arith.constant 0 : i32
        %dma_start3A_758 = tpu.memref_slice %arg10[%cond3A_693, %dma_start3A_756, %dma_start3A_757] : memref<4x80x128xf32, #tpu.memory_space<vmem>> -> memref<1x80x128xf32, #tpu.memory_space<vmem>>
        %dma_start3A_759 = tpu.memref_squeeze %dma_start3A_758 : memref<1x80x128xf32, #tpu.memory_space<vmem>> -> memref<80x128xf32, #tpu.memory_space<vmem>>
        %dma_start3A_760 = arith.constant 0 : i32
        %dma_start3A_761 = arith.constant 0 : i32
        %dma_start3A_762 = tpu.memref_slice %dma_start3A_759[%dma_start3A_760, %dma_start3A_761] : memref<80x128xf32, #tpu.memory_space<vmem>> -> memref<40x128xf32, #tpu.memory_space<vmem>>
        %dma_start3A_763 = arith.constant 0 : i32
        %dma_start3A_764 = tpu.memref_slice %arg7[%mul3A_745, %dma_start3A_763] : memref<10008x128xf32, #tpu.memory_space<vmem_shared>> -> memref<40x128xf32, #tpu.memory_space<vmem_shared>>
        tpu.enqueue_dma source(%dma_start3A_764 : memref<40x128xf32, #tpu.memory_space<vmem_shared>>) target(%dma_start3A_762 : memref<40x128xf32, #tpu.memory_space<vmem>>) target_semaphore(%run_scoped3A_746 : memref<!tpu.dma_semaphore, #tpu.memory_space<semaphore_mem>>)
        %dma_wait3A_765 = arith.constant 0 : i32
        %dma_wait3A_766 = arith.constant 0 : i32
        %dma_wait3A_767 = tpu.memref_slice %arg10[%cond3A_693, %dma_wait3A_765, %dma_wait3A_766] : memref<4x80x128xf32, #tpu.memory_space<vmem>> -> memref<1x80x128xf32, #tpu.memory_space<vmem>>
        %dma_wait3A_768 = tpu.memref_squeeze %dma_wait3A_767 : memref<1x80x128xf32, #tpu.memory_space<vmem>> -> memref<80x128xf32, #tpu.memory_space<vmem>>
        %dma_wait3A_769 = arith.constant 0 : i32
        %dma_wait3A_770 = arith.constant 0 : i32
        %dma_wait3A_771 = tpu.memref_slice %dma_wait3A_768[%dma_wait3A_769, %dma_wait3A_770] : memref<80x128xf32, #tpu.memory_space<vmem>> -> memref<40x128xf32, #tpu.memory_space<vmem>>
        %dma_wait3A_772 = arith.constant 0 : i32
        %dma_wait3A_773 = tpu.memref_slice %arg7[%mul3A_745, %dma_wait3A_772] : memref<10008x128xf32, #tpu.memory_space<vmem_shared>> -> memref<40x128xf32, #tpu.memory_space<vmem_shared>>
        %dma_wait3A_774 = arith.constant 0 : i32
        %dma_wait3A_775 = arith.constant 0 : i32
        %dma_wait3A_776 = tpu.memref_slice %arg10[%cond3A_693, %dma_wait3A_774, %dma_wait3A_775] : memref<4x80x128xf32, #tpu.memory_space<vmem>> -> memref<1x80x128xf32, #tpu.memory_space<vmem>>
        %dma_wait3A_777 = tpu.memref_squeeze %dma_wait3A_776 : memref<1x80x128xf32, #tpu.memory_space<vmem>> -> memref<80x128xf32, #tpu.memory_space<vmem>>
        %dma_wait3A_778 = arith.constant 0 : i32
        %dma_wait3A_779 = arith.constant 0 : i32
        %dma_wait3A_780 = tpu.memref_slice %dma_wait3A_777[%dma_wait3A_778, %dma_wait3A_779] : memref<80x128xf32, #tpu.memory_space<vmem>> -> memref<40x128xf32, #tpu.memory_space<vmem>>
        %dma_wait3A_781 = arith.constant 0 : i32
        %dma_wait3A_782 = tpu.memref_slice %arg7[%mul3A_745, %dma_wait3A_781] : memref<10008x128xf32, #tpu.memory_space<vmem_shared>> -> memref<40x128xf32, #tpu.memory_space<vmem_shared>>
        tpu.wait_dma2 semaphore(%run_scoped3A_746 : memref<!tpu.dma_semaphore, #tpu.memory_space<semaphore_mem>>) src(%dma_wait3A_782 : memref<40x128xf32, #tpu.memory_space<vmem_shared>>) dst(%dma_wait3A_780 : memref<40x128xf32, #tpu.memory_space<vmem>>)
        tpu.yield
      }) : () -> ()
      "tpu.region"() ({
        %run_scoped3A_746 = tpu.sem_alloc : memref<!tpu.dma_semaphore, #tpu.memory_space<semaphore_mem>>
        %dma_start3A_747 = arith.constant 0 : i32
        %dma_start3A_748 = arith.constant 0 : i32
        %dma_start3A_749 = tpu.memref_slice %arg10[%cond3A_693, %dma_start3A_747, %dma_start3A_748] : memref<4x80x128xf32, #tpu.memory_space<vmem>> -> memref<1x80x128xf32, #tpu.memory_space<vmem>>
        %dma_start3A_750 = tpu.memref_squeeze %dma_start3A_749 : memref<1x80x128xf32, #tpu.memory_space<vmem>> -> memref<80x128xf32, #tpu.memory_space<vmem>>
        %dma_start3A_751 = arith.constant 0 : i32
        %dma_start3A_752 = arith.constant 0 : i32
        %dma_start3A_753 = tpu.memref_slice %dma_start3A_750[%dma_start3A_751, %dma_start3A_752] : memref<80x128xf32, #tpu.memory_space<vmem>> -> memref<40x128xf32, #tpu.memory_space<vmem>>
        %dma_start3A_754 = arith.constant 0 : i32
        %dma_start3A_755 = arith.constant 0 : i32
        %dma_start3A_756 = tpu.memref_slice %arg6[%arg0, %dma_start3A_754, %dma_start3A_755] : memref<2x10000x128xf32, #tpu.memory_space<hbm>> -> memref<1x10000x128xf32, #tpu.memory_space<hbm>>
        %dma_start3A_757 = tpu.memref_squeeze %dma_start3A_756 : memref<1x10000x128xf32, #tpu.memory_space<hbm>> -> memref<10000x128xf32, #tpu.memory_space<hbm>>
        %dma_start3A_758 = arith.constant 0 : i32
        %dma_start3A_759 = tpu.memref_slice %dma_start3A_757[%mul3A_745, %dma_start3A_758] : memref<10000x128xf32, #tpu.memory_space<hbm>> -> memref<40x128xf32, #tpu.memory_space<hbm>>
        %dma_start3A_760 = arith.constant 0 : i32
        %dma_start3A_761 = arith.constant 0 : i32
        %dma_start3A_762 = tpu.memref_slice %arg6[%arg0, %dma_start3A_760, %dma_start3A_761] : memref<2x10000x128xf32, #tpu.memory_space<hbm>> -> memref<1x10000x128xf32, #tpu.memory_space<hbm>>
        %dma_start3A_763 = tpu.memref_squeeze %dma_start3A_762 : memref<1x10000x128xf32, #tpu.memory_space<hbm>> -> memref<10000x128xf32, #tpu.memory_space<hbm>>
        %dma_start3A_764 = arith.constant 0 : i32
        %dma_start3A_765 = tpu.memref_slice %dma_start3A_763[%mul3A_745, %dma_start3A_764] : memref<10000x128xf32, #tpu.memory_space<hbm>> -> memref<40x128xf32, #tpu.memory_space<hbm>>
        %dma_start3A_766 = arith.constant 0 : i32
        %dma_start3A_767 = arith.constant 0 : i32
        %dma_start3A_768 = tpu.memref_slice %arg10[%cond3A_693, %dma_start3A_766, %dma_start3A_767] : memref<4x80x128xf32, #tpu.memory_space<vmem>> -> memref<1x80x128xf32, #tpu.memory_space<vmem>>
        %dma_start3A_769 = tpu.memref_squeeze %dma_start3A_768 : memref<1x80x128xf32, #tpu.memory_space<vmem>> -> memref<80x128xf32, #tpu.memory_space<vmem>>
        %dma_start3A_770 = arith.constant 0 : i32
        %dma_start3A_771 = arith.constant 0 : i32
        %dma_start3A_772 = tpu.memref_slice %dma_start3A_769[%dma_start3A_770, %dma_start3A_771] : memref<80x128xf32, #tpu.memory_space<vmem>> -> memref<40x128xf32, #tpu.memory_space<vmem>>
        tpu.enqueue_dma source(%dma_start3A_772 : memref<40x128xf32, #tpu.memory_space<vmem>>) target(%dma_start3A_765 : memref<40x128xf32, #tpu.memory_space<hbm>>) target_semaphore(%run_scoped3A_746 : memref<!tpu.dma_semaphore, #tpu.memory_space<semaphore_mem>>)
        %dma_wait3A_773 = arith.constant 0 : i32
        %dma_wait3A_774 = arith.constant 0 : i32
        %dma_wait3A_775 = tpu.memref_slice %arg10[%cond3A_693, %dma_wait3A_773, %dma_wait3A_774] : memref<4x80x128xf32, #tpu.memory_space<vmem>> -> memref<1x80x128xf32, #tpu.memory_space<vmem>>
        %dma_wait3A_776 = tpu.memref_squeeze %dma_wait3A_775 : memref<1x80x128xf32, #tpu.memory_space<vmem>> -> memref<80x128xf32, #tpu.memory_space<vmem>>
        %dma_wait3A_777 = arith.constant 0 : i32
        %dma_wait3A_778 = arith.constant 0 : i32
        %dma_wait3A_779 = tpu.memref_slice %dma_wait3A_776[%dma_wait3A_777, %dma_wait3A_778] : memref<80x128xf32, #tpu.memory_space<vmem>> -> memref<40x128xf32, #tpu.memory_space<vmem>>
        %dma_wait3A_780 = arith.constant 0 : i32
        %dma_wait3A_781 = arith.constant 0 : i32
        %dma_wait3A_782 = tpu.memref_slice %arg6[%arg0, %dma_wait3A_780, %dma_wait3A_781] : memref<2x10000x128xf32, #tpu.memory_space<hbm>> -> memref<1x10000x128xf32, #tpu.memory_space<hbm>>
        %dma_wait3A_783 = tpu.memref_squeeze %dma_wait3A_782 : memref<1x10000x128xf32, #tpu.memory_space<hbm>> -> memref<10000x128xf32, #tpu.memory_space<hbm>>
        %dma_wait3A_784 = arith.constant 0 : i32
        %dma_wait3A_785 = tpu.memref_slice %dma_wait3A_783[%mul3A_745, %dma_wait3A_784] : memref<10000x128xf32, #tpu.memory_space<hbm>> -> memref<40x128xf32, #tpu.memory_space<hbm>>
        %dma_wait3A_786 = arith.constant 0 : i32
        %dma_wait3A_787 = arith.constant 0 : i32
        %dma_wait3A_788 = tpu.memref_slice %arg6[%arg0, %dma_wait3A_786, %dma_wait3A_787] : memref<2x10000x128xf32, #tpu.memory_space<hbm>> -> memref<1x10000x128xf32, #tpu.memory_space<hbm>>
        %dma_wait3A_789 = tpu.memref_squeeze %dma_wait3A_788 : memref<1x10000x128xf32, #tpu.memory_space<hbm>> -> memref<10000x128xf32, #tpu.memory_space<hbm>>
        %dma_wait3A_790 = arith.constant 0 : i32
        %dma_wait3A_791 = tpu.memref_slice %dma_wait3A_789[%mul3A_745, %dma_wait3A_790] : memref<10000x128xf32, #tpu.memory_space<hbm>> -> memref<40x128xf32, #tpu.memory_space<hbm>>
        %dma_wait3A_792 = arith.constant 0 : i32
        %dma_wait3A_793 = arith.constant 0 : i32
        %dma_wait3A_794 = tpu.memref_slice %arg10[%cond3A_693, %dma_wait3A_792, %dma_wait3A_793] : memref<4x80x128xf32, #tpu.memory_space<vmem>> -> memref<1x80x128xf32, #tpu.memory_space<vmem>>
        %dma_wait3A_795 = tpu.memref_squeeze %dma_wait3A_794 : memref<1x80x128xf32, #tpu.memory_space<vmem>> -> memref<80x128xf32, #tpu.memory_space<vmem>>
        %dma_wait3A_796 = arith.constant 0 : i32
        %dma_wait3A_797 = arith.constant 0 : i32
        %dma_wait3A_798 = tpu.memref_slice %dma_wait3A_795[%dma_wait3A_796, %dma_wait3A_797] : memref<80x128xf32, #tpu.memory_space<vmem>> -> memref<40x128xf32, #tpu.memory_space<vmem>>
        tpu.wait_dma2 semaphore(%run_scoped3A_746 : memref<!tpu.dma_semaphore, #tpu.memory_space<semaphore_mem>>) src(%dma_wait3A_798 : memref<40x128xf32, #tpu.memory_space<vmem>>) dst(%dma_wait3A_791 : memref<40x128xf32, #tpu.memory_space<hbm>>)
        tpu.yield
      }) : () -> ()
    } else {
    }
    %add3A_696 = arith.constant 160 : i32
    %add3A_697 = arith.addi %add3A_696, %arg1 : i32
    %lt3A_698 = arith.constant 250 : i32
    %lt3A_699 = arith.cmpi slt, %add3A_697, %lt3A_698 : i32
    %convert_element_type3A_700 = arith.extui %lt3A_699 : i1 to i32
    %cond3A_701 = arith.constant 0 : i32
    %cond3A_702 = arith.constant 0 : i32
    %cond3A_703 = arith.cmpi ne, %convert_element_type3A_700, %cond3A_702 : i32
    scf.if %cond3A_703 {
      %mul3A_744 = arith.constant 40 : i32
      %mul3A_745 = arith.muli %add3A_697, %mul3A_744 : i32
      "tpu.region"() ({
        %run_scoped3A_746 = tpu.sem_alloc : memref<!tpu.dma_semaphore, #tpu.memory_space<semaphore_mem>>
        %dma_start3A_747 = arith.constant 0 : i32
        %dma_start3A_748 = arith.constant 0 : i32
        %dma_start3A_749 = tpu.memref_slice %arg10[%cond3A_701, %dma_start3A_747, %dma_start3A_748] : memref<4x80x128xf32, #tpu.memory_space<vmem>> -> memref<1x80x128xf32, #tpu.memory_space<vmem>>
        %dma_start3A_750 = tpu.memref_squeeze %dma_start3A_749 : memref<1x80x128xf32, #tpu.memory_space<vmem>> -> memref<80x128xf32, #tpu.memory_space<vmem>>
        %dma_start3A_751 = arith.constant 0 : i32
        %dma_start3A_752 = arith.constant 0 : i32
        %dma_start3A_753 = tpu.memref_slice %dma_start3A_750[%dma_start3A_751, %dma_start3A_752] : memref<80x128xf32, #tpu.memory_space<vmem>> -> memref<40x128xf32, #tpu.memory_space<vmem>>
        %dma_start3A_754 = arith.constant 0 : i32
        %dma_start3A_755 = tpu.memref_slice %arg7[%mul3A_745, %dma_start3A_754] : memref<10008x128xf32, #tpu.memory_space<vmem_shared>> -> memref<40x128xf32, #tpu.memory_space<vmem_shared>>
        %dma_start3A_756 = arith.constant 0 : i32
        %dma_start3A_757 = arith.constant 0 : i32
        %dma_start3A_758 = tpu.memref_slice %arg10[%cond3A_701, %dma_start3A_756, %dma_start3A_757] : memref<4x80x128xf32, #tpu.memory_space<vmem>> -> memref<1x80x128xf32, #tpu.memory_space<vmem>>
        %dma_start3A_759 = tpu.memref_squeeze %dma_start3A_758 : memref<1x80x128xf32, #tpu.memory_space<vmem>> -> memref<80x128xf32, #tpu.memory_space<vmem>>
        %dma_start3A_760 = arith.constant 0 : i32
        %dma_start3A_761 = arith.constant 0 : i32
        %dma_start3A_762 = tpu.memref_slice %dma_start3A_759[%dma_start3A_760, %dma_start3A_761] : memref<80x128xf32, #tpu.memory_space<vmem>> -> memref<40x128xf32, #tpu.memory_space<vmem>>
        %dma_start3A_763 = arith.constant 0 : i32
        %dma_start3A_764 = tpu.memref_slice %arg7[%mul3A_745, %dma_start3A_763] : memref<10008x128xf32, #tpu.memory_space<vmem_shared>> -> memref<40x128xf32, #tpu.memory_space<vmem_shared>>
        tpu.enqueue_dma source(%dma_start3A_764 : memref<40x128xf32, #tpu.memory_space<vmem_shared>>) target(%dma_start3A_762 : memref<40x128xf32, #tpu.memory_space<vmem>>) target_semaphore(%run_scoped3A_746 : memref<!tpu.dma_semaphore, #tpu.memory_space<semaphore_mem>>)
        %dma_wait3A_765 = arith.constant 0 : i32
        %dma_wait3A_766 = arith.constant 0 : i32
        %dma_wait3A_767 = tpu.memref_slice %arg10[%cond3A_701, %dma_wait3A_765, %dma_wait3A_766] : memref<4x80x128xf32, #tpu.memory_space<vmem>> -> memref<1x80x128xf32, #tpu.memory_space<vmem>>
        %dma_wait3A_768 = tpu.memref_squeeze %dma_wait3A_767 : memref<1x80x128xf32, #tpu.memory_space<vmem>> -> memref<80x128xf32, #tpu.memory_space<vmem>>
        %dma_wait3A_769 = arith.constant 0 : i32
        %dma_wait3A_770 = arith.constant 0 : i32
        %dma_wait3A_771 = tpu.memref_slice %dma_wait3A_768[%dma_wait3A_769, %dma_wait3A_770] : memref<80x128xf32, #tpu.memory_space<vmem>> -> memref<40x128xf32, #tpu.memory_space<vmem>>
        %dma_wait3A_772 = arith.constant 0 : i32
        %dma_wait3A_773 = tpu.memref_slice %arg7[%mul3A_745, %dma_wait3A_772] : memref<10008x128xf32, #tpu.memory_space<vmem_shared>> -> memref<40x128xf32, #tpu.memory_space<vmem_shared>>
        %dma_wait3A_774 = arith.constant 0 : i32
        %dma_wait3A_775 = arith.constant 0 : i32
        %dma_wait3A_776 = tpu.memref_slice %arg10[%cond3A_701, %dma_wait3A_774, %dma_wait3A_775] : memref<4x80x128xf32, #tpu.memory_space<vmem>> -> memref<1x80x128xf32, #tpu.memory_space<vmem>>
        %dma_wait3A_777 = tpu.memref_squeeze %dma_wait3A_776 : memref<1x80x128xf32, #tpu.memory_space<vmem>> -> memref<80x128xf32, #tpu.memory_space<vmem>>
        %dma_wait3A_778 = arith.constant 0 : i32
        %dma_wait3A_779 = arith.constant 0 : i32
        %dma_wait3A_780 = tpu.memref_slice %dma_wait3A_777[%dma_wait3A_778, %dma_wait3A_779] : memref<80x128xf32, #tpu.memory_space<vmem>> -> memref<40x128xf32, #tpu.memory_space<vmem>>
        %dma_wait3A_781 = arith.constant 0 : i32
        %dma_wait3A_782 = tpu.memref_slice %arg7[%mul3A_745, %dma_wait3A_781] : memref<10008x128xf32, #tpu.memory_space<vmem_shared>> -> memref<40x128xf32, #tpu.memory_space<vmem_shared>>
        tpu.wait_dma2 semaphore(%run_scoped3A_746 : memref<!tpu.dma_semaphore, #tpu.memory_space<semaphore_mem>>) src(%dma_wait3A_782 : memref<40x128xf32, #tpu.memory_space<vmem_shared>>) dst(%dma_wait3A_780 : memref<40x128xf32, #tpu.memory_space<vmem>>)
        tpu.yield
      }) : () -> ()
      "tpu.region"() ({
        %run_scoped3A_746 = tpu.sem_alloc : memref<!tpu.dma_semaphore, #tpu.memory_space<semaphore_mem>>
        %dma_start3A_747 = arith.constant 0 : i32
        %dma_start3A_748 = arith.constant 0 : i32
        %dma_start3A_749 = tpu.memref_slice %arg10[%cond3A_701, %dma_start3A_747, %dma_start3A_748] : memref<4x80x128xf32, #tpu.memory_space<vmem>> -> memref<1x80x128xf32, #tpu.memory_space<vmem>>
        %dma_start3A_750 = tpu.memref_squeeze %dma_start3A_749 : memref<1x80x128xf32, #tpu.memory_space<vmem>> -> memref<80x128xf32, #tpu.memory_space<vmem>>
        %dma_start3A_751 = arith.constant 0 : i32
        %dma_start3A_752 = arith.constant 0 : i32
        %dma_start3A_753 = tpu.memref_slice %dma_start3A_750[%dma_start3A_751, %dma_start3A_752] : memref<80x128xf32, #tpu.memory_space<vmem>> -> memref<40x128xf32, #tpu.memory_space<vmem>>
        %dma_start3A_754 = arith.constant 0 : i32
        %dma_start3A_755 = arith.constant 0 : i32
        %dma_start3A_756 = tpu.memref_slice %arg6[%arg0, %dma_start3A_754, %dma_start3A_755] : memref<2x10000x128xf32, #tpu.memory_space<hbm>> -> memref<1x10000x128xf32, #tpu.memory_space<hbm>>
        %dma_start3A_757 = tpu.memref_squeeze %dma_start3A_756 : memref<1x10000x128xf32, #tpu.memory_space<hbm>> -> memref<10000x128xf32, #tpu.memory_space<hbm>>
        %dma_start3A_758 = arith.constant 0 : i32
        %dma_start3A_759 = tpu.memref_slice %dma_start3A_757[%mul3A_745, %dma_start3A_758] : memref<10000x128xf32, #tpu.memory_space<hbm>> -> memref<40x128xf32, #tpu.memory_space<hbm>>
        %dma_start3A_760 = arith.constant 0 : i32
        %dma_start3A_761 = arith.constant 0 : i32
        %dma_start3A_762 = tpu.memref_slice %arg6[%arg0, %dma_start3A_760, %dma_start3A_761] : memref<2x10000x128xf32, #tpu.memory_space<hbm>> -> memref<1x10000x128xf32, #tpu.memory_space<hbm>>
        %dma_start3A_763 = tpu.memref_squeeze %dma_start3A_762 : memref<1x10000x128xf32, #tpu.memory_space<hbm>> -> memref<10000x128xf32, #tpu.memory_space<hbm>>
        %dma_start3A_764 = arith.constant 0 : i32
        %dma_start3A_765 = tpu.memref_slice %dma_start3A_763[%mul3A_745, %dma_start3A_764] : memref<10000x128xf32, #tpu.memory_space<hbm>> -> memref<40x128xf32, #tpu.memory_space<hbm>>
        %dma_start3A_766 = arith.constant 0 : i32
        %dma_start3A_767 = arith.constant 0 : i32
        %dma_start3A_768 = tpu.memref_slice %arg10[%cond3A_701, %dma_start3A_766, %dma_start3A_767] : memref<4x80x128xf32, #tpu.memory_space<vmem>> -> memref<1x80x128xf32, #tpu.memory_space<vmem>>
        %dma_start3A_769 = tpu.memref_squeeze %dma_start3A_768 : memref<1x80x128xf32, #tpu.memory_space<vmem>> -> memref<80x128xf32, #tpu.memory_space<vmem>>
        %dma_start3A_770 = arith.constant 0 : i32
        %dma_start3A_771 = arith.constant 0 : i32
        %dma_start3A_772 = tpu.memref_slice %dma_start3A_769[%dma_start3A_770, %dma_start3A_771] : memref<80x128xf32, #tpu.memory_space<vmem>> -> memref<40x128xf32, #tpu.memory_space<vmem>>
        tpu.enqueue_dma source(%dma_start3A_772 : memref<40x128xf32, #tpu.memory_space<vmem>>) target(%dma_start3A_765 : memref<40x128xf32, #tpu.memory_space<hbm>>) target_semaphore(%run_scoped3A_746 : memref<!tpu.dma_semaphore, #tpu.memory_space<semaphore_mem>>)
        %dma_wait3A_773 = arith.constant 0 : i32
        %dma_wait3A_774 = arith.constant 0 : i32
        %dma_wait3A_775 = tpu.memref_slice %arg10[%cond3A_701, %dma_wait3A_773, %dma_wait3A_774] : memref<4x80x128xf32, #tpu.memory_space<vmem>> -> memref<1x80x128xf32, #tpu.memory_space<vmem>>
        %dma_wait3A_776 = tpu.memref_squeeze %dma_wait3A_775 : memref<1x80x128xf32, #tpu.memory_space<vmem>> -> memref<80x128xf32, #tpu.memory_space<vmem>>
        %dma_wait3A_777 = arith.constant 0 : i32
        %dma_wait3A_778 = arith.constant 0 : i32
        %dma_wait3A_779 = tpu.memref_slice %dma_wait3A_776[%dma_wait3A_777, %dma_wait3A_778] : memref<80x128xf32, #tpu.memory_space<vmem>> -> memref<40x128xf32, #tpu.memory_space<vmem>>
        %dma_wait3A_780 = arith.constant 0 : i32
        %dma_wait3A_781 = arith.constant 0 : i32
        %dma_wait3A_782 = tpu.memref_slice %arg6[%arg0, %dma_wait3A_780, %dma_wait3A_781] : memref<2x10000x128xf32, #tpu.memory_space<hbm>> -> memref<1x10000x128xf32, #tpu.memory_space<hbm>>
        %dma_wait3A_783 = tpu.memref_squeeze %dma_wait3A_782 : memref<1x10000x128xf32, #tpu.memory_space<hbm>> -> memref<10000x128xf32, #tpu.memory_space<hbm>>
        %dma_wait3A_784 = arith.constant 0 : i32
        %dma_wait3A_785 = tpu.memref_slice %dma_wait3A_783[%mul3A_745, %dma_wait3A_784] : memref<10000x128xf32, #tpu.memory_space<hbm>> -> memref<40x128xf32, #tpu.memory_space<hbm>>
        %dma_wait3A_786 = arith.constant 0 : i32
        %dma_wait3A_787 = arith.constant 0 : i32
        %dma_wait3A_788 = tpu.memref_slice %arg6[%arg0, %dma_wait3A_786, %dma_wait3A_787] : memref<2x10000x128xf32, #tpu.memory_space<hbm>> -> memref<1x10000x128xf32, #tpu.memory_space<hbm>>
        %dma_wait3A_789 = tpu.memref_squeeze %dma_wait3A_788 : memref<1x10000x128xf32, #tpu.memory_space<hbm>> -> memref<10000x128xf32, #tpu.memory_space<hbm>>
        %dma_wait3A_790 = arith.constant 0 : i32
        %dma_wait3A_791 = tpu.memref_slice %dma_wait3A_789[%mul3A_745, %dma_wait3A_790] : memref<10000x128xf32, #tpu.memory_space<hbm>> -> memref<40x128xf32, #tpu.memory_space<hbm>>
        %dma_wait3A_792 = arith.constant 0 : i32
        %dma_wait3A_793 = arith.constant 0 : i32
        %dma_wait3A_794 = tpu.memref_slice %arg10[%cond3A_701, %dma_wait3A_792, %dma_wait3A_793] : memref<4x80x128xf32, #tpu.memory_space<vmem>> -> memref<1x80x128xf32, #tpu.memory_space<vmem>>
        %dma_wait3A_795 = tpu.memref_squeeze %dma_wait3A_794 : memref<1x80x128xf32, #tpu.memory_space<vmem>> -> memref<80x128xf32, #tpu.memory_space<vmem>>
        %dma_wait3A_796 = arith.constant 0 : i32
        %dma_wait3A_797 = arith.constant 0 : i32
        %dma_wait3A_798 = tpu.memref_slice %dma_wait3A_795[%dma_wait3A_796, %dma_wait3A_797] : memref<80x128xf32, #tpu.memory_space<vmem>> -> memref<40x128xf32, #tpu.memory_space<vmem>>
        tpu.wait_dma2 semaphore(%run_scoped3A_746 : memref<!tpu.dma_semaphore, #tpu.memory_space<semaphore_mem>>) src(%dma_wait3A_798 : memref<40x128xf32, #tpu.memory_space<vmem>>) dst(%dma_wait3A_791 : memref<40x128xf32, #tpu.memory_space<hbm>>)
        tpu.yield
      }) : () -> ()
    } else {
    }
    %add3A_704 = arith.constant 176 : i32
    %add3A_705 = arith.addi %add3A_704, %arg1 : i32
    %lt3A_706 = arith.constant 250 : i32
    %lt3A_707 = arith.cmpi slt, %add3A_705, %lt3A_706 : i32
    %convert_element_type3A_708 = arith.extui %lt3A_707 : i1 to i32
    %cond3A_709 = arith.constant 0 : i32
    %cond3A_710 = arith.constant 0 : i32
    %cond3A_711 = arith.cmpi ne, %convert_element_type3A_708, %cond3A_710 : i32
    scf.if %cond3A_711 {
      %mul3A_744 = arith.constant 40 : i32
      %mul3A_745 = arith.muli %add3A_705, %mul3A_744 : i32
      "tpu.region"() ({
        %run_scoped3A_746 = tpu.sem_alloc : memref<!tpu.dma_semaphore, #tpu.memory_space<semaphore_mem>>
        %dma_start3A_747 = arith.constant 0 : i32
        %dma_start3A_748 = arith.constant 0 : i32
        %dma_start3A_749 = tpu.memref_slice %arg10[%cond3A_709, %dma_start3A_747, %dma_start3A_748] : memref<4x80x128xf32, #tpu.memory_space<vmem>> -> memref<1x80x128xf32, #tpu.memory_space<vmem>>
        %dma_start3A_750 = tpu.memref_squeeze %dma_start3A_749 : memref<1x80x128xf32, #tpu.memory_space<vmem>> -> memref<80x128xf32, #tpu.memory_space<vmem>>
        %dma_start3A_751 = arith.constant 0 : i32
        %dma_start3A_752 = arith.constant 0 : i32
        %dma_start3A_753 = tpu.memref_slice %dma_start3A_750[%dma_start3A_751, %dma_start3A_752] : memref<80x128xf32, #tpu.memory_space<vmem>> -> memref<40x128xf32, #tpu.memory_space<vmem>>
        %dma_start3A_754 = arith.constant 0 : i32
        %dma_start3A_755 = tpu.memref_slice %arg7[%mul3A_745, %dma_start3A_754] : memref<10008x128xf32, #tpu.memory_space<vmem_shared>> -> memref<40x128xf32, #tpu.memory_space<vmem_shared>>
        %dma_start3A_756 = arith.constant 0 : i32
        %dma_start3A_757 = arith.constant 0 : i32
        %dma_start3A_758 = tpu.memref_slice %arg10[%cond3A_709, %dma_start3A_756, %dma_start3A_757] : memref<4x80x128xf32, #tpu.memory_space<vmem>> -> memref<1x80x128xf32, #tpu.memory_space<vmem>>
        %dma_start3A_759 = tpu.memref_squeeze %dma_start3A_758 : memref<1x80x128xf32, #tpu.memory_space<vmem>> -> memref<80x128xf32, #tpu.memory_space<vmem>>
        %dma_start3A_760 = arith.constant 0 : i32
        %dma_start3A_761 = arith.constant 0 : i32
        %dma_start3A_762 = tpu.memref_slice %dma_start3A_759[%dma_start3A_760, %dma_start3A_761] : memref<80x128xf32, #tpu.memory_space<vmem>> -> memref<40x128xf32, #tpu.memory_space<vmem>>
        %dma_start3A_763 = arith.constant 0 : i32
        %dma_start3A_764 = tpu.memref_slice %arg7[%mul3A_745, %dma_start3A_763] : memref<10008x128xf32, #tpu.memory_space<vmem_shared>> -> memref<40x128xf32, #tpu.memory_space<vmem_shared>>
        tpu.enqueue_dma source(%dma_start3A_764 : memref<40x128xf32, #tpu.memory_space<vmem_shared>>) target(%dma_start3A_762 : memref<40x128xf32, #tpu.memory_space<vmem>>) target_semaphore(%run_scoped3A_746 : memref<!tpu.dma_semaphore, #tpu.memory_space<semaphore_mem>>)
        %dma_wait3A_765 = arith.constant 0 : i32
        %dma_wait3A_766 = arith.constant 0 : i32
        %dma_wait3A_767 = tpu.memref_slice %arg10[%cond3A_709, %dma_wait3A_765, %dma_wait3A_766] : memref<4x80x128xf32, #tpu.memory_space<vmem>> -> memref<1x80x128xf32, #tpu.memory_space<vmem>>
        %dma_wait3A_768 = tpu.memref_squeeze %dma_wait3A_767 : memref<1x80x128xf32, #tpu.memory_space<vmem>> -> memref<80x128xf32, #tpu.memory_space<vmem>>
        %dma_wait3A_769 = arith.constant 0 : i32
        %dma_wait3A_770 = arith.constant 0 : i32
        %dma_wait3A_771 = tpu.memref_slice %dma_wait3A_768[%dma_wait3A_769, %dma_wait3A_770] : memref<80x128xf32, #tpu.memory_space<vmem>> -> memref<40x128xf32, #tpu.memory_space<vmem>>
        %dma_wait3A_772 = arith.constant 0 : i32
        %dma_wait3A_773 = tpu.memref_slice %arg7[%mul3A_745, %dma_wait3A_772] : memref<10008x128xf32, #tpu.memory_space<vmem_shared>> -> memref<40x128xf32, #tpu.memory_space<vmem_shared>>
        %dma_wait3A_774 = arith.constant 0 : i32
        %dma_wait3A_775 = arith.constant 0 : i32
        %dma_wait3A_776 = tpu.memref_slice %arg10[%cond3A_709, %dma_wait3A_774, %dma_wait3A_775] : memref<4x80x128xf32, #tpu.memory_space<vmem>> -> memref<1x80x128xf32, #tpu.memory_space<vmem>>
        %dma_wait3A_777 = tpu.memref_squeeze %dma_wait3A_776 : memref<1x80x128xf32, #tpu.memory_space<vmem>> -> memref<80x128xf32, #tpu.memory_space<vmem>>
        %dma_wait3A_778 = arith.constant 0 : i32
        %dma_wait3A_779 = arith.constant 0 : i32
        %dma_wait3A_780 = tpu.memref_slice %dma_wait3A_777[%dma_wait3A_778, %dma_wait3A_779] : memref<80x128xf32, #tpu.memory_space<vmem>> -> memref<40x128xf32, #tpu.memory_space<vmem>>
        %dma_wait3A_781 = arith.constant 0 : i32
        %dma_wait3A_782 = tpu.memref_slice %arg7[%mul3A_745, %dma_wait3A_781] : memref<10008x128xf32, #tpu.memory_space<vmem_shared>> -> memref<40x128xf32, #tpu.memory_space<vmem_shared>>
        tpu.wait_dma2 semaphore(%run_scoped3A_746 : memref<!tpu.dma_semaphore, #tpu.memory_space<semaphore_mem>>) src(%dma_wait3A_782 : memref<40x128xf32, #tpu.memory_space<vmem_shared>>) dst(%dma_wait3A_780 : memref<40x128xf32, #tpu.memory_space<vmem>>)
        tpu.yield
      }) : () -> ()
      "tpu.region"() ({
        %run_scoped3A_746 = tpu.sem_alloc : memref<!tpu.dma_semaphore, #tpu.memory_space<semaphore_mem>>
        %dma_start3A_747 = arith.constant 0 : i32
        %dma_start3A_748 = arith.constant 0 : i32
        %dma_start3A_749 = tpu.memref_slice %arg10[%cond3A_709, %dma_start3A_747, %dma_start3A_748] : memref<4x80x128xf32, #tpu.memory_space<vmem>> -> memref<1x80x128xf32, #tpu.memory_space<vmem>>
        %dma_start3A_750 = tpu.memref_squeeze %dma_start3A_749 : memref<1x80x128xf32, #tpu.memory_space<vmem>> -> memref<80x128xf32, #tpu.memory_space<vmem>>
        %dma_start3A_751 = arith.constant 0 : i32
        %dma_start3A_752 = arith.constant 0 : i32
        %dma_start3A_753 = tpu.memref_slice %dma_start3A_750[%dma_start3A_751, %dma_start3A_752] : memref<80x128xf32, #tpu.memory_space<vmem>> -> memref<40x128xf32, #tpu.memory_space<vmem>>
        %dma_start3A_754 = arith.constant 0 : i32
        %dma_start3A_755 = arith.constant 0 : i32
        %dma_start3A_756 = tpu.memref_slice %arg6[%arg0, %dma_start3A_754, %dma_start3A_755] : memref<2x10000x128xf32, #tpu.memory_space<hbm>> -> memref<1x10000x128xf32, #tpu.memory_space<hbm>>
        %dma_start3A_757 = tpu.memref_squeeze %dma_start3A_756 : memref<1x10000x128xf32, #tpu.memory_space<hbm>> -> memref<10000x128xf32, #tpu.memory_space<hbm>>
        %dma_start3A_758 = arith.constant 0 : i32
        %dma_start3A_759 = tpu.memref_slice %dma_start3A_757[%mul3A_745, %dma_start3A_758] : memref<10000x128xf32, #tpu.memory_space<hbm>> -> memref<40x128xf32, #tpu.memory_space<hbm>>
        %dma_start3A_760 = arith.constant 0 : i32
        %dma_start3A_761 = arith.constant 0 : i32
        %dma_start3A_762 = tpu.memref_slice %arg6[%arg0, %dma_start3A_760, %dma_start3A_761] : memref<2x10000x128xf32, #tpu.memory_space<hbm>> -> memref<1x10000x128xf32, #tpu.memory_space<hbm>>
        %dma_start3A_763 = tpu.memref_squeeze %dma_start3A_762 : memref<1x10000x128xf32, #tpu.memory_space<hbm>> -> memref<10000x128xf32, #tpu.memory_space<hbm>>
        %dma_start3A_764 = arith.constant 0 : i32
        %dma_start3A_765 = tpu.memref_slice %dma_start3A_763[%mul3A_745, %dma_start3A_764] : memref<10000x128xf32, #tpu.memory_space<hbm>> -> memref<40x128xf32, #tpu.memory_space<hbm>>
        %dma_start3A_766 = arith.constant 0 : i32
        %dma_start3A_767 = arith.constant 0 : i32
        %dma_start3A_768 = tpu.memref_slice %arg10[%cond3A_709, %dma_start3A_766, %dma_start3A_767] : memref<4x80x128xf32, #tpu.memory_space<vmem>> -> memref<1x80x128xf32, #tpu.memory_space<vmem>>
        %dma_start3A_769 = tpu.memref_squeeze %dma_start3A_768 : memref<1x80x128xf32, #tpu.memory_space<vmem>> -> memref<80x128xf32, #tpu.memory_space<vmem>>
        %dma_start3A_770 = arith.constant 0 : i32
        %dma_start3A_771 = arith.constant 0 : i32
        %dma_start3A_772 = tpu.memref_slice %dma_start3A_769[%dma_start3A_770, %dma_start3A_771] : memref<80x128xf32, #tpu.memory_space<vmem>> -> memref<40x128xf32, #tpu.memory_space<vmem>>
        tpu.enqueue_dma source(%dma_start3A_772 : memref<40x128xf32, #tpu.memory_space<vmem>>) target(%dma_start3A_765 : memref<40x128xf32, #tpu.memory_space<hbm>>) target_semaphore(%run_scoped3A_746 : memref<!tpu.dma_semaphore, #tpu.memory_space<semaphore_mem>>)
        %dma_wait3A_773 = arith.constant 0 : i32
        %dma_wait3A_774 = arith.constant 0 : i32
        %dma_wait3A_775 = tpu.memref_slice %arg10[%cond3A_709, %dma_wait3A_773, %dma_wait3A_774] : memref<4x80x128xf32, #tpu.memory_space<vmem>> -> memref<1x80x128xf32, #tpu.memory_space<vmem>>
        %dma_wait3A_776 = tpu.memref_squeeze %dma_wait3A_775 : memref<1x80x128xf32, #tpu.memory_space<vmem>> -> memref<80x128xf32, #tpu.memory_space<vmem>>
        %dma_wait3A_777 = arith.constant 0 : i32
        %dma_wait3A_778 = arith.constant 0 : i32
        %dma_wait3A_779 = tpu.memref_slice %dma_wait3A_776[%dma_wait3A_777, %dma_wait3A_778] : memref<80x128xf32, #tpu.memory_space<vmem>> -> memref<40x128xf32, #tpu.memory_space<vmem>>
        %dma_wait3A_780 = arith.constant 0 : i32
        %dma_wait3A_781 = arith.constant 0 : i32
        %dma_wait3A_782 = tpu.memref_slice %arg6[%arg0, %dma_wait3A_780, %dma_wait3A_781] : memref<2x10000x128xf32, #tpu.memory_space<hbm>> -> memref<1x10000x128xf32, #tpu.memory_space<hbm>>
        %dma_wait3A_783 = tpu.memref_squeeze %dma_wait3A_782 : memref<1x10000x128xf32, #tpu.memory_space<hbm>> -> memref<10000x128xf32, #tpu.memory_space<hbm>>
        %dma_wait3A_784 = arith.constant 0 : i32
        %dma_wait3A_785 = tpu.memref_slice %dma_wait3A_783[%mul3A_745, %dma_wait3A_784] : memref<10000x128xf32, #tpu.memory_space<hbm>> -> memref<40x128xf32, #tpu.memory_space<hbm>>
        %dma_wait3A_786 = arith.constant 0 : i32
        %dma_wait3A_787 = arith.constant 0 : i32
        %dma_wait3A_788 = tpu.memref_slice %arg6[%arg0, %dma_wait3A_786, %dma_wait3A_787] : memref<2x10000x128xf32, #tpu.memory_space<hbm>> -> memref<1x10000x128xf32, #tpu.memory_space<hbm>>
        %dma_wait3A_789 = tpu.memref_squeeze %dma_wait3A_788 : memref<1x10000x128xf32, #tpu.memory_space<hbm>> -> memref<10000x128xf32, #tpu.memory_space<hbm>>
        %dma_wait3A_790 = arith.constant 0 : i32
        %dma_wait3A_791 = tpu.memref_slice %dma_wait3A_789[%mul3A_745, %dma_wait3A_790] : memref<10000x128xf32, #tpu.memory_space<hbm>> -> memref<40x128xf32, #tpu.memory_space<hbm>>
        %dma_wait3A_792 = arith.constant 0 : i32
        %dma_wait3A_793 = arith.constant 0 : i32
        %dma_wait3A_794 = tpu.memref_slice %arg10[%cond3A_709, %dma_wait3A_792, %dma_wait3A_793] : memref<4x80x128xf32, #tpu.memory_space<vmem>> -> memref<1x80x128xf32, #tpu.memory_space<vmem>>
        %dma_wait3A_795 = tpu.memref_squeeze %dma_wait3A_794 : memref<1x80x128xf32, #tpu.memory_space<vmem>> -> memref<80x128xf32, #tpu.memory_space<vmem>>
        %dma_wait3A_796 = arith.constant 0 : i32
        %dma_wait3A_797 = arith.constant 0 : i32
        %dma_wait3A_798 = tpu.memref_slice %dma_wait3A_795[%dma_wait3A_796, %dma_wait3A_797] : memref<80x128xf32, #tpu.memory_space<vmem>> -> memref<40x128xf32, #tpu.memory_space<vmem>>
        tpu.wait_dma2 semaphore(%run_scoped3A_746 : memref<!tpu.dma_semaphore, #tpu.memory_space<semaphore_mem>>) src(%dma_wait3A_798 : memref<40x128xf32, #tpu.memory_space<vmem>>) dst(%dma_wait3A_791 : memref<40x128xf32, #tpu.memory_space<hbm>>)
        tpu.yield
      }) : () -> ()
    } else {
    }
    %add3A_712 = arith.constant 192 : i32
    %add3A_713 = arith.addi %add3A_712, %arg1 : i32
    %lt3A_714 = arith.constant 250 : i32
    %lt3A_715 = arith.cmpi slt, %add3A_713, %lt3A_714 : i32
    %convert_element_type3A_716 = arith.extui %lt3A_715 : i1 to i32
    %cond3A_717 = arith.constant 0 : i32
    %cond3A_718 = arith.constant 0 : i32
    %cond3A_719 = arith.cmpi ne, %convert_element_type3A_716, %cond3A_718 : i32
    scf.if %cond3A_719 {
      %mul3A_744 = arith.constant 40 : i32
      %mul3A_745 = arith.muli %add3A_713, %mul3A_744 : i32
      "tpu.region"() ({
        %run_scoped3A_746 = tpu.sem_alloc : memref<!tpu.dma_semaphore, #tpu.memory_space<semaphore_mem>>
        %dma_start3A_747 = arith.constant 0 : i32
        %dma_start3A_748 = arith.constant 0 : i32
        %dma_start3A_749 = tpu.memref_slice %arg10[%cond3A_717, %dma_start3A_747, %dma_start3A_748] : memref<4x80x128xf32, #tpu.memory_space<vmem>> -> memref<1x80x128xf32, #tpu.memory_space<vmem>>
        %dma_start3A_750 = tpu.memref_squeeze %dma_start3A_749 : memref<1x80x128xf32, #tpu.memory_space<vmem>> -> memref<80x128xf32, #tpu.memory_space<vmem>>
        %dma_start3A_751 = arith.constant 0 : i32
        %dma_start3A_752 = arith.constant 0 : i32
        %dma_start3A_753 = tpu.memref_slice %dma_start3A_750[%dma_start3A_751, %dma_start3A_752] : memref<80x128xf32, #tpu.memory_space<vmem>> -> memref<40x128xf32, #tpu.memory_space<vmem>>
        %dma_start3A_754 = arith.constant 0 : i32
        %dma_start3A_755 = tpu.memref_slice %arg7[%mul3A_745, %dma_start3A_754] : memref<10008x128xf32, #tpu.memory_space<vmem_shared>> -> memref<40x128xf32, #tpu.memory_space<vmem_shared>>
        %dma_start3A_756 = arith.constant 0 : i32
        %dma_start3A_757 = arith.constant 0 : i32
        %dma_start3A_758 = tpu.memref_slice %arg10[%cond3A_717, %dma_start3A_756, %dma_start3A_757] : memref<4x80x128xf32, #tpu.memory_space<vmem>> -> memref<1x80x128xf32, #tpu.memory_space<vmem>>
        %dma_start3A_759 = tpu.memref_squeeze %dma_start3A_758 : memref<1x80x128xf32, #tpu.memory_space<vmem>> -> memref<80x128xf32, #tpu.memory_space<vmem>>
        %dma_start3A_760 = arith.constant 0 : i32
        %dma_start3A_761 = arith.constant 0 : i32
        %dma_start3A_762 = tpu.memref_slice %dma_start3A_759[%dma_start3A_760, %dma_start3A_761] : memref<80x128xf32, #tpu.memory_space<vmem>> -> memref<40x128xf32, #tpu.memory_space<vmem>>
        %dma_start3A_763 = arith.constant 0 : i32
        %dma_start3A_764 = tpu.memref_slice %arg7[%mul3A_745, %dma_start3A_763] : memref<10008x128xf32, #tpu.memory_space<vmem_shared>> -> memref<40x128xf32, #tpu.memory_space<vmem_shared>>
        tpu.enqueue_dma source(%dma_start3A_764 : memref<40x128xf32, #tpu.memory_space<vmem_shared>>) target(%dma_start3A_762 : memref<40x128xf32, #tpu.memory_space<vmem>>) target_semaphore(%run_scoped3A_746 : memref<!tpu.dma_semaphore, #tpu.memory_space<semaphore_mem>>)
        %dma_wait3A_765 = arith.constant 0 : i32
        %dma_wait3A_766 = arith.constant 0 : i32
        %dma_wait3A_767 = tpu.memref_slice %arg10[%cond3A_717, %dma_wait3A_765, %dma_wait3A_766] : memref<4x80x128xf32, #tpu.memory_space<vmem>> -> memref<1x80x128xf32, #tpu.memory_space<vmem>>
        %dma_wait3A_768 = tpu.memref_squeeze %dma_wait3A_767 : memref<1x80x128xf32, #tpu.memory_space<vmem>> -> memref<80x128xf32, #tpu.memory_space<vmem>>
        %dma_wait3A_769 = arith.constant 0 : i32
        %dma_wait3A_770 = arith.constant 0 : i32
        %dma_wait3A_771 = tpu.memref_slice %dma_wait3A_768[%dma_wait3A_769, %dma_wait3A_770] : memref<80x128xf32, #tpu.memory_space<vmem>> -> memref<40x128xf32, #tpu.memory_space<vmem>>
        %dma_wait3A_772 = arith.constant 0 : i32
        %dma_wait3A_773 = tpu.memref_slice %arg7[%mul3A_745, %dma_wait3A_772] : memref<10008x128xf32, #tpu.memory_space<vmem_shared>> -> memref<40x128xf32, #tpu.memory_space<vmem_shared>>
        %dma_wait3A_774 = arith.constant 0 : i32
        %dma_wait3A_775 = arith.constant 0 : i32
        %dma_wait3A_776 = tpu.memref_slice %arg10[%cond3A_717, %dma_wait3A_774, %dma_wait3A_775] : memref<4x80x128xf32, #tpu.memory_space<vmem>> -> memref<1x80x128xf32, #tpu.memory_space<vmem>>
        %dma_wait3A_777 = tpu.memref_squeeze %dma_wait3A_776 : memref<1x80x128xf32, #tpu.memory_space<vmem>> -> memref<80x128xf32, #tpu.memory_space<vmem>>
        %dma_wait3A_778 = arith.constant 0 : i32
        %dma_wait3A_779 = arith.constant 0 : i32
        %dma_wait3A_780 = tpu.memref_slice %dma_wait3A_777[%dma_wait3A_778, %dma_wait3A_779] : memref<80x128xf32, #tpu.memory_space<vmem>> -> memref<40x128xf32, #tpu.memory_space<vmem>>
        %dma_wait3A_781 = arith.constant 0 : i32
        %dma_wait3A_782 = tpu.memref_slice %arg7[%mul3A_745, %dma_wait3A_781] : memref<10008x128xf32, #tpu.memory_space<vmem_shared>> -> memref<40x128xf32, #tpu.memory_space<vmem_shared>>
        tpu.wait_dma2 semaphore(%run_scoped3A_746 : memref<!tpu.dma_semaphore, #tpu.memory_space<semaphore_mem>>) src(%dma_wait3A_782 : memref<40x128xf32, #tpu.memory_space<vmem_shared>>) dst(%dma_wait3A_780 : memref<40x128xf32, #tpu.memory_space<vmem>>)
        tpu.yield
      }) : () -> ()
      "tpu.region"() ({
        %run_scoped3A_746 = tpu.sem_alloc : memref<!tpu.dma_semaphore, #tpu.memory_space<semaphore_mem>>
        %dma_start3A_747 = arith.constant 0 : i32
        %dma_start3A_748 = arith.constant 0 : i32
        %dma_start3A_749 = tpu.memref_slice %arg10[%cond3A_717, %dma_start3A_747, %dma_start3A_748] : memref<4x80x128xf32, #tpu.memory_space<vmem>> -> memref<1x80x128xf32, #tpu.memory_space<vmem>>
        %dma_start3A_750 = tpu.memref_squeeze %dma_start3A_749 : memref<1x80x128xf32, #tpu.memory_space<vmem>> -> memref<80x128xf32, #tpu.memory_space<vmem>>
        %dma_start3A_751 = arith.constant 0 : i32
        %dma_start3A_752 = arith.constant 0 : i32
        %dma_start3A_753 = tpu.memref_slice %dma_start3A_750[%dma_start3A_751, %dma_start3A_752] : memref<80x128xf32, #tpu.memory_space<vmem>> -> memref<40x128xf32, #tpu.memory_space<vmem>>
        %dma_start3A_754 = arith.constant 0 : i32
        %dma_start3A_755 = arith.constant 0 : i32
        %dma_start3A_756 = tpu.memref_slice %arg6[%arg0, %dma_start3A_754, %dma_start3A_755] : memref<2x10000x128xf32, #tpu.memory_space<hbm>> -> memref<1x10000x128xf32, #tpu.memory_space<hbm>>
        %dma_start3A_757 = tpu.memref_squeeze %dma_start3A_756 : memref<1x10000x128xf32, #tpu.memory_space<hbm>> -> memref<10000x128xf32, #tpu.memory_space<hbm>>
        %dma_start3A_758 = arith.constant 0 : i32
        %dma_start3A_759 = tpu.memref_slice %dma_start3A_757[%mul3A_745, %dma_start3A_758] : memref<10000x128xf32, #tpu.memory_space<hbm>> -> memref<40x128xf32, #tpu.memory_space<hbm>>
        %dma_start3A_760 = arith.constant 0 : i32
        %dma_start3A_761 = arith.constant 0 : i32
        %dma_start3A_762 = tpu.memref_slice %arg6[%arg0, %dma_start3A_760, %dma_start3A_761] : memref<2x10000x128xf32, #tpu.memory_space<hbm>> -> memref<1x10000x128xf32, #tpu.memory_space<hbm>>
        %dma_start3A_763 = tpu.memref_squeeze %dma_start3A_762 : memref<1x10000x128xf32, #tpu.memory_space<hbm>> -> memref<10000x128xf32, #tpu.memory_space<hbm>>
        %dma_start3A_764 = arith.constant 0 : i32
        %dma_start3A_765 = tpu.memref_slice %dma_start3A_763[%mul3A_745, %dma_start3A_764] : memref<10000x128xf32, #tpu.memory_space<hbm>> -> memref<40x128xf32, #tpu.memory_space<hbm>>
        %dma_start3A_766 = arith.constant 0 : i32
        %dma_start3A_767 = arith.constant 0 : i32
        %dma_start3A_768 = tpu.memref_slice %arg10[%cond3A_717, %dma_start3A_766, %dma_start3A_767] : memref<4x80x128xf32, #tpu.memory_space<vmem>> -> memref<1x80x128xf32, #tpu.memory_space<vmem>>
        %dma_start3A_769 = tpu.memref_squeeze %dma_start3A_768 : memref<1x80x128xf32, #tpu.memory_space<vmem>> -> memref<80x128xf32, #tpu.memory_space<vmem>>
        %dma_start3A_770 = arith.constant 0 : i32
        %dma_start3A_771 = arith.constant 0 : i32
        %dma_start3A_772 = tpu.memref_slice %dma_start3A_769[%dma_start3A_770, %dma_start3A_771] : memref<80x128xf32, #tpu.memory_space<vmem>> -> memref<40x128xf32, #tpu.memory_space<vmem>>
        tpu.enqueue_dma source(%dma_start3A_772 : memref<40x128xf32, #tpu.memory_space<vmem>>) target(%dma_start3A_765 : memref<40x128xf32, #tpu.memory_space<hbm>>) target_semaphore(%run_scoped3A_746 : memref<!tpu.dma_semaphore, #tpu.memory_space<semaphore_mem>>)
        %dma_wait3A_773 = arith.constant 0 : i32
        %dma_wait3A_774 = arith.constant 0 : i32
        %dma_wait3A_775 = tpu.memref_slice %arg10[%cond3A_717, %dma_wait3A_773, %dma_wait3A_774] : memref<4x80x128xf32, #tpu.memory_space<vmem>> -> memref<1x80x128xf32, #tpu.memory_space<vmem>>
        %dma_wait3A_776 = tpu.memref_squeeze %dma_wait3A_775 : memref<1x80x128xf32, #tpu.memory_space<vmem>> -> memref<80x128xf32, #tpu.memory_space<vmem>>
        %dma_wait3A_777 = arith.constant 0 : i32
        %dma_wait3A_778 = arith.constant 0 : i32
        %dma_wait3A_779 = tpu.memref_slice %dma_wait3A_776[%dma_wait3A_777, %dma_wait3A_778] : memref<80x128xf32, #tpu.memory_space<vmem>> -> memref<40x128xf32, #tpu.memory_space<vmem>>
        %dma_wait3A_780 = arith.constant 0 : i32
        %dma_wait3A_781 = arith.constant 0 : i32
        %dma_wait3A_782 = tpu.memref_slice %arg6[%arg0, %dma_wait3A_780, %dma_wait3A_781] : memref<2x10000x128xf32, #tpu.memory_space<hbm>> -> memref<1x10000x128xf32, #tpu.memory_space<hbm>>
        %dma_wait3A_783 = tpu.memref_squeeze %dma_wait3A_782 : memref<1x10000x128xf32, #tpu.memory_space<hbm>> -> memref<10000x128xf32, #tpu.memory_space<hbm>>
        %dma_wait3A_784 = arith.constant 0 : i32
        %dma_wait3A_785 = tpu.memref_slice %dma_wait3A_783[%mul3A_745, %dma_wait3A_784] : memref<10000x128xf32, #tpu.memory_space<hbm>> -> memref<40x128xf32, #tpu.memory_space<hbm>>
        %dma_wait3A_786 = arith.constant 0 : i32
        %dma_wait3A_787 = arith.constant 0 : i32
        %dma_wait3A_788 = tpu.memref_slice %arg6[%arg0, %dma_wait3A_786, %dma_wait3A_787] : memref<2x10000x128xf32, #tpu.memory_space<hbm>> -> memref<1x10000x128xf32, #tpu.memory_space<hbm>>
        %dma_wait3A_789 = tpu.memref_squeeze %dma_wait3A_788 : memref<1x10000x128xf32, #tpu.memory_space<hbm>> -> memref<10000x128xf32, #tpu.memory_space<hbm>>
        %dma_wait3A_790 = arith.constant 0 : i32
        %dma_wait3A_791 = tpu.memref_slice %dma_wait3A_789[%mul3A_745, %dma_wait3A_790] : memref<10000x128xf32, #tpu.memory_space<hbm>> -> memref<40x128xf32, #tpu.memory_space<hbm>>
        %dma_wait3A_792 = arith.constant 0 : i32
        %dma_wait3A_793 = arith.constant 0 : i32
        %dma_wait3A_794 = tpu.memref_slice %arg10[%cond3A_717, %dma_wait3A_792, %dma_wait3A_793] : memref<4x80x128xf32, #tpu.memory_space<vmem>> -> memref<1x80x128xf32, #tpu.memory_space<vmem>>
        %dma_wait3A_795 = tpu.memref_squeeze %dma_wait3A_794 : memref<1x80x128xf32, #tpu.memory_space<vmem>> -> memref<80x128xf32, #tpu.memory_space<vmem>>
        %dma_wait3A_796 = arith.constant 0 : i32
        %dma_wait3A_797 = arith.constant 0 : i32
        %dma_wait3A_798 = tpu.memref_slice %dma_wait3A_795[%dma_wait3A_796, %dma_wait3A_797] : memref<80x128xf32, #tpu.memory_space<vmem>> -> memref<40x128xf32, #tpu.memory_space<vmem>>
        tpu.wait_dma2 semaphore(%run_scoped3A_746 : memref<!tpu.dma_semaphore, #tpu.memory_space<semaphore_mem>>) src(%dma_wait3A_798 : memref<40x128xf32, #tpu.memory_space<vmem>>) dst(%dma_wait3A_791 : memref<40x128xf32, #tpu.memory_space<hbm>>)
        tpu.yield
      }) : () -> ()
    } else {
    }
    %add3A_720 = arith.constant 208 : i32
    %add3A_721 = arith.addi %add3A_720, %arg1 : i32
    %lt3A_722 = arith.constant 250 : i32
    %lt3A_723 = arith.cmpi slt, %add3A_721, %lt3A_722 : i32
    %convert_element_type3A_724 = arith.extui %lt3A_723 : i1 to i32
    %cond3A_725 = arith.constant 0 : i32
    %cond3A_726 = arith.constant 0 : i32
    %cond3A_727 = arith.cmpi ne, %convert_element_type3A_724, %cond3A_726 : i32
    scf.if %cond3A_727 {
      %mul3A_744 = arith.constant 40 : i32
      %mul3A_745 = arith.muli %add3A_721, %mul3A_744 : i32
      "tpu.region"() ({
        %run_scoped3A_746 = tpu.sem_alloc : memref<!tpu.dma_semaphore, #tpu.memory_space<semaphore_mem>>
        %dma_start3A_747 = arith.constant 0 : i32
        %dma_start3A_748 = arith.constant 0 : i32
        %dma_start3A_749 = tpu.memref_slice %arg10[%cond3A_725, %dma_start3A_747, %dma_start3A_748] : memref<4x80x128xf32, #tpu.memory_space<vmem>> -> memref<1x80x128xf32, #tpu.memory_space<vmem>>
        %dma_start3A_750 = tpu.memref_squeeze %dma_start3A_749 : memref<1x80x128xf32, #tpu.memory_space<vmem>> -> memref<80x128xf32, #tpu.memory_space<vmem>>
        %dma_start3A_751 = arith.constant 0 : i32
        %dma_start3A_752 = arith.constant 0 : i32
        %dma_start3A_753 = tpu.memref_slice %dma_start3A_750[%dma_start3A_751, %dma_start3A_752] : memref<80x128xf32, #tpu.memory_space<vmem>> -> memref<40x128xf32, #tpu.memory_space<vmem>>
        %dma_start3A_754 = arith.constant 0 : i32
        %dma_start3A_755 = tpu.memref_slice %arg7[%mul3A_745, %dma_start3A_754] : memref<10008x128xf32, #tpu.memory_space<vmem_shared>> -> memref<40x128xf32, #tpu.memory_space<vmem_shared>>
        %dma_start3A_756 = arith.constant 0 : i32
        %dma_start3A_757 = arith.constant 0 : i32
        %dma_start3A_758 = tpu.memref_slice %arg10[%cond3A_725, %dma_start3A_756, %dma_start3A_757] : memref<4x80x128xf32, #tpu.memory_space<vmem>> -> memref<1x80x128xf32, #tpu.memory_space<vmem>>
        %dma_start3A_759 = tpu.memref_squeeze %dma_start3A_758 : memref<1x80x128xf32, #tpu.memory_space<vmem>> -> memref<80x128xf32, #tpu.memory_space<vmem>>
        %dma_start3A_760 = arith.constant 0 : i32
        %dma_start3A_761 = arith.constant 0 : i32
        %dma_start3A_762 = tpu.memref_slice %dma_start3A_759[%dma_start3A_760, %dma_start3A_761] : memref<80x128xf32, #tpu.memory_space<vmem>> -> memref<40x128xf32, #tpu.memory_space<vmem>>
        %dma_start3A_763 = arith.constant 0 : i32
        %dma_start3A_764 = tpu.memref_slice %arg7[%mul3A_745, %dma_start3A_763] : memref<10008x128xf32, #tpu.memory_space<vmem_shared>> -> memref<40x128xf32, #tpu.memory_space<vmem_shared>>
        tpu.enqueue_dma source(%dma_start3A_764 : memref<40x128xf32, #tpu.memory_space<vmem_shared>>) target(%dma_start3A_762 : memref<40x128xf32, #tpu.memory_space<vmem>>) target_semaphore(%run_scoped3A_746 : memref<!tpu.dma_semaphore, #tpu.memory_space<semaphore_mem>>)
        %dma_wait3A_765 = arith.constant 0 : i32
        %dma_wait3A_766 = arith.constant 0 : i32
        %dma_wait3A_767 = tpu.memref_slice %arg10[%cond3A_725, %dma_wait3A_765, %dma_wait3A_766] : memref<4x80x128xf32, #tpu.memory_space<vmem>> -> memref<1x80x128xf32, #tpu.memory_space<vmem>>
        %dma_wait3A_768 = tpu.memref_squeeze %dma_wait3A_767 : memref<1x80x128xf32, #tpu.memory_space<vmem>> -> memref<80x128xf32, #tpu.memory_space<vmem>>
        %dma_wait3A_769 = arith.constant 0 : i32
        %dma_wait3A_770 = arith.constant 0 : i32
        %dma_wait3A_771 = tpu.memref_slice %dma_wait3A_768[%dma_wait3A_769, %dma_wait3A_770] : memref<80x128xf32, #tpu.memory_space<vmem>> -> memref<40x128xf32, #tpu.memory_space<vmem>>
        %dma_wait3A_772 = arith.constant 0 : i32
        %dma_wait3A_773 = tpu.memref_slice %arg7[%mul3A_745, %dma_wait3A_772] : memref<10008x128xf32, #tpu.memory_space<vmem_shared>> -> memref<40x128xf32, #tpu.memory_space<vmem_shared>>
        %dma_wait3A_774 = arith.constant 0 : i32
        %dma_wait3A_775 = arith.constant 0 : i32
        %dma_wait3A_776 = tpu.memref_slice %arg10[%cond3A_725, %dma_wait3A_774, %dma_wait3A_775] : memref<4x80x128xf32, #tpu.memory_space<vmem>> -> memref<1x80x128xf32, #tpu.memory_space<vmem>>
        %dma_wait3A_777 = tpu.memref_squeeze %dma_wait3A_776 : memref<1x80x128xf32, #tpu.memory_space<vmem>> -> memref<80x128xf32, #tpu.memory_space<vmem>>
        %dma_wait3A_778 = arith.constant 0 : i32
        %dma_wait3A_779 = arith.constant 0 : i32
        %dma_wait3A_780 = tpu.memref_slice %dma_wait3A_777[%dma_wait3A_778, %dma_wait3A_779] : memref<80x128xf32, #tpu.memory_space<vmem>> -> memref<40x128xf32, #tpu.memory_space<vmem>>
        %dma_wait3A_781 = arith.constant 0 : i32
        %dma_wait3A_782 = tpu.memref_slice %arg7[%mul3A_745, %dma_wait3A_781] : memref<10008x128xf32, #tpu.memory_space<vmem_shared>> -> memref<40x128xf32, #tpu.memory_space<vmem_shared>>
        tpu.wait_dma2 semaphore(%run_scoped3A_746 : memref<!tpu.dma_semaphore, #tpu.memory_space<semaphore_mem>>) src(%dma_wait3A_782 : memref<40x128xf32, #tpu.memory_space<vmem_shared>>) dst(%dma_wait3A_780 : memref<40x128xf32, #tpu.memory_space<vmem>>)
        tpu.yield
      }) : () -> ()
      "tpu.region"() ({
        %run_scoped3A_746 = tpu.sem_alloc : memref<!tpu.dma_semaphore, #tpu.memory_space<semaphore_mem>>
        %dma_start3A_747 = arith.constant 0 : i32
        %dma_start3A_748 = arith.constant 0 : i32
        %dma_start3A_749 = tpu.memref_slice %arg10[%cond3A_725, %dma_start3A_747, %dma_start3A_748] : memref<4x80x128xf32, #tpu.memory_space<vmem>> -> memref<1x80x128xf32, #tpu.memory_space<vmem>>
        %dma_start3A_750 = tpu.memref_squeeze %dma_start3A_749 : memref<1x80x128xf32, #tpu.memory_space<vmem>> -> memref<80x128xf32, #tpu.memory_space<vmem>>
        %dma_start3A_751 = arith.constant 0 : i32
        %dma_start3A_752 = arith.constant 0 : i32
        %dma_start3A_753 = tpu.memref_slice %dma_start3A_750[%dma_start3A_751, %dma_start3A_752] : memref<80x128xf32, #tpu.memory_space<vmem>> -> memref<40x128xf32, #tpu.memory_space<vmem>>
        %dma_start3A_754 = arith.constant 0 : i32
        %dma_start3A_755 = arith.constant 0 : i32
        %dma_start3A_756 = tpu.memref_slice %arg6[%arg0, %dma_start3A_754, %dma_start3A_755] : memref<2x10000x128xf32, #tpu.memory_space<hbm>> -> memref<1x10000x128xf32, #tpu.memory_space<hbm>>
        %dma_start3A_757 = tpu.memref_squeeze %dma_start3A_756 : memref<1x10000x128xf32, #tpu.memory_space<hbm>> -> memref<10000x128xf32, #tpu.memory_space<hbm>>
        %dma_start3A_758 = arith.constant 0 : i32
        %dma_start3A_759 = tpu.memref_slice %dma_start3A_757[%mul3A_745, %dma_start3A_758] : memref<10000x128xf32, #tpu.memory_space<hbm>> -> memref<40x128xf32, #tpu.memory_space<hbm>>
        %dma_start3A_760 = arith.constant 0 : i32
        %dma_start3A_761 = arith.constant 0 : i32
        %dma_start3A_762 = tpu.memref_slice %arg6[%arg0, %dma_start3A_760, %dma_start3A_761] : memref<2x10000x128xf32, #tpu.memory_space<hbm>> -> memref<1x10000x128xf32, #tpu.memory_space<hbm>>
        %dma_start3A_763 = tpu.memref_squeeze %dma_start3A_762 : memref<1x10000x128xf32, #tpu.memory_space<hbm>> -> memref<10000x128xf32, #tpu.memory_space<hbm>>
        %dma_start3A_764 = arith.constant 0 : i32
        %dma_start3A_765 = tpu.memref_slice %dma_start3A_763[%mul3A_745, %dma_start3A_764] : memref<10000x128xf32, #tpu.memory_space<hbm>> -> memref<40x128xf32, #tpu.memory_space<hbm>>
        %dma_start3A_766 = arith.constant 0 : i32
        %dma_start3A_767 = arith.constant 0 : i32
        %dma_start3A_768 = tpu.memref_slice %arg10[%cond3A_725, %dma_start3A_766, %dma_start3A_767] : memref<4x80x128xf32, #tpu.memory_space<vmem>> -> memref<1x80x128xf32, #tpu.memory_space<vmem>>
        %dma_start3A_769 = tpu.memref_squeeze %dma_start3A_768 : memref<1x80x128xf32, #tpu.memory_space<vmem>> -> memref<80x128xf32, #tpu.memory_space<vmem>>
        %dma_start3A_770 = arith.constant 0 : i32
        %dma_start3A_771 = arith.constant 0 : i32
        %dma_start3A_772 = tpu.memref_slice %dma_start3A_769[%dma_start3A_770, %dma_start3A_771] : memref<80x128xf32, #tpu.memory_space<vmem>> -> memref<40x128xf32, #tpu.memory_space<vmem>>
        tpu.enqueue_dma source(%dma_start3A_772 : memref<40x128xf32, #tpu.memory_space<vmem>>) target(%dma_start3A_765 : memref<40x128xf32, #tpu.memory_space<hbm>>) target_semaphore(%run_scoped3A_746 : memref<!tpu.dma_semaphore, #tpu.memory_space<semaphore_mem>>)
        %dma_wait3A_773 = arith.constant 0 : i32
        %dma_wait3A_774 = arith.constant 0 : i32
        %dma_wait3A_775 = tpu.memref_slice %arg10[%cond3A_725, %dma_wait3A_773, %dma_wait3A_774] : memref<4x80x128xf32, #tpu.memory_space<vmem>> -> memref<1x80x128xf32, #tpu.memory_space<vmem>>
        %dma_wait3A_776 = tpu.memref_squeeze %dma_wait3A_775 : memref<1x80x128xf32, #tpu.memory_space<vmem>> -> memref<80x128xf32, #tpu.memory_space<vmem>>
        %dma_wait3A_777 = arith.constant 0 : i32
        %dma_wait3A_778 = arith.constant 0 : i32
        %dma_wait3A_779 = tpu.memref_slice %dma_wait3A_776[%dma_wait3A_777, %dma_wait3A_778] : memref<80x128xf32, #tpu.memory_space<vmem>> -> memref<40x128xf32, #tpu.memory_space<vmem>>
        %dma_wait3A_780 = arith.constant 0 : i32
        %dma_wait3A_781 = arith.constant 0 : i32
        %dma_wait3A_782 = tpu.memref_slice %arg6[%arg0, %dma_wait3A_780, %dma_wait3A_781] : memref<2x10000x128xf32, #tpu.memory_space<hbm>> -> memref<1x10000x128xf32, #tpu.memory_space<hbm>>
        %dma_wait3A_783 = tpu.memref_squeeze %dma_wait3A_782 : memref<1x10000x128xf32, #tpu.memory_space<hbm>> -> memref<10000x128xf32, #tpu.memory_space<hbm>>
        %dma_wait3A_784 = arith.constant 0 : i32
        %dma_wait3A_785 = tpu.memref_slice %dma_wait3A_783[%mul3A_745, %dma_wait3A_784] : memref<10000x128xf32, #tpu.memory_space<hbm>> -> memref<40x128xf32, #tpu.memory_space<hbm>>
        %dma_wait3A_786 = arith.constant 0 : i32
        %dma_wait3A_787 = arith.constant 0 : i32
        %dma_wait3A_788 = tpu.memref_slice %arg6[%arg0, %dma_wait3A_786, %dma_wait3A_787] : memref<2x10000x128xf32, #tpu.memory_space<hbm>> -> memref<1x10000x128xf32, #tpu.memory_space<hbm>>
        %dma_wait3A_789 = tpu.memref_squeeze %dma_wait3A_788 : memref<1x10000x128xf32, #tpu.memory_space<hbm>> -> memref<10000x128xf32, #tpu.memory_space<hbm>>
        %dma_wait3A_790 = arith.constant 0 : i32
        %dma_wait3A_791 = tpu.memref_slice %dma_wait3A_789[%mul3A_745, %dma_wait3A_790] : memref<10000x128xf32, #tpu.memory_space<hbm>> -> memref<40x128xf32, #tpu.memory_space<hbm>>
        %dma_wait3A_792 = arith.constant 0 : i32
        %dma_wait3A_793 = arith.constant 0 : i32
        %dma_wait3A_794 = tpu.memref_slice %arg10[%cond3A_725, %dma_wait3A_792, %dma_wait3A_793] : memref<4x80x128xf32, #tpu.memory_space<vmem>> -> memref<1x80x128xf32, #tpu.memory_space<vmem>>
        %dma_wait3A_795 = tpu.memref_squeeze %dma_wait3A_794 : memref<1x80x128xf32, #tpu.memory_space<vmem>> -> memref<80x128xf32, #tpu.memory_space<vmem>>
        %dma_wait3A_796 = arith.constant 0 : i32
        %dma_wait3A_797 = arith.constant 0 : i32
        %dma_wait3A_798 = tpu.memref_slice %dma_wait3A_795[%dma_wait3A_796, %dma_wait3A_797] : memref<80x128xf32, #tpu.memory_space<vmem>> -> memref<40x128xf32, #tpu.memory_space<vmem>>
        tpu.wait_dma2 semaphore(%run_scoped3A_746 : memref<!tpu.dma_semaphore, #tpu.memory_space<semaphore_mem>>) src(%dma_wait3A_798 : memref<40x128xf32, #tpu.memory_space<vmem>>) dst(%dma_wait3A_791 : memref<40x128xf32, #tpu.memory_space<hbm>>)
        tpu.yield
      }) : () -> ()
    } else {
    }
    %add3A_728 = arith.constant 224 : i32
    %add3A_729 = arith.addi %add3A_728, %arg1 : i32
    %lt3A_730 = arith.constant 250 : i32
    %lt3A_731 = arith.cmpi slt, %add3A_729, %lt3A_730 : i32
    %convert_element_type3A_732 = arith.extui %lt3A_731 : i1 to i32
    %cond3A_733 = arith.constant 0 : i32
    %cond3A_734 = arith.constant 0 : i32
    %cond3A_735 = arith.cmpi ne, %convert_element_type3A_732, %cond3A_734 : i32
    scf.if %cond3A_735 {
      %mul3A_744 = arith.constant 40 : i32
      %mul3A_745 = arith.muli %add3A_729, %mul3A_744 : i32
      "tpu.region"() ({
        %run_scoped3A_746 = tpu.sem_alloc : memref<!tpu.dma_semaphore, #tpu.memory_space<semaphore_mem>>
        %dma_start3A_747 = arith.constant 0 : i32
        %dma_start3A_748 = arith.constant 0 : i32
        %dma_start3A_749 = tpu.memref_slice %arg10[%cond3A_733, %dma_start3A_747, %dma_start3A_748] : memref<4x80x128xf32, #tpu.memory_space<vmem>> -> memref<1x80x128xf32, #tpu.memory_space<vmem>>
        %dma_start3A_750 = tpu.memref_squeeze %dma_start3A_749 : memref<1x80x128xf32, #tpu.memory_space<vmem>> -> memref<80x128xf32, #tpu.memory_space<vmem>>
        %dma_start3A_751 = arith.constant 0 : i32
        %dma_start3A_752 = arith.constant 0 : i32
        %dma_start3A_753 = tpu.memref_slice %dma_start3A_750[%dma_start3A_751, %dma_start3A_752] : memref<80x128xf32, #tpu.memory_space<vmem>> -> memref<40x128xf32, #tpu.memory_space<vmem>>
        %dma_start3A_754 = arith.constant 0 : i32
        %dma_start3A_755 = tpu.memref_slice %arg7[%mul3A_745, %dma_start3A_754] : memref<10008x128xf32, #tpu.memory_space<vmem_shared>> -> memref<40x128xf32, #tpu.memory_space<vmem_shared>>
        %dma_start3A_756 = arith.constant 0 : i32
        %dma_start3A_757 = arith.constant 0 : i32
        %dma_start3A_758 = tpu.memref_slice %arg10[%cond3A_733, %dma_start3A_756, %dma_start3A_757] : memref<4x80x128xf32, #tpu.memory_space<vmem>> -> memref<1x80x128xf32, #tpu.memory_space<vmem>>
        %dma_start3A_759 = tpu.memref_squeeze %dma_start3A_758 : memref<1x80x128xf32, #tpu.memory_space<vmem>> -> memref<80x128xf32, #tpu.memory_space<vmem>>
        %dma_start3A_760 = arith.constant 0 : i32
        %dma_start3A_761 = arith.constant 0 : i32
        %dma_start3A_762 = tpu.memref_slice %dma_start3A_759[%dma_start3A_760, %dma_start3A_761] : memref<80x128xf32, #tpu.memory_space<vmem>> -> memref<40x128xf32, #tpu.memory_space<vmem>>
        %dma_start3A_763 = arith.constant 0 : i32
        %dma_start3A_764 = tpu.memref_slice %arg7[%mul3A_745, %dma_start3A_763] : memref<10008x128xf32, #tpu.memory_space<vmem_shared>> -> memref<40x128xf32, #tpu.memory_space<vmem_shared>>
        tpu.enqueue_dma source(%dma_start3A_764 : memref<40x128xf32, #tpu.memory_space<vmem_shared>>) target(%dma_start3A_762 : memref<40x128xf32, #tpu.memory_space<vmem>>) target_semaphore(%run_scoped3A_746 : memref<!tpu.dma_semaphore, #tpu.memory_space<semaphore_mem>>)
        %dma_wait3A_765 = arith.constant 0 : i32
        %dma_wait3A_766 = arith.constant 0 : i32
        %dma_wait3A_767 = tpu.memref_slice %arg10[%cond3A_733, %dma_wait3A_765, %dma_wait3A_766] : memref<4x80x128xf32, #tpu.memory_space<vmem>> -> memref<1x80x128xf32, #tpu.memory_space<vmem>>
        %dma_wait3A_768 = tpu.memref_squeeze %dma_wait3A_767 : memref<1x80x128xf32, #tpu.memory_space<vmem>> -> memref<80x128xf32, #tpu.memory_space<vmem>>
        %dma_wait3A_769 = arith.constant 0 : i32
        %dma_wait3A_770 = arith.constant 0 : i32
        %dma_wait3A_771 = tpu.memref_slice %dma_wait3A_768[%dma_wait3A_769, %dma_wait3A_770] : memref<80x128xf32, #tpu.memory_space<vmem>> -> memref<40x128xf32, #tpu.memory_space<vmem>>
        %dma_wait3A_772 = arith.constant 0 : i32
        %dma_wait3A_773 = tpu.memref_slice %arg7[%mul3A_745, %dma_wait3A_772] : memref<10008x128xf32, #tpu.memory_space<vmem_shared>> -> memref<40x128xf32, #tpu.memory_space<vmem_shared>>
        %dma_wait3A_774 = arith.constant 0 : i32
        %dma_wait3A_775 = arith.constant 0 : i32
        %dma_wait3A_776 = tpu.memref_slice %arg10[%cond3A_733, %dma_wait3A_774, %dma_wait3A_775] : memref<4x80x128xf32, #tpu.memory_space<vmem>> -> memref<1x80x128xf32, #tpu.memory_space<vmem>>
        %dma_wait3A_777 = tpu.memref_squeeze %dma_wait3A_776 : memref<1x80x128xf32, #tpu.memory_space<vmem>> -> memref<80x128xf32, #tpu.memory_space<vmem>>
        %dma_wait3A_778 = arith.constant 0 : i32
        %dma_wait3A_779 = arith.constant 0 : i32
        %dma_wait3A_780 = tpu.memref_slice %dma_wait3A_777[%dma_wait3A_778, %dma_wait3A_779] : memref<80x128xf32, #tpu.memory_space<vmem>> -> memref<40x128xf32, #tpu.memory_space<vmem>>
        %dma_wait3A_781 = arith.constant 0 : i32
        %dma_wait3A_782 = tpu.memref_slice %arg7[%mul3A_745, %dma_wait3A_781] : memref<10008x128xf32, #tpu.memory_space<vmem_shared>> -> memref<40x128xf32, #tpu.memory_space<vmem_shared>>
        tpu.wait_dma2 semaphore(%run_scoped3A_746 : memref<!tpu.dma_semaphore, #tpu.memory_space<semaphore_mem>>) src(%dma_wait3A_782 : memref<40x128xf32, #tpu.memory_space<vmem_shared>>) dst(%dma_wait3A_780 : memref<40x128xf32, #tpu.memory_space<vmem>>)
        tpu.yield
      }) : () -> ()
      "tpu.region"() ({
        %run_scoped3A_746 = tpu.sem_alloc : memref<!tpu.dma_semaphore, #tpu.memory_space<semaphore_mem>>
        %dma_start3A_747 = arith.constant 0 : i32
        %dma_start3A_748 = arith.constant 0 : i32
        %dma_start3A_749 = tpu.memref_slice %arg10[%cond3A_733, %dma_start3A_747, %dma_start3A_748] : memref<4x80x128xf32, #tpu.memory_space<vmem>> -> memref<1x80x128xf32, #tpu.memory_space<vmem>>
        %dma_start3A_750 = tpu.memref_squeeze %dma_start3A_749 : memref<1x80x128xf32, #tpu.memory_space<vmem>> -> memref<80x128xf32, #tpu.memory_space<vmem>>
        %dma_start3A_751 = arith.constant 0 : i32
        %dma_start3A_752 = arith.constant 0 : i32
        %dma_start3A_753 = tpu.memref_slice %dma_start3A_750[%dma_start3A_751, %dma_start3A_752] : memref<80x128xf32, #tpu.memory_space<vmem>> -> memref<40x128xf32, #tpu.memory_space<vmem>>
        %dma_start3A_754 = arith.constant 0 : i32
        %dma_start3A_755 = arith.constant 0 : i32
        %dma_start3A_756 = tpu.memref_slice %arg6[%arg0, %dma_start3A_754, %dma_start3A_755] : memref<2x10000x128xf32, #tpu.memory_space<hbm>> -> memref<1x10000x128xf32, #tpu.memory_space<hbm>>
        %dma_start3A_757 = tpu.memref_squeeze %dma_start3A_756 : memref<1x10000x128xf32, #tpu.memory_space<hbm>> -> memref<10000x128xf32, #tpu.memory_space<hbm>>
        %dma_start3A_758 = arith.constant 0 : i32
        %dma_start3A_759 = tpu.memref_slice %dma_start3A_757[%mul3A_745, %dma_start3A_758] : memref<10000x128xf32, #tpu.memory_space<hbm>> -> memref<40x128xf32, #tpu.memory_space<hbm>>
        %dma_start3A_760 = arith.constant 0 : i32
        %dma_start3A_761 = arith.constant 0 : i32
        %dma_start3A_762 = tpu.memref_slice %arg6[%arg0, %dma_start3A_760, %dma_start3A_761] : memref<2x10000x128xf32, #tpu.memory_space<hbm>> -> memref<1x10000x128xf32, #tpu.memory_space<hbm>>
        %dma_start3A_763 = tpu.memref_squeeze %dma_start3A_762 : memref<1x10000x128xf32, #tpu.memory_space<hbm>> -> memref<10000x128xf32, #tpu.memory_space<hbm>>
        %dma_start3A_764 = arith.constant 0 : i32
        %dma_start3A_765 = tpu.memref_slice %dma_start3A_763[%mul3A_745, %dma_start3A_764] : memref<10000x128xf32, #tpu.memory_space<hbm>> -> memref<40x128xf32, #tpu.memory_space<hbm>>
        %dma_start3A_766 = arith.constant 0 : i32
        %dma_start3A_767 = arith.constant 0 : i32
        %dma_start3A_768 = tpu.memref_slice %arg10[%cond3A_733, %dma_start3A_766, %dma_start3A_767] : memref<4x80x128xf32, #tpu.memory_space<vmem>> -> memref<1x80x128xf32, #tpu.memory_space<vmem>>
        %dma_start3A_769 = tpu.memref_squeeze %dma_start3A_768 : memref<1x80x128xf32, #tpu.memory_space<vmem>> -> memref<80x128xf32, #tpu.memory_space<vmem>>
        %dma_start3A_770 = arith.constant 0 : i32
        %dma_start3A_771 = arith.constant 0 : i32
        %dma_start3A_772 = tpu.memref_slice %dma_start3A_769[%dma_start3A_770, %dma_start3A_771] : memref<80x128xf32, #tpu.memory_space<vmem>> -> memref<40x128xf32, #tpu.memory_space<vmem>>
        tpu.enqueue_dma source(%dma_start3A_772 : memref<40x128xf32, #tpu.memory_space<vmem>>) target(%dma_start3A_765 : memref<40x128xf32, #tpu.memory_space<hbm>>) target_semaphore(%run_scoped3A_746 : memref<!tpu.dma_semaphore, #tpu.memory_space<semaphore_mem>>)
        %dma_wait3A_773 = arith.constant 0 : i32
        %dma_wait3A_774 = arith.constant 0 : i32
        %dma_wait3A_775 = tpu.memref_slice %arg10[%cond3A_733, %dma_wait3A_773, %dma_wait3A_774] : memref<4x80x128xf32, #tpu.memory_space<vmem>> -> memref<1x80x128xf32, #tpu.memory_space<vmem>>
        %dma_wait3A_776 = tpu.memref_squeeze %dma_wait3A_775 : memref<1x80x128xf32, #tpu.memory_space<vmem>> -> memref<80x128xf32, #tpu.memory_space<vmem>>
        %dma_wait3A_777 = arith.constant 0 : i32
        %dma_wait3A_778 = arith.constant 0 : i32
        %dma_wait3A_779 = tpu.memref_slice %dma_wait3A_776[%dma_wait3A_777, %dma_wait3A_778] : memref<80x128xf32, #tpu.memory_space<vmem>> -> memref<40x128xf32, #tpu.memory_space<vmem>>
        %dma_wait3A_780 = arith.constant 0 : i32
        %dma_wait3A_781 = arith.constant 0 : i32
        %dma_wait3A_782 = tpu.memref_slice %arg6[%arg0, %dma_wait3A_780, %dma_wait3A_781] : memref<2x10000x128xf32, #tpu.memory_space<hbm>> -> memref<1x10000x128xf32, #tpu.memory_space<hbm>>
        %dma_wait3A_783 = tpu.memref_squeeze %dma_wait3A_782 : memref<1x10000x128xf32, #tpu.memory_space<hbm>> -> memref<10000x128xf32, #tpu.memory_space<hbm>>
        %dma_wait3A_784 = arith.constant 0 : i32
        %dma_wait3A_785 = tpu.memref_slice %dma_wait3A_783[%mul3A_745, %dma_wait3A_784] : memref<10000x128xf32, #tpu.memory_space<hbm>> -> memref<40x128xf32, #tpu.memory_space<hbm>>
        %dma_wait3A_786 = arith.constant 0 : i32
        %dma_wait3A_787 = arith.constant 0 : i32
        %dma_wait3A_788 = tpu.memref_slice %arg6[%arg0, %dma_wait3A_786, %dma_wait3A_787] : memref<2x10000x128xf32, #tpu.memory_space<hbm>> -> memref<1x10000x128xf32, #tpu.memory_space<hbm>>
        %dma_wait3A_789 = tpu.memref_squeeze %dma_wait3A_788 : memref<1x10000x128xf32, #tpu.memory_space<hbm>> -> memref<10000x128xf32, #tpu.memory_space<hbm>>
        %dma_wait3A_790 = arith.constant 0 : i32
        %dma_wait3A_791 = tpu.memref_slice %dma_wait3A_789[%mul3A_745, %dma_wait3A_790] : memref<10000x128xf32, #tpu.memory_space<hbm>> -> memref<40x128xf32, #tpu.memory_space<hbm>>
        %dma_wait3A_792 = arith.constant 0 : i32
        %dma_wait3A_793 = arith.constant 0 : i32
        %dma_wait3A_794 = tpu.memref_slice %arg10[%cond3A_733, %dma_wait3A_792, %dma_wait3A_793] : memref<4x80x128xf32, #tpu.memory_space<vmem>> -> memref<1x80x128xf32, #tpu.memory_space<vmem>>
        %dma_wait3A_795 = tpu.memref_squeeze %dma_wait3A_794 : memref<1x80x128xf32, #tpu.memory_space<vmem>> -> memref<80x128xf32, #tpu.memory_space<vmem>>
        %dma_wait3A_796 = arith.constant 0 : i32
        %dma_wait3A_797 = arith.constant 0 : i32
        %dma_wait3A_798 = tpu.memref_slice %dma_wait3A_795[%dma_wait3A_796, %dma_wait3A_797] : memref<80x128xf32, #tpu.memory_space<vmem>> -> memref<40x128xf32, #tpu.memory_space<vmem>>
        tpu.wait_dma2 semaphore(%run_scoped3A_746 : memref<!tpu.dma_semaphore, #tpu.memory_space<semaphore_mem>>) src(%dma_wait3A_798 : memref<40x128xf32, #tpu.memory_space<vmem>>) dst(%dma_wait3A_791 : memref<40x128xf32, #tpu.memory_space<hbm>>)
        tpu.yield
      }) : () -> ()
    } else {
    }
    %add3A_736 = arith.constant 240 : i32
    %add3A_737 = arith.addi %add3A_736, %arg1 : i32
    %lt3A_738 = arith.constant 250 : i32
    %lt3A_739 = arith.cmpi slt, %add3A_737, %lt3A_738 : i32
    %convert_element_type3A_740 = arith.extui %lt3A_739 : i1 to i32
    %cond3A_741 = arith.constant 0 : i32
    %cond3A_742 = arith.constant 0 : i32
    %cond3A_743 = arith.cmpi ne, %convert_element_type3A_740, %cond3A_742 : i32
    scf.if %cond3A_743 {
      %mul3A_744 = arith.constant 40 : i32
      %mul3A_745 = arith.muli %add3A_737, %mul3A_744 : i32
      "tpu.region"() ({
        %run_scoped3A_746 = tpu.sem_alloc : memref<!tpu.dma_semaphore, #tpu.memory_space<semaphore_mem>>
        %dma_start3A_747 = arith.constant 0 : i32
        %dma_start3A_748 = arith.constant 0 : i32
        %dma_start3A_749 = tpu.memref_slice %arg10[%cond3A_741, %dma_start3A_747, %dma_start3A_748] : memref<4x80x128xf32, #tpu.memory_space<vmem>> -> memref<1x80x128xf32, #tpu.memory_space<vmem>>
        %dma_start3A_750 = tpu.memref_squeeze %dma_start3A_749 : memref<1x80x128xf32, #tpu.memory_space<vmem>> -> memref<80x128xf32, #tpu.memory_space<vmem>>
        %dma_start3A_751 = arith.constant 0 : i32
        %dma_start3A_752 = arith.constant 0 : i32
        %dma_start3A_753 = tpu.memref_slice %dma_start3A_750[%dma_start3A_751, %dma_start3A_752] : memref<80x128xf32, #tpu.memory_space<vmem>> -> memref<40x128xf32, #tpu.memory_space<vmem>>
        %dma_start3A_754 = arith.constant 0 : i32
        %dma_start3A_755 = tpu.memref_slice %arg7[%mul3A_745, %dma_start3A_754] : memref<10008x128xf32, #tpu.memory_space<vmem_shared>> -> memref<40x128xf32, #tpu.memory_space<vmem_shared>>
        %dma_start3A_756 = arith.constant 0 : i32
        %dma_start3A_757 = arith.constant 0 : i32
        %dma_start3A_758 = tpu.memref_slice %arg10[%cond3A_741, %dma_start3A_756, %dma_start3A_757] : memref<4x80x128xf32, #tpu.memory_space<vmem>> -> memref<1x80x128xf32, #tpu.memory_space<vmem>>
        %dma_start3A_759 = tpu.memref_squeeze %dma_start3A_758 : memref<1x80x128xf32, #tpu.memory_space<vmem>> -> memref<80x128xf32, #tpu.memory_space<vmem>>
        %dma_start3A_760 = arith.constant 0 : i32
        %dma_start3A_761 = arith.constant 0 : i32
        %dma_start3A_762 = tpu.memref_slice %dma_start3A_759[%dma_start3A_760, %dma_start3A_761] : memref<80x128xf32, #tpu.memory_space<vmem>> -> memref<40x128xf32, #tpu.memory_space<vmem>>
        %dma_start3A_763 = arith.constant 0 : i32
        %dma_start3A_764 = tpu.memref_slice %arg7[%mul3A_745, %dma_start3A_763] : memref<10008x128xf32, #tpu.memory_space<vmem_shared>> -> memref<40x128xf32, #tpu.memory_space<vmem_shared>>
        tpu.enqueue_dma source(%dma_start3A_764 : memref<40x128xf32, #tpu.memory_space<vmem_shared>>) target(%dma_start3A_762 : memref<40x128xf32, #tpu.memory_space<vmem>>) target_semaphore(%run_scoped3A_746 : memref<!tpu.dma_semaphore, #tpu.memory_space<semaphore_mem>>)
        %dma_wait3A_765 = arith.constant 0 : i32
        %dma_wait3A_766 = arith.constant 0 : i32
        %dma_wait3A_767 = tpu.memref_slice %arg10[%cond3A_741, %dma_wait3A_765, %dma_wait3A_766] : memref<4x80x128xf32, #tpu.memory_space<vmem>> -> memref<1x80x128xf32, #tpu.memory_space<vmem>>
        %dma_wait3A_768 = tpu.memref_squeeze %dma_wait3A_767 : memref<1x80x128xf32, #tpu.memory_space<vmem>> -> memref<80x128xf32, #tpu.memory_space<vmem>>
        %dma_wait3A_769 = arith.constant 0 : i32
        %dma_wait3A_770 = arith.constant 0 : i32
        %dma_wait3A_771 = tpu.memref_slice %dma_wait3A_768[%dma_wait3A_769, %dma_wait3A_770] : memref<80x128xf32, #tpu.memory_space<vmem>> -> memref<40x128xf32, #tpu.memory_space<vmem>>
        %dma_wait3A_772 = arith.constant 0 : i32
        %dma_wait3A_773 = tpu.memref_slice %arg7[%mul3A_745, %dma_wait3A_772] : memref<10008x128xf32, #tpu.memory_space<vmem_shared>> -> memref<40x128xf32, #tpu.memory_space<vmem_shared>>
        %dma_wait3A_774 = arith.constant 0 : i32
        %dma_wait3A_775 = arith.constant 0 : i32
        %dma_wait3A_776 = tpu.memref_slice %arg10[%cond3A_741, %dma_wait3A_774, %dma_wait3A_775] : memref<4x80x128xf32, #tpu.memory_space<vmem>> -> memref<1x80x128xf32, #tpu.memory_space<vmem>>
        %dma_wait3A_777 = tpu.memref_squeeze %dma_wait3A_776 : memref<1x80x128xf32, #tpu.memory_space<vmem>> -> memref<80x128xf32, #tpu.memory_space<vmem>>
        %dma_wait3A_778 = arith.constant 0 : i32
        %dma_wait3A_779 = arith.constant 0 : i32
        %dma_wait3A_780 = tpu.memref_slice %dma_wait3A_777[%dma_wait3A_778, %dma_wait3A_779] : memref<80x128xf32, #tpu.memory_space<vmem>> -> memref<40x128xf32, #tpu.memory_space<vmem>>
        %dma_wait3A_781 = arith.constant 0 : i32
        %dma_wait3A_782 = tpu.memref_slice %arg7[%mul3A_745, %dma_wait3A_781] : memref<10008x128xf32, #tpu.memory_space<vmem_shared>> -> memref<40x128xf32, #tpu.memory_space<vmem_shared>>
        tpu.wait_dma2 semaphore(%run_scoped3A_746 : memref<!tpu.dma_semaphore, #tpu.memory_space<semaphore_mem>>) src(%dma_wait3A_782 : memref<40x128xf32, #tpu.memory_space<vmem_shared>>) dst(%dma_wait3A_780 : memref<40x128xf32, #tpu.memory_space<vmem>>)
        tpu.yield
      }) : () -> ()
      "tpu.region"() ({
        %run_scoped3A_746 = tpu.sem_alloc : memref<!tpu.dma_semaphore, #tpu.memory_space<semaphore_mem>>
        %dma_start3A_747 = arith.constant 0 : i32
        %dma_start3A_748 = arith.constant 0 : i32
        %dma_start3A_749 = tpu.memref_slice %arg10[%cond3A_741, %dma_start3A_747, %dma_start3A_748] : memref<4x80x128xf32, #tpu.memory_space<vmem>> -> memref<1x80x128xf32, #tpu.memory_space<vmem>>
        %dma_start3A_750 = tpu.memref_squeeze %dma_start3A_749 : memref<1x80x128xf32, #tpu.memory_space<vmem>> -> memref<80x128xf32, #tpu.memory_space<vmem>>
        %dma_start3A_751 = arith.constant 0 : i32
        %dma_start3A_752 = arith.constant 0 : i32
        %dma_start3A_753 = tpu.memref_slice %dma_start3A_750[%dma_start3A_751, %dma_start3A_752] : memref<80x128xf32, #tpu.memory_space<vmem>> -> memref<40x128xf32, #tpu.memory_space<vmem>>
        %dma_start3A_754 = arith.constant 0 : i32
        %dma_start3A_755 = arith.constant 0 : i32
        %dma_start3A_756 = tpu.memref_slice %arg6[%arg0, %dma_start3A_754, %dma_start3A_755] : memref<2x10000x128xf32, #tpu.memory_space<hbm>> -> memref<1x10000x128xf32, #tpu.memory_space<hbm>>
        %dma_start3A_757 = tpu.memref_squeeze %dma_start3A_756 : memref<1x10000x128xf32, #tpu.memory_space<hbm>> -> memref<10000x128xf32, #tpu.memory_space<hbm>>
        %dma_start3A_758 = arith.constant 0 : i32
        %dma_start3A_759 = tpu.memref_slice %dma_start3A_757[%mul3A_745, %dma_start3A_758] : memref<10000x128xf32, #tpu.memory_space<hbm>> -> memref<40x128xf32, #tpu.memory_space<hbm>>
        %dma_start3A_760 = arith.constant 0 : i32
        %dma_start3A_761 = arith.constant 0 : i32
        %dma_start3A_762 = tpu.memref_slice %arg6[%arg0, %dma_start3A_760, %dma_start3A_761] : memref<2x10000x128xf32, #tpu.memory_space<hbm>> -> memref<1x10000x128xf32, #tpu.memory_space<hbm>>
        %dma_start3A_763 = tpu.memref_squeeze %dma_start3A_762 : memref<1x10000x128xf32, #tpu.memory_space<hbm>> -> memref<10000x128xf32, #tpu.memory_space<hbm>>
        %dma_start3A_764 = arith.constant 0 : i32
        %dma_start3A_765 = tpu.memref_slice %dma_start3A_763[%mul3A_745, %dma_start3A_764] : memref<10000x128xf32, #tpu.memory_space<hbm>> -> memref<40x128xf32, #tpu.memory_space<hbm>>
        %dma_start3A_766 = arith.constant 0 : i32
        %dma_start3A_767 = arith.constant 0 : i32
        %dma_start3A_768 = tpu.memref_slice %arg10[%cond3A_741, %dma_start3A_766, %dma_start3A_767] : memref<4x80x128xf32, #tpu.memory_space<vmem>> -> memref<1x80x128xf32, #tpu.memory_space<vmem>>
        %dma_start3A_769 = tpu.memref_squeeze %dma_start3A_768 : memref<1x80x128xf32, #tpu.memory_space<vmem>> -> memref<80x128xf32, #tpu.memory_space<vmem>>
        %dma_start3A_770 = arith.constant 0 : i32
        %dma_start3A_771 = arith.constant 0 : i32
        %dma_start3A_772 = tpu.memref_slice %dma_start3A_769[%dma_start3A_770, %dma_start3A_771] : memref<80x128xf32, #tpu.memory_space<vmem>> -> memref<40x128xf32, #tpu.memory_space<vmem>>
        tpu.enqueue_dma source(%dma_start3A_772 : memref<40x128xf32, #tpu.memory_space<vmem>>) target(%dma_start3A_765 : memref<40x128xf32, #tpu.memory_space<hbm>>) target_semaphore(%run_scoped3A_746 : memref<!tpu.dma_semaphore, #tpu.memory_space<semaphore_mem>>)
        %dma_wait3A_773 = arith.constant 0 : i32
        %dma_wait3A_774 = arith.constant 0 : i32
        %dma_wait3A_775 = tpu.memref_slice %arg10[%cond3A_741, %dma_wait3A_773, %dma_wait3A_774] : memref<4x80x128xf32, #tpu.memory_space<vmem>> -> memref<1x80x128xf32, #tpu.memory_space<vmem>>
        %dma_wait3A_776 = tpu.memref_squeeze %dma_wait3A_775 : memref<1x80x128xf32, #tpu.memory_space<vmem>> -> memref<80x128xf32, #tpu.memory_space<vmem>>
        %dma_wait3A_777 = arith.constant 0 : i32
        %dma_wait3A_778 = arith.constant 0 : i32
        %dma_wait3A_779 = tpu.memref_slice %dma_wait3A_776[%dma_wait3A_777, %dma_wait3A_778] : memref<80x128xf32, #tpu.memory_space<vmem>> -> memref<40x128xf32, #tpu.memory_space<vmem>>
        %dma_wait3A_780 = arith.constant 0 : i32
        %dma_wait3A_781 = arith.constant 0 : i32
        %dma_wait3A_782 = tpu.memref_slice %arg6[%arg0, %dma_wait3A_780, %dma_wait3A_781] : memref<2x10000x128xf32, #tpu.memory_space<hbm>> -> memref<1x10000x128xf32, #tpu.memory_space<hbm>>
        %dma_wait3A_783 = tpu.memref_squeeze %dma_wait3A_782 : memref<1x10000x128xf32, #tpu.memory_space<hbm>> -> memref<10000x128xf32, #tpu.memory_space<hbm>>
        %dma_wait3A_784 = arith.constant 0 : i32
        %dma_wait3A_785 = tpu.memref_slice %dma_wait3A_783[%mul3A_745, %dma_wait3A_784] : memref<10000x128xf32, #tpu.memory_space<hbm>> -> memref<40x128xf32, #tpu.memory_space<hbm>>
        %dma_wait3A_786 = arith.constant 0 : i32
        %dma_wait3A_787 = arith.constant 0 : i32
        %dma_wait3A_788 = tpu.memref_slice %arg6[%arg0, %dma_wait3A_786, %dma_wait3A_787] : memref<2x10000x128xf32, #tpu.memory_space<hbm>> -> memref<1x10000x128xf32, #tpu.memory_space<hbm>>
        %dma_wait3A_789 = tpu.memref_squeeze %dma_wait3A_788 : memref<1x10000x128xf32, #tpu.memory_space<hbm>> -> memref<10000x128xf32, #tpu.memory_space<hbm>>
        %dma_wait3A_790 = arith.constant 0 : i32
        %dma_wait3A_791 = tpu.memref_slice %dma_wait3A_789[%mul3A_745, %dma_wait3A_790] : memref<10000x128xf32, #tpu.memory_space<hbm>> -> memref<40x128xf32, #tpu.memory_space<hbm>>
        %dma_wait3A_792 = arith.constant 0 : i32
        %dma_wait3A_793 = arith.constant 0 : i32
        %dma_wait3A_794 = tpu.memref_slice %arg10[%cond3A_741, %dma_wait3A_792, %dma_wait3A_793] : memref<4x80x128xf32, #tpu.memory_space<vmem>> -> memref<1x80x128xf32, #tpu.memory_space<vmem>>
        %dma_wait3A_795 = tpu.memref_squeeze %dma_wait3A_794 : memref<1x80x128xf32, #tpu.memory_space<vmem>> -> memref<80x128xf32, #tpu.memory_space<vmem>>
        %dma_wait3A_796 = arith.constant 0 : i32
        %dma_wait3A_797 = arith.constant 0 : i32
        %dma_wait3A_798 = tpu.memref_slice %dma_wait3A_795[%dma_wait3A_796, %dma_wait3A_797] : memref<80x128xf32, #tpu.memory_space<vmem>> -> memref<40x128xf32, #tpu.memory_space<vmem>>
        tpu.wait_dma2 semaphore(%run_scoped3A_746 : memref<!tpu.dma_semaphore, #tpu.memory_space<semaphore_mem>>) src(%dma_wait3A_798 : memref<40x128xf32, #tpu.memory_space<vmem>>) dst(%dma_wait3A_791 : memref<40x128xf32, #tpu.memory_space<hbm>>)
        tpu.yield
      }) : () -> ()
    } else {
    }
    return
  }
}

#map = affine_map<(d0, d1) -> (0)>
#map1 = affine_map<(d0, d1) -> (0, 0)>
module attributes {stable_mosaic.version = 14 : i64} {
  func.func @_hist_body(%arg0: i32, %arg1: i32, %arg2: memref<320000xi32, #tpu.memory_space<hbm>>, %arg3: memref<10000xf32, #tpu.memory_space<hbm>>, %arg4: memref<32x10000xf32, #tpu.memory_space<hbm>>, %arg5: memref<10000xi32, #tpu.memory_space<vmem>>, %arg6: memref<80000xf32, #tpu.memory_space<vmem>>, %arg7: memref<10000xf32, #tpu.memory_space<vmem>>, %arg8: memref<!tpu.dma_semaphore, #tpu.memory_space<semaphore_mem>>, %arg9: memref<!tpu.dma_semaphore, #tpu.memory_space<semaphore_mem>>) attributes {dimension_semantics = [#tpu.dimension_semantics<core_parallel>, #tpu.dimension_semantics<subcore_parallel>], iteration_bounds = array<i64: 2, 16>, scalar_prefetch = 0 : i64, scratch_operands = 5 : i64, tpu.core_type = #tpu.core_type<sc_vector_subcore>, window_params = [{transform_indices = #map}, {transform_indices = #map}, {transform_indices = #map1}]} {
    %mul3A = arith.constant 2 : i32
    %mul3A_0 = arith.muli %arg1, %mul3A : i32
    %add3A = arith.addi %mul3A_0, %arg0 : i32
    %mul3A_1 = arith.constant 10000 : i32
    %mul3A_2 = arith.muli %add3A, %mul3A_1 : i32
    %dma_start3A = tpu.memref_slice %arg2[%mul3A_2] : memref<320000xi32, #tpu.memory_space<hbm>> -> memref<10000xi32, #tpu.memory_space<hbm>>
    %dma_start3A_3 = tpu.memref_slice %arg2[%mul3A_2] : memref<320000xi32, #tpu.memory_space<hbm>> -> memref<10000xi32, #tpu.memory_space<hbm>>
    tpu.enqueue_dma source(%dma_start3A_3 : memref<10000xi32, #tpu.memory_space<hbm>>) target(%arg5 : memref<10000xi32, #tpu.memory_space<vmem>>) target_semaphore(%arg9 : memref<!tpu.dma_semaphore, #tpu.memory_space<semaphore_mem>>)
    %dma_start3A_4 = arith.constant 0 : i32
    %dma_start3A_5 = tpu.memref_slice %arg6[%dma_start3A_4] : memref<80000xf32, #tpu.memory_space<vmem>> -> memref<10000xf32, #tpu.memory_space<vmem>>
    %dma_start3A_6 = arith.constant 0 : i32
    %dma_start3A_7 = tpu.memref_slice %arg6[%dma_start3A_6] : memref<80000xf32, #tpu.memory_space<vmem>> -> memref<10000xf32, #tpu.memory_space<vmem>>
    tpu.enqueue_dma source(%arg3 : memref<10000xf32, #tpu.memory_space<hbm>>) target(%dma_start3A_7 : memref<10000xf32, #tpu.memory_space<vmem>>) target_semaphore(%arg8 : memref<!tpu.dma_semaphore, #tpu.memory_space<semaphore_mem>>)
    %dma_start3A_8 = arith.constant 10000 : i32
    %dma_start3A_9 = tpu.memref_slice %arg6[%dma_start3A_8] : memref<80000xf32, #tpu.memory_space<vmem>> -> memref<10000xf32, #tpu.memory_space<vmem>>
    %dma_start3A_10 = arith.constant 10000 : i32
    %dma_start3A_11 = tpu.memref_slice %arg6[%dma_start3A_10] : memref<80000xf32, #tpu.memory_space<vmem>> -> memref<10000xf32, #tpu.memory_space<vmem>>
    tpu.enqueue_dma source(%arg3 : memref<10000xf32, #tpu.memory_space<hbm>>) target(%dma_start3A_11 : memref<10000xf32, #tpu.memory_space<vmem>>) target_semaphore(%arg8 : memref<!tpu.dma_semaphore, #tpu.memory_space<semaphore_mem>>)
    %dma_start3A_12 = arith.constant 20000 : i32
    %dma_start3A_13 = tpu.memref_slice %arg6[%dma_start3A_12] : memref<80000xf32, #tpu.memory_space<vmem>> -> memref<10000xf32, #tpu.memory_space<vmem>>
    %dma_start3A_14 = arith.constant 20000 : i32
    %dma_start3A_15 = tpu.memref_slice %arg6[%dma_start3A_14] : memref<80000xf32, #tpu.memory_space<vmem>> -> memref<10000xf32, #tpu.memory_space<vmem>>
    tpu.enqueue_dma source(%arg3 : memref<10000xf32, #tpu.memory_space<hbm>>) target(%dma_start3A_15 : memref<10000xf32, #tpu.memory_space<vmem>>) target_semaphore(%arg8 : memref<!tpu.dma_semaphore, #tpu.memory_space<semaphore_mem>>)
    %dma_start3A_16 = arith.constant 30000 : i32
    %dma_start3A_17 = tpu.memref_slice %arg6[%dma_start3A_16] : memref<80000xf32, #tpu.memory_space<vmem>> -> memref<10000xf32, #tpu.memory_space<vmem>>
    %dma_start3A_18 = arith.constant 30000 : i32
    %dma_start3A_19 = tpu.memref_slice %arg6[%dma_start3A_18] : memref<80000xf32, #tpu.memory_space<vmem>> -> memref<10000xf32, #tpu.memory_space<vmem>>
    tpu.enqueue_dma source(%arg3 : memref<10000xf32, #tpu.memory_space<hbm>>) target(%dma_start3A_19 : memref<10000xf32, #tpu.memory_space<vmem>>) target_semaphore(%arg8 : memref<!tpu.dma_semaphore, #tpu.memory_space<semaphore_mem>>)
    %dma_start3A_20 = arith.constant 40000 : i32
    %dma_start3A_21 = tpu.memref_slice %arg6[%dma_start3A_20] : memref<80000xf32, #tpu.memory_space<vmem>> -> memref<10000xf32, #tpu.memory_space<vmem>>
    %dma_start3A_22 = arith.constant 40000 : i32
    %dma_start3A_23 = tpu.memref_slice %arg6[%dma_start3A_22] : memref<80000xf32, #tpu.memory_space<vmem>> -> memref<10000xf32, #tpu.memory_space<vmem>>
    tpu.enqueue_dma source(%arg3 : memref<10000xf32, #tpu.memory_space<hbm>>) target(%dma_start3A_23 : memref<10000xf32, #tpu.memory_space<vmem>>) target_semaphore(%arg8 : memref<!tpu.dma_semaphore, #tpu.memory_space<semaphore_mem>>)
    %dma_start3A_24 = arith.constant 50000 : i32
    %dma_start3A_25 = tpu.memref_slice %arg6[%dma_start3A_24] : memref<80000xf32, #tpu.memory_space<vmem>> -> memref<10000xf32, #tpu.memory_space<vmem>>
    %dma_start3A_26 = arith.constant 50000 : i32
    %dma_start3A_27 = tpu.memref_slice %arg6[%dma_start3A_26] : memref<80000xf32, #tpu.memory_space<vmem>> -> memref<10000xf32, #tpu.memory_space<vmem>>
    tpu.enqueue_dma source(%arg3 : memref<10000xf32, #tpu.memory_space<hbm>>) target(%dma_start3A_27 : memref<10000xf32, #tpu.memory_space<vmem>>) target_semaphore(%arg8 : memref<!tpu.dma_semaphore, #tpu.memory_space<semaphore_mem>>)
    %dma_start3A_28 = arith.constant 60000 : i32
    %dma_start3A_29 = tpu.memref_slice %arg6[%dma_start3A_28] : memref<80000xf32, #tpu.memory_space<vmem>> -> memref<10000xf32, #tpu.memory_space<vmem>>
    %dma_start3A_30 = arith.constant 60000 : i32
    %dma_start3A_31 = tpu.memref_slice %arg6[%dma_start3A_30] : memref<80000xf32, #tpu.memory_space<vmem>> -> memref<10000xf32, #tpu.memory_space<vmem>>
    tpu.enqueue_dma source(%arg3 : memref<10000xf32, #tpu.memory_space<hbm>>) target(%dma_start3A_31 : memref<10000xf32, #tpu.memory_space<vmem>>) target_semaphore(%arg8 : memref<!tpu.dma_semaphore, #tpu.memory_space<semaphore_mem>>)
    %dma_start3A_32 = arith.constant 70000 : i32
    %dma_start3A_33 = tpu.memref_slice %arg6[%dma_start3A_32] : memref<80000xf32, #tpu.memory_space<vmem>> -> memref<10000xf32, #tpu.memory_space<vmem>>
    %dma_start3A_34 = arith.constant 70000 : i32
    %dma_start3A_35 = tpu.memref_slice %arg6[%dma_start3A_34] : memref<80000xf32, #tpu.memory_space<vmem>> -> memref<10000xf32, #tpu.memory_space<vmem>>
    tpu.enqueue_dma source(%arg3 : memref<10000xf32, #tpu.memory_space<hbm>>) target(%dma_start3A_35 : memref<10000xf32, #tpu.memory_space<vmem>>) target_semaphore(%arg8 : memref<!tpu.dma_semaphore, #tpu.memory_space<semaphore_mem>>)
    %dma_wait3A = arith.constant 0 : i32
    %dma_wait3A_36 = tpu.memref_slice %arg6[%dma_wait3A] : memref<80000xf32, #tpu.memory_space<vmem>> -> memref<10000xf32, #tpu.memory_space<vmem>>
    %dma_wait3A_37 = arith.constant 0 : i32
    %dma_wait3A_38 = tpu.memref_slice %arg6[%dma_wait3A_37] : memref<80000xf32, #tpu.memory_space<vmem>> -> memref<10000xf32, #tpu.memory_space<vmem>>
    tpu.wait_dma2 semaphore(%arg8 : memref<!tpu.dma_semaphore, #tpu.memory_space<semaphore_mem>>) src(%arg3 : memref<10000xf32, #tpu.memory_space<hbm>>) dst(%dma_wait3A_38 : memref<10000xf32, #tpu.memory_space<vmem>>)
    %dma_wait3A_39 = arith.constant 10000 : i32
    %dma_wait3A_40 = tpu.memref_slice %arg6[%dma_wait3A_39] : memref<80000xf32, #tpu.memory_space<vmem>> -> memref<10000xf32, #tpu.memory_space<vmem>>
    %dma_wait3A_41 = arith.constant 10000 : i32
    %dma_wait3A_42 = tpu.memref_slice %arg6[%dma_wait3A_41] : memref<80000xf32, #tpu.memory_space<vmem>> -> memref<10000xf32, #tpu.memory_space<vmem>>
    tpu.wait_dma2 semaphore(%arg8 : memref<!tpu.dma_semaphore, #tpu.memory_space<semaphore_mem>>) src(%arg3 : memref<10000xf32, #tpu.memory_space<hbm>>) dst(%dma_wait3A_42 : memref<10000xf32, #tpu.memory_space<vmem>>)
    %dma_wait3A_43 = arith.constant 20000 : i32
    %dma_wait3A_44 = tpu.memref_slice %arg6[%dma_wait3A_43] : memref<80000xf32, #tpu.memory_space<vmem>> -> memref<10000xf32, #tpu.memory_space<vmem>>
    %dma_wait3A_45 = arith.constant 20000 : i32
    %dma_wait3A_46 = tpu.memref_slice %arg6[%dma_wait3A_45] : memref<80000xf32, #tpu.memory_space<vmem>> -> memref<10000xf32, #tpu.memory_space<vmem>>
    tpu.wait_dma2 semaphore(%arg8 : memref<!tpu.dma_semaphore, #tpu.memory_space<semaphore_mem>>) src(%arg3 : memref<10000xf32, #tpu.memory_space<hbm>>) dst(%dma_wait3A_46 : memref<10000xf32, #tpu.memory_space<vmem>>)
    %dma_wait3A_47 = arith.constant 30000 : i32
    %dma_wait3A_48 = tpu.memref_slice %arg6[%dma_wait3A_47] : memref<80000xf32, #tpu.memory_space<vmem>> -> memref<10000xf32, #tpu.memory_space<vmem>>
    %dma_wait3A_49 = arith.constant 30000 : i32
    %dma_wait3A_50 = tpu.memref_slice %arg6[%dma_wait3A_49] : memref<80000xf32, #tpu.memory_space<vmem>> -> memref<10000xf32, #tpu.memory_space<vmem>>
    tpu.wait_dma2 semaphore(%arg8 : memref<!tpu.dma_semaphore, #tpu.memory_space<semaphore_mem>>) src(%arg3 : memref<10000xf32, #tpu.memory_space<hbm>>) dst(%dma_wait3A_50 : memref<10000xf32, #tpu.memory_space<vmem>>)
    %dma_wait3A_51 = arith.constant 40000 : i32
    %dma_wait3A_52 = tpu.memref_slice %arg6[%dma_wait3A_51] : memref<80000xf32, #tpu.memory_space<vmem>> -> memref<10000xf32, #tpu.memory_space<vmem>>
    %dma_wait3A_53 = arith.constant 40000 : i32
    %dma_wait3A_54 = tpu.memref_slice %arg6[%dma_wait3A_53] : memref<80000xf32, #tpu.memory_space<vmem>> -> memref<10000xf32, #tpu.memory_space<vmem>>
    tpu.wait_dma2 semaphore(%arg8 : memref<!tpu.dma_semaphore, #tpu.memory_space<semaphore_mem>>) src(%arg3 : memref<10000xf32, #tpu.memory_space<hbm>>) dst(%dma_wait3A_54 : memref<10000xf32, #tpu.memory_space<vmem>>)
    %dma_wait3A_55 = arith.constant 50000 : i32
    %dma_wait3A_56 = tpu.memref_slice %arg6[%dma_wait3A_55] : memref<80000xf32, #tpu.memory_space<vmem>> -> memref<10000xf32, #tpu.memory_space<vmem>>
    %dma_wait3A_57 = arith.constant 50000 : i32
    %dma_wait3A_58 = tpu.memref_slice %arg6[%dma_wait3A_57] : memref<80000xf32, #tpu.memory_space<vmem>> -> memref<10000xf32, #tpu.memory_space<vmem>>
    tpu.wait_dma2 semaphore(%arg8 : memref<!tpu.dma_semaphore, #tpu.memory_space<semaphore_mem>>) src(%arg3 : memref<10000xf32, #tpu.memory_space<hbm>>) dst(%dma_wait3A_58 : memref<10000xf32, #tpu.memory_space<vmem>>)
    %dma_wait3A_59 = arith.constant 60000 : i32
    %dma_wait3A_60 = tpu.memref_slice %arg6[%dma_wait3A_59] : memref<80000xf32, #tpu.memory_space<vmem>> -> memref<10000xf32, #tpu.memory_space<vmem>>
    %dma_wait3A_61 = arith.constant 60000 : i32
    %dma_wait3A_62 = tpu.memref_slice %arg6[%dma_wait3A_61] : memref<80000xf32, #tpu.memory_space<vmem>> -> memref<10000xf32, #tpu.memory_space<vmem>>
    tpu.wait_dma2 semaphore(%arg8 : memref<!tpu.dma_semaphore, #tpu.memory_space<semaphore_mem>>) src(%arg3 : memref<10000xf32, #tpu.memory_space<hbm>>) dst(%dma_wait3A_62 : memref<10000xf32, #tpu.memory_space<vmem>>)
    %dma_wait3A_63 = arith.constant 70000 : i32
    %dma_wait3A_64 = tpu.memref_slice %arg6[%dma_wait3A_63] : memref<80000xf32, #tpu.memory_space<vmem>> -> memref<10000xf32, #tpu.memory_space<vmem>>
    %dma_wait3A_65 = arith.constant 70000 : i32
    %dma_wait3A_66 = tpu.memref_slice %arg6[%dma_wait3A_65] : memref<80000xf32, #tpu.memory_space<vmem>> -> memref<10000xf32, #tpu.memory_space<vmem>>
    tpu.wait_dma2 semaphore(%arg8 : memref<!tpu.dma_semaphore, #tpu.memory_space<semaphore_mem>>) src(%arg3 : memref<10000xf32, #tpu.memory_space<hbm>>) dst(%dma_wait3A_66 : memref<10000xf32, #tpu.memory_space<vmem>>)
    %mul3A_67 = arith.constant 10000 : i32
    %mul3A_68 = arith.muli %add3A, %mul3A_67 : i32
    %dma_wait3A_69 = tpu.memref_slice %arg2[%mul3A_68] : memref<320000xi32, #tpu.memory_space<hbm>> -> memref<10000xi32, #tpu.memory_space<hbm>>
    %dma_wait3A_70 = tpu.memref_slice %arg2[%mul3A_68] : memref<320000xi32, #tpu.memory_space<hbm>> -> memref<10000xi32, #tpu.memory_space<hbm>>
    tpu.wait_dma2 semaphore(%arg9 : memref<!tpu.dma_semaphore, #tpu.memory_space<semaphore_mem>>) src(%dma_wait3A_70 : memref<10000xi32, #tpu.memory_space<hbm>>) dst(%arg5 : memref<10000xi32, #tpu.memory_space<vmem>>)
    %iota3A = tpu.iota {dimensions = array<i32: 0>} : vector<16xi32>
    %and3A = arith.constant 7 : i32
    %and3A_71 = vector.broadcast %and3A : i32 to vector<16xi32>
    %and3A_72 = arith.andi %iota3A, %and3A_71 : vector<16xi32>
    %mul3A_73 = arith.constant 10000 : i32
    %mul3A_74 = vector.broadcast %mul3A_73 : i32 to vector<16xi32>
    %mul3A_75 = arith.muli %and3A_72, %mul3A_74 : vector<16xi32>
    %lt3A = arith.constant 8 : i32
    %lt3A_76 = vector.broadcast %lt3A : i32 to vector<16xi32>
    %lt3A_77 = arith.cmpi slt, %iota3A, %lt3A_76 : vector<16xi32>
    %ge3A = arith.constant 8 : i32
    %ge3A_78 = vector.broadcast %ge3A : i32 to vector<16xi32>
    %ge3A_79 = arith.cmpi sge, %iota3A, %ge3A_78 : vector<16xi32>
    %broadcast_in_dim3A = arith.constant 1.000000e+00 : f32
    %broadcast_in_dim3A_80 = vector.broadcast %broadcast_in_dim3A : f32 to vector<16xf32>
    %scan3A = arith.constant 0 : i32
    %scan3A_81 = arith.constant 0 : i32
    %scan3A_82 = arith.constant 625 : i32
    %scan3A_83 = arith.addi %scan3A_81, %scan3A_82 : i32
    %scan3A_84 = arith.constant 1 : i32
    scf.for %scan3A_92 = %scan3A_81 to %scan3A_83 step %scan3A_84  : i32 {
      %mul3A_93 = arith.constant 16 : i32
      %mul3A_94 = arith.muli %scan3A_92, %mul3A_93 : i32
      %get3A = arith.index_cast %mul3A_94 : i32 to index
      %get3A_95 = tpu.vector_load %arg5[%get3A] {strides = array<i32>} : memref<10000xi32, #tpu.memory_space<vmem>>, vector<16xi32>,
      %add3A_96 = arith.addi %get3A_95, %mul3A_75 : vector<16xi32>
      tpu.vector_store_idx %arg6[%add3A_96], %broadcast_in_dim3A_80 masked %lt3A_77 {add = true} : memref<80000xf32, #tpu.memory_space<vmem>>[vector<16xi32>], vector<16xf32>, vector<16xi1>
      tpu.vector_store_idx %arg6[%add3A_96], %broadcast_in_dim3A_80 masked %ge3A_79 {add = true} : memref<80000xf32, #tpu.memory_space<vmem>>[vector<16xi32>], vector<16xf32>, vector<16xi1>
    }
    %scan3A_85 = arith.constant 625 : i32
    %scan3A_86 = arith.constant 0 : i32
    %scan3A_87 = arith.constant 0 : i32
    %scan3A_88 = arith.constant 625 : i32
    %scan3A_89 = arith.addi %scan3A_87, %scan3A_88 : i32
    %scan3A_90 = arith.constant 1 : i32
    scf.for %scan3A_92 = %scan3A_87 to %scan3A_89 step %scan3A_90  : i32 {
      %mul3A_93 = arith.constant 16 : i32
      %mul3A_94 = arith.muli %scan3A_92, %mul3A_93 : i32
      %get3A = arith.index_cast %mul3A_94 : i32 to index
      %get3A_95 = tpu.vector_load %arg6[%get3A] {strides = array<i32>} : memref<80000xf32, #tpu.memory_space<vmem>>, vector<16xf32>,
      %add3A_96 = arith.constant 10000 : i32
      %add3A_97 = arith.addi %add3A_96, %mul3A_94 : i32
      %get3A_98 = arith.index_cast %add3A_97 : i32 to index
      %get3A_99 = tpu.vector_load %arg6[%get3A_98] {strides = array<i32>} : memref<80000xf32, #tpu.memory_space<vmem>>, vector<16xf32>,
      %add3A_100 = arith.addf %get3A_95, %get3A_99 : vector<16xf32>
      %add3A_101 = arith.constant 20000 : i32
      %add3A_102 = arith.addi %add3A_101, %mul3A_94 : i32
      %get3A_103 = arith.index_cast %add3A_102 : i32 to index
      %get3A_104 = tpu.vector_load %arg6[%get3A_103] {strides = array<i32>} : memref<80000xf32, #tpu.memory_space<vmem>>, vector<16xf32>,
      %add3A_105 = arith.addf %add3A_100, %get3A_104 : vector<16xf32>
      %add3A_106 = arith.constant 30000 : i32
      %add3A_107 = arith.addi %add3A_106, %mul3A_94 : i32
      %get3A_108 = arith.index_cast %add3A_107 : i32 to index
      %get3A_109 = tpu.vector_load %arg6[%get3A_108] {strides = array<i32>} : memref<80000xf32, #tpu.memory_space<vmem>>, vector<16xf32>,
      %add3A_110 = arith.addf %add3A_105, %get3A_109 : vector<16xf32>
      %add3A_111 = arith.constant 40000 : i32
      %add3A_112 = arith.addi %add3A_111, %mul3A_94 : i32
      %get3A_113 = arith.index_cast %add3A_112 : i32 to index
      %get3A_114 = tpu.vector_load %arg6[%get3A_113] {strides = array<i32>} : memref<80000xf32, #tpu.memory_space<vmem>>, vector<16xf32>,
      %add3A_115 = arith.addf %add3A_110, %get3A_114 : vector<16xf32>
      %add3A_116 = arith.constant 50000 : i32
      %add3A_117 = arith.addi %add3A_116, %mul3A_94 : i32
      %get3A_118 = arith.index_cast %add3A_117 : i32 to index
      %get3A_119 = tpu.vector_load %arg6[%get3A_118] {strides = array<i32>} : memref<80000xf32, #tpu.memory_space<vmem>>, vector<16xf32>,
      %add3A_120 = arith.addf %add3A_115, %get3A_119 : vector<16xf32>
      %add3A_121 = arith.constant 60000 : i32
      %add3A_122 = arith.addi %add3A_121, %mul3A_94 : i32
      %get3A_123 = arith.index_cast %add3A_122 : i32 to index
      %get3A_124 = tpu.vector_load %arg6[%get3A_123] {strides = array<i32>} : memref<80000xf32, #tpu.memory_space<vmem>>, vector<16xf32>,
      %add3A_125 = arith.addf %add3A_120, %get3A_124 : vector<16xf32>
      %add3A_126 = arith.constant 70000 : i32
      %add3A_127 = arith.addi %add3A_126, %mul3A_94 : i32
      %get3A_128 = arith.index_cast %add3A_127 : i32 to index
      %get3A_129 = tpu.vector_load %arg6[%get3A_128] {strides = array<i32>} : memref<80000xf32, #tpu.memory_space<vmem>>, vector<16xf32>,
      %add3A_130 = arith.addf %add3A_125, %get3A_129 : vector<16xf32>
      %swap3A = arith.index_cast %mul3A_94 : i32 to index
      %swap3A_131 = tpu.vector_load %arg7[%swap3A] {strides = array<i32>} : memref<10000xf32, #tpu.memory_space<vmem>>, vector<16xf32>,
      tpu.vector_store %arg7[%swap3A], %add3A_130 {strides = array<i32>} : memref<10000xf32, #tpu.memory_space<vmem>>, vector<16xf32>,
    }
    %scan3A_91 = arith.constant 625 : i32
    "tpu.region"() ({
      %run_scoped3A = tpu.sem_alloc : memref<!tpu.dma_semaphore, #tpu.memory_space<semaphore_mem>>
      %dma_start3A_92 = arith.constant 0 : i32
      %dma_start3A_93 = tpu.memref_slice %arg4[%add3A, %dma_start3A_92] : memref<32x10000xf32, #tpu.memory_space<hbm>> -> memref<1x10000xf32, #tpu.memory_space<hbm>>
      %dma_start3A_94 = tpu.memref_squeeze %dma_start3A_93 : memref<1x10000xf32, #tpu.memory_space<hbm>> -> memref<10000xf32, #tpu.memory_space<hbm>>
      %dma_start3A_95 = arith.constant 0 : i32
      %dma_start3A_96 = tpu.memref_slice %arg4[%add3A, %dma_start3A_95] : memref<32x10000xf32, #tpu.memory_space<hbm>> -> memref<1x10000xf32, #tpu.memory_space<hbm>>
      %dma_start3A_97 = tpu.memref_squeeze %dma_start3A_96 : memref<1x10000xf32, #tpu.memory_space<hbm>> -> memref<10000xf32, #tpu.memory_space<hbm>>
      tpu.enqueue_dma source(%arg7 : memref<10000xf32, #tpu.memory_space<vmem>>) target(%dma_start3A_97 : memref<10000xf32, #tpu.memory_space<hbm>>) target_semaphore(%run_scoped3A : memref<!tpu.dma_semaphore, #tpu.memory_space<semaphore_mem>>)
      %dma_wait3A_98 = arith.constant 0 : i32
      %dma_wait3A_99 = tpu.memref_slice %arg4[%add3A, %dma_wait3A_98] : memref<32x10000xf32, #tpu.memory_space<hbm>> -> memref<1x10000xf32, #tpu.memory_space<hbm>>
      %dma_wait3A_100 = tpu.memref_squeeze %dma_wait3A_99 : memref<1x10000xf32, #tpu.memory_space<hbm>> -> memref<10000xf32, #tpu.memory_space<hbm>>
      %dma_wait3A_101 = arith.constant 0 : i32
      %dma_wait3A_102 = tpu.memref_slice %arg4[%add3A, %dma_wait3A_101] : memref<32x10000xf32, #tpu.memory_space<hbm>> -> memref<1x10000xf32, #tpu.memory_space<hbm>>
      %dma_wait3A_103 = tpu.memref_squeeze %dma_wait3A_102 : memref<1x10000xf32, #tpu.memory_space<hbm>> -> memref<10000xf32, #tpu.memory_space<hbm>>
      tpu.wait_dma2 semaphore(%run_scoped3A : memref<!tpu.dma_semaphore, #tpu.memory_space<semaphore_mem>>) src(%arg7 : memref<10000xf32, #tpu.memory_space<vmem>>) dst(%dma_wait3A_103 : memref<10000xf32, #tpu.memory_space<hbm>>)
      tpu.yield
    }) : () -> ()
    return
  }
}

module attributes {stable_mosaic.version = 14 : i64} {
  func.func @_linear_body(%arg0: i32, %arg1: memref<1000x128xf32, #tpu.memory_space<vmem>>, %arg2: memref<128x128xf32, #tpu.memory_space<vmem>>, %arg3: memref<1x128xf32, #tpu.memory_space<vmem>>, %arg4: memref<1000x32xf32, #tpu.memory_space<vmem>>, %arg5: memref<1000x128xf32, #tpu.memory_space<vmem>>) attributes {dimension_semantics = [#tpu.dimension_semantics<arbitrary>], iteration_bounds = array<i64: 10>, scalar_prefetch = 0 : i64, scratch_operands = 0 : i64, tpu.core_type = #tpu.core_type<tc>, window_params = [{transform_indices = @transform_0, window_bounds = array<i64: 1000, 128>}, {pipeline_mode = #tpu.pipeline_mode<synchronous>, transform_indices = @transform_1, window_bounds = array<i64: 128, 128>}, {pipeline_mode = #tpu.pipeline_mode<synchronous>, transform_indices = @transform_2, window_bounds = array<i64: 1, 128>}, {transform_indices = @transform_3, window_bounds = array<i64: 1000, 32>}, {transform_indices = @transform_4, window_bounds = array<i64: 1000, 128>}]} {
    %get3A = arith.constant 0 : index
    %get3A_0 = arith.constant 0 : index
    %get3A_1 = vector.load %arg1[%get3A, %get3A_0] : memref<1000x128xf32, #tpu.memory_space<vmem>>, vector<1000x128xf32>
    %get3A_2 = arith.constant 0 : index
    %get3A_3 = arith.constant 0 : index
    %get3A_4 = vector.load %arg2[%get3A_2, %get3A_3] : memref<128x128xf32, #tpu.memory_space<vmem>>, vector<128x128xf32>
    %dot_general3A = arith.constant dense<0.000000e+00> : vector<1000x128xf32>
    %dot_general3A_5 = tpu.matmul %get3A_1, %get3A_4, %dot_general3A {dimension_numbers = #tpu.dot_dimension_numbers<[1], [1], [0], [0], [0, 0, 1, 0], [], []>, transpose_lhs_hint = false} : vector<1000x128xf32>, vector<128x128xf32>, vector<1000x128xf32> -> vector<1000x128xf32>
    %get3A_6 = arith.constant 0 : index
    %get3A_7 = arith.constant 0 : index
    %get3A_8 = vector.load %arg3[%get3A_6, %get3A_7] : memref<1x128xf32, #tpu.memory_space<vmem>>, vector<1x128xf32>
    %add3A = vector.broadcast %get3A_8 : vector<1x128xf32> to vector<1000x128xf32>
    %add3A_9 = arith.addf %dot_general3A_5, %add3A : vector<1000x128xf32>
    %get3A_10 = arith.constant 0 : index
    %get3A_11 = arith.constant 0 : index
    %get3A_12 = vector.load %arg4[%get3A_10, %get3A_11] : memref<1000x32xf32, #tpu.memory_space<vmem>>, vector<1000x32xf32>
    %reduce_sum3A = arith.constant dense<0.000000e+00> : vector<1000xf32>
    %reduce_sum3A_13 = vector.multi_reduction <add>, %get3A_12, %reduce_sum3A [1] : vector<1000x32xf32> to vector<1000xf32>
    %add3A_14 = arith.constant 1.000000e+00 : f32
    %add3A_15 = vector.broadcast %add3A_14 : f32 to vector<1000xf32>
    %add3A_16 = arith.addf %reduce_sum3A_13, %add3A_15 : vector<1000xf32>
    %rsqrt3A = math.rsqrt %add3A_16 : vector<1000xf32>
    %broadcast_in_dim3A = vector.shape_cast %rsqrt3A : vector<1000xf32> to vector<1000x1xf32>
    %mul3A = vector.broadcast %broadcast_in_dim3A : vector<1000x1xf32> to vector<1000x128xf32>
    %mul3A_17 = arith.mulf %add3A_9, %mul3A : vector<1000x128xf32>
    %swap3A = arith.constant 0 : index
    %swap3A_18 = arith.constant 0 : index
    %swap3A_19 = vector.load %arg5[%swap3A, %swap3A_18] : memref<1000x128xf32, #tpu.memory_space<vmem>>, vector<1000x128xf32>
    tpu.vector_store %arg5[%swap3A, %swap3A_18], %mul3A_17 {strides = array<i32>} : memref<1000x128xf32, #tpu.memory_space<vmem>>, vector<1000x128xf32>,
    return
  }
  func.func @transform_0(%arg0: i32) -> (i32, i32) {
    %c0_i32 = arith.constant 0 : i32
    %c0_i32_0 = arith.constant 0 : i32
    return %arg0, %c0_i32 : i32, i32
  }
  func.func @transform_1(%arg0: i32) -> (i32, i32) {
    %c0_i32 = arith.constant 0 : i32
    %c0_i32_0 = arith.constant 0 : i32
    %c0_i32_1 = arith.constant 0 : i32
    return %c0_i32, %c0_i32_0 : i32, i32
  }
  func.func @transform_2(%arg0: i32) -> (i32, i32) {
    %c0_i32 = arith.constant 0 : i32
    %c0_i32_0 = arith.constant 0 : i32
    %c0_i32_1 = arith.constant 0 : i32
    return %c0_i32, %c0_i32_0 : i32, i32
  }
  func.func @transform_3(%arg0: i32) -> (i32, i32) {
    %c0_i32 = arith.constant 0 : i32
    %c0_i32_0 = arith.constant 0 : i32
    return %arg0, %c0_i32 : i32, i32
  }
  func.func @transform_4(%arg0: i32) -> (i32, i32) {
    %c0_i32 = arith.constant 0 : i32
    %c0_i32_0 = arith.constant 0 : i32
    return %arg0, %c0_i32 : i32, i32
  }
}

module attributes {stable_mosaic.version = 14 : i64} {
  func.func @_combine_body(%arg0: i32, %arg1: memref<2x1000x128xf32, #tpu.memory_space<vmem>>, %arg2: memref<1000x128xf32, #tpu.memory_space<vmem>>, %arg3: memref<1000x32xf32, #tpu.memory_space<vmem>>, %arg4: memref<1000x128xf32, #tpu.memory_space<vmem>>) attributes {dimension_semantics = [#tpu.dimension_semantics<arbitrary>], iteration_bounds = array<i64: 10>, scalar_prefetch = 0 : i64, scratch_operands = 0 : i64, tpu.core_type = #tpu.core_type<tc>, window_params = [{transform_indices = @transform_0, window_bounds = array<i64: 2, 1000, 128>}, {transform_indices = @transform_1, window_bounds = array<i64: 1000, 128>}, {transform_indices = @transform_2, window_bounds = array<i64: 1000, 32>}, {transform_indices = @transform_3, window_bounds = array<i64: 1000, 128>}]} {
    %get3A = arith.constant 0 : index
    %get3A_0 = arith.constant 0 : index
    %get3A_1 = vector.load %arg3[%get3A, %get3A_0] : memref<1000x32xf32, #tpu.memory_space<vmem>>, vector<1000x32xf32>
    %reduce_sum3A = arith.constant dense<0.000000e+00> : vector<1000xf32>
    %reduce_sum3A_2 = vector.multi_reduction <add>, %get3A_1, %reduce_sum3A [1] : vector<1000x32xf32> to vector<1000xf32>
    %add3A = arith.constant 1.000000e+00 : f32
    %add3A_3 = vector.broadcast %add3A : f32 to vector<1000xf32>
    %add3A_4 = arith.addf %reduce_sum3A_2, %add3A_3 : vector<1000xf32>
    %rsqrt3A = math.rsqrt %add3A_4 : vector<1000xf32>
    %get3A_5 = arith.constant 0 : index
    %get3A_6 = arith.constant 0 : index
    %get3A_7 = arith.constant 0 : index
    %get3A_8 = vector.load %arg1[%get3A_5, %get3A_6, %get3A_7] : memref<2x1000x128xf32, #tpu.memory_space<vmem>>, vector<1x1000x128xf32>
    %get3A_9 = vector.shape_cast %get3A_8 : vector<1x1000x128xf32> to vector<1000x128xf32>
    %get3A_10 = arith.constant 1 : index
    %get3A_11 = arith.constant 0 : index
    %get3A_12 = arith.constant 0 : index
    %get3A_13 = vector.load %arg1[%get3A_10, %get3A_11, %get3A_12] : memref<2x1000x128xf32, #tpu.memory_space<vmem>>, vector<1x1000x128xf32>
    %get3A_14 = vector.shape_cast %get3A_13 : vector<1x1000x128xf32> to vector<1000x128xf32>
    %add3A_15 = arith.addf %get3A_9, %get3A_14 : vector<1000x128xf32>
    %get3A_16 = arith.constant 0 : index
    %get3A_17 = arith.constant 0 : index
    %get3A_18 = vector.load %arg2[%get3A_16, %get3A_17] : memref<1000x128xf32, #tpu.memory_space<vmem>>, vector<1000x128xf32>
    %add3A_19 = arith.addf %add3A_15, %get3A_18 : vector<1000x128xf32>
    %broadcast_in_dim3A = vector.shape_cast %rsqrt3A : vector<1000xf32> to vector<1000x1xf32>
    %mul3A = vector.broadcast %broadcast_in_dim3A : vector<1000x1xf32> to vector<1000x128xf32>
    %mul3A_20 = arith.mulf %add3A_19, %mul3A : vector<1000x128xf32>
    %swap3A = arith.constant 0 : index
    %swap3A_21 = arith.constant 0 : index
    %swap3A_22 = vector.load %arg4[%swap3A, %swap3A_21] : memref<1000x128xf32, #tpu.memory_space<vmem>>, vector<1000x128xf32>
    tpu.vector_store %arg4[%swap3A, %swap3A_21], %mul3A_20 {strides = array<i32>} : memref<1000x128xf32, #tpu.memory_space<vmem>>, vector<1000x128xf32>,
    return
  }
  func.func @transform_0(%arg0: i32) -> (i32, i32, i32) {
    %c0_i32 = arith.constant 0 : i32
    %c0_i32_0 = arith.constant 0 : i32
    %c0_i32_1 = arith.constant 0 : i32
    return %c0_i32, %arg0, %c0_i32_0 : i32, i32, i32
  }
  func.func @transform_1(%arg0: i32) -> (i32, i32) {
    %c0_i32 = arith.constant 0 : i32
    %c0_i32_0 = arith.constant 0 : i32
    return %arg0, %c0_i32 : i32, i32
  }
  func.func @transform_2(%arg0: i32) -> (i32, i32) {
    %c0_i32 = arith.constant 0 : i32
    %c0_i32_0 = arith.constant 0 : i32
    return %arg0, %c0_i32 : i32, i32
  }
  func.func @transform_3(%arg0: i32) -> (i32, i32) {
    %c0_i32 = arith.constant 0 : i32
    %c0_i32_0 = arith.constant 0 : i32
    return %arg0, %c0_i32 : i32, i32
  }
}

</mosaic_0001>

<sc_bundles>
// kernel: kernel.6.cloned.1.call-start
scs
__scs_entry_jumppad:
0x0: {  	(pc) =	sbr.rel $0x88, $3  }
0x1: {  	(tag) =	ssettag $0x0;
	lr =	simm.s32 $0x1  }
0x2: {  	[smem:$0x3F9D] =	sst lr;
	_ =	strace $0xD0000000  }
0x3: {  	_ = 	snop  }
0x4: {  	_ = 	snop  }
0x5: {  	_ = 	snop  }
0x6: {  	_ = 	snop  }
0x7: {  	_ = 	snop  }
__scs_overlays_trampoline_lowered:
0x8: {  	[smem:$0x3FAC] =	sst s0  }
0x9: {  	[smem:$0x3FAD] =	sst s1  }
0xa: {  	[smem:$0x3FAE] =	sst s2  }
0xb: {  	[smem:$0x3FAF] =	sst s3  }
0xc: {  	[smem:$0x3FB0] =	sst s4  }
0xd: {  	[smem:$0x3FB1] =	sst s5  }
0xe: {  	[smem:$0x3FB2] =	sst s6  }
0xf: {  	[smem:$0x3FB3] =	sst s7  }
0x10: {  	[smem:$0x3FB4] =	sst s8  }
0x11: {  	[smem:$0x3FB5] =	sst s9;
	s0 =	simm.s32 @!p0 $0x0  }
0x12: {  	s1 =	sld [smem:$0x3F9B];
	s0 =	simm.s32 @p0 $0x1  }
0x13: {  	[smem:$0x3FB6] =	sst s0;
	s0 =	simm.s32 @!p1 $0x0  }
0x14: {  	s2 =	sld [smem:$0x3F9A];
	s0 =	simm.s32 @p1 $0x1  }
0x15: {  	[smem:$0x3FB7] =	sst s0;
	s0 =	simm.s32 @!p2 $0x0  }
0x16: {  	s3 =	sld [smem:$0x3FDB];
	s0 =	simm.s32 @p2 $0x1  }
0x17: {  	s4 =	simm.s32 $0x1BF5;
	[smem:$0x3FB9] =	sst s0  }
0x18: {  	s0 =	sld [smem:$0x3F9C];
	_ =	swait.ge [sflag:s4], $0x0  }
0x19: {  	s7 =	sld [smem:$0x3F9D]  }
0x1a: {  	s8 =	sadd.s32 $0xFFFFE003, lr  }
0x1b: {  	s9 =	sadd.s32 $0xFFFFFEF7, lr;
	s5 =	simm.s32 $0xFFFFFFFF;
	p2 =	slt.u32 s8, $0xFFFFF086  }
0x1c: {  	p1 =	slt.u32 s9, $0xF7A;
	s5 =	simm.s32 @!p2 $0x0  }
0x1d: {  	s5 =	simm.s32 @p1 $0x1;
	p0 =	seq.s32 s7, s2  }
0x1e: {  	s7 =	smul.u32 @!p0 $0xF7A, s2;
	p2 =	seq.s32 @!p0 s5, $0x0  }
0x1f: {  	s9 =	smul.u32 $0xF7A, s1;
	s8 =	simm.s32 @!p0 $0x1BF5;
	p2 =	por !p2, p0  }
0x20: {  	[sflag:s8] =	ssyncset.s32 @!p0 $0xFFFFF086;
	s6 =	sadd.s32 @!p0 s3, s7;
	s7 =	simm.s32 @!p0 $0x108  }
0x21: {  	s3 =	sadd.s32 s3, s9;
	s6 =	sadd.s32 @!p0 $0x88, s6;
	s7 =	simm.s32 @p2 $0x1082  }
0x22: {  	[simem:s7], [sflag:s8] =	dma.local @!p0 [hbm:s6], $0xF7A  }
0x23: {  	s9 =	sor.u32 $0xD0000000, s2;
	s6 =	simm.s32 $0x108;
	_ =	swait.ge @!p0 [sflag:s8], $0x0  }
0x24: {  	s3 =	sadd.s32 $0x88, s3;
	s6 =	simm.s32 @!p1 $0x1082;
	[sflag:s4] =	ssyncset.s32 $0xFFFFF086  }
0x25: {  	[simem:s6], [sflag:s4] =	dma.local [hbm:s3], $0xF7A  }
0x26: {  	[smem:$0x3F9D] =	sst s1;
	(tag) =	ssettag s2;
	_ =	strace s9  }
0x27: {  	s1 =	sld [smem:$0x3FAD]  }
0x28: {  	s2 =	sld [smem:$0x3FAE]  }
0x29: {  	s4 =	sld [smem:$0x3FB0]  }
0x2a: {  	p0 =	seq.s32 s5, $0x0;
	s5 =	sld [smem:$0x3FB1]  }
0x2b: {  	s6 =	sld [smem:$0x3FB2]  }
0x2c: {  	s7 =	sld [smem:$0x3FB3]  }
0x2d: {  	s3 =	simm.s32 $0x108;
	s8 =	sld [smem:$0x3FB4]  }
0x2e: {  	s3 =	simm.s32 @!p0 $0x1082;
	s9 =	sld [smem:$0x3FB5]  }
0x2f: {  	lr =	sadd.s32 s0, s3;
	s0 =	sld [smem:$0x3FAC]  }
0x30: {  	s3 =	sld [smem:$0x3FAF]  }
0x31: {  	[smem:$0x3FB8] =	sst s10  }
0x32: {  	s10 =	sld [smem:$0x3FB6];
	_ =	sdelay $0x3  }
0x33: {  	p0 =	seq.s32 s10, $0x1;
	s10 =	sld [smem:$0x3FB8];
	_ =	sdelay $0x3  }
0x34: {  	[smem:$0x3FB8] =	sst s10  }
0x35: {  	s10 =	sld [smem:$0x3FB7];
	_ =	sdelay $0x3  }
0x36: {  	p1 =	seq.s32 s10, $0x1;
	s10 =	sld [smem:$0x3FB8];
	_ =	sdelay $0x3  }
0x37: {  	[smem:$0x3FB8] =	sst s10  }
0x38: {  	s10 =	sld [smem:$0x3FB9]  }
0x39: {  	_ = 	snop;
	(pc) =	sbr.ind lr, $3  }
0x3a: {  	_ = 	snop  }
0x3b: {  	_ = 	snop  }
0x3c: {  	p2 =	seq.s32 s10, $0x1;
	s10 =	sld [smem:$0x3FB8]  }
0x3d: {  	_ =	shalt  }
0x3e: {  	_ =	shalt  }
0x3f: {  	_ =	shalt  }
0x40: {  	_ =	shalt  }
0x41: {  	_ =	shalt  }
0x42: {  	_ =	shalt  }
0x43: {  	_ =	shalt  }
0x44: {  	_ =	shalt  }
0x45: {  	_ =	shalt  }
0x46: {  	_ =	shalt  }
0x47: {  	_ =	shalt  }
0x48: {  	_ =	shalt  }
0x49: {  	_ =	shalt  }
0x4a: {  	_ =	shalt  }
0x4b: {  	_ =	shalt  }
0x4c: {  	_ =	shalt  }
0x4d: {  	_ =	shalt  }
0x4e: {  	_ =	shalt  }
0x4f: {  	_ =	shalt  }
0x50: {  	_ =	shalt  }
0x51: {  	_ =	shalt  }
0x52: {  	_ =	shalt  }
0x53: {  	_ =	shalt  }
0x54: {  	_ =	shalt  }
0x55: {  	_ =	shalt  }
0x56: {  	_ =	shalt  }
0x57: {  	_ =	shalt  }
0x58: {  	_ =	shalt  }
0x59: {  	_ =	shalt  }
0x5a: {  	_ =	shalt  }
0x5b: {  	_ =	shalt  }
0x5c: {  	_ =	shalt  }
0x5d: {  	_ =	shalt  }
0x5e: {  	_ =	shalt  }
0x5f: {  	_ =	shalt  }
0x60: {  	_ =	shalt  }
0x61: {  	_ =	shalt  }
0x62: {  	_ =	shalt  }
0x63: {  	_ =	shalt  }
0x64: {  	_ =	shalt  }
0x65: {  	_ =	shalt  }
0x66: {  	_ =	shalt  }
0x67: {  	_ =	shalt  }
0x68: {  	_ =	shalt  }
0x69: {  	_ =	shalt  }
0x6a: {  	_ =	shalt  }
0x6b: {  	_ =	shalt  }
0x6c: {  	_ =	shalt  }
0x6d: {  	_ =	shalt  }
0x6e: {  	_ =	shalt  }
0x6f: {  	_ =	shalt  }
0x70: {  	_ =	shalt  }
0x71: {  	_ =	shalt  }
0x72: {  	_ =	shalt  }
0x73: {  	_ =	shalt  }
0x74: {  	_ =	shalt  }
0x75: {  	_ =	shalt  }
0x76: {  	_ =	shalt  }
0x77: {  	_ =	shalt  }
0x78: {  	_ =	shalt  }
0x79: {  	_ =	shalt  }
0x7a: {  	_ =	shalt  }
0x7b: {  	_ =	shalt  }
0x7c: {  	_ =	shalt  }
0x7d: {  	_ =	shalt  }
0x7e: {  	_ =	shalt  }
0x7f: {  	_ =	shalt  }
0x80: {  	_ =	shalt  }
0x81: {  	_ =	shalt  }
0x82: {  	_ =	shalt  }
0x83: {  	_ =	shalt  }
0x84: {  	_ =	shalt  }
0x85: {  	_ =	shalt  }
0x86: {  	_ =	shalt  }
0x87: {  	_ =	shalt  }
.Lfunc_end0:
.L_simem_size_0:
called_computation_lowered:
.L_overlay_start_0:
0x88: {  	s2 =	sld [smem:$0x3FD9]  }
0x89: {  	s3 =	sld [smem:$0x3FFE];
	_ =	sdelay $0x1  }
0x8a: {  	s1 =	srdreg.scid  }
0x8b: {  	s0 =	sand.u32 $0x1, s1  }
0x8c: {  	s17 =	sshll.u32 s0, $0xA;
	s2 =	sadd.s32 s3, s2  }
0x8d: {  	s2 =	sadd.s32 s2, s17  }
0x8e: {  	[smem:$0x3FC4] =	sst s2  }
0x8f: {  	_ = 	snop  }
0x90: {  	s2 =	sld [smem:$0x3FD0];
	(tm) =	ssettm $0x1  }
0x91: {  	s18 =	sld [smem:$0x3FFB];
	_ =	sdelay $0x3  }
0x92: {  	_ =	strace s18  }
0x93: {  	s3 =	sld [smem:$0x3FFC];
	_ =	sdelay $0x3  }
0x94: {  	_ =	strace s3  }
0x95: {  	s3 =	sld [smem:$0x3FFD];
	_ =	sdelay $0x3  }
0x96: {  	_ =	strace s3  }
0x97: {  	_ =	strace $0x8FFFFFFF  }
0x98: {  	s19 =	sld [smem:$0x3FDB];
	_ =	sdelay $0x1  }
0x99: {  	s4 =	simm.s32 $_scs_section_size  }
0x9a: {  	s5 =	simm.s32 $_size__tile_overlayer_lowered;
	s6 =	simm.s32 $_tile_overlayer_lowered  }
0x9b: {  	s22 =	simm.s32 $0x1BFF;
	s21 =	sshll.u32 s6, $0x1;
	s3 =	sadd.s32 s4, s19  }
0x9c: {  	s7 =	simm.s32 $0x0;
	s20 =	sshll.u32 s5, $0x1;
	s5 =	sadd.s32 s21, s3  }
0x9d: {  	[timem:s7], [sflag:s22] =	dma.local [hbm:s5], s20  }
0x9e: {  	_ =	swait.ge [sflag:s22], s20  }
0x9f: {  	s4 =	ssub.s32 $0x0, s20;
	[sflag:s22] =	ssyncset.done $0x0  }
0xa0: {  	[sflag:s22] =	ssyncadd.s32 s4;
	_ =	sdelay $0x1  }
0xa1: {  	s23 =	simm.s32 $0x1B8B  }
0xa2: {  	_ =	swait.ge [sflag:s23], $0x1  }
0xa3: {  	[sflag:s23] =	ssyncset.done $0x0  }
0xa4: {  	s25 =	simm.s32 $0x1B8E;
	s24 =	sld [smem:$0x3FFE];
	[sflag:s23] =	ssyncadd.s32 $0xFFFFFFFF  }
0xa5: {  	s26 =	simm.s32 $execute0_lowered;
	[smem:$0x3FD2] =	sst s25  }
0xa6: {  	s5 =	sshll.u32 s26, $0x1;
	_ =	strace $0x80000046;
	[dreg:$0x1] =	wrdreg $0xFFFFFFFF  }
0xa7: {  	s28 =	simm.s32 $_size_execute0_lowered;
	s3 =	sadd.s32 s3, s5;
	[dreg:$0x0] =	wrdreg $0x0  }
0xa8: {  	s5 =	sshll.u32 s28, $0x1;
	[dreg:$0x2] =	wrdreg s3  }
0xa9: {  	[dreg:$0x3] =	wrdreg s5  }
0xaa: {  	[dreg:$0x4] =	wrdreg $0xC0  }
0xab: {  	_ =	task [dreg:s7], $0x5FFFF  }
0xac: {  	[dreg:$0x1] =	wrdreg $0xFFFFFFFF  }
0xad: {  	[dreg:$0x0] =	wrdreg $0x60  }
0xae: {  	[dreg:$0x2] =	wrdreg s24  }
0xaf: {  	[dreg:$0x3] =	wrdreg s2  }
0xb0: {  	[dreg:$0x4] =	wrdreg $0x9  }
0xb1: {  	_ =	task.clear_ibuf [dreg:s7], $0x5FFFF;
	_ =	strace $0x90000046  }
0xb2: {  	s29 =	simm.s32 $0x9;
	_ =	strace $0x80000048  }
0xb3: {  	_ =	swait.ge [sflag:s29], $0x1  }
0xb4: {  	[sflag:s29] =	ssyncadd.s32 $0xFFFFFFFF  }
0xb5: {  	_ =	strace $0x90000048  }
0xb6: {  	_ =	sfence  }
0xb7: {  	s30 =	sld [smem:$0x0];
	_ =	sdelay $0x2  }
0xb8: {  	s31 =	sshll.u32 s1, $0xD;
	s1 =	sshrl.u32 s1, $0x2  }
0xb9: {  	s3 =	sand.u32 $0x4000, s31;
	s1 =	sadd.s32 s1, s30  }
0xba: {  	s0 =	sor.u32 s3, s0;
	s1 =	sshll.u32 s1, $0x11  }
0xbb: {  	s0 =	sor.u32 s1, s0  }
0xbc: {  	s0 =	sadd.s32 $0x8F2B, s0  }
0xbd: {  	[sflag:s0] =	ssyncadd.remote.s32 $0x1  }
0xbe: {  	_ =	sfence.sel $0xFFFF  }
0xbf: {  	[dreg:$0x0] =	wrdreg $0xFFFFFFFF;
	(pc) =	sbr.abs _section_cstart, $3  }
0xc0: {  	[dreg:$0x1] =	wrdreg $0xFFFFFFFF  }
0xc1: {  	_ =	task.clear_ibuf [dreg:s7], $0x2FFFF;
	_ =	strace $0x9FFFFFFF  }
0xc2: {  	(tm) =	ssettm $0x7FFFFFFF  }
0xc3: {  	_ =	shalt  }
tec
execute0_lowered:
.L_overlay_start_1:
0x0: {  	(tag) =	ssettag $0x1  }
0x1: {  	s3 =	rddreg [dreg:$0x0];
	s1 =	srdreg.scid  }
0x2: {  	s0 =	stileid.u32;
	s5 =	rddreg [dreg:$0x1];
	s10 =	simm.s32 $0x9CB0  }
0x3: {  	s11 =	simm.s32 $0xC3C0;
	s12 =	simm.s32 $0xEAD0;
	s13 =	simm.s32 $0x111E0  }
0x4: {  	s14 =	simm.s32 $0x138F0;
	s15 =	simm.s32 $0x1;
	s16 =	simm.s32 $0x2  }
0x5: {  	s17 =	simm.s32 $0x80;
	s18 =	simm.s32 $0x400;
	s19 =	simm.s32 $0x16000  }
0x6: {  	s20 =	simm.s32 $0x3;
	s21 =	simm.s32 $0x0;
	s4 =	sand.u32 $0x1, s1  }
0x7: {  	s2 =	sshll.u32 s0, $0x1;
	s1 =	rddreg [dreg:$0x2];
	s8 =	sshrl.u32 s0, $0x2  }
0x8: {  	s6 =	sor.u32 s4, s2;
	s2 =	simm.s32 $0x0;
	s8 =	smul.u32 $0x13C00, s8  }
0x9: {  	s4 =	ssub.s32 $0x2, s4;
	s7 =	smul.u32 $0x4E2, s6;
	[smem:$0x7FF] =	sst s2  }
0xa: {  	s6 =	sshll.u32 s6, $0x7;
	s9 =	sshrl.u32 s4, $0x1;
	_ =	strace $0x80000047  }
0xb: {  	s6 =	sand.u32 $0x380, s6;
	s31 =	ssub.s32 s4, s9;
	s9 =	simm.s32 $0x75A0  }
0xc: {  	v0 =	vlaneseq.u32;
	s7 =	sadd.s32 s7, s3;
	s6 =	sor.u32 s8, s6;
	s3 =	sadd.s32 $0xB200, s3  }
0xd: {  	v0 =	vand.u32 $0x7, v0;
	s8 =	simm.s32 $0x4E90;
	s6 =	sshrl.u32 s6, $0x3;
	s4 =	sadd.s32 $0x1400, s7  }
0xe: {  	v1 =	vimm.f32 $1.000000000e+00;
	vm0 =	vcmask $0x3F20;
	v0 =	vmul.u32 $0x2710, v0;
	s7 =	simm.s32 $0x2780;
	s5 =	sadd.s32 s5, s6;
	s6 =	smax.u32 s31, $0x1  }
.LBB2_1:
0xf: {  	[tilespmem:s2], [sflag:$0x2] =	stream.linear.gather [hbm4b:s4+s2], $0x2710, $0x38;
	[tilespmem:$0x18780] =	vst v63  }
0x10: {  	_ = 	snop  }
0x11: {  	[tilespmem:s7], [sflag:$0x1] =	stream.linear.gather [hbm4b:s3+s2], $0x2710, $0x38;
	[tilespmem:$0x18780] =	vst v63  }
0x12: {  	_ = 	snop  }
0x13: {  	[tilespmem:s8], [sflag:$0x1] =	stream.linear.gather [hbm4b:s3+s2], $0x2710, $0x38;
	[tilespmem:$0x18780] =	vst v63  }
0x14: {  	_ = 	snop  }
0x15: {  	[tilespmem:s9], [sflag:$0x1] =	stream.linear.gather [hbm4b:s3+s2], $0x2710, $0x38;
	[tilespmem:$0x18780] =	vst v63  }
0x16: {  	_ = 	snop  }
0x17: {  	[tilespmem:s10], [sflag:$0x1] =	stream.linear.gather [hbm4b:s3+s2], $0x2710, $0x38;
	[tilespmem:$0x18780] =	vst v63  }
0x18: {  	_ = 	snop  }
0x19: {  	[tilespmem:s11], [sflag:$0x1] =	stream.linear.gather [hbm4b:s3+s2], $0x2710, $0x38;
	[tilespmem:$0x18780] =	vst v63  }
0x1a: {  	_ = 	snop  }
0x1b: {  	[tilespmem:s12], [sflag:$0x1] =	stream.linear.gather [hbm4b:s3+s2], $0x2710, $0x38;
	[tilespmem:$0x18780] =	vst v63  }
0x1c: {  	_ = 	snop  }
0x1d: {  	[tilespmem:s13], [sflag:$0x1] =	stream.linear.gather [hbm4b:s3+s2], $0x2710, $0x38;
	[tilespmem:$0x18780] =	vst v63  }
0x1e: {  	_ = 	snop  }
0x1f: {  	[tilespmem:s14], [sflag:$0x1] =	stream.linear.gather [hbm4b:s3+s2], $0x2710, $0x38;
	[tilespmem:$0x18780] =	vst v63  }
0x20: {  	_ =	swait.ge [sflag:s15], $0x2710  }
0x21: {  	[sflag:s15] =	ssyncset.done $0x0  }
0x22: {  	[sflag:s15] =	ssyncadd.s32 $0xFFFFD8F0  }
0x23: {  	_ =	swait.ge [sflag:s15], $0x2710  }
0x24: {  	[sflag:s15] =	ssyncset.done $0x0  }
0x25: {  	[sflag:s15] =	ssyncadd.s32 $0xFFFFD8F0  }
0x26: {  	_ =	swait.ge [sflag:s15], $0x2710  }
0x27: {  	[sflag:s15] =	ssyncset.done $0x0  }
0x28: {  	[sflag:s15] =	ssyncadd.s32 $0xFFFFD8F0  }
0x29: {  	_ =	swait.ge [sflag:s15], $0x2710  }
0x2a: {  	[sflag:s15] =	ssyncset.done $0x0  }
0x2b: {  	[sflag:s15] =	ssyncadd.s32 $0xFFFFD8F0  }
0x2c: {  	_ =	swait.ge [sflag:s15], $0x2710  }
0x2d: {  	[sflag:s15] =	ssyncset.done $0x0  }
0x2e: {  	[sflag:s15] =	ssyncadd.s32 $0xFFFFD8F0  }
0x2f: {  	_ =	swait.ge [sflag:s15], $0x2710  }
0x30: {  	[sflag:s15] =	ssyncset.done $0x0  }
0x31: {  	[sflag:s15] =	ssyncadd.s32 $0xFFFFD8F0  }
0x32: {  	_ =	swait.ge [sflag:s15], $0x2710  }
0x33: {  	[sflag:s15] =	ssyncset.done $0x0  }
0x34: {  	[sflag:s15] =	ssyncadd.s32 $0xFFFFD8F0  }
0x35: {  	_ =	swait.ge [sflag:s15], $0x2710  }
0x36: {  	[sflag:s15] =	ssyncset.done $0x0  }
0x37: {  	[sflag:s15] =	ssyncadd.s32 $0xFFFFD8F0  }
0x38: {  	_ =	swait.ge [sflag:s16], $0x2710  }
0x39: {  	[sflag:s16] =	ssyncset.done $0x0  }
0x3a: {  	s22 =	simm.s32 $0x0;
	[sflag:s16] =	ssyncadd.s32 $0xFFFFD8F0  }
.LBB2_2:
0x3b: {  	s23 =	sshra.s32 s22, $0x2  }
0x3c: {  	v2 =	vld [tilespmem:s23+$0x0];
	_ =	sdelay $0x4  }
0x3d: {  	v2 =	vadd.s32 v0, v2  }
0x3e: {  	p0 =	sne.s32 s22, $0x9C00  }
.Ltmp0:
0x3f: {  	_ = 	snop;
	(pc) =	sbr.rel @p0 .LBB2_2-.Ltmp0, $3  }
0x40: {  	_ =	sdelay $0x1  }
0x41: {  	[tilespmem:v2+s7+$0x0] =	vst.idx.add.f32.msk $0xff, v1  }
0x42: {  	s22 =	sadd.s32 $0x40, s22;
	[tilespmem:v2+s7+$0x0] =	vst.idx.add.f32.msk vm0, v1  }
0x43: {  	s23 =	simm.s32 $0x0  }
0x44: {  	v2 =	vld [tilespmem:s23+$0x2780]  }
0x45: {  	v3 =	vld [tilespmem:s23+$0x4E90];
	_ =	sdelay $0x1  }
0x46: {  	v4 =	vld [tilespmem:s23+$0x75A0];
	_ =	sdelay $0x1  }
0x47: {  	v5 =	vld [tilespmem:s23+$0x9CB0]  }
0x48: {  	v6 =	vld [tilespmem:s23+$0xEAD0];
	v2 =	vadd.f32 v3, v2  }
0x49: {  	s22 =	simm.s32 $0x10;
	v3 =	vld [tilespmem:s23+$0xC3C0]  }
0x4a: {  	v7 =	vld [tilespmem:s22+$0x2780];
	v2 =	vadd.f32 v4, v2  }
0x4b: {  	v8 =	vld [tilespmem:s22+$0x4E90]  }
0x4c: {  	v9 =	vld [tilespmem:s23+$0x111E0];
	v2 =	vadd.f32 v5, v2  }
0x4d: {  	v10 =	vld [tilespmem:s22+$0x75A0]  }
0x4e: {  	v4 =	vld [tilespmem:s23+$0x138F0];
	v5 =	vadd.f32 v3, v2  }
0x4f: {  	v3 =	vld [tilespmem:s22+$0x9CB0]  }
0x50: {  	v7 =	vadd.f32 v8, v7;
	v2 =	vld [tilespmem:s22+$0xEAD0];
	v8 =	vadd.f32 v6, v5  }
0x51: {  	s24 =	simm.s32 $0x20;
	v5 =	vld [tilespmem:s22+$0xC3C0]  }
0x52: {  	s25 =	simm.s32 $0xC0;
	v7 =	vadd.f32 v10, v7;
	v6 =	vld [tilespmem:s24+$0x2780];
	v8 =	vadd.f32 v9, v8  }
.LBB2_4:
0x53: {  	p0 =	sne.s32 s25, $0x9C00;
	v9 =	vld [tilespmem:s24+$0x4E90]  }
0x54: {  	v3 =	vadd.f32 v3, v7;
	v10 =	vld [tilespmem:s22+$0x111E0];
	v7 =	vadd.f32 v4, v8  }
0x55: {  	v8 =	vld [tilespmem:s24+$0x75A0]  }
.Ltmp1:
0x56: {  	v5 =	vadd.f32 v5, v3;
	v4 =	vld [tilespmem:s22+$0x138F0];
	[tilespmem:s23+$0x16000] =	vst v7;
	s23 =	smov.u32 s22;
	s22 =	smov.u32 s24;
	(pc) =	sbr.rel @p0 .LBB2_4-.Ltmp1, $4  }
0x57: {  	v3 =	vld [tilespmem:s22+$0x9CB0]  }
0x58: {  	v7 =	vadd.f32 v9, v6;
	v9 =	vadd.f32 v2, v5;
	v2 =	vld [tilespmem:s22+$0xEAD0]  }
0x59: {  	s24 =	sshra.s32 s25, $0x2;
	v5 =	vld [tilespmem:s22+$0xC3C0]  }
0x5a: {  	s25 =	sadd.s32 $0x40, s25;
	v6 =	vld [tilespmem:s24+$0x2780];
	v7 =	vadd.f32 v8, v7;
	v8 =	vadd.f32 v10, v9  }
0x5b: {  	v9 =	vld [tilespmem:s24+$0x4E90]  }
0x5c: {  	v10 =	vld [tilespmem:s22+$0x111E0];
	v4 =	vadd.f32 v4, v8  }
0x5d: {  	v60 =	vld [tilespmem:s24+$0x75A0]  }
0x5e: {  	v11 =	vld [tilespmem:s22+$0x138F0];
	[tilespmem:s23+$0x16000] =	vst v4  }
0x5f: {  	v4 =	vld [tilespmem:s24+$0x9CB0]  }
0x60: {  	v6 =	vadd.f32 v9, v6  }
0x61: {  	v61 =	vld [tilespmem:s24+$0xC3C0]  }
0x62: {  	v6 =	vadd.f32 v60, v6  }
0x63: {  	v3 =	vadd.f32 v3, v7;
	v62 =	vld [tilespmem:s24+$0xEAD0]  }
0x64: {  	v4 =	vadd.f32 v4, v6  }
0x65: {  	v3 =	vadd.f32 v5, v3;
	v63 =	vld [tilespmem:s24+$0x111E0]  }
0x66: {  	v4 =	vadd.f32 v61, v4  }
0x67: {  	v2 =	vadd.f32 v2, v3;
	v3 =	vld [tilespmem:s24+$0x138F0]  }
0x68: {  	v4 =	vadd.f32 v62, v4  }
0x69: {  	v2 =	vadd.f32 v10, v2  }
0x6a: {  	v4 =	vadd.f32 v63, v4  }
0x6b: {  	v2 =	vadd.f32 v11, v2  }
0x6c: {  	s21 =	sadd.s32 $0x1, s21;
	v3 =	vadd.f32 v3, v4  }
0x6d: {  	p0 =	sne.s32 s21, s6;
	[tilespmem:s22+$0x16000] =	vst v2  }
.Ltmp2:
0x6e: {  	[tilespmem:s24+$0x16000] =	vst v3;
	(pc) =	sbr.rel @p0 .LBB2_1-.Ltmp2, $4  }
0x6f: {  	[hbm4b:s5+s17] =	stream.strided.scatter [tilespmem:s19], [sflag:$0x3], $0x2780, s18, s17, $0x38;
	[tilespmem:$0x18780] =	vst v63  }
0x70: {  	_ =	swait.ge [sflag:s20], $0x2780  }
0x71: {  	[sflag:s20] =	ssyncset.done $0x0  }
0x72: {  	[sflag:s20] =	ssyncadd.s32 $0xFFFFD880  }
0x73: {  	_ =	sfence.sel $0x180000  }
0x74: {  	[bflag:$0x0] =	sbarrier.arrive $0xFFFF  }
0x75: {  	p0 =	sne.s32 s0, $0x0;
	_ =	strace $0x90000047  }
0x76: {  	s0 =	sadd.s32 @!p0 $0x100000, s1;
	[bflag:$0x2] =	sbarrier.arrive $0xFFFF  }
0x77: {  	[sflag:s0] =	ssyncadd.tile.s32 @!p0 $0x1;
	_ =	shalt  }
.Lfunc_end2:
_tile_overlayer_lowered:
.L_overlay_start_2:
0x78: {  	(tag) =	ssettag $0x2  }
0x79: {  	s0 =	rddreg [dreg:$0x0];
	s2 =	stileid.u32  }
0x7a: {  	s1 =	rddreg [dreg:$0x1];
	p0 =	sne.s32 s2, $0x0  }
0x7b: {  	s3 =	rddreg [dreg:$0x2];
	[bflag:$0x3] =	sbarrier.arrive $0xFFFF;
	s2 =	simm.s32 @!p0 $0x1C03  }
0x7c: {  	[timem:s3], [sflag:s2] =	dma.local @!p0 [hbm:s0], s1  }
0x7d: {  	s0 =	simm.s32 @!p0 $0x3  }
0x7e: {  	_ =	swait.ge @!p0 [sflag:s0], s1  }
0x7f: {  	s1 =	ssub.s32 @!p0 $0x0, s1;
	[sflag:s0] =	ssyncset.done @!p0 $0x0  }
0x80: {  	[sflag:s0] =	ssyncadd.s32 @!p0 s1  }
0x81: {  	[bflag:$0x3] =	sbarrier.arrive $0xFFFF  }
0x82: {  	_ =	shalt  }

// kernel: kernel.9.cloned.1.call-start
scs
__scs_entry_jumppad:
0x0: {  	(pc) =	sbr.rel $0x88, $3  }
0x1: {  	(tag) =	ssettag $0x0;
	lr =	simm.s32 $0x1  }
0x2: {  	[smem:$0x3F9D] =	sst lr;
	_ =	strace $0xD0000000  }
0x3: {  	_ = 	snop  }
0x4: {  	_ = 	snop  }
0x5: {  	_ = 	snop  }
0x6: {  	_ = 	snop  }
0x7: {  	_ = 	snop  }
__scs_overlays_trampoline_lowered:
0x8: {  	[smem:$0x3FAC] =	sst s0  }
0x9: {  	[smem:$0x3FAD] =	sst s1  }
0xa: {  	[smem:$0x3FAE] =	sst s2  }
0xb: {  	[smem:$0x3FAF] =	sst s3  }
0xc: {  	[smem:$0x3FB0] =	sst s4  }
0xd: {  	[smem:$0x3FB1] =	sst s5  }
0xe: {  	[smem:$0x3FB2] =	sst s6  }
0xf: {  	[smem:$0x3FB3] =	sst s7  }
0x10: {  	[smem:$0x3FB4] =	sst s8  }
0x11: {  	[smem:$0x3FB5] =	sst s9;
	s0 =	simm.s32 @!p0 $0x0  }
0x12: {  	s1 =	sld [smem:$0x3F9B];
	s0 =	simm.s32 @p0 $0x1  }
0x13: {  	[smem:$0x3FB6] =	sst s0;
	s0 =	simm.s32 @!p1 $0x0  }
0x14: {  	s2 =	sld [smem:$0x3F9A];
	s0 =	simm.s32 @p1 $0x1  }
0x15: {  	[smem:$0x3FB7] =	sst s0;
	s0 =	simm.s32 @!p2 $0x0  }
0x16: {  	s3 =	sld [smem:$0x3FDB];
	s0 =	simm.s32 @p2 $0x1  }
0x17: {  	s4 =	simm.s32 $0x1BF5;
	[smem:$0x3FB9] =	sst s0  }
0x18: {  	s0 =	sld [smem:$0x3F9C];
	_ =	swait.ge [sflag:s4], $0x0  }
0x19: {  	s7 =	sld [smem:$0x3F9D]  }
0x1a: {  	s8 =	sadd.s32 $0xFFFFE003, lr  }
0x1b: {  	s9 =	sadd.s32 $0xFFFFFEF7, lr;
	s5 =	simm.s32 $0xFFFFFFFF;
	p2 =	slt.u32 s8, $0xFFFFF086  }
0x1c: {  	p1 =	slt.u32 s9, $0xF7A;
	s5 =	simm.s32 @!p2 $0x0  }
0x1d: {  	s5 =	simm.s32 @p1 $0x1;
	p0 =	seq.s32 s7, s2  }
0x1e: {  	s7 =	smul.u32 @!p0 $0xF7A, s2;
	p2 =	seq.s32 @!p0 s5, $0x0  }
0x1f: {  	s9 =	smul.u32 $0xF7A, s1;
	s8 =	simm.s32 @!p0 $0x1BF5;
	p2 =	por !p2, p0  }
0x20: {  	[sflag:s8] =	ssyncset.s32 @!p0 $0xFFFFF086;
	s6 =	sadd.s32 @!p0 s3, s7;
	s7 =	simm.s32 @!p0 $0x108  }
0x21: {  	s3 =	sadd.s32 s3, s9;
	s6 =	sadd.s32 @!p0 $0x88, s6;
	s7 =	simm.s32 @p2 $0x1082  }
0x22: {  	[simem:s7], [sflag:s8] =	dma.local @!p0 [hbm:s6], $0xF7A  }
0x23: {  	s9 =	sor.u32 $0xD0000000, s2;
	s6 =	simm.s32 $0x108;
	_ =	swait.ge @!p0 [sflag:s8], $0x0  }
0x24: {  	s3 =	sadd.s32 $0x88, s3;
	s6 =	simm.s32 @!p1 $0x1082;
	[sflag:s4] =	ssyncset.s32 $0xFFFFF086  }
0x25: {  	[simem:s6], [sflag:s4] =	dma.local [hbm:s3], $0xF7A  }
0x26: {  	[smem:$0x3F9D] =	sst s1;
	(tag) =	ssettag s2;
	_ =	strace s9  }
0x27: {  	s1 =	sld [smem:$0x3FAD]  }
0x28: {  	s2 =	sld [smem:$0x3FAE]  }
0x29: {  	s4 =	sld [smem:$0x3FB0]  }
0x2a: {  	p0 =	seq.s32 s5, $0x0;
	s5 =	sld [smem:$0x3FB1]  }
0x2b: {  	s6 =	sld [smem:$0x3FB2]  }
0x2c: {  	s7 =	sld [smem:$0x3FB3]  }
0x2d: {  	s3 =	simm.s32 $0x108;
	s8 =	sld [smem:$0x3FB4]  }
0x2e: {  	s3 =	simm.s32 @!p0 $0x1082;
	s9 =	sld [smem:$0x3FB5]  }
0x2f: {  	lr =	sadd.s32 s0, s3;
	s0 =	sld [smem:$0x3FAC]  }
0x30: {  	s3 =	sld [smem:$0x3FAF]  }
0x31: {  	[smem:$0x3FB8] =	sst s10  }
0x32: {  	s10 =	sld [smem:$0x3FB6];
	_ =	sdelay $0x3  }
0x33: {  	p0 =	seq.s32 s10, $0x1;
	s10 =	sld [smem:$0x3FB8];
	_ =	sdelay $0x3  }
0x34: {  	[smem:$0x3FB8] =	sst s10  }
0x35: {  	s10 =	sld [smem:$0x3FB7];
	_ =	sdelay $0x3  }
0x36: {  	p1 =	seq.s32 s10, $0x1;
	s10 =	sld [smem:$0x3FB8];
	_ =	sdelay $0x3  }
0x37: {  	[smem:$0x3FB8] =	sst s10  }
0x38: {  	s10 =	sld [smem:$0x3FB9]  }
0x39: {  	_ = 	snop;
	(pc) =	sbr.ind lr, $3  }
0x3a: {  	_ = 	snop  }
0x3b: {  	_ = 	snop  }
0x3c: {  	p2 =	seq.s32 s10, $0x1;
	s10 =	sld [smem:$0x3FB8]  }
0x3d: {  	_ =	shalt  }
0x3e: {  	_ =	shalt  }
0x3f: {  	_ =	shalt  }
0x40: {  	_ =	shalt  }
0x41: {  	_ =	shalt  }
0x42: {  	_ =	shalt  }
0x43: {  	_ =	shalt  }
0x44: {  	_ =	shalt  }
0x45: {  	_ =	shalt  }
0x46: {  	_ =	shalt  }
0x47: {  	_ =	shalt  }
0x48: {  	_ =	shalt  }
0x49: {  	_ =	shalt  }
0x4a: {  	_ =	shalt  }
0x4b: {  	_ =	shalt  }
0x4c: {  	_ =	shalt  }
0x4d: {  	_ =	shalt  }
0x4e: {  	_ =	shalt  }
0x4f: {  	_ =	shalt  }
0x50: {  	_ =	shalt  }
0x51: {  	_ =	shalt  }
0x52: {  	_ =	shalt  }
0x53: {  	_ =	shalt  }
0x54: {  	_ =	shalt  }
0x55: {  	_ =	shalt  }
0x56: {  	_ =	shalt  }
0x57: {  	_ =	shalt  }
0x58: {  	_ =	shalt  }
0x59: {  	_ =	shalt  }
0x5a: {  	_ =	shalt  }
0x5b: {  	_ =	shalt  }
0x5c: {  	_ =	shalt  }
0x5d: {  	_ =	shalt  }
0x5e: {  	_ =	shalt  }
0x5f: {  	_ =	shalt  }
0x60: {  	_ =	shalt  }
0x61: {  	_ =	shalt  }
0x62: {  	_ =	shalt  }
0x63: {  	_ =	shalt  }
0x64: {  	_ =	shalt  }
0x65: {  	_ =	shalt  }
0x66: {  	_ =	shalt  }
0x67: {  	_ =	shalt  }
0x68: {  	_ =	shalt  }
0x69: {  	_ =	shalt  }
0x6a: {  	_ =	shalt  }
0x6b: {  	_ =	shalt  }
0x6c: {  	_ =	shalt  }
0x6d: {  	_ =	shalt  }
0x6e: {  	_ =	shalt  }
0x6f: {  	_ =	shalt  }
0x70: {  	_ =	shalt  }
0x71: {  	_ =	shalt  }
0x72: {  	_ =	shalt  }
0x73: {  	_ =	shalt  }
0x74: {  	_ =	shalt  }
0x75: {  	_ =	shalt  }
0x76: {  	_ =	shalt  }
0x77: {  	_ =	shalt  }
0x78: {  	_ =	shalt  }
0x79: {  	_ =	shalt  }
0x7a: {  	_ =	shalt  }
0x7b: {  	_ =	shalt  }
0x7c: {  	_ =	shalt  }
0x7d: {  	_ =	shalt  }
0x7e: {  	_ =	shalt  }
0x7f: {  	_ =	shalt  }
0x80: {  	_ =	shalt  }
0x81: {  	_ =	shalt  }
0x82: {  	_ =	shalt  }
0x83: {  	_ =	shalt  }
0x84: {  	_ =	shalt  }
0x85: {  	_ =	shalt  }
0x86: {  	_ =	shalt  }
0x87: {  	_ =	shalt  }
.Lfunc_end0:
.L_simem_size_0:
called_computation.1_lowered:
.L_overlay_start_0:
0x88: {  	s2 =	sld [smem:$0x3FD9]  }
0x89: {  	s3 =	sld [smem:$0x3FFE];
	_ =	sdelay $0x1  }
0x8a: {  	s1 =	srdreg.scid  }
0x8b: {  	s0 =	sand.u32 $0x1, s1  }
0x8c: {  	s17 =	sshll.u32 s0, $0xA;
	s2 =	sadd.s32 s3, s2  }
0x8d: {  	s2 =	sadd.s32 s2, s17  }
0x8e: {  	[smem:$0x3FC4] =	sst s2  }
0x8f: {  	_ = 	snop  }
0x90: {  	s2 =	sld [smem:$0x3FD0];
	(tm) =	ssettm $0x1  }
0x91: {  	s18 =	sld [smem:$0x3FFB];
	_ =	sdelay $0x3  }
0x92: {  	_ =	strace s18  }
0x93: {  	s3 =	sld [smem:$0x3FFC];
	_ =	sdelay $0x3  }
0x94: {  	_ =	strace s3  }
0x95: {  	s3 =	sld [smem:$0x3FFD];
	_ =	sdelay $0x3  }
0x96: {  	_ =	strace s3  }
0x97: {  	_ =	strace $0x8FFFFFFF  }
0x98: {  	s19 =	sld [smem:$0x3FDB];
	_ =	sdelay $0x1  }
0x99: {  	s4 =	simm.s32 $_scs_section_size  }
0x9a: {  	s5 =	simm.s32 $_size__tile_overlayer_lowered;
	s6 =	simm.s32 $_tile_overlayer_lowered  }
0x9b: {  	s22 =	simm.s32 $0x1BFF;
	s21 =	sshll.u32 s6, $0x1;
	s3 =	sadd.s32 s4, s19  }
0x9c: {  	s7 =	simm.s32 $0x0;
	s20 =	sshll.u32 s5, $0x1;
	s5 =	sadd.s32 s21, s3  }
0x9d: {  	[timem:s7], [sflag:s22] =	dma.local [hbm:s5], s20  }
0x9e: {  	_ =	swait.ge [sflag:s22], s20  }
0x9f: {  	s4 =	ssub.s32 $0x0, s20;
	[sflag:s22] =	ssyncset.done $0x0  }
0xa0: {  	[sflag:s22] =	ssyncadd.s32 s4;
	_ =	sdelay $0x1  }
0xa1: {  	s23 =	simm.s32 $0x1B8B  }
0xa2: {  	_ =	swait.ge [sflag:s23], $0x1  }
0xa3: {  	[sflag:s23] =	ssyncset.done $0x0  }
0xa4: {  	s25 =	simm.s32 $0x1B8E;
	s24 =	sld [smem:$0x3FFE];
	[sflag:s23] =	ssyncadd.s32 $0xFFFFFFFF  }
0xa5: {  	s26 =	simm.s32 $execute0_lowered;
	[smem:$0x3FD2] =	sst s25  }
0xa6: {  	s5 =	sshll.u32 s26, $0x1;
	_ =	strace $0x80000049;
	[dreg:$0x1] =	wrdreg $0xFFFFFFFF  }
0xa7: {  	s28 =	simm.s32 $_size_execute0_lowered;
	s3 =	sadd.s32 s3, s5;
	[dreg:$0x0] =	wrdreg $0x0  }
0xa8: {  	s5 =	sshll.u32 s28, $0x1;
	[dreg:$0x2] =	wrdreg s3  }
0xa9: {  	[dreg:$0x3] =	wrdreg s5  }
0xaa: {  	[dreg:$0x4] =	wrdreg $0xC0  }
0xab: {  	_ =	task [dreg:s7], $0x5FFFF  }
0xac: {  	[dreg:$0x1] =	wrdreg $0xFFFFFFFF  }
0xad: {  	[dreg:$0x0] =	wrdreg $0x60  }
0xae: {  	[dreg:$0x2] =	wrdreg s2  }
0xaf: {  	[dreg:$0x3] =	wrdreg s24  }
0xb0: {  	[dreg:$0x4] =	wrdreg $0x0  }
0xb1: {  	[dreg:$0x5] =	wrdreg $0x9  }
0xb2: {  	_ =	task.clear_ibuf [dreg:s7], $0x6FFFF;
	_ =	strace $0x90000049  }
0xb3: {  	s29 =	simm.s32 $0x9;
	_ =	strace $0x8000004B  }
0xb4: {  	_ =	swait.ge [sflag:s29], $0x1  }
0xb5: {  	[sflag:s29] =	ssyncadd.s32 $0xFFFFFFFF  }
0xb6: {  	_ =	strace $0x9000004B  }
0xb7: {  	_ =	sfence  }
0xb8: {  	s30 =	sld [smem:$0x0];
	_ =	sdelay $0x2  }
0xb9: {  	s31 =	sshll.u32 s1, $0xD;
	s1 =	sshrl.u32 s1, $0x2  }
0xba: {  	s3 =	sand.u32 $0x4000, s31;
	s1 =	sadd.s32 s1, s30  }
0xbb: {  	s0 =	sor.u32 s3, s0;
	s1 =	sshll.u32 s1, $0x11  }
0xbc: {  	s0 =	sor.u32 s1, s0  }
0xbd: {  	s0 =	sadd.s32 $0x8F2B, s0  }
0xbe: {  	[sflag:s0] =	ssyncadd.remote.s32 $0x1  }
0xbf: {  	_ =	sfence.sel $0xFFFF  }
0xc0: {  	[dreg:$0x0] =	wrdreg $0xFFFFFFFF;
	(pc) =	sbr.abs _section_cstart, $3  }
0xc1: {  	[dreg:$0x1] =	wrdreg $0xFFFFFFFF  }
0xc2: {  	_ =	task.clear_ibuf [dreg:s7], $0x2FFFF;
	_ =	strace $0x9FFFFFFF  }
0xc3: {  	(tm) =	ssettm $0x7FFFFFFF  }
tec
execute0_lowered:
.L_overlay_start_1:
0x0: {  	(tag) =	ssettag $0x1  }
0x1: {  	s0 =	srdreg.scid;
	s25 =	stileid.u32  }
0x2: {  	s3 =	sand.u32 $0x1, s0;
	s7 =	smul.u32 $0x280, s25  }
0x3: {  	s5 =	sor.u32 $0x10, s25;
	s4 =	smul.u32 $0x27100, s3  }
0x4: {  	s2 =	rddreg [dreg:$0x1];
	s1 =	simm.s32 $0x0;
	s0 =	smul.u32 $0x5000, s5  }
0x5: {  	s28 =	simm.s32 $0x2;
	s10 =	sor.u32 $0x20, s25;
	s5 =	smul.u32 $0x280, s5  }
0x6: {  	s29 =	simm.s32 $0x3;
	s12 =	sor.u32 $0x40, s25;
	s11 =	smul.u32 $0x280, s10  }
0x7: {  	s30 =	simm.s32 $0x5;
	s14 =	sor.u32 $0x50, s25;
	s15 =	smul.u32 $0x280, s12  }
0x8: {  	[smem:$0x7FF] =	sst s1;
	s17 =	sor.u32 $0x60, s25;
	s16 =	smul.u32 $0x280, s14  }
0x9: {  	s6 =	sshll.u32 s25, $0xC;
	s20 =	sor.u32 $0x80, s25;
	s18 =	smul.u32 $0x280, s17  }
0xa: {  	s21 =	sor.u32 $0x90, s25;
	s22 =	sor.u32 $0xA0, s25;
	s23 =	smul.u32 $0x280, s20  }
0xb: {  	p0 =	sgt.u32 s25, $0x9;
	s8 =	sshll.u32 s3, $0xB;
	s24 =	smul.u32 $0x280, s21  }
0xc: {  	s3 =	ssub.s32 $0x2, s3;
	s20 =	smul.u32 $0x5000, s20;
	s4 =	sadd.s32 s4, s2  }
0xd: {  	s6 =	sor.u32 s8, s6;
	s8 =	sor.u32 $0x30, s25;
	s4 =	sadd.s32 $0x2B800, s4  }
0xe: {  	s9 =	sshrl.u32 s3, $0x1;
	s13 =	smul.u32 $0x280, s8;
	s7 =	sadd.s32 s7, s4  }
0xf: {  	s9 =	ssub.s32 s3, s9;
	s5 =	sadd.s32 s5, s4;
	[dreg:$0x4] =	wrdreg s7  }
0x10: {  	s3 =	sor.u32 $0x70, s25;
	s11 =	sadd.s32 s11, s4;
	[dreg:$0x5] =	wrdreg s5  }
0x11: {  	s0 =	sshrl.u32 s0, $0x2;
	s13 =	sadd.s32 s13, s4;
	[dreg:$0x6] =	wrdreg s11  }
0x12: {  	s19 =	smul.u32 $0x280, s3;
	s15 =	sadd.s32 s15, s4;
	[dreg:$0x7] =	wrdreg s13  }
0x13: {  	s26 =	sadd.s32 s16, s4;
	s16 =	sadd.s32 s23, s4;
	[dreg:$0x8] =	wrdreg s15  }
0x14: {  	[dreg:$0x9] =	wrdreg s26;
	s7 =	sadd.s32 s18, s4;
	s11 =	sadd.s32 s19, s4  }
0x15: {  	s5 =	sor.u32 $0xB0, s25;
	s13 =	smul.u32 $0x280, s22;
	[dreg:$0xc] =	wrdreg s16  }
0x16: {  	s15 =	sor.u32 $0xD0, s25;
	[dreg:$0xa] =	wrdreg s7;
	s18 =	smul.u32 $0x280, s5  }
0x17: {  	s19 =	sadd.s32 s24, s4;
	[dreg:$0xb] =	wrdreg s11;
	s24 =	smul.u32 $0x280, s15  }
0x18: {  	s11 =	sor.u32 $0xC0, s25;
	[dreg:$0xd] =	wrdreg s19;
	s5 =	smul.u32 $0x5000, s5  }
0x19: {  	s19 =	rddreg [dreg:$0x2];
	s23 =	smul.u32 $0x280, s11;
	s7 =	sadd.s32 s13, s4  }
0x1a: {  	s0 =	sadd.s32 s0, s19;
	[dreg:$0xe] =	wrdreg s7;
	s7 =	sor.u32 $0xE0, s25  }
0x1b: {  	s13 =	sadd.s32 s18, s4;
	s18 =	sadd.s32 s24, s4;
	s26 =	smul.u32 $0x280, s7  }
0x1c: {  	[dreg:$0xf] =	wrdreg s13;
	s13 =	sor.u32 $0xF0, s25;
	s25 =	smul.u32 $0x5000, s25  }
0x1d: {  	s16 =	sadd.s32 s23, s4;
	[dreg:$0x11] =	wrdreg s18;
	s23 =	smul.u32 $0x280, s13  }
0x1e: {  	s18 =	sadd.s32 s6, s2;
	s24 =	sadd.s32 s26, s4;
	s26 =	smul.u32 $0x5000, s10  }
0x1f: {  	s2 =	sadd.s32 $0x1400, s2;
	s4 =	sadd.s32 @!p0 s23, s4;
	s23 =	smul.u32 $0x5000, s8  }
0x20: {  	s10 =	sshrl.u32 s25, $0x2;
	[dreg:$0x12] =	wrdreg s24;
	s24 =	smul.u32 $0x5000, s12  }
0x21: {  	[dreg:$0x10] =	wrdreg s16;
	s31 =	sadd.s32 s10, s19;
	s10 =	smul.u32 $0x5000, s17  }
0x22: {  	s16 =	rddreg [dreg:$0x0];
	s25 =	sshrl.u32 s26, $0x2;
	s26 =	smul.u32 $0x5000, s14  }
0x23: {  	[dreg:$0x13] =	wrdreg s4;
	s14 =	smul.u32 $0x5000, s3;
	s3 =	sshrl.u32 s20, $0x2  }
0x24: {  	s20 =	smul.u32 $0x5000, s13;
	_ =	strace $0x8000004A;
	[dreg:$0x14] =	wrdreg s2  }
0x25: {  	s13 =	simm.s32 $0x138C0;
	[dreg:$0x16] =	wrdreg s0;
	s0 =	sadd.s32 s25, s19  }
0x26: {  	s8 =	sshrl.u32 s23, $0x2;
	s12 =	sshrl.u32 s24, $0x2;
	s24 =	smul.u32 $0x5000, s21  }
0x27: {  	s23 =	sshrl.u32 s10, $0x2;
	s17 =	sshrl.u32 s26, $0x2;
	s26 =	smul.u32 $0x5000, s22  }
0x28: {  	[dreg:$0x17] =	wrdreg s0;
	s0 =	sadd.s32 s8, s19;
	s8 =	smul.u32 $0x5000, s11  }
0x29: {  	[dreg:$0x15] =	wrdreg s31;
	s25 =	sshrl.u32 s14, $0x2;
	s11 =	smul.u32 $0x5000, s15  }
0x2a: {  	s14 =	smul.u32 $0x5000, s7;
	s7 =	sadd.s32 $0x1B800, s18;
	[dreg:$0x18] =	wrdreg s0  }
0x2b: {  	s0 =	sadd.s32 s12, s19;
	s6 =	sshrl.u32 s24, $0x2;
	s12 =	sshrl.u32 s5, $0x2  }
0x2c: {  	[dreg:$0x19] =	wrdreg s0;
	s0 =	sadd.s32 s17, s19;
	s22 =	sadd.s32 s6, s19  }
0x2d: {  	s10 =	sshrl.u32 s26, $0x2;
	s24 =	sadd.s32 s12, s19;
	s17 =	sshrl.u32 s8, $0x2  }
0x2e: {  	s21 =	sshrl.u32 s11, $0x2;
	s8 =	sadd.s32 $0xB800, s18;
	s26 =	smax.u32 s9, $0x1  }
0x2f: {  	s11 =	simm.s32 $0xA;
	s12 =	simm.s32 $0x1;
	[dreg:$0x1a] =	wrdreg s0  }
0x30: {  	s18 =	simm.s32 $0x13B40;
	s9 =	simm.s32 $0x6;
	[smem:$0x7F8] =	sst s26  }
0x31: {  	s6 =	simm.s32 $0x0;
	s0 =	sadd.s32 s23, s19;
	[dreg:$0x1e] =	wrdreg s22  }
0x32: {  	s15 =	sadd.s32 s10, s19;
	s4 =	sadd.s32 s17, s19;
	[smem:$0x7F9] =	sst s24  }
0x33: {  	s23 =	sshrl.u32 s14, $0x2;
	s10 =	simm.s32 $0x13CC0;
	[dreg:$0x1b] =	wrdreg s0  }
0x34: {  	s14 =	simm.s32 $0x13AC0;
	s17 =	simm.s32 $0x13C40;
	[dreg:$0x1f] =	wrdreg s15  }
0x35: {  	s26 =	simm.s32 $0x1B4C0;
	s0 =	sadd.s32 s25, s19;
	[smem:$0x7FA] =	sst s4  }
.Ltmp0:
0x36: {  	s2 =	sadd.s32 s23, s19;
	[dreg:$0x1c] =	wrdreg s0;
	(pc) =	sbr.rel .LBB2_1-.Ltmp0, $4  }
0x37: {  	s25 =	sshrl.u32 s20, $0x2;
	s0 =	sadd.s32 s3, s19;
	[smem:$0x7FC] =	sst s2  }
0x38: {  	s20 =	simm.s32 $0x50;
	s3 =	sadd.s32 s21, s19;
	[dreg:$0x1d] =	wrdreg s0  }
0x39: {  	s23 =	simm.s32 $0x164C0;
	s5 =	sadd.s32 s25, s19;
	[smem:$0x7FB] =	sst s3  }
0x3a: {  	s21 =	simm.s32 $0x13A40;
	s25 =	simm.s32 $0x9;
	[smem:$0x7FD] =	sst s5  }
.LBB2_4:
0x3b: {  	_ =	swait.ge [sflag:s28], $0x2800  }
0x3c: {  	[sflag:s28] =	ssyncset.done $0x0  }
0x3d: {  	[sflag:s28] =	ssyncadd.s32 $0xFFFFD800  }
0x3e: {  	[spmem:s19] =	stream.indirect.scatter.add.f32 [tilespmem:s10], [sflag:$0xA], $0x80, s14, s20, $0xb8;
	[tilespmem:$0x1DCC0] =	vst v63  }
0x3f: {  	_ =	swait.ge [sflag:s11], $0x2800  }
0x40: {  	[sflag:s11] =	ssyncset.done $0x0  }
0x41: {  	[sflag:s11] =	ssyncadd.s32 $0xFFFFD800  }
0x42: {  	[bflag:$0x0] =	sbarrier.arrive $0xFFFF  }
0x43: {  	s0 =	rddreg [dreg:$0x15]  }
0x44: {  	[tilespmem:s10], [sflag:$0xA] =	stream.linear.gather [spmem:s0], $0x1400, $0x38;
	[tilespmem:$0x1DCC0] =	vst v63  }
0x45: {  	_ =	swait.ge [sflag:s11], $0x1400  }
0x46: {  	[sflag:s11] =	ssyncset.done $0x0  }
0x47: {  	s22 =	rddreg [dreg:$0x4];
	[sflag:s11] =	ssyncadd.s32 $0xFFFFEC00  }
0x48: {  	[hbm4b:s22+s1] =	stream.linear.scatter [tilespmem:s10], [sflag:$0xA], $0x1400, $0x38;
	[tilespmem:$0x1DCC0] =	vst v63  }
0x49: {  	_ =	swait.ge [sflag:s11], $0x1400  }
0x4a: {  	[sflag:s11] =	ssyncset.done $0x0  }
0x4b: {  	s24 =	rddreg [dreg:$0x16];
	[sflag:s11] =	ssyncadd.s32 $0xFFFFEC00  }
0x4c: {  	[tilespmem:s10], [sflag:$0xA] =	stream.linear.gather [spmem:s24], $0x1400, $0x38;
	[tilespmem:$0x1DCC0] =	vst v63  }
0x4d: {  	_ =	swait.ge [sflag:s11], $0x1400  }
0x4e: {  	[sflag:s11] =	ssyncset.done $0x0  }
0x4f: {  	s2 =	rddreg [dreg:$0x5];
	[sflag:s11] =	ssyncadd.s32 $0xFFFFEC00  }
0x50: {  	[hbm4b:s2+s1] =	stream.linear.scatter [tilespmem:s10], [sflag:$0xA], $0x1400, $0x38;
	[tilespmem:$0x1DCC0] =	vst v63  }
0x51: {  	_ =	swait.ge [sflag:s11], $0x1400  }
0x52: {  	[sflag:s11] =	ssyncset.done $0x0  }
0x53: {  	s3 =	rddreg [dreg:$0x17];
	[sflag:s11] =	ssyncadd.s32 $0xFFFFEC00  }
0x54: {  	[tilespmem:s10], [sflag:$0xA] =	stream.linear.gather [spmem:s3], $0x1400, $0x38;
	[tilespmem:$0x1DCC0] =	vst v63  }
0x55: {  	_ =	swait.ge [sflag:s11], $0x1400  }
0x56: {  	[sflag:s11] =	ssyncset.done $0x0  }
0x57: {  	s4 =	rddreg [dreg:$0x6];
	[sflag:s11] =	ssyncadd.s32 $0xFFFFEC00  }
0x58: {  	[hbm4b:s4+s1] =	stream.linear.scatter [tilespmem:s10], [sflag:$0xA], $0x1400, $0x38;
	[tilespmem:$0x1DCC0] =	vst v63  }
0x59: {  	_ =	swait.ge [sflag:s11], $0x1400  }
0x5a: {  	[sflag:s11] =	ssyncset.done $0x0  }
0x5b: {  	s5 =	rddreg [dreg:$0x18];
	[sflag:s11] =	ssyncadd.s32 $0xFFFFEC00  }
0x5c: {  	[tilespmem:s10], [sflag:$0xA] =	stream.linear.gather [spmem:s5], $0x1400, $0x38;
	[tilespmem:$0x1DCC0] =	vst v63  }
0x5d: {  	_ =	swait.ge [sflag:s11], $0x1400  }
0x5e: {  	[sflag:s11] =	ssyncset.done $0x0  }
0x5f: {  	s6 =	rddreg [dreg:$0x7];
	[sflag:s11] =	ssyncadd.s32 $0xFFFFEC00  }
0x60: {  	[hbm4b:s6+s1] =	stream.linear.scatter [tilespmem:s10], [sflag:$0xA], $0x1400, $0x38;
	[tilespmem:$0x1DCC0] =	vst v63  }
0x61: {  	_ =	swait.ge [sflag:s11], $0x1400  }
0x62: {  	[sflag:s11] =	ssyncset.done $0x0  }
0x63: {  	s15 =	rddreg [dreg:$0x19];
	[sflag:s11] =	ssyncadd.s32 $0xFFFFEC00  }
0x64: {  	[tilespmem:s10], [sflag:$0xA] =	stream.linear.gather [spmem:s15], $0x1400, $0x38;
	[tilespmem:$0x1DCC0] =	vst v63  }
0x65: {  	_ =	swait.ge [sflag:s11], $0x1400  }
0x66: {  	[sflag:s11] =	ssyncset.done $0x0  }
0x67: {  	s18 =	rddreg [dreg:$0x8];
	[sflag:s11] =	ssyncadd.s32 $0xFFFFEC00  }
0x68: {  	[hbm4b:s18+s1] =	stream.linear.scatter [tilespmem:s10], [sflag:$0xA], $0x1400, $0x38;
	[tilespmem:$0x1DCC0] =	vst v63  }
0x69: {  	_ =	swait.ge [sflag:s11], $0x1400  }
0x6a: {  	[sflag:s11] =	ssyncset.done $0x0  }
0x6b: {  	s22 =	rddreg [dreg:$0x1a];
	[sflag:s11] =	ssyncadd.s32 $0xFFFFEC00  }
0x6c: {  	[tilespmem:s10], [sflag:$0xA] =	stream.linear.gather [spmem:s22], $0x1400, $0x38;
	[tilespmem:$0x1DCC0] =	vst v63  }
0x6d: {  	_ =	swait.ge [sflag:s11], $0x1400  }
0x6e: {  	[sflag:s11] =	ssyncset.done $0x0  }
0x6f: {  	s24 =	rddreg [dreg:$0x9];
	[sflag:s11] =	ssyncadd.s32 $0xFFFFEC00  }
0x70: {  	[hbm4b:s24+s1] =	stream.linear.scatter [tilespmem:s10], [sflag:$0xA], $0x1400, $0x38;
	[tilespmem:$0x1DCC0] =	vst v63  }
0x71: {  	_ =	swait.ge [sflag:s11], $0x1400  }
0x72: {  	[sflag:s11] =	ssyncset.done $0x0  }
0x73: {  	s2 =	rddreg [dreg:$0x1b];
	[sflag:s11] =	ssyncadd.s32 $0xFFFFEC00  }
0x74: {  	[tilespmem:s10], [sflag:$0xA] =	stream.linear.gather [spmem:s2], $0x1400, $0x38;
	[tilespmem:$0x1DCC0] =	vst v63  }
0x75: {  	_ =	swait.ge [sflag:s11], $0x1400  }
0x76: {  	[sflag:s11] =	ssyncset.done $0x0  }
0x77: {  	s3 =	rddreg [dreg:$0xa];
	[sflag:s11] =	ssyncadd.s32 $0xFFFFEC00  }
0x78: {  	[hbm4b:s3+s1] =	stream.linear.scatter [tilespmem:s10], [sflag:$0xA], $0x1400, $0x38;
	[tilespmem:$0x1DCC0] =	vst v63  }
0x79: {  	_ =	swait.ge [sflag:s11], $0x1400  }
0x7a: {  	[sflag:s11] =	ssyncset.done $0x0  }
0x7b: {  	s4 =	rddreg [dreg:$0x1c];
	[sflag:s11] =	ssyncadd.s32 $0xFFFFEC00  }
0x7c: {  	[tilespmem:s10], [sflag:$0xA] =	stream.linear.gather [spmem:s4], $0x1400, $0x38;
	[tilespmem:$0x1DCC0] =	vst v63  }
0x7d: {  	_ =	swait.ge [sflag:s11], $0x1400  }
0x7e: {  	[sflag:s11] =	ssyncset.done $0x0  }
0x7f: {  	s5 =	rddreg [dreg:$0xb];
	[sflag:s11] =	ssyncadd.s32 $0xFFFFEC00  }
0x80: {  	[hbm4b:s5+s1] =	stream.linear.scatter [tilespmem:s10], [sflag:$0xA], $0x1400, $0x38;
	[tilespmem:$0x1DCC0] =	vst v63  }
0x81: {  	_ =	swait.ge [sflag:s11], $0x1400  }
0x82: {  	[sflag:s11] =	ssyncset.done $0x0  }
0x83: {  	s6 =	rddreg [dreg:$0x1d];
	[sflag:s11] =	ssyncadd.s32 $0xFFFFEC00  }
0x84: {  	[tilespmem:s10], [sflag:$0xA] =	stream.linear.gather [spmem:s6], $0x1400, $0x38;
	[tilespmem:$0x1DCC0] =	vst v63  }
0x85: {  	_ =	swait.ge [sflag:s11], $0x1400  }
0x86: {  	[sflag:s11] =	ssyncset.done $0x0  }
0x87: {  	s15 =	rddreg [dreg:$0xc];
	[sflag:s11] =	ssyncadd.s32 $0xFFFFEC00  }
0x88: {  	[hbm4b:s15+s1] =	stream.linear.scatter [tilespmem:s10], [sflag:$0xA], $0x1400, $0x38;
	[tilespmem:$0x1DCC0] =	vst v63  }
0x89: {  	_ =	swait.ge [sflag:s11], $0x1400  }
0x8a: {  	[sflag:s11] =	ssyncset.done $0x0  }
0x8b: {  	s22 =	rddreg [dreg:$0x1e];
	[sflag:s11] =	ssyncadd.s32 $0xFFFFEC00  }
0x8c: {  	[tilespmem:s10], [sflag:$0xA] =	stream.linear.gather [spmem:s22], $0x1400, $0x38;
	[tilespmem:$0x1DCC0] =	vst v63  }
0x8d: {  	_ =	swait.ge [sflag:s11], $0x1400  }
0x8e: {  	[sflag:s11] =	ssyncset.done $0x0  }
0x8f: {  	s18 =	rddreg [dreg:$0xd];
	[sflag:s11] =	ssyncadd.s32 $0xFFFFEC00  }
0x90: {  	[hbm4b:s18+s1] =	stream.linear.scatter [tilespmem:s10], [sflag:$0xA], $0x1400, $0x38;
	[tilespmem:$0x1DCC0] =	vst v63  }
0x91: {  	_ =	swait.ge [sflag:s11], $0x1400  }
0x92: {  	[sflag:s11] =	ssyncset.done $0x0  }
0x93: {  	s15 =	rddreg [dreg:$0x1f];
	[sflag:s11] =	ssyncadd.s32 $0xFFFFEC00  }
0x94: {  	[tilespmem:s10], [sflag:$0xA] =	stream.linear.gather [spmem:s15], $0x1400, $0x38;
	[tilespmem:$0x1DCC0] =	vst v63  }
0x95: {  	_ =	swait.ge [sflag:s11], $0x1400  }
0x96: {  	[sflag:s11] =	ssyncset.done $0x0  }
0x97: {  	s24 =	rddreg [dreg:$0xe];
	[sflag:s11] =	ssyncadd.s32 $0xFFFFEC00  }
0x98: {  	[hbm4b:s24+s1] =	stream.linear.scatter [tilespmem:s10], [sflag:$0xA], $0x1400, $0x38;
	[tilespmem:$0x1DCC0] =	vst v63  }
0x99: {  	_ =	swait.ge [sflag:s11], $0x1400  }
0x9a: {  	s24 =	sld [smem:$0x7F9]  }
0x9b: {  	[sflag:s11] =	ssyncset.done $0x0  }
0x9c: {  	[sflag:s11] =	ssyncadd.s32 $0xFFFFEC00  }
0x9d: {  	[tilespmem:s10], [sflag:$0xA] =	stream.linear.gather [spmem:s24], $0x1400, $0x38;
	[tilespmem:$0x1DCC0] =	vst v63  }
0x9e: {  	_ =	swait.ge [sflag:s11], $0x1400  }
0x9f: {  	[sflag:s11] =	ssyncset.done $0x0  }
0xa0: {  	s2 =	rddreg [dreg:$0xf];
	[sflag:s11] =	ssyncadd.s32 $0xFFFFEC00  }
0xa1: {  	[hbm4b:s2+s1] =	stream.linear.scatter [tilespmem:s10], [sflag:$0xA], $0x1400, $0x38;
	[tilespmem:$0x1DCC0] =	vst v63  }
0xa2: {  	_ =	swait.ge [sflag:s11], $0x1400  }
0xa3: {  	s6 =	sld [smem:$0x7FA]  }
0xa4: {  	[sflag:s11] =	ssyncset.done $0x0  }
0xa5: {  	[sflag:s11] =	ssyncadd.s32 $0xFFFFEC00  }
0xa6: {  	[tilespmem:s10], [sflag:$0xA] =	stream.linear.gather [spmem:s6], $0x1400, $0x38;
	[tilespmem:$0x1DCC0] =	vst v63  }
0xa7: {  	_ =	swait.ge [sflag:s11], $0x1400  }
0xa8: {  	[sflag:s11] =	ssyncset.done $0x0  }
0xa9: {  	s3 =	rddreg [dreg:$0x10];
	[sflag:s11] =	ssyncadd.s32 $0xFFFFEC00  }
0xaa: {  	[hbm4b:s3+s1] =	stream.linear.scatter [tilespmem:s10], [sflag:$0xA], $0x1400, $0x38;
	[tilespmem:$0x1DCC0] =	vst v63  }
0xab: {  	_ =	swait.ge [sflag:s11], $0x1400  }
0xac: {  	s31 =	sld [smem:$0x7FB]  }
0xad: {  	[sflag:s11] =	ssyncset.done $0x0  }
0xae: {  	[sflag:s11] =	ssyncadd.s32 $0xFFFFEC00  }
0xaf: {  	[tilespmem:s10], [sflag:$0xA] =	stream.linear.gather [spmem:s31], $0x1400, $0x38;
	[tilespmem:$0x1DCC0] =	vst v63  }
0xb0: {  	_ =	swait.ge [sflag:s11], $0x1400  }
0xb1: {  	[sflag:s11] =	ssyncset.done $0x0  }
0xb2: {  	s4 =	rddreg [dreg:$0x11];
	[sflag:s11] =	ssyncadd.s32 $0xFFFFEC00  }
0xb3: {  	[hbm4b:s4+s1] =	stream.linear.scatter [tilespmem:s10], [sflag:$0xA], $0x1400, $0x38;
	[tilespmem:$0x1DCC0] =	vst v63  }
0xb4: {  	_ =	swait.ge [sflag:s11], $0x1400  }
0xb5: {  	s18 =	sld [smem:$0x7FC]  }
0xb6: {  	[sflag:s11] =	ssyncset.done $0x0  }
0xb7: {  	[sflag:s11] =	ssyncadd.s32 $0xFFFFEC00  }
0xb8: {  	[tilespmem:s10], [sflag:$0xA] =	stream.linear.gather [spmem:s18], $0x1400, $0x38;
	[tilespmem:$0x1DCC0] =	vst v63  }
0xb9: {  	_ =	swait.ge [sflag:s11], $0x1400  }
0xba: {  	[sflag:s11] =	ssyncset.done $0x0  }
0xbb: {  	s5 =	rddreg [dreg:$0x12];
	[sflag:s11] =	ssyncadd.s32 $0xFFFFEC00  }
0xbc: {  	[hbm4b:s5+s1] =	stream.linear.scatter [tilespmem:s10], [sflag:$0xA], $0x1400, $0x38;
	[tilespmem:$0x1DCC0] =	vst v63  }
0xbd: {  	_ =	swait.ge [sflag:s11], $0x1400  }
0xbe: {  	s5 =	sld [smem:$0x7FD]  }
0xbf: {  	[sflag:s11] =	ssyncset.done $0x0  }
0xc0: {  	s0 =	simm.s32 @!p0 $0x13CC0;
	s2 =	simm.s32 @!p0 $0xA;
	[sflag:s11] =	ssyncadd.s32 $0xFFFFEC00  }
0xc1: {  	[tilespmem:s0], [sflag:$0xA] =	stream.linear.gather @!p0 [spmem:s5], $0x1400, $0x38;
	[tilespmem:$0x1DCC0] =	vst v63  }
0xc2: {  	_ =	swait.ge @!p0 [sflag:s2], $0x1400  }
0xc3: {  	[sflag:s2] =	ssyncset.done @!p0 $0x0  }
0xc4: {  	s3 =	simm.s32 @!p0 $0x0;
	s4 =	rddreg [dreg:$0x13];
	[sflag:s2] =	ssyncadd.s32 @!p0 $0xFFFFEC00  }
0xc5: {  	[hbm4b:s4+s3] =	stream.linear.scatter @!p0 [tilespmem:s0], [sflag:$0xA], $0x1400, $0x38;
	[tilespmem:$0x1DCC0] =	vst v63  }
0xc6: {  	s3 =	smov.u32 s31;
	s31 =	rddreg [dreg:$0x15];
	_ =	swait.ge @!p0 [sflag:s2], $0x1400  }
0xc7: {  	s0 =	sld [smem:$0x7F7];
	_ =	sdelay $0x2  }
0xc8: {  	s4 =	smov.u32 s6;
	s6 =	sadd.s32 $0x1, s0;
	s0 =	sld [smem:$0x7F8]  }
0xc9: {  	_ =	sdelay $0x1  }
0xca: {  	p1 =	sne.s32 s6, s0  }
.Ltmp1:
0xcb: {  	_ = 	snop;
	(pc) =	sbr.rel @!p1 .LBB2_5-.Ltmp1, $3  }
0xcc: {  	_ =	sdelay $0x1  }
0xcd: {  	[sflag:s2] =	ssyncset.done @!p0 $0x0  }
0xce: {  	[sflag:s2] =	ssyncadd.s32 @!p0 $0xFFFFEC00;
	s2 =	smov.u32 s18;
	s18 =	simm.s32 $0x13B40  }
.LBB2_1:
0xcf: {  	[smem:$0x7F7] =	sst s6  }
0xd0: {  	s0 =	rddreg [dreg:$0x14]  }
0xd1: {  	[tilespmem:s10], [sflag:$0xA] =	stream.linear.gather [hbm4b:s0+s1], $0x1400, $0x38;
	[tilespmem:$0x1DCC0] =	vst v63  }
0xd2: {  	_ =	swait.ge [sflag:s11], $0x1400  }
0xd3: {  	[sflag:s11] =	ssyncset.done $0x0  }
0xd4: {  	[sflag:s11] =	ssyncadd.s32 $0xFFFFEC00  }
0xd5: {  	[spmem:s31] =	stream.linear.scatter [tilespmem:s10], [sflag:$0x1], $0x1400, $0x38;
	[tilespmem:$0x1DCC0] =	vst v63  }
0xd6: {  	s31 =	rddreg [dreg:$0x16]  }
0xd7: {  	[spmem:s31] =	stream.linear.scatter [tilespmem:s10], [sflag:$0x1], $0x1400, $0x38;
	[tilespmem:$0x1DCC0] =	vst v63  }
0xd8: {  	s6 =	rddreg [dreg:$0x17]  }
0xd9: {  	[spmem:s6] =	stream.linear.scatter [tilespmem:s10], [sflag:$0x1], $0x1400, $0x38;
	[tilespmem:$0x1DCC0] =	vst v63  }
0xda: {  	s31 =	rddreg [dreg:$0x18]  }
0xdb: {  	[spmem:s31] =	stream.linear.scatter [tilespmem:s10], [sflag:$0x1], $0x1400, $0x38;
	[tilespmem:$0x1DCC0] =	vst v63  }
0xdc: {  	s6 =	rddreg [dreg:$0x19]  }
0xdd: {  	[spmem:s6] =	stream.linear.scatter [tilespmem:s10], [sflag:$0x1], $0x1400, $0x38;
	[tilespmem:$0x1DCC0] =	vst v63  }
0xde: {  	s31 =	rddreg [dreg:$0x1a]  }
0xdf: {  	[spmem:s31] =	stream.linear.scatter [tilespmem:s10], [sflag:$0x1], $0x1400, $0x38;
	[tilespmem:$0x1DCC0] =	vst v63  }
0xe0: {  	s6 =	rddreg [dreg:$0x1b]  }
0xe1: {  	[spmem:s6] =	stream.linear.scatter [tilespmem:s10], [sflag:$0x1], $0x1400, $0x38;
	[tilespmem:$0x1DCC0] =	vst v63  }
0xe2: {  	s31 =	rddreg [dreg:$0x1c]  }
0xe3: {  	[spmem:s31] =	stream.linear.scatter [tilespmem:s10], [sflag:$0x1], $0x1400, $0x38;
	[tilespmem:$0x1DCC0] =	vst v63  }
0xe4: {  	s6 =	rddreg [dreg:$0x1d]  }
0xe5: {  	[spmem:s6] =	stream.linear.scatter [tilespmem:s10], [sflag:$0x1], $0x1400, $0x38;
	[tilespmem:$0x1DCC0] =	vst v63  }
0xe6: {  	_ = 	snop  }
0xe7: {  	[spmem:s22] =	stream.linear.scatter [tilespmem:s10], [sflag:$0x1], $0x1400, $0x38;
	[tilespmem:$0x1DCC0] =	vst v63  }
0xe8: {  	_ = 	snop  }
0xe9: {  	[spmem:s15] =	stream.linear.scatter [tilespmem:s10], [sflag:$0x1], $0x1400, $0x38;
	[tilespmem:$0x1DCC0] =	vst v63  }
0xea: {  	_ = 	snop  }
0xeb: {  	[spmem:s24] =	stream.linear.scatter [tilespmem:s10], [sflag:$0x1], $0x1400, $0x38;
	[tilespmem:$0x1DCC0] =	vst v63  }
0xec: {  	_ = 	snop  }
0xed: {  	[spmem:s4] =	stream.linear.scatter [tilespmem:s10], [sflag:$0x1], $0x1400, $0x38;
	[tilespmem:$0x1DCC0] =	vst v63  }
0xee: {  	_ = 	snop  }
0xef: {  	[spmem:s3] =	stream.linear.scatter [tilespmem:s10], [sflag:$0x1], $0x1400, $0x38;
	[tilespmem:$0x1DCC0] =	vst v63  }
0xf0: {  	_ = 	snop  }
0xf1: {  	[spmem:s2] =	stream.linear.scatter [tilespmem:s10], [sflag:$0x1], $0x1400, $0x38;
	[tilespmem:$0x1DCC0] =	vst v63  }
0xf2: {  	s0 =	simm.s32 @!p0 $0x13CC0  }
0xf3: {  	[spmem:s5] =	stream.linear.scatter @!p0 [tilespmem:s0], [sflag:$0x1], $0x1400, $0x38;
	[tilespmem:$0x1DCC0] =	vst v63  }
0xf4: {  	_ =	swait.ge [sflag:s12], $0x1400  }
0xf5: {  	[sflag:s12] =	ssyncset.done $0x0  }
0xf6: {  	[sflag:s12] =	ssyncadd.s32 $0xFFFFEC00  }
0xf7: {  	_ =	swait.ge [sflag:s12], $0x1400  }
0xf8: {  	[sflag:s12] =	ssyncset.done $0x0  }
0xf9: {  	[sflag:s12] =	ssyncadd.s32 $0xFFFFEC00  }
0xfa: {  	_ =	swait.ge [sflag:s12], $0x1400  }
0xfb: {  	[sflag:s12] =	ssyncset.done $0x0  }
0xfc: {  	[sflag:s12] =	ssyncadd.s32 $0xFFFFEC00  }
0xfd: {  	_ =	swait.ge [sflag:s12], $0x1400  }
0xfe: {  	[sflag:s12] =	ssyncset.done $0x0  }
0xff: {  	[sflag:s12] =	ssyncadd.s32 $0xFFFFEC00  }
0x100: {  	_ =	swait.ge [sflag:s12], $0x1400  }
0x101: {  	[sflag:s12] =	ssyncset.done $0x0  }
0x102: {  	[sflag:s12] =	ssyncadd.s32 $0xFFFFEC00  }
0x103: {  	_ =	swait.ge [sflag:s12], $0x1400  }
0x104: {  	[sflag:s12] =	ssyncset.done $0x0  }
0x105: {  	[sflag:s12] =	ssyncadd.s32 $0xFFFFEC00  }
0x106: {  	_ =	swait.ge [sflag:s12], $0x1400  }
0x107: {  	[sflag:s12] =	ssyncset.done $0x0  }
0x108: {  	[sflag:s12] =	ssyncadd.s32 $0xFFFFEC00  }
0x109: {  	_ =	swait.ge [sflag:s12], $0x1400  }
0x10a: {  	[sflag:s12] =	ssyncset.done $0x0  }
0x10b: {  	[sflag:s12] =	ssyncadd.s32 $0xFFFFEC00  }
0x10c: {  	_ =	swait.ge [sflag:s12], $0x1400  }
0x10d: {  	[sflag:s12] =	ssyncset.done $0x0  }
0x10e: {  	[sflag:s12] =	ssyncadd.s32 $0xFFFFEC00  }
0x10f: {  	_ =	swait.ge [sflag:s12], $0x1400  }
0x110: {  	[sflag:s12] =	ssyncset.done $0x0  }
0x111: {  	[sflag:s12] =	ssyncadd.s32 $0xFFFFEC00  }
0x112: {  	_ =	swait.ge [sflag:s12], $0x1400  }
0x113: {  	[sflag:s12] =	ssyncset.done $0x0  }
0x114: {  	[sflag:s12] =	ssyncadd.s32 $0xFFFFEC00  }
0x115: {  	_ =	swait.ge [sflag:s12], $0x1400  }
0x116: {  	[sflag:s12] =	ssyncset.done $0x0  }
0x117: {  	[sflag:s12] =	ssyncadd.s32 $0xFFFFEC00  }
0x118: {  	_ =	swait.ge [sflag:s12], $0x1400  }
0x119: {  	[sflag:s12] =	ssyncset.done $0x0  }
0x11a: {  	[sflag:s12] =	ssyncadd.s32 $0xFFFFEC00  }
0x11b: {  	_ =	swait.ge [sflag:s12], $0x1400  }
0x11c: {  	[sflag:s12] =	ssyncset.done $0x0  }
0x11d: {  	[sflag:s12] =	ssyncadd.s32 $0xFFFFEC00  }
0x11e: {  	_ =	swait.ge [sflag:s12], $0x1400  }
0x11f: {  	[sflag:s12] =	ssyncset.done $0x0  }
0x120: {  	s0 =	simm.s32 @!p0 $0x1;
	[sflag:s12] =	ssyncadd.s32 $0xFFFFEC00  }
0x121: {  	_ =	swait.ge @!p0 [sflag:s0], $0x1400  }
0x122: {  	[sflag:s0] =	ssyncset.done @!p0 $0x0  }
0x123: {  	[sflag:s0] =	ssyncadd.s32 @!p0 $0xFFFFEC00  }
0x124: {  	[bflag:$0x0] =	sbarrier.arrive $0xFFFF  }
0x125: {  	[tilespmem:s13], [sflag:$0x6] =	stream.linear.gather [hbm4b:s7+s1], $0x80, $0x38;
	[tilespmem:$0x1DCC0] =	vst v63  }
0x126: {  	_ = 	snop  }
0x127: {  	[tilespmem:s14], [sflag:$0x6] =	stream.linear.gather [hbm4b:s8+s1], $0x80, $0x38;
	[tilespmem:$0x1DCC0] =	vst v63  }
0x128: {  	s22 =	sadd.s32 $0x10, s7;
	s2 =	simm.s32 $0x13940  }
0x129: {  	[tilespmem:s2], [sflag:$0x7] =	stream.linear.gather [hbm4b:s22+s1], $0x80, $0x38;
	[tilespmem:$0x1DCC0] =	vst v63  }
0x12a: {  	s24 =	sadd.s32 $0x10, s8  }
0x12b: {  	[tilespmem:s18], [sflag:$0x7] =	stream.linear.gather [hbm4b:s24+s1], $0x80, $0x38;
	[tilespmem:$0x1DCC0] =	vst v63  }
0x12c: {  	s31 =	sadd.s32 $0x20, s7;
	s3 =	simm.s32 $0x139C0  }
0x12d: {  	[tilespmem:s3], [sflag:$0x8] =	stream.linear.gather [hbm4b:s31+s1], $0x80, $0x38;
	[tilespmem:$0x1DCC0] =	vst v63  }
0x12e: {  	s4 =	sadd.s32 $0x20, s8;
	s5 =	simm.s32 $0x13BC0  }
0x12f: {  	[tilespmem:s5], [sflag:$0x8] =	stream.linear.gather [hbm4b:s4+s1], $0x80, $0x38;
	[tilespmem:$0x1DCC0] =	vst v63  }
0x130: {  	s6 =	sadd.s32 $0x30, s7  }
0x131: {  	[tilespmem:s21], [sflag:$0x9] =	stream.linear.gather [hbm4b:s6+s1], $0x80, $0x38;
	[tilespmem:$0x1DCC0] =	vst v63  }
0x132: {  	s15 =	sadd.s32 $0x30, s8  }
0x133: {  	[tilespmem:s17], [sflag:$0x9] =	stream.linear.gather [hbm4b:s15+s1], $0x80, $0x38;
	[tilespmem:$0x1DCC0] =	vst v63  }
0x134: {  	_ =	swait.ge [sflag:s9], $0x80  }
0x135: {  	[sflag:s9] =	ssyncset.done $0x0  }
0x136: {  	[sflag:s9] =	ssyncadd.s32 $0xFFFFFF80  }
0x137: {  	_ =	swait.ge [sflag:s9], $0x80  }
0x138: {  	[sflag:s9] =	ssyncset.done $0x0  }
0x139: {  	s22 =	simm.s32 $0x7;
	[sflag:s9] =	ssyncadd.s32 $0xFFFFFF80  }
0x13a: {  	[tilespmem:s10], [sflag:$0x2] =	stream.indirect.gather [hbm4b:s16+s20], $0x80, s13, s20, $0xb8;
	[tilespmem:$0x1DCC0] =	vst v63  }
0x13b: {  	_ =	swait.ge [sflag:s22], $0x80  }
0x13c: {  	[sflag:s22] =	ssyncset.done $0x0  }
0x13d: {  	[sflag:s22] =	ssyncadd.s32 $0xFFFFFF80  }
0x13e: {  	_ =	swait.ge [sflag:s22], $0x80  }
0x13f: {  	[sflag:s22] =	ssyncset.done $0x0  }
0x140: {  	s24 =	simm.s32 $0x8;
	[sflag:s22] =	ssyncadd.s32 $0xFFFFFF80  }
0x141: {  	[tilespmem:s23], [sflag:$0x3] =	stream.indirect.gather [hbm4b:s16+s20], $0x80, s2, s20, $0xb8;
	[tilespmem:$0x1DCC0] =	vst v63  }
0x142: {  	_ =	swait.ge [sflag:s24], $0x80  }
0x143: {  	[sflag:s24] =	ssyncset.done $0x0  }
0x144: {  	[sflag:s24] =	ssyncadd.s32 $0xFFFFFF80  }
0x145: {  	_ =	swait.ge [sflag:s24], $0x80  }
0x146: {  	[sflag:s24] =	ssyncset.done $0x0  }
0x147: {  	s31 =	simm.s32 $0x18CC0;
	s15 =	simm.s32 $0x0;
	[sflag:s24] =	ssyncadd.s32 $0xFFFFFF80  }
0x148: {  	[tilespmem:s31], [sflag:$0x4] =	stream.indirect.gather [hbm4b:s16+s20], $0x80, s3, s20, $0xb8;
	[tilespmem:$0x1DCC0] =	vst v63  }
.LBB2_2:
0x149: {  	_ =	swait.ge [sflag:s25], $0x80  }
0x14a: {  	[sflag:s25] =	ssyncset.done $0x0  }
0x14b: {  	[sflag:s25] =	ssyncadd.s32 $0xFFFFFF80  }
0x14c: {  	_ =	swait.ge [sflag:s25], $0x80  }
0x14d: {  	[sflag:s25] =	ssyncset.done $0x0  }
0x14e: {  	[sflag:s25] =	ssyncadd.s32 $0xFFFFFF80  }
0x14f: {  	[tilespmem:s26], [sflag:$0x5] =	stream.indirect.gather [hbm4b:s16+s20], $0x80, s21, s20, $0xb8;
	[tilespmem:$0x1DCC0] =	vst v63  }
0x150: {  	_ =	swait.ge [sflag:s28], $0x2800  }
0x151: {  	[sflag:s28] =	ssyncset.done $0x0  }
0x152: {  	[sflag:s28] =	ssyncadd.s32 $0xFFFFD800  }
0x153: {  	[spmem:s19] =	stream.indirect.scatter.add.f32 [tilespmem:s10], [sflag:$0xA], $0x80, s14, s20, $0xb8;
	[tilespmem:$0x1DCC0] =	vst v63  }
0x154: {  	_ =	swait.ge [sflag:s11], $0x2800  }
0x155: {  	s0 =	sadd.s32 s15, s7;
	[sflag:s11] =	ssyncset.done $0x0  }
0x156: {  	s2 =	sadd.s32 $0x40, s0;
	[sflag:s11] =	ssyncadd.s32 $0xFFFFD800  }
0x157: {  	[tilespmem:s13], [sflag:$0x6] =	stream.linear.gather [hbm4b:s2+s1], $0x80, $0x38;
	[tilespmem:$0x1DCC0] =	vst v63  }
0x158: {  	s2 =	sadd.s32 s15, s8  }
0x159: {  	s3 =	sadd.s32 $0x40, s2  }
0x15a: {  	[tilespmem:s14], [sflag:$0x6] =	stream.linear.gather [hbm4b:s3+s1], $0x80, $0x38;
	[tilespmem:$0x1DCC0] =	vst v63  }
0x15b: {  	_ =	swait.ge [sflag:s9], $0x80  }
0x15c: {  	[sflag:s9] =	ssyncset.done $0x0  }
0x15d: {  	[sflag:s9] =	ssyncadd.s32 $0xFFFFFF80  }
0x15e: {  	_ =	swait.ge [sflag:s9], $0x80  }
0x15f: {  	[sflag:s9] =	ssyncset.done $0x0  }
0x160: {  	[sflag:s9] =	ssyncadd.s32 $0xFFFFFF80  }
0x161: {  	[tilespmem:s10], [sflag:$0x2] =	stream.indirect.gather [hbm4b:s16+s20], $0x80, s13, s20, $0xb8;
	[tilespmem:$0x1DCC0] =	vst v63  }
0x162: {  	_ =	swait.ge [sflag:s29], $0x2800  }
0x163: {  	[sflag:s29] =	ssyncset.done $0x0  }
0x164: {  	[sflag:s29] =	ssyncadd.s32 $0xFFFFD800  }
0x165: {  	[spmem:s19] =	stream.indirect.scatter.add.f32 [tilespmem:s23], [sflag:$0xA], $0x80, s18, s20, $0xb8;
	[tilespmem:$0x1DCC0] =	vst v63  }
0x166: {  	_ =	swait.ge [sflag:s11], $0x2800  }
0x167: {  	p1 =	seq.s32 s15, $0x780;
	[sflag:s11] =	ssyncset.done $0x0  }
0x168: {  	s3 =	simm.s32 @p1 $0x4;
	[sflag:s11] =	ssyncadd.s32 $0xFFFFD800  }
0x169: {  	_ =	swait.ge @p1 [sflag:s3], $0x2800  }
0x16a: {  	s4 =	simm.s32 @p1 $0x13BC0;
	[sflag:s3] =	ssyncset.done @p1 $0x0  }
0x16b: {  	s5 =	simm.s32 @p1 $0x18CC0;
	[sflag:s3] =	ssyncadd.s32 @p1 $0xFFFFD800;
	s3 =	simm.s32 @p1 $0x50  }
0x16c: {  	[spmem:s19] =	stream.indirect.scatter.add.f32 @p1 [tilespmem:s5], [sflag:$0xA], $0x80, s4, s3, $0xb8;
	[tilespmem:$0x1DCC0] =	vst v63  }
0x16d: {  	s3 =	simm.s32 @p1 $0xA  }
0x16e: {  	_ =	swait.ge @p1 [sflag:s3], $0x2800  }
0x16f: {  	[sflag:s3] =	ssyncset.done @p1 $0x0  }
0x170: {  	[sflag:s3] =	ssyncadd.s32 @p1 $0xFFFFD800;
	s3 =	sadd.s32 @!p1 s15, s7  }
0x171: {  	s6 =	simm.s32 @!p1 $0x13940;
	s5 =	simm.s32 @!p1 $0x0;
	s4 =	sadd.s32 @!p1 $0x50, s3  }
0x172: {  	[tilespmem:s6], [sflag:$0x7] =	stream.linear.gather @!p1 [hbm4b:s4+s5], $0x80, $0x38;
	[tilespmem:$0x1DCC0] =	vst v63  }
0x173: {  	s4 =	sadd.s32 @!p1 s15, s8  }
0x174: {  	s24 =	simm.s32 @!p1 $0x13B40;
	s22 =	sadd.s32 @!p1 $0x50, s4  }
0x175: {  	[tilespmem:s24], [sflag:$0x7] =	stream.linear.gather @!p1 [hbm4b:s22+s5], $0x80, $0x38;
	[tilespmem:$0x1DCC0] =	vst v63  }
0x176: {  	s22 =	simm.s32 @!p1 $0x7  }
0x177: {  	_ =	swait.ge @!p1 [sflag:s22], $0x80  }
0x178: {  	[sflag:s22] =	ssyncset.done @!p1 $0x0  }
0x179: {  	[sflag:s22] =	ssyncadd.s32 @!p1 $0xFFFFFF80  }
0x17a: {  	_ =	swait.ge @!p1 [sflag:s22], $0x80  }
0x17b: {  	[sflag:s22] =	ssyncset.done @!p1 $0x0  }
0x17c: {  	s24 =	simm.s32 @!p1 $0x164C0;
	[sflag:s22] =	ssyncadd.s32 @!p1 $0xFFFFFF80;
	s22 =	simm.s32 @!p1 $0x50  }
0x17d: {  	[tilespmem:s24], [sflag:$0x3] =	stream.indirect.gather @!p1 [hbm4b:s16+s22], $0x80, s6, s22, $0xb8;
	[tilespmem:$0x1DCC0] =	vst v63  }
0x17e: {  	s6 =	simm.s32 @!p1 $0x4  }
0x17f: {  	_ =	swait.ge @!p1 [sflag:s6], $0x2800  }
0x180: {  	s31 =	simm.s32 @!p1 $0xA;
	[sflag:s6] =	ssyncset.done @!p1 $0x0  }
0x181: {  	s24 =	simm.s32 @!p1 $0x18CC0;
	[sflag:s6] =	ssyncadd.s32 @!p1 $0xFFFFD800;
	s6 =	simm.s32 @!p1 $0x13BC0  }
0x182: {  	[spmem:s19] =	stream.indirect.scatter.add.f32 @!p1 [tilespmem:s24], [sflag:$0xA], $0x80, s6, s22, $0xb8;
	[tilespmem:$0x1DCC0] =	vst v63  }
0x183: {  	_ =	swait.ge @!p1 [sflag:s31], $0x2800  }
0x184: {  	[sflag:s31] =	ssyncset.done @!p1 $0x0  }
0x185: {  	s3 =	sadd.s32 @!p1 $0x60, s3;
	[sflag:s31] =	ssyncadd.s32 @!p1 $0xFFFFD800;
	s31 =	simm.s32 @!p1 $0x139C0  }
0x186: {  	[tilespmem:s31], [sflag:$0x8] =	stream.linear.gather @!p1 [hbm4b:s3+s5], $0x80, $0x38;
	[tilespmem:$0x1DCC0] =	vst v63  }
0x187: {  	s3 =	sadd.s32 @!p1 $0x60, s4  }
0x188: {  	[tilespmem:s6], [sflag:$0x8] =	stream.linear.gather @!p1 [hbm4b:s3+s5], $0x80, $0x38;
	[tilespmem:$0x1DCC0] =	vst v63  }
0x189: {  	s3 =	simm.s32 @!p1 $0x8  }
0x18a: {  	_ =	swait.ge @!p1 [sflag:s3], $0x80  }
0x18b: {  	[sflag:s3] =	ssyncset.done @!p1 $0x0  }
0x18c: {  	[sflag:s3] =	ssyncadd.s32 @!p1 $0xFFFFFF80  }
0x18d: {  	_ =	swait.ge @!p1 [sflag:s3], $0x80  }
0x18e: {  	[sflag:s3] =	ssyncset.done @!p1 $0x0  }
0x18f: {  	[sflag:s3] =	ssyncadd.s32 @!p1 $0xFFFFFF80  }
0x190: {  	[tilespmem:s24], [sflag:$0x4] =	stream.indirect.gather @!p1 [hbm4b:s16+s22], $0x80, s31, s22, $0xb8;
	[tilespmem:$0x1DCC0] =	vst v63  }
0x191: {  	_ =	swait.ge [sflag:s30], $0x2800  }
0x192: {  	[sflag:s30] =	ssyncset.done $0x0  }
.Ltmp2:
0x193: {  	[sflag:s30] =	ssyncadd.s32 $0xFFFFD800;
	(pc) =	sbr.rel @p1 .LBB2_4-.Ltmp2, $4  }
0x194: {  	[spmem:s19] =	stream.indirect.scatter.add.f32 [tilespmem:s26], [sflag:$0xA], $0x80, s17, s20, $0xb8;
	[tilespmem:$0x1DCC0] =	vst v63  }
0x195: {  	_ =	swait.ge [sflag:s11], $0x2800  }
0x196: {  	[sflag:s11] =	ssyncset.done $0x0  }
0x197: {  	[sflag:s11] =	ssyncadd.s32 $0xFFFFD800  }
.Ltmp3:
0x198: {  	(pc) =	sbr.rel .LBB2_2-.Ltmp3, $4  }
0x199: {  	s0 =	sadd.s32 $0x70, s0  }
0x19a: {  	[tilespmem:s21], [sflag:$0x9] =	stream.linear.gather [hbm4b:s0+s1], $0x80, $0x38;
	[tilespmem:$0x1DCC0] =	vst v63  }
0x19b: {  	s31 =	sadd.s32 $0x70, s2;
	s15 =	sadd.s32 $0x40, s15  }
0x19c: {  	[tilespmem:s17], [sflag:$0x9] =	stream.linear.gather [hbm4b:s31+s1], $0x80, $0x38;
	[tilespmem:$0x1DCC0] =	vst v63  }
.LBB2_5:
0x19d: {  	_ =	sfence.sel $0x180000  }
0x19e: {  	[bflag:$0x0] =	sbarrier.arrive $0xFFFF  }
0x19f: {  	_ =	strace $0x9000004A  }
0x1a0: {  	s0 =	stileid.u32;
	[bflag:$0x2] =	sbarrier.arrive $0xFFFF  }
0x1a1: {  	p0 =	sne.s32 s0, $0x0;
	s0 =	rddreg [dreg:$0x3]  }
0x1a2: {  	s0 =	sadd.s32 @!p0 $0x100000, s0  }
0x1a3: {  	[sflag:s0] =	ssyncadd.tile.s32 @!p0 $0x1;
	_ =	shalt  }
.Lfunc_end2:
_tile_overlayer_lowered:
.L_overlay_start_2:
0x1a4: {  	(tag) =	ssettag $0x2  }
0x1a5: {  	s0 =	rddreg [dreg:$0x0];
	s2 =	stileid.u32  }
0x1a6: {  	s1 =	rddreg [dreg:$0x1];
	p0 =	sne.s32 s2, $0x0  }
0x1a7: {  	s3 =	rddreg [dreg:$0x2];
	[bflag:$0x3] =	sbarrier.arrive $0xFFFF;
	s2 =	simm.s32 @!p0 $0x1C0A  }
0x1a8: {  	[timem:s3], [sflag:s2] =	dma.local @!p0 [hbm:s0], s1  }
0x1a9: {  	s0 =	simm.s32 @!p0 $0xA  }
0x1aa: {  	_ =	swait.ge @!p0 [sflag:s0], s1  }
0x1ab: {  	s1 =	ssub.s32 @!p0 $0x0, s1;
	[sflag:s0] =	ssyncset.done @!p0 $0x0  }
0x1ac: {  	[sflag:s0] =	ssyncadd.s32 @!p0 s1  }
0x1ad: {  	[bflag:$0x3] =	sbarrier.arrive $0xFFFF  }
0x1ae: {  	_ =	shalt  }

</sc_bundles>
